<compile_context>
chip_gen: v7x
topology: tpu7x:2x2x1
jax: 0.10.2.dev20260603
libtpu: 0.0.44.dev20260713+nightly
codegen_flags: <defaults>
</compile_context>

<pallas_src>
import functools
import math

import jax
import jax.numpy as jnp
from jax import lax
from jax.experimental import pallas as pl
from jax.experimental.pallas import tpu as pltpu
from jax.experimental.pallas import tpu_sc as plsc

N = 10000
E = 160000
D0 = 256
D1 = 128
L = 2
H = 8
DH = 32
NB = 128
NG = 128
AVG_DEG = 23.395238876342773
AVG_NODES = 77.81317
MAX_R = 6.0

W = 128
NW = 80
NPAD = W * NW
B = 512
BA = 1024
EPAD = 163840
BE = 2048
NBN = 512
CMSG = D0 + D1 * 3
CKVV = D0 + CMSG
CPK = 512


def _lnk(x):
    m = x.mean(-1, keepdims=True)
    var = ((x - m) ** 2).mean(-1, keepdims=True)
    return (x - m) / jnp.sqrt(var + 1e-5)


def _dot(a, b):
    return lax.dot_general(a, b, (((1,), (0,)), ((), ())),
                           preferred_element_type=jnp.float32)


def _rbf_of(ps, pd):
    rel = ps[:, 0:3] - pd[:, 0:3]
    d2 = (rel * rel).sum(axis=1, keepdims=True) + 1e-12
    dist = jnp.sqrt(d2)
    step = MAX_R / (NB - 1)
    width = MAX_R / NB
    centers = lax.broadcasted_iota(jnp.int32, (1, NB), 1).astype(jnp.float32) * step
    t = (dist - centers) * (1.0 / width)
    return jnp.exp(-0.5 * t * t), rel, 1.0 / dist


NWK = 32
GCH = 80


def _sc_gather(table, idx):
    C = table.shape[1]
    dtype = table.dtype
    per_w = EPAD // NWK
    nch = per_w // GCH
    mesh = plsc.VectorSubcoreMesh(core_axis_name="c", subcore_axis_name="s")

    @functools.partial(
        pl.kernel, mesh=mesh,
        out_type=jax.ShapeDtypeStruct((EPAD, C), dtype),
        scratch_types=[
            pltpu.VMEM((GCH,), jnp.int32),
            pltpu.VMEM((GCH,), jnp.int32),
            pltpu.VMEM((GCH, C), dtype),
            pltpu.VMEM((GCH, C), dtype),
            pltpu.SemaphoreType.DMA,
            pltpu.SemaphoreType.DMA,
            pltpu.SemaphoreType.DMA,
            pltpu.SemaphoreType.DMA,
            pltpu.SemaphoreType.DMA,
            pltpu.SemaphoreType.DMA,
        ],
    )
    def k(table_hbm, idx_hbm, out_hbm, idx0, idx1, r0, r1,
          si0, si1, sg0, sg1, so0, so1):
        wid = lax.axis_index("s") * 2 + lax.axis_index("c")
        base = wid * per_w

        @pl.loop(0, nch // 2)
        def _(t):
            j0 = 2 * t
            j1 = j0 + 1
            i0 = pltpu.async_copy(
                idx_hbm.at[pl.ds(base + j0 * GCH, GCH)], idx0, si0)
            i1 = pltpu.async_copy(
                idx_hbm.at[pl.ds(base + j1 * GCH, GCH)], idx1, si1)
            i0.wait()
            c0 = pltpu.async_copy(table_hbm.at[idx0], r0, sg0)
            i1.wait()
            c1 = pltpu.async_copy(table_hbm.at[idx1], r1, sg1)
            c0.wait()
            w0 = pltpu.async_copy(r0, out_hbm.at[pl.ds(base + j0 * GCH, GCH)],
                                  so0)
            c1.wait()
            w1 = pltpu.async_copy(r1, out_hbm.at[pl.ds(base + j1 * GCH, GCH)],
                                  so1)
            w0.wait()
            w1.wait()

    return k(table, idx)


def _onehot(dst_col, base, nb=None):
    cols = lax.broadcasted_iota(jnp.int32, (nb or B, W), 1)
    return (dst_col - base == cols)


def _spread_s():
    rows = lax.broadcasted_iota(jnp.int32, (H, D0), 0)
    cols = lax.broadcasted_iota(jnp.int32, (H, D0), 1)
    return (cols // DH == rows).astype(jnp.float32)


def _spread_v():
    rows = lax.broadcasted_iota(jnp.int32, (H, D1 * 3), 0)
    cols = lax.broadcasted_iota(jnp.int32, (H, D1 * 3), 1)
    return ((cols % D1) // (D1 // H) == rows).astype(jnp.float32)


def _spread_sv():
    return jnp.concatenate([_spread_s(), _spread_v()], axis=1)


def _headsum():
    rows = lax.broadcasted_iota(jnp.int32, (H * DH, H), 0)
    cols = lax.broadcasted_iota(jnp.int32, (H * DH, H), 1)
    return (rows // DH == cols).astype(jnp.bfloat16)


def _degree_kernel(p_ref, dst_ref, ps_ref, pd_ref, Wd1_ref, Wd2_ref, We2_ref,
                   A_ref, eb_ref,
                   dst_v0, ps_v0, pd_v0, dst_v1, ps_v1, pd_v1, acc, eb_v,
                   s10, s20, s30, s11, s21, s31, s4):
    w = pl.program_id(0)
    start = p_ref[w]
    end = jnp.where(w == NW - 1, EPAD, p_ref[w + 1])
    base = w * W
    k0 = start // B
    nch = (end + B - 1) // B - k0
    acc[...] = jnp.zeros_like(acc)

    bufs = ((dst_v0, ps_v0, pd_v0, s10, s20, s30),
            (dst_v1, ps_v1, pd_v1, s11, s21, s31))

    def start_chunk(b, j):
        dv, pv, qv, sa, sb, sc = bufs[b]
        off = (k0 + j) * B
        pltpu.make_async_copy(dst_ref.at[pl.ds(off, B)], dv, sa).start()
        pltpu.make_async_copy(ps_ref.at[pl.ds(off, B), :], pv, sb).start()
        pltpu.make_async_copy(pd_ref.at[pl.ds(off, B), :], qv, sc).start()

    def compute_chunk(b, j):
        dv, pv, qv, sa, sb, sc = bufs[b]
        off = (k0 + j) * B
        pltpu.make_async_copy(dst_ref.at[pl.ds(off, B)], dv, sa).wait()
        pltpu.make_async_copy(ps_ref.at[pl.ds(off, B), :], pv, sb).wait()
        pltpu.make_async_copy(pd_ref.at[pl.ds(off, B), :], qv, sc).wait()
        rbf, rel, inv = _rbf_of(pv[...], qv[...])
        eb_v[...] = rbf @ We2_ref[...]
        wcp = pltpu.make_async_copy(eb_v, eb_ref.at[pl.ds(off, B), :], s4)
        wcp.start()
        h = rbf @ Wd1_ref[...]
        h = h * jax.nn.sigmoid(h)
        h = h @ Wd2_ref[...]
        h = h * jax.nn.sigmoid(h)
        sh = rel * inv
        hh = jnp.concatenate(
            [h, h * sh[:, 0:1], h * sh[:, 1:2], h * sh[:, 2:3]],
            axis=1).astype(jnp.bfloat16)
        oh = _onehot(dv[...].reshape(B, 1), base).astype(jnp.bfloat16)
        acc[...] += lax.dot_general(oh, hh, (((0,), (0,)), ((), ())),
                                    preferred_element_type=jnp.float32)
        wcp.wait()

    @pl.when(nch > 0)
    def _():
        start_chunk(0, 0)

    def body2(t, _):
        j0 = 2 * t
        j1 = j0 + 1

        @pl.when(j1 < nch)
        def _():
            start_chunk(1, j1)

        compute_chunk(0, j0)

        @pl.when(j1 + 1 < nch)
        def _():
            start_chunk(0, j1 + 1)

        @pl.when(j1 < nch)
        def _():
            compute_chunk(1, j1)

        return 0

    lax.fori_loop(0, (nch + 1) // 2, body2, 0)
    A_ref[...] = acc[...]


def _degree_pass(p, dstp, pos_src, pos_dst, Wd1, Wd2, We2):
    grid_spec = pltpu.PrefetchScalarGridSpec(
        num_scalar_prefetch=1,
        grid=(NW,),
        in_specs=[
            pl.BlockSpec(memory_space=pltpu.MemorySpace.HBM),
            pl.BlockSpec(memory_space=pltpu.MemorySpace.HBM),
            pl.BlockSpec(memory_space=pltpu.MemorySpace.HBM),
            pl.BlockSpec((NB, 64), lambda w, p: (0, 0)),
            pl.BlockSpec((64, 64), lambda w, p: (0, 0)),
            pl.BlockSpec((NB, 2 * H), lambda w, p: (0, 0)),
        ],
        out_specs=[
            pl.BlockSpec((W, 256), lambda w, p: (w, 0)),
            pl.BlockSpec(memory_space=pltpu.MemorySpace.HBM),
        ],
        scratch_shapes=[
            pltpu.VMEM((B,), jnp.int32),
            pltpu.VMEM((B, 16), jnp.float32),
            pltpu.VMEM((B, 16), jnp.float32),
            pltpu.VMEM((B,), jnp.int32),
            pltpu.VMEM((B, 16), jnp.float32),
            pltpu.VMEM((B, 16), jnp.float32),
            pltpu.VMEM((W, 256), jnp.float32),
            pltpu.VMEM((B, 2 * H), jnp.float32),
            pltpu.SemaphoreType.DMA,
            pltpu.SemaphoreType.DMA,
            pltpu.SemaphoreType.DMA,
            pltpu.SemaphoreType.DMA,
            pltpu.SemaphoreType.DMA,
            pltpu.SemaphoreType.DMA,
            pltpu.SemaphoreType.DMA,
        ],
    )
    return pl.pallas_call(
        _degree_kernel,
        grid_spec=grid_spec,
        out_shape=[
            jax.ShapeDtypeStruct((NPAD, 256), jnp.float32),
            jax.ShapeDtypeStruct((EPAD, 2 * H), jnp.float32),
        ],
    )(p, dstp, pos_src, pos_dst, Wd1, Wd2, We2)


def _make_attn_kernel(l):
    def _attn_kernel(p_ref, dst_ref, kvv_ref, eb_ref, q_ref, out_ref,
                     dst_v0, kvv_v0, eb_v0, dst_v1, kvv_v1, eb_v1,
                     acc, s10, s20, s30, s11, s21, s31):
        w = pl.program_id(0)
        start = p_ref[w]
        end = p_ref[w + 1]
        base = w * W
        k0 = start // BA
        nch = (end + BA - 1) // BA - k0
        acc[...] = jnp.zeros_like(acc)

        bufs = ((dst_v0, kvv_v0, eb_v0, s10, s20, s30),
                (dst_v1, kvv_v1, eb_v1, s11, s21, s31))

        def start_chunk(b, j):
            dv, kv, ev, sa, sb, sc = bufs[b]
            off = (k0 + j) * BA
            pltpu.make_async_copy(dst_ref.at[pl.ds(off, BA)], dv, sa).start()
            pltpu.make_async_copy(kvv_ref.at[pl.ds(off, BA), :], kv, sb).start()
            pltpu.make_async_copy(eb_ref.at[pl.ds(off, BA), :], ev, sc).start()

        def compute_chunk(b, j):
            dv, kv, ev, sa, sb, sc = bufs[b]
            off = (k0 + j) * BA
            pltpu.make_async_copy(dst_ref.at[pl.ds(off, BA)], dv, sa).wait()
            pltpu.make_async_copy(kvv_ref.at[pl.ds(off, BA), :], kv, sb).wait()
            pltpu.make_async_copy(eb_ref.at[pl.ds(off, BA), :], ev, sc).wait()
            val = kv[:, 0:448]
            even = lax.bitcast_convert_type(lax.shift_left(val, 16), jnp.float32)
            odd = lax.bitcast_convert_type(
                jnp.bitwise_and(val, jnp.int32(-65536)), jnp.float32)
            kvv = jnp.concatenate([even, odd], axis=1)
            oh = _onehot(dv[...].reshape(BA, 1), base, BA).astype(jnp.bfloat16)
            q_e = lax.dot_general(oh, q_ref[...], (((1,), (0,)), ((), ())),
                                  preferred_element_type=jnp.float32)
            prod = (q_e * kvv[:, 0:D0]).astype(jnp.bfloat16)
            alpha = lax.dot_general(prod, _headsum(), (((1,), (0,)), ((), ())),
                                    preferred_element_type=jnp.float32)
            ex = jnp.exp(jnp.clip(alpha + ev[:, l * H:(l + 1) * H], -60.0, 60.0))
            w_sv = lax.dot_general(ex, _spread_sv(), (((1,), (0,)), ((), ())),
                                   preferred_element_type=jnp.float32)
            payload = jnp.concatenate(
                [kvv[:, D0:CKVV] * w_sv, ex], axis=1).astype(jnp.bfloat16)
            acc[...] += lax.dot_general(oh, payload, (((0,), (0,)), ((), ())),
                                        preferred_element_type=jnp.float32)

        @pl.when(nch > 0)
        def _():
            start_chunk(0, 0)

        def body2(t, _):
            j0 = 2 * t
            j1 = j0 + 1

            @pl.when(j1 < nch)
            def _():
                start_chunk(1, j1)

            compute_chunk(0, j0)

            @pl.when(j1 + 1 < nch)
            def _():
                start_chunk(0, j1 + 1)

            @pl.when(j1 < nch)
            def _():
                compute_chunk(1, j1)

            return 0

        lax.fori_loop(0, (nch + 1) // 2, body2, 0)
        dfull = lax.dot_general(acc[:, CMSG:CMSG + H], _spread_sv(),
                                (((1,), (0,)), ((), ())),
                                preferred_element_type=jnp.float32)
        out_ref[...] = jnp.where(dfull > 0.0, acc[:, 0:CMSG] / dfull, 0.0)

    return _attn_kernel


def _attn_pass(p, dstp, kvv_rows, eb, q_pad, l):
    grid_spec = pltpu.PrefetchScalarGridSpec(
        num_scalar_prefetch=1,
        grid=(NW,),
        in_specs=[
            pl.BlockSpec(memory_space=pltpu.MemorySpace.HBM),
            pl.BlockSpec(memory_space=pltpu.MemorySpace.HBM),
            pl.BlockSpec(memory_space=pltpu.MemorySpace.HBM),
            pl.BlockSpec((W, D0), lambda w, p: (w, 0)),
        ],
        out_specs=pl.BlockSpec((W, CMSG), lambda w, p: (w, 0)),
        scratch_shapes=[
            pltpu.VMEM((BA,), jnp.int32),
            pltpu.VMEM((BA, CPK), jnp.int32),
            pltpu.VMEM((BA, 2 * H), jnp.float32),
            pltpu.VMEM((BA,), jnp.int32),
            pltpu.VMEM((BA, CPK), jnp.int32),
            pltpu.VMEM((BA, 2 * H), jnp.float32),
            pltpu.VMEM((W, CMSG + H), jnp.float32),
            pltpu.SemaphoreType.DMA,
            pltpu.SemaphoreType.DMA,
            pltpu.SemaphoreType.DMA,
            pltpu.SemaphoreType.DMA,
            pltpu.SemaphoreType.DMA,
            pltpu.SemaphoreType.DMA,
        ],
    )
    return pl.pallas_call(
        _make_attn_kernel(l),
        grid_spec=grid_spec,
        out_shape=jax.ShapeDtypeStruct((NPAD, CMSG), jnp.float32),
    )(p, dstp, kvv_rows, eb, q_pad)


def _degproj_kernel(s0_ref, A_ref, Wd3s_ref, Wd3v_ref, s_ref, v_ref):
    c = 1.0 / math.sqrt(AVG_DEG)
    s_ref[...] = s0_ref[...] + _dot(A_ref[:, 0:64], Wd3s_ref[...]) * c
    for d in range(3):
        v_ref[:, d * D1:(d + 1) * D1] = _dot(
            A_ref[:, 64 + 64 * d:128 + 64 * d], Wd3v_ref[...]) * c


def _degproj(s0_pad, A, Wd3s, Wd3v):
    return pl.pallas_call(
        _degproj_kernel,
        grid=(NPAD // NBN,),
        in_specs=[
            pl.BlockSpec((NBN, D0), lambda i: (i, 0)),
            pl.BlockSpec((NBN, 256), lambda i: (i, 0)),
            pl.BlockSpec((64, D0), lambda i: (0, 0)),
            pl.BlockSpec((64, D1), lambda i: (0, 0)),
        ],
        out_specs=[
            pl.BlockSpec((NBN, D0), lambda i: (i, 0)),
            pl.BlockSpec((NBN, 3 * D1), lambda i: (i, 0)),
        ],
        out_shape=[
            jax.ShapeDtypeStruct((NPAD, D0), jnp.float32),
            jax.ShapeDtypeStruct((NPAD, 3 * D1), jnp.float32),
        ],
    )(s0_pad, A, Wd3s, Wd3v)


def _bf16_bits(x):
    r = x.astype(jnp.bfloat16).astype(jnp.float32)
    return lax.bitcast_convert_type(r, jnp.int32)


def _pre_kernel(s_ref, v_ref, wq_ref, wk_ref, wvs_ref, wvv_ref, q_ref, kvv_ref):
    s_in = _lnk(s_ref[...])
    q_ref[...] = (_dot(s_in, wq_ref[...]) * (1.0 / math.sqrt(DH))
                  ).astype(jnp.bfloat16)
    kres = _dot(s_in, wk_ref[...])
    vsres = _dot(s_in, wvs_ref[...])
    vvs = [_dot(v_ref[:, d * D1:(d + 1) * D1], wvv_ref[...]) for d in range(3)]
    full_l = jnp.concatenate([kres, vsres[:, 0:448 - D0]], axis=1)
    full_r = jnp.concatenate([vsres[:, 448 - D0:], vvs[0], vvs[1], vvs[2],
                              jnp.zeros((NBN, CPK - 448), jnp.float32)], axis=1)
    lb = lax.shift_right_logical(_bf16_bits(full_l), 16)
    rb = jnp.bitwise_and(_bf16_bits(full_r), jnp.int32(-65536))
    kvv_ref[...] = jnp.bitwise_or(
        jnp.concatenate([lb, jnp.zeros((NBN, CPK - 448), jnp.int32)], axis=1),
        rb)


def _pre_layer(s_pad, v_pad, Wq, Wk, Wvs, Wvv):
    return pl.pallas_call(
        _pre_kernel,
        grid=(NPAD // NBN,),
        in_specs=[
            pl.BlockSpec((NBN, D0), lambda i: (i, 0)),
            pl.BlockSpec((NBN, 3 * D1), lambda i: (i, 0)),
            pl.BlockSpec((D0, D0), lambda i: (0, 0)),
            pl.BlockSpec((D0, D0), lambda i: (0, 0)),
            pl.BlockSpec((D0, D0), lambda i: (0, 0)),
            pl.BlockSpec((D1, D1), lambda i: (0, 0)),
        ],
        out_specs=[
            pl.BlockSpec((NBN, D0), lambda i: (i, 0)),
            pl.BlockSpec((NBN, CPK), lambda i: (i, 0)),
        ],
        out_shape=[
            jax.ShapeDtypeStruct((NPAD, D0), jnp.bfloat16),
            jax.ShapeDtypeStruct((NPAD, CPK), jnp.int32),
        ],
    )(s_pad, v_pad, Wq, Wk, Wvs, Wvv)


def _post_kernel(s_ref, v_ref, msg_ref, wos_ref, wov_ref, wf1_ref, wf2_ref,
                 wg0_ref, wg1_ref, wg2_ref, so_ref, vo_ref):
    s = s_ref[...] + _dot(msg_ref[:, 0:D0], wos_ref[...])
    vparts = [v_ref[:, d * D1:(d + 1) * D1] +
              _dot(msg_ref[:, D0 + d * D1:D0 + (d + 1) * D1], wov_ref[...])
              for d in range(3)]
    s_n = _lnk(s)
    hidden = _dot(s_n, wf1_ref[...])
    s = s + _dot(hidden * jax.nn.sigmoid(hidden), wf2_ref[...])
    gate = jax.nn.sigmoid(_dot(s_n, wg0_ref[...]))
    so_ref[...] = s
    for d in range(3):
        vmid = _dot(vparts[d], wg1_ref[...]) * gate
        vo_ref[:, d * D1:(d + 1) * D1] = vparts[d] + _dot(vmid, wg2_ref[...])


def _post_layer(s_pad, v_pad, msg, Wos, Wov, Wf1, Wf2, Wg0, Wg1, Wg2):
    ws = (Wos, Wov, Wf1, Wf2, Wg0, Wg1, Wg2)
    specs_w = [pl.BlockSpec(w.shape, lambda i: (0, 0)) for w in ws]
    return pl.pallas_call(
        _post_kernel,
        grid=(NPAD // NBN,),
        in_specs=[
            pl.BlockSpec((NBN, D0), lambda i: (i, 0)),
            pl.BlockSpec((NBN, 3 * D1), lambda i: (i, 0)),
            pl.BlockSpec((NBN, CMSG), lambda i: (i, 0)),
        ] + specs_w,
        out_specs=[
            pl.BlockSpec((NBN, D0), lambda i: (i, 0)),
            pl.BlockSpec((NBN, 3 * D1), lambda i: (i, 0)),
        ],
        out_shape=[
            jax.ShapeDtypeStruct((NPAD, D0), jnp.float32),
            jax.ShapeDtypeStruct((NPAD, 3 * D1), jnp.float32),
        ],
    )(s_pad, v_pad, msg, *ws)


def _head_kernel(s_ref, b_ref, wh1_ref, wh2_ref, out_ref, acc):
    i = pl.program_id(0)

    @pl.when(i == 0)
    def _():
        acc[...] = jnp.zeros_like(acc)

    sf = _lnk(s_ref[...])
    hd = _dot(sf, wh1_ref[...])
    e = _dot(hd * jax.nn.sigmoid(hd), wh2_ref[...])
    cols = lax.broadcasted_iota(jnp.int32, (NBN, NG), 1)
    oh = (b_ref[...] == cols).astype(jnp.float32)
    acc[...] += lax.dot_general(oh, e, (((0,), (0,)), ((), ())),
                                preferred_element_type=jnp.float32)

    @pl.when(i == NPAD // NBN - 1)
    def _():
        out_ref[...] = acc[...] * (1.0 / AVG_NODES)


def _head(s_pad, batch_col, Wh1, Wh2p):
    return pl.pallas_call(
        _head_kernel,
        grid=(NPAD // NBN,),
        in_specs=[
            pl.BlockSpec((NBN, D0), lambda i: (i, 0)),
            pl.BlockSpec((NBN, 1), lambda i: (i, 0)),
            pl.BlockSpec((D0, D0), lambda i: (0, 0)),
            pl.BlockSpec((D0, 8), lambda i: (0, 0)),
        ],
        out_specs=pl.BlockSpec((NG, 8), lambda i: (0, 0)),
        scratch_shapes=[pltpu.VMEM((NG, 8), jnp.float32)],
        out_shape=jax.ShapeDtypeStruct((NG, 8), jnp.float32),
    )(s_pad, batch_col, Wh1, Wh2p)


def kernel(node_atom, node_tag, pos, edge_index, batch, atom_emb, tag_emb,
           Wd1, Wd2, Wd3s, Wd3v, Wq, Wk, Wvs, Wvv, We, Wos, Wov,
           Wf1, Wf2, Wg0, Wg1, Wg2, Wh1, Wh2):
    src = edge_index[0]
    dst = edge_index[1]
    n = pos.shape[0]

    perm = jnp.argsort(dst)
    srcp = src[perm].astype(jnp.int32)
    dstp = dst[perm].astype(jnp.int32)
    spread_idx = jnp.bitwise_and(jnp.arange(EPAD - E, dtype=jnp.int32), 8191)
    dstp_pad = jnp.concatenate(
        [dstp, jnp.full((EPAD - E,), NPAD - 1, jnp.int32)])
    srcp_pad = jnp.concatenate([srcp, spread_idx])
    dstp_clip = jnp.concatenate([dstp, spread_idx])
    p = jnp.searchsorted(dstp, jnp.arange(0, NPAD + 1, W, dtype=jnp.int32)
                         ).astype(jnp.int32)
    p = p.at[-1].set(E)

    s0 = atom_emb[node_atom] + tag_emb[node_tag]
    s0_pad = jnp.pad(s0, ((0, NPAD - n), (0, 0)))

    pos_pad = jnp.pad(pos, ((0, 0), (0, 13)))
    pos_src = pos_pad[srcp_pad]
    pos_dst = pos_pad[dstp_clip]
    We2 = jnp.concatenate([We[0], We[1]], axis=1)
    A, eb = _degree_pass(p, dstp_pad, pos_src, pos_dst, Wd1, Wd2, We2)
    s_pad, v_pad = _degproj(s0_pad, A, Wd3s, Wd3v)

    for l in range(L):
        q_pad, kvv_tab = _pre_layer(s_pad, v_pad, Wq[l], Wk[l], Wvs[l], Wvv[l])
        kvv_rows = _sc_gather(kvv_tab, srcp_pad)
        msg = _attn_pass(p, dstp_pad, kvv_rows, eb, q_pad, l)
        s_pad, v_pad = _post_layer(s_pad, v_pad, msg, Wos[l], Wov[l],
                                   Wf1[l], Wf2[l], Wg0[l], Wg1[l], Wg2[l])

    batch_col = jnp.pad(batch.astype(jnp.int32), (0, NPAD - n),
                        constant_values=-1).reshape(NPAD, 1)
    Wh2p = jnp.pad(Wh2, ((0, 0), (0, 7)))
    energy8 = _head(s_pad, batch_col, Wh1, Wh2p)
    return energy8[:, 0:1]

# --- scband reference (transcript-rebuilt; emitter-appended) ---
"""Pipeline reference for scband-graph-attention-transformer-oc20-16183436771987 (READ-ONLY COPY).

The authoritative reference and input builder live on the scoring server;
editing this copy changes nothing except your own understanding.
"""

import jax, jax.numpy as jnp
import numpy as np

N = 10000
E = 160000
D0 = 256
D1 = 128
L = 2
H = 8
DH = 32
NB = 128
NG = 128
AVG_DEG = 23.395238876342773
AVG_NODES = 77.81317
MAX_R = 6.0


def _ln(x):
    m = x.mean(-1, keepdims=True)
    v = ((x - m) ** 2).mean(-1, keepdims=True)
    return (x - m) / jnp.sqrt(v + 1e-5)


def _forward(pos, atom_emb, tag_emb, Wd1, Wd2, Wd3s, Wd3v, Wq, Wk, Wvs, Wvv, We, Wos, Wov, Wf1, Wf2, Wg0, Wg1, Wg2, Wh1, Wh2, node_atom, node_tag, edge_index, batch):
    n = pos.shape[0]
    src = edge_index[0]
    dst = edge_index[1]
    # node embedding: atom-type + tag embedding (scalars); vectors start at zero
    s = atom_emb[node_atom] + tag_emb[node_tag]
    v = jnp.zeros((n, D1, 3), dtype=pos.dtype)
    # edge geometry: distances, l=1 spherical harmonics, gaussian RBF
    rel = pos[src] - pos[dst]
    dist = jnp.sqrt((rel ** 2).sum(-1) + 1e-12)
    sh1 = rel / dist[:, None]
    centers = jnp.linspace(0.0, MAX_R, NB)
    width = MAX_R / NB
    rbf = jnp.exp(-0.5 * ((dist[:, None] - centers[None, :]) / width) ** 2)
    # edge-degree embedding network (scatter-add into dst nodes, rescaled by avg degree)
    h = jax.nn.silu(rbf @ Wd1)
    h = jax.nn.silu(h @ Wd2)
    deg_s = jax.ops.segment_sum(h @ Wd3s, dst, num_segments=n) / jnp.sqrt(AVG_DEG)
    wv = h @ Wd3v
    deg_v = jax.ops.segment_sum(wv[:, :, None] * sh1[:, None, :], dst, num_segments=n) / jnp.sqrt(AVG_DEG)
    s = s + deg_s
    v = v + deg_v
    # transformer blocks: per-edge multi-head graph attention + equivariant FFN
    for l in range(L):
        s_in = _ln(s)
        q = (s_in @ Wq[l])[dst].reshape(-1, H, DH)
        k = (s_in @ Wk[l])[src].reshape(-1, H, DH)
        alpha = (q * k).sum(-1) / np.sqrt(DH) + rbf @ We[l]
        amax = jax.ops.segment_max(alpha, dst, num_segments=n)
        amax = jnp.where(jnp.isfinite(amax), amax, 0.0)
        ex = jnp.exp(alpha - amax[dst])
        den = jax.ops.segment_sum(ex, dst, num_segments=n)
        attn = ex / (den[dst] + 1e-9)
        vs = (s_in @ Wvs[l])[src].reshape(-1, H, DH) * attn[:, :, None]
        msg_s = jax.ops.segment_sum(vs.reshape(-1, H * DH), dst, num_segments=n)
        vv = jnp.einsum('ncd,cm->nmd', v, Wvv[l])[src]
        vv = vv.reshape(-1, H, D1 // H, 3) * attn[:, :, None, None]
        msg_v = jax.ops.segment_sum(vv.reshape(-1, D1, 3), dst, num_segments=n)
        s = s + msg_s @ Wos[l]
        v = v + jnp.einsum('ncd,cm->nmd', msg_v, Wov[l])
        s_n = _ln(s)
        s = s + jax.nn.silu(s_n @ Wf1[l]) @ Wf2[l]
        gate = jax.nn.sigmoid(s_n @ Wg0[l])
        vmid = jnp.einsum('ncd,cm->nmd', v, Wg1[l]) * gate[:, :, None]
        v = v + jnp.einsum('nmd,mc->ncd', vmid, Wg2[l])
    # output head on scalar channel + scaled scatter over graphs
    sf = _ln(s)
    e = jax.nn.silu(sf @ Wh1) @ Wh2
    energy = jax.ops.segment_sum(e, batch, num_segments=NG) / AVG_NODES
    return energy


def setup_inputs(seed=0):
    key = jax.random.key(seed)
    ks = jax.random.split(key, 30)

    def w(k, shape):
        return (jax.random.normal(k, shape, dtype=jnp.float32) / np.sqrt(shape[-2])).astype(jnp.float32)

    inp = {}
    inp['node_atom'] = jax.random.randint(ks[0], (N,), 0, 84)
    inp['node_tag'] = jax.random.randint(ks[1], (N,), 0, 3)
    inp['pos'] = jax.random.normal(ks[2], (N, 3), dtype=jnp.float32) * 4.0
    inp['edge_index'] = jax.random.randint(ks[3], (2, E), 0, N)
    inp['batch'] = jnp.sort(jax.random.randint(ks[4], (N,), 0, NG))
    inp['atom_emb'] = jax.random.normal(ks[5], (84, D0), dtype=jnp.float32) * 0.1
    inp['tag_emb'] = jax.random.normal(ks[6], (3, D0), dtype=jnp.float32) * 0.1
    inp['Wd1'] = w(ks[7], (NB, 64))
    inp['Wd2'] = w(ks[8], (64, 64))
    inp['Wd3s'] = w(ks[9], (64, D0))
    inp['Wd3v'] = w(ks[10], (64, D1))
    inp['Wq'] = w(ks[11], (L, D0, H * DH))
    inp['Wk'] = w(ks[12], (L, D0, H * DH))
    inp['Wvs'] = w(ks[13], (L, D0, H * DH))
    inp['Wvv'] = w(ks[14], (L, D1, D1))
    inp['We'] = w(ks[15], (L, NB, H))
    inp['Wos'] = w(ks[16], (L, H * DH, D0))
    inp['Wov'] = w(ks[17], (L, D1, D1))
    inp['Wf1'] = w(ks[18], (L, D0, 768))
    inp['Wf2'] = w(ks[19], (L, 768, D0))
    inp['Wg0'] = w(ks[20], (L, D0, 384))
    inp['Wg1'] = w(ks[21], (L, D1, 384))
    inp['Wg2'] = w(ks[22], (L, 384, D1))
    inp['Wh1'] = w(ks[23], (D0, D0))
    inp['Wh2'] = w(ks[24], (D0, 1))
    return inp


def reference(node_atom, node_tag, pos, edge_index, batch, atom_emb, tag_emb, Wd1, Wd2, Wd3s, Wd3v, Wq, Wk, Wvs, Wvv, We, Wos, Wov, Wf1, Wf2, Wg0, Wg1, Wg2, Wh1, Wh2):
    return _forward(pos=pos, atom_emb=atom_emb, tag_emb=tag_emb, Wd1=Wd1, Wd2=Wd2, Wd3s=Wd3s, Wd3v=Wd3v, Wq=Wq, Wk=Wk, Wvs=Wvs, Wvv=Wvv, We=We, Wos=Wos, Wov=Wov, Wf1=Wf1, Wf2=Wf2, Wg0=Wg0, Wg1=Wg1, Wg2=Wg2, Wh1=Wh1, Wh2=Wh2, node_atom=node_atom, node_tag=node_tag, edge_index=edge_index, batch=batch)

if __name__ == "__main__":
    import jax
    _d = setup_inputs()
    print(jax.jit(kernel)(*tuple(_d.values())))

</pallas_src>

<mosaic_0001>
#map = affine_map<(d0, d1) -> (0, 0)>
#map1 = affine_map<(d0, d1) -> (0)>
module attributes {stable_mosaic.version = 14 : i64} {
  func.func @k(%arg0: i32, %arg1: i32, %arg2: memref<10240x512xi32, #tpu.memory_space<hbm>>, %arg3: memref<163840xi32, #tpu.memory_space<hbm>>, %arg4: memref<163840x512xi32, #tpu.memory_space<hbm>>, %arg5: memref<80xi32, #tpu.memory_space<vmem>>, %arg6: memref<80xi32, #tpu.memory_space<vmem>>, %arg7: memref<80x512xi32, #tpu.memory_space<vmem>>, %arg8: memref<80x512xi32, #tpu.memory_space<vmem>>, %arg9: memref<!tpu.dma_semaphore, #tpu.memory_space<semaphore_mem>>, %arg10: memref<!tpu.dma_semaphore, #tpu.memory_space<semaphore_mem>>, %arg11: memref<!tpu.dma_semaphore, #tpu.memory_space<semaphore_mem>>, %arg12: memref<!tpu.dma_semaphore, #tpu.memory_space<semaphore_mem>>, %arg13: memref<!tpu.dma_semaphore, #tpu.memory_space<semaphore_mem>>, %arg14: memref<!tpu.dma_semaphore, #tpu.memory_space<semaphore_mem>>) attributes {dimension_semantics = [#tpu.dimension_semantics<core_parallel>, #tpu.dimension_semantics<subcore_parallel>], iteration_bounds = array<i64: 2, 16>, scalar_prefetch = 0 : i64, scratch_operands = 10 : i64, tpu.core_type = #tpu.core_type<sc_vector_subcore>, window_params = [{transform_indices = #map}, {transform_indices = #map1}, {transform_indices = #map}]} {
    %mul3A = arith.constant 2 : i32
    %mul3A_0 = arith.muli %arg1, %mul3A : i32
    %add3A = arith.addi %mul3A_0, %arg0 : i32
    %mul3A_1 = arith.constant 5120 : i32
    %mul3A_2 = arith.muli %add3A, %mul3A_1 : i32
    %scan3A = arith.constant 0 : i32
    %scan3A_3 = arith.constant 32 : i32
    %scan3A_4 = arith.addi %scan3A, %scan3A_3 : i32
    %scan3A_5 = arith.constant 1 : i32
    scf.for %scan3A_7 = %scan3A to %scan3A_4 step %scan3A_5  : i32 {
      %mul3A_8 = arith.constant 1 : i32
      %mul3A_9 = arith.muli %scan3A_7, %mul3A_8 : i32
      %add3A_10 = arith.constant 0 : i32
      %add3A_11 = arith.addi %add3A_10, %mul3A_9 : i32
      %mul3A_12 = arith.constant 2 : i32
      %mul3A_13 = arith.muli %mul3A_12, %add3A_11 : i32
      %add3A_14 = arith.constant 1 : i32
      %add3A_15 = arith.addi %mul3A_13, %add3A_14 : i32
      %mul3A_16 = arith.constant 80 : i32
      %mul3A_17 = arith.muli %mul3A_13, %mul3A_16 : i32
      %add3A_18 = arith.addi %mul3A_2, %mul3A_17 : i32
      %dma_start3A = tpu.memref_slice %arg3[%add3A_18] : memref<163840xi32, #tpu.memory_space<hbm>> -> memref<80xi32, #tpu.memory_space<hbm>>
      %dma_start3A_19 = tpu.memref_slice %arg3[%add3A_18] : memref<163840xi32, #tpu.memory_space<hbm>> -> memref<80xi32, #tpu.memory_space<hbm>>
      tpu.enqueue_dma source(%dma_start3A_19 : memref<80xi32, #tpu.memory_space<hbm>>) target(%arg5 : memref<80xi32, #tpu.memory_space<vmem>>) target_semaphore(%arg9 : memref<!tpu.dma_semaphore, #tpu.memory_space<semaphore_mem>>)
      %mul3A_20 = arith.constant 80 : i32
      %mul3A_21 = arith.muli %add3A_15, %mul3A_20 : i32
      %add3A_22 = arith.addi %mul3A_2, %mul3A_21 : i32
      %dma_start3A_23 = tpu.memref_slice %arg3[%add3A_22] : memref<163840xi32, #tpu.memory_space<hbm>> -> memref<80xi32, #tpu.memory_space<hbm>>
      %dma_start3A_24 = tpu.memref_slice %arg3[%add3A_22] : memref<163840xi32, #tpu.memory_space<hbm>> -> memref<80xi32, #tpu.memory_space<hbm>>
      tpu.enqueue_dma source(%dma_start3A_24 : memref<80xi32, #tpu.memory_space<hbm>>) target(%arg6 : memref<80xi32, #tpu.memory_space<vmem>>) target_semaphore(%arg10 : memref<!tpu.dma_semaphore, #tpu.memory_space<semaphore_mem>>)
      %dma_wait3A = tpu.memref_slice %arg3[%add3A_18] : memref<163840xi32, #tpu.memory_space<hbm>> -> memref<80xi32, #tpu.memory_space<hbm>>
      %dma_wait3A_25 = tpu.memref_slice %arg3[%add3A_18] : memref<163840xi32, #tpu.memory_space<hbm>> -> memref<80xi32, #tpu.memory_space<hbm>>
      tpu.wait_dma2 semaphore(%arg9 : memref<!tpu.dma_semaphore, #tpu.memory_space<semaphore_mem>>) src(%dma_wait3A_25 : memref<80xi32, #tpu.memory_space<hbm>>) dst(%arg5 : memref<80xi32, #tpu.memory_space<vmem>>)
      %dma_start3A_26 = arith.constant 0 : i32
      %dma_start3A_27 = arith.constant 0 : i32
      %dma_start3A_28 = tpu.memref_slice %arg2[%dma_start3A_26, %dma_start3A_27] : memref<10240x512xi32, #tpu.memory_space<hbm>> -> memref<10240x512xi32, #tpu.memory_space<hbm>>
      tpu.enqueue_indirect_dma source(%dma_start3A_28 : memref<10240x512xi32, #tpu.memory_space<hbm>>) target(%arg7 : memref<80x512xi32, #tpu.memory_space<vmem>>) offsets(%arg5 : memref<80xi32, #tpu.memory_space<vmem>>) semaphore(%arg11 : memref<!tpu.dma_semaphore, #tpu.memory_space<semaphore_mem>>)
      %dma_wait3A_29 = tpu.memref_slice %arg3[%add3A_22] : memref<163840xi32, #tpu.memory_space<hbm>> -> memref<80xi32, #tpu.memory_space<hbm>>
      %dma_wait3A_30 = tpu.memref_slice %arg3[%add3A_22] : memref<163840xi32, #tpu.memory_space<hbm>> -> memref<80xi32, #tpu.memory_space<hbm>>
      tpu.wait_dma2 semaphore(%arg10 : memref<!tpu.dma_semaphore, #tpu.memory_space<semaphore_mem>>) src(%dma_wait3A_30 : memref<80xi32, #tpu.memory_space<hbm>>) dst(%arg6 : memref<80xi32, #tpu.memory_space<vmem>>)
      %dma_start3A_31 = arith.constant 0 : i32
      %dma_start3A_32 = arith.constant 0 : i32
      %dma_start3A_33 = tpu.memref_slice %arg2[%dma_start3A_31, %dma_start3A_32] : memref<10240x512xi32, #tpu.memory_space<hbm>> -> memref<10240x512xi32, #tpu.memory_space<hbm>>
      tpu.enqueue_indirect_dma source(%dma_start3A_33 : memref<10240x512xi32, #tpu.memory_space<hbm>>) target(%arg8 : memref<80x512xi32, #tpu.memory_space<vmem>>) offsets(%arg6 : memref<80xi32, #tpu.memory_space<vmem>>) semaphore(%arg12 : memref<!tpu.dma_semaphore, #tpu.memory_space<semaphore_mem>>)
      %dma_wait3A_34 = arith.constant 0 : i32
      %dma_wait3A_35 = arith.constant 0 : i32
      %dma_wait3A_36 = tpu.memref_slice %arg2[%dma_wait3A_34, %dma_wait3A_35] : memref<10240x512xi32, #tpu.memory_space<hbm>> -> memref<10240x512xi32, #tpu.memory_space<hbm>>
      tpu.wait_indirect_dma semaphore(%arg11 : memref<!tpu.dma_semaphore, #tpu.memory_space<semaphore_mem>>) src(%dma_wait3A_36 : memref<10240x512xi32, #tpu.memory_space<hbm>>) dst(%arg7 : memref<80x512xi32, #tpu.memory_space<vmem>>)
      %mul3A_37 = arith.constant 80 : i32
      %mul3A_38 = arith.muli %mul3A_13, %mul3A_37 : i32
      %add3A_39 = arith.addi %mul3A_2, %mul3A_38 : i32
      %dma_start3A_40 = arith.constant 0 : i32
      %dma_start3A_41 = tpu.memref_slice %arg4[%add3A_39, %dma_start3A_40] : memref<163840x512xi32, #tpu.memory_space<hbm>> -> memref<80x512xi32, #tpu.memory_space<hbm>>
      %dma_start3A_42 = arith.constant 0 : i32
      %dma_start3A_43 = tpu.memref_slice %arg4[%add3A_39, %dma_start3A_42] : memref<163840x512xi32, #tpu.memory_space<hbm>> -> memref<80x512xi32, #tpu.memory_space<hbm>>
      tpu.enqueue_dma source(%arg7 : memref<80x512xi32, #tpu.memory_space<vmem>>) target(%dma_start3A_43 : memref<80x512xi32, #tpu.memory_space<hbm>>) target_semaphore(%arg13 : memref<!tpu.dma_semaphore, #tpu.memory_space<semaphore_mem>>)
      %dma_wait3A_44 = arith.constant 0 : i32
      %dma_wait3A_45 = arith.constant 0 : i32
      %dma_wait3A_46 = tpu.memref_slice %arg2[%dma_wait3A_44, %dma_wait3A_45] : memref<10240x512xi32, #tpu.memory_space<hbm>> -> memref<10240x512xi32, #tpu.memory_space<hbm>>
      tpu.wait_indirect_dma semaphore(%arg12 : memref<!tpu.dma_semaphore, #tpu.memory_space<semaphore_mem>>) src(%dma_wait3A_46 : memref<10240x512xi32, #tpu.memory_space<hbm>>) dst(%arg8 : memref<80x512xi32, #tpu.memory_space<vmem>>)
      %mul3A_47 = arith.constant 80 : i32
      %mul3A_48 = arith.muli %add3A_15, %mul3A_47 : i32
      %add3A_49 = arith.addi %mul3A_2, %mul3A_48 : i32
      %dma_start3A_50 = arith.constant 0 : i32
      %dma_start3A_51 = tpu.memref_slice %arg4[%add3A_49, %dma_start3A_50] : memref<163840x512xi32, #tpu.memory_space<hbm>> -> memref<80x512xi32, #tpu.memory_space<hbm>>
      %dma_start3A_52 = arith.constant 0 : i32
      %dma_start3A_53 = tpu.memref_slice %arg4[%add3A_49, %dma_start3A_52] : memref<163840x512xi32, #tpu.memory_space<hbm>> -> memref<80x512xi32, #tpu.memory_space<hbm>>
      tpu.enqueue_dma source(%arg8 : memref<80x512xi32, #tpu.memory_space<vmem>>) target(%dma_start3A_53 : memref<80x512xi32, #tpu.memory_space<hbm>>) target_semaphore(%arg14 : memref<!tpu.dma_semaphore, #tpu.memory_space<semaphore_mem>>)
      %dma_wait3A_54 = arith.constant 0 : i32
      %dma_wait3A_55 = tpu.memref_slice %arg4[%add3A_39, %dma_wait3A_54] : memref<163840x512xi32, #tpu.memory_space<hbm>> -> memref<80x512xi32, #tpu.memory_space<hbm>>
      %dma_wait3A_56 = arith.constant 0 : i32
      %dma_wait3A_57 = tpu.memref_slice %arg4[%add3A_39, %dma_wait3A_56] : memref<163840x512xi32, #tpu.memory_space<hbm>> -> memref<80x512xi32, #tpu.memory_space<hbm>>
      tpu.wait_dma2 semaphore(%arg13 : memref<!tpu.dma_semaphore, #tpu.memory_space<semaphore_mem>>) src(%arg7 : memref<80x512xi32, #tpu.memory_space<vmem>>) dst(%dma_wait3A_57 : memref<80x512xi32, #tpu.memory_space<hbm>>)
      %dma_wait3A_58 = arith.constant 0 : i32
      %dma_wait3A_59 = tpu.memref_slice %arg4[%add3A_49, %dma_wait3A_58] : memref<163840x512xi32, #tpu.memory_space<hbm>> -> memref<80x512xi32, #tpu.memory_space<hbm>>
      %dma_wait3A_60 = arith.constant 0 : i32
      %dma_wait3A_61 = tpu.memref_slice %arg4[%add3A_49, %dma_wait3A_60] : memref<163840x512xi32, #tpu.memory_space<hbm>> -> memref<80x512xi32, #tpu.memory_space<hbm>>
      tpu.wait_dma2 semaphore(%arg14 : memref<!tpu.dma_semaphore, #tpu.memory_space<semaphore_mem>>) src(%arg8 : memref<80x512xi32, #tpu.memory_space<vmem>>) dst(%dma_wait3A_61 : memref<80x512xi32, #tpu.memory_space<hbm>>)
    }
    %scan3A_6 = arith.constant 32 : i32
    return
  }
}

#map = affine_map<(d0, d1) -> (0, 0)>
#map1 = affine_map<(d0, d1) -> (0)>
module attributes {stable_mosaic.version = 14 : i64} {
  func.func @k(%arg0: i32, %arg1: i32, %arg2: memref<10240x512xi32, #tpu.memory_space<hbm>>, %arg3: memref<163840xi32, #tpu.memory_space<hbm>>, %arg4: memref<163840x512xi32, #tpu.memory_space<hbm>>, %arg5: memref<80xi32, #tpu.memory_space<vmem>>, %arg6: memref<80xi32, #tpu.memory_space<vmem>>, %arg7: memref<80x512xi32, #tpu.memory_space<vmem>>, %arg8: memref<80x512xi32, #tpu.memory_space<vmem>>, %arg9: memref<!tpu.dma_semaphore, #tpu.memory_space<semaphore_mem>>, %arg10: memref<!tpu.dma_semaphore, #tpu.memory_space<semaphore_mem>>, %arg11: memref<!tpu.dma_semaphore, #tpu.memory_space<semaphore_mem>>, %arg12: memref<!tpu.dma_semaphore, #tpu.memory_space<semaphore_mem>>, %arg13: memref<!tpu.dma_semaphore, #tpu.memory_space<semaphore_mem>>, %arg14: memref<!tpu.dma_semaphore, #tpu.memory_space<semaphore_mem>>) attributes {dimension_semantics = [#tpu.dimension_semantics<core_parallel>, #tpu.dimension_semantics<subcore_parallel>], iteration_bounds = array<i64: 2, 16>, scalar_prefetch = 0 : i64, scratch_operands = 10 : i64, tpu.core_type = #tpu.core_type<sc_vector_subcore>, window_params = [{transform_indices = #map}, {transform_indices = #map1}, {transform_indices = #map}]} {
    %mul3A = arith.constant 2 : i32
    %mul3A_0 = arith.muli %arg1, %mul3A : i32
    %add3A = arith.addi %mul3A_0, %arg0 : i32
    %mul3A_1 = arith.constant 5120 : i32
    %mul3A_2 = arith.muli %add3A, %mul3A_1 : i32
    %scan3A = arith.constant 0 : i32
    %scan3A_3 = arith.constant 32 : i32
    %scan3A_4 = arith.addi %scan3A, %scan3A_3 : i32
    %scan3A_5 = arith.constant 1 : i32
    scf.for %scan3A_7 = %scan3A to %scan3A_4 step %scan3A_5  : i32 {
      %mul3A_8 = arith.constant 1 : i32
      %mul3A_9 = arith.muli %scan3A_7, %mul3A_8 : i32
      %add3A_10 = arith.constant 0 : i32
      %add3A_11 = arith.addi %add3A_10, %mul3A_9 : i32
      %mul3A_12 = arith.constant 2 : i32
      %mul3A_13 = arith.muli %mul3A_12, %add3A_11 : i32
      %add3A_14 = arith.constant 1 : i32
      %add3A_15 = arith.addi %mul3A_13, %add3A_14 : i32
      %mul3A_16 = arith.constant 80 : i32
      %mul3A_17 = arith.muli %mul3A_13, %mul3A_16 : i32
      %add3A_18 = arith.addi %mul3A_2, %mul3A_17 : i32
      %dma_start3A = tpu.memref_slice %arg3[%add3A_18] : memref<163840xi32, #tpu.memory_space<hbm>> -> memref<80xi32, #tpu.memory_space<hbm>>
      %dma_start3A_19 = tpu.memref_slice %arg3[%add3A_18] : memref<163840xi32, #tpu.memory_space<hbm>> -> memref<80xi32, #tpu.memory_space<hbm>>
      tpu.enqueue_dma source(%dma_start3A_19 : memref<80xi32, #tpu.memory_space<hbm>>) target(%arg5 : memref<80xi32, #tpu.memory_space<vmem>>) target_semaphore(%arg9 : memref<!tpu.dma_semaphore, #tpu.memory_space<semaphore_mem>>)
      %mul3A_20 = arith.constant 80 : i32
      %mul3A_21 = arith.muli %add3A_15, %mul3A_20 : i32
      %add3A_22 = arith.addi %mul3A_2, %mul3A_21 : i32
      %dma_start3A_23 = tpu.memref_slice %arg3[%add3A_22] : memref<163840xi32, #tpu.memory_space<hbm>> -> memref<80xi32, #tpu.memory_space<hbm>>
      %dma_start3A_24 = tpu.memref_slice %arg3[%add3A_22] : memref<163840xi32, #tpu.memory_space<hbm>> -> memref<80xi32, #tpu.memory_space<hbm>>
      tpu.enqueue_dma source(%dma_start3A_24 : memref<80xi32, #tpu.memory_space<hbm>>) target(%arg6 : memref<80xi32, #tpu.memory_space<vmem>>) target_semaphore(%arg10 : memref<!tpu.dma_semaphore, #tpu.memory_space<semaphore_mem>>)
      %dma_wait3A = tpu.memref_slice %arg3[%add3A_18] : memref<163840xi32, #tpu.memory_space<hbm>> -> memref<80xi32, #tpu.memory_space<hbm>>
      %dma_wait3A_25 = tpu.memref_slice %arg3[%add3A_18] : memref<163840xi32, #tpu.memory_space<hbm>> -> memref<80xi32, #tpu.memory_space<hbm>>
      tpu.wait_dma2 semaphore(%arg9 : memref<!tpu.dma_semaphore, #tpu.memory_space<semaphore_mem>>) src(%dma_wait3A_25 : memref<80xi32, #tpu.memory_space<hbm>>) dst(%arg5 : memref<80xi32, #tpu.memory_space<vmem>>)
      %dma_start3A_26 = arith.constant 0 : i32
      %dma_start3A_27 = arith.constant 0 : i32
      %dma_start3A_28 = tpu.memref_slice %arg2[%dma_start3A_26, %dma_start3A_27] : memref<10240x512xi32, #tpu.memory_space<hbm>> -> memref<10240x512xi32, #tpu.memory_space<hbm>>
      tpu.enqueue_indirect_dma source(%dma_start3A_28 : memref<10240x512xi32, #tpu.memory_space<hbm>>) target(%arg7 : memref<80x512xi32, #tpu.memory_space<vmem>>) offsets(%arg5 : memref<80xi32, #tpu.memory_space<vmem>>) semaphore(%arg11 : memref<!tpu.dma_semaphore, #tpu.memory_space<semaphore_mem>>)
      %dma_wait3A_29 = tpu.memref_slice %arg3[%add3A_22] : memref<163840xi32, #tpu.memory_space<hbm>> -> memref<80xi32, #tpu.memory_space<hbm>>
      %dma_wait3A_30 = tpu.memref_slice %arg3[%add3A_22] : memref<163840xi32, #tpu.memory_space<hbm>> -> memref<80xi32, #tpu.memory_space<hbm>>
      tpu.wait_dma2 semaphore(%arg10 : memref<!tpu.dma_semaphore, #tpu.memory_space<semaphore_mem>>) src(%dma_wait3A_30 : memref<80xi32, #tpu.memory_space<hbm>>) dst(%arg6 : memref<80xi32, #tpu.memory_space<vmem>>)
      %dma_start3A_31 = arith.constant 0 : i32
      %dma_start3A_32 = arith.constant 0 : i32
      %dma_start3A_33 = tpu.memref_slice %arg2[%dma_start3A_31, %dma_start3A_32] : memref<10240x512xi32, #tpu.memory_space<hbm>> -> memref<10240x512xi32, #tpu.memory_space<hbm>>
      tpu.enqueue_indirect_dma source(%dma_start3A_33 : memref<10240x512xi32, #tpu.memory_space<hbm>>) target(%arg8 : memref<80x512xi32, #tpu.memory_space<vmem>>) offsets(%arg6 : memref<80xi32, #tpu.memory_space<vmem>>) semaphore(%arg12 : memref<!tpu.dma_semaphore, #tpu.memory_space<semaphore_mem>>)
      %dma_wait3A_34 = arith.constant 0 : i32
      %dma_wait3A_35 = arith.constant 0 : i32
      %dma_wait3A_36 = tpu.memref_slice %arg2[%dma_wait3A_34, %dma_wait3A_35] : memref<10240x512xi32, #tpu.memory_space<hbm>> -> memref<10240x512xi32, #tpu.memory_space<hbm>>
      tpu.wait_indirect_dma semaphore(%arg11 : memref<!tpu.dma_semaphore, #tpu.memory_space<semaphore_mem>>) src(%dma_wait3A_36 : memref<10240x512xi32, #tpu.memory_space<hbm>>) dst(%arg7 : memref<80x512xi32, #tpu.memory_space<vmem>>)
      %mul3A_37 = arith.constant 80 : i32
      %mul3A_38 = arith.muli %mul3A_13, %mul3A_37 : i32
      %add3A_39 = arith.addi %mul3A_2, %mul3A_38 : i32
      %dma_start3A_40 = arith.constant 0 : i32
      %dma_start3A_41 = tpu.memref_slice %arg4[%add3A_39, %dma_start3A_40] : memref<163840x512xi32, #tpu.memory_space<hbm>> -> memref<80x512xi32, #tpu.memory_space<hbm>>
      %dma_start3A_42 = arith.constant 0 : i32
      %dma_start3A_43 = tpu.memref_slice %arg4[%add3A_39, %dma_start3A_42] : memref<163840x512xi32, #tpu.memory_space<hbm>> -> memref<80x512xi32, #tpu.memory_space<hbm>>
      tpu.enqueue_dma source(%arg7 : memref<80x512xi32, #tpu.memory_space<vmem>>) target(%dma_start3A_43 : memref<80x512xi32, #tpu.memory_space<hbm>>) target_semaphore(%arg13 : memref<!tpu.dma_semaphore, #tpu.memory_space<semaphore_mem>>)
      %dma_wait3A_44 = arith.constant 0 : i32
      %dma_wait3A_45 = arith.constant 0 : i32
      %dma_wait3A_46 = tpu.memref_slice %arg2[%dma_wait3A_44, %dma_wait3A_45] : memref<10240x512xi32, #tpu.memory_space<hbm>> -> memref<10240x512xi32, #tpu.memory_space<hbm>>
      tpu.wait_indirect_dma semaphore(%arg12 : memref<!tpu.dma_semaphore, #tpu.memory_space<semaphore_mem>>) src(%dma_wait3A_46 : memref<10240x512xi32, #tpu.memory_space<hbm>>) dst(%arg8 : memref<80x512xi32, #tpu.memory_space<vmem>>)
      %mul3A_47 = arith.constant 80 : i32
      %mul3A_48 = arith.muli %add3A_15, %mul3A_47 : i32
      %add3A_49 = arith.addi %mul3A_2, %mul3A_48 : i32
      %dma_start3A_50 = arith.constant 0 : i32
      %dma_start3A_51 = tpu.memref_slice %arg4[%add3A_49, %dma_start3A_50] : memref<163840x512xi32, #tpu.memory_space<hbm>> -> memref<80x512xi32, #tpu.memory_space<hbm>>
      %dma_start3A_52 = arith.constant 0 : i32
      %dma_start3A_53 = tpu.memref_slice %arg4[%add3A_49, %dma_start3A_52] : memref<163840x512xi32, #tpu.memory_space<hbm>> -> memref<80x512xi32, #tpu.memory_space<hbm>>
      tpu.enqueue_dma source(%arg8 : memref<80x512xi32, #tpu.memory_space<vmem>>) target(%dma_start3A_53 : memref<80x512xi32, #tpu.memory_space<hbm>>) target_semaphore(%arg14 : memref<!tpu.dma_semaphore, #tpu.memory_space<semaphore_mem>>)
      %dma_wait3A_54 = arith.constant 0 : i32
      %dma_wait3A_55 = tpu.memref_slice %arg4[%add3A_39, %dma_wait3A_54] : memref<163840x512xi32, #tpu.memory_space<hbm>> -> memref<80x512xi32, #tpu.memory_space<hbm>>
      %dma_wait3A_56 = arith.constant 0 : i32
      %dma_wait3A_57 = tpu.memref_slice %arg4[%add3A_39, %dma_wait3A_56] : memref<163840x512xi32, #tpu.memory_space<hbm>> -> memref<80x512xi32, #tpu.memory_space<hbm>>
      tpu.wait_dma2 semaphore(%arg13 : memref<!tpu.dma_semaphore, #tpu.memory_space<semaphore_mem>>) src(%arg7 : memref<80x512xi32, #tpu.memory_space<vmem>>) dst(%dma_wait3A_57 : memref<80x512xi32, #tpu.memory_space<hbm>>)
      %dma_wait3A_58 = arith.constant 0 : i32
      %dma_wait3A_59 = tpu.memref_slice %arg4[%add3A_49, %dma_wait3A_58] : memref<163840x512xi32, #tpu.memory_space<hbm>> -> memref<80x512xi32, #tpu.memory_space<hbm>>
      %dma_wait3A_60 = arith.constant 0 : i32
      %dma_wait3A_61 = tpu.memref_slice %arg4[%add3A_49, %dma_wait3A_60] : memref<163840x512xi32, #tpu.memory_space<hbm>> -> memref<80x512xi32, #tpu.memory_space<hbm>>
      tpu.wait_dma2 semaphore(%arg14 : memref<!tpu.dma_semaphore, #tpu.memory_space<semaphore_mem>>) src(%arg8 : memref<80x512xi32, #tpu.memory_space<vmem>>) dst(%dma_wait3A_61 : memref<80x512xi32, #tpu.memory_space<hbm>>)
    }
    %scan3A_6 = arith.constant 32 : i32
    return
  }
}

module attributes {stable_mosaic.version = 14 : i64} {
  func.func @_degree_kernel(%arg0: i32, %arg1: memref<81xi32, #tpu.memory_space<smem>>, %arg2: memref<163840xi32, #tpu.memory_space<hbm>>, %arg3: memref<163840x16xf32, #tpu.memory_space<hbm>>, %arg4: memref<163840x16xf32, #tpu.memory_space<hbm>>, %arg5: memref<128x64xf32, #tpu.memory_space<vmem>>, %arg6: memref<64x64xf32, #tpu.memory_space<vmem>>, %arg7: memref<128x16xf32, #tpu.memory_space<vmem>>, %arg8: memref<128x256xf32, #tpu.memory_space<vmem>>, %arg9: memref<163840x16xf32, #tpu.memory_space<hbm>>, %arg10: memref<512xi32, #tpu.memory_space<vmem>>, %arg11: memref<512x16xf32, #tpu.memory_space<vmem>>, %arg12: memref<512x16xf32, #tpu.memory_space<vmem>>, %arg13: memref<512xi32, #tpu.memory_space<vmem>>, %arg14: memref<512x16xf32, #tpu.memory_space<vmem>>, %arg15: memref<512x16xf32, #tpu.memory_space<vmem>>, %arg16: memref<128x256xf32, #tpu.memory_space<vmem>>, %arg17: memref<512x16xf32, #tpu.memory_space<vmem>>, %arg18: memref<!tpu.dma_semaphore, #tpu.memory_space<semaphore_mem>>, %arg19: memref<!tpu.dma_semaphore, #tpu.memory_space<semaphore_mem>>, %arg20: memref<!tpu.dma_semaphore, #tpu.memory_space<semaphore_mem>>, %arg21: memref<!tpu.dma_semaphore, #tpu.memory_space<semaphore_mem>>, %arg22: memref<!tpu.dma_semaphore, #tpu.memory_space<semaphore_mem>>, %arg23: memref<!tpu.dma_semaphore, #tpu.memory_space<semaphore_mem>>, %arg24: memref<!tpu.dma_semaphore, #tpu.memory_space<semaphore_mem>>) attributes {dimension_semantics = [#tpu.dimension_semantics<arbitrary>], iteration_bounds = array<i64: 80>, scalar_prefetch = 1 : i64, scratch_operands = 15 : i64, tpu.core_type = #tpu.core_type<tc>, window_params = [{}, {}, {}, {pipeline_mode = #tpu.pipeline_mode<synchronous>, transform_indices = @transform_3, window_bounds = array<i64: 128, 64>}, {pipeline_mode = #tpu.pipeline_mode<synchronous>, transform_indices = @transform_4, window_bounds = array<i64: 64, 64>}, {pipeline_mode = #tpu.pipeline_mode<synchronous>, transform_indices = @transform_5, window_bounds = array<i64: 128, 16>}, {transform_indices = @transform_6, window_bounds = array<i64: 128, 256>}, {}]} {
    %get3A = arith.index_cast %arg0 : i32 to index
    %get3A_0 = memref.load %arg1[%get3A] : memref<81xi32, #tpu.memory_space<smem>>
    %eq3A = arith.constant 79 : i32
    %eq3A_1 = arith.cmpi eq, %arg0, %eq3A : i32
    %add3A = arith.constant 1 : i32
    %add3A_2 = arith.addi %arg0, %add3A : i32
    %get3A_3 = arith.index_cast %add3A_2 : i32 to index
    %get3A_4 = memref.load %arg1[%get3A_3] : memref<81xi32, #tpu.memory_space<smem>>
    %jit3A = arith.constant 163840 : i32
    %select_n3A = arith.select %eq3A_1, %jit3A, %get3A_4 : i32
    %mul3A = arith.constant 128 : i32
    %mul3A_5 = arith.muli %arg0, %mul3A : i32
    %jit3A_6 = arith.constant 512 : i32
    %div3A = arith.divsi %get3A_0, %jit3A_6 : i32
    %sign3A = arith.constant 0 : i32
    %sign3A_7 = arith.cmpi sgt, %get3A_0, %sign3A : i32
    %sign3A_8 = arith.extui %sign3A_7 : i1 to i32
    %sign3A_9 = arith.constant 0 : i32
    %sign3A_10 = arith.cmpi slt, %get3A_0, %sign3A_9 : i32
    %sign3A_11 = arith.extui %sign3A_10 : i1 to i32
    %sign3A_12 = arith.subi %sign3A_8, %sign3A_11 : i32
    %sign3A_13 = arith.constant 0 : i32
    %sign3A_14 = arith.cmpi sgt, %jit3A_6, %sign3A_13 : i32
    %sign3A_15 = arith.extui %sign3A_14 : i1 to i32
    %sign3A_16 = arith.constant 0 : i32
    %sign3A_17 = arith.cmpi slt, %jit3A_6, %sign3A_16 : i32
    %sign3A_18 = arith.extui %sign3A_17 : i1 to i32
    %sign3A_19 = arith.subi %sign3A_15, %sign3A_18 : i32
    %ne3A = arith.cmpi ne, %sign3A_12, %sign3A_19 : i32
    %rem3A = arith.remsi %get3A_0, %jit3A_6 : i32
    %ne3A_20 = arith.constant 0 : i32
    %ne3A_21 = arith.cmpi ne, %rem3A, %ne3A_20 : i32
    %and3A = arith.andi %ne3A, %ne3A_21 : i1
    %sub3A = arith.constant 1 : i32
    %sub3A_22 = arith.subi %div3A, %sub3A : i32
    %select_n3A_23 = arith.select %and3A, %sub3A_22, %div3A : i32
    %add3A_24 = arith.constant 512 : i32
    %add3A_25 = arith.addi %select_n3A, %add3A_24 : i32
    %sub3A_26 = arith.constant 1 : i32
    %sub3A_27 = arith.subi %add3A_25, %sub3A_26 : i32
    %jit3A_28 = arith.constant 512 : i32
    %div3A_29 = arith.divsi %sub3A_27, %jit3A_28 : i32
    %sign3A_30 = arith.constant 0 : i32
    %sign3A_31 = arith.cmpi sgt, %sub3A_27, %sign3A_30 : i32
    %sign3A_32 = arith.extui %sign3A_31 : i1 to i32
    %sign3A_33 = arith.constant 0 : i32
    %sign3A_34 = arith.cmpi slt, %sub3A_27, %sign3A_33 : i32
    %sign3A_35 = arith.extui %sign3A_34 : i1 to i32
    %sign3A_36 = arith.subi %sign3A_32, %sign3A_35 : i32
    %sign3A_37 = arith.constant 0 : i32
    %sign3A_38 = arith.cmpi sgt, %jit3A_28, %sign3A_37 : i32
    %sign3A_39 = arith.extui %sign3A_38 : i1 to i32
    %sign3A_40 = arith.constant 0 : i32
    %sign3A_41 = arith.cmpi slt, %jit3A_28, %sign3A_40 : i32
    %sign3A_42 = arith.extui %sign3A_41 : i1 to i32
    %sign3A_43 = arith.subi %sign3A_39, %sign3A_42 : i32
    %ne3A_44 = arith.cmpi ne, %sign3A_36, %sign3A_43 : i32
    %rem3A_45 = arith.remsi %sub3A_27, %jit3A_28 : i32
    %ne3A_46 = arith.constant 0 : i32
    %ne3A_47 = arith.cmpi ne, %rem3A_45, %ne3A_46 : i32
    %and3A_48 = arith.andi %ne3A_44, %ne3A_47 : i1
    %sub3A_49 = arith.constant 1 : i32
    %sub3A_50 = arith.subi %div3A_29, %sub3A_49 : i32
    %select_n3A_51 = arith.select %and3A_48, %sub3A_50, %div3A_29 : i32
    %sub3A_52 = arith.subi %select_n3A_51, %select_n3A_23 : i32
    %broadcast_in_dim3A = arith.constant 0.000000e+00 : f32
    %broadcast_in_dim3A_53 = vector.broadcast %broadcast_in_dim3A : f32 to vector<128x256xf32>
    %swap3A = arith.constant 0 : index
    %swap3A_54 = arith.constant 0 : index
    %swap3A_55 = vector.load %arg16[%swap3A, %swap3A_54] : memref<128x256xf32, #tpu.memory_space<vmem>>, vector<128x256xf32>
    tpu.vector_store %arg16[%swap3A, %swap3A_54], %broadcast_in_dim3A_53 {strides = array<i32>} : memref<128x256xf32, #tpu.memory_space<vmem>>, vector<128x256xf32>,
    %gt3A = arith.constant 0 : i32
    %gt3A_56 = arith.cmpi sgt, %sub3A_52, %gt3A : i32
    %convert_element_type3A = arith.extui %gt3A_56 : i1 to i32
    %cond3A = arith.constant 0 : i32
    %cond3A_57 = arith.cmpi ne, %convert_element_type3A, %cond3A : i32
    scf.if %cond3A_57 {
      %add3A_101 = arith.constant 0 : i32
      %add3A_102 = arith.addi %select_n3A_23, %add3A_101 : i32
      %mul3A_103 = arith.constant 512 : i32
      %mul3A_104 = arith.muli %add3A_102, %mul3A_103 : i32
      %dma_start3A = tpu.memref_slice %arg2[%mul3A_104] : memref<163840xi32, #tpu.memory_space<hbm>> -> memref<512xi32, #tpu.memory_space<hbm>>
      tpu.enqueue_dma source(%dma_start3A : memref<512xi32, #tpu.memory_space<hbm>>) target(%arg10 : memref<512xi32, #tpu.memory_space<vmem>>) target_semaphore(%arg18 : memref<!tpu.dma_semaphore, #tpu.memory_space<semaphore_mem>>)
      %dma_start3A_105 = arith.constant 0 : i32
      %dma_start3A_106 = tpu.memref_slice %arg3[%mul3A_104, %dma_start3A_105] : memref<163840x16xf32, #tpu.memory_space<hbm>> -> memref<512x16xf32, #tpu.memory_space<hbm>>
      tpu.enqueue_dma source(%dma_start3A_106 : memref<512x16xf32, #tpu.memory_space<hbm>>) target(%arg11 : memref<512x16xf32, #tpu.memory_space<vmem>>) target_semaphore(%arg19 : memref<!tpu.dma_semaphore, #tpu.memory_space<semaphore_mem>>)
      %dma_start3A_107 = arith.constant 0 : i32
      %dma_start3A_108 = tpu.memref_slice %arg4[%mul3A_104, %dma_start3A_107] : memref<163840x16xf32, #tpu.memory_space<hbm>> -> memref<512x16xf32, #tpu.memory_space<hbm>>
      tpu.enqueue_dma source(%dma_start3A_108 : memref<512x16xf32, #tpu.memory_space<hbm>>) target(%arg12 : memref<512x16xf32, #tpu.memory_space<vmem>>) target_semaphore(%arg20 : memref<!tpu.dma_semaphore, #tpu.memory_space<semaphore_mem>>)
    } else {
    }
    %add3A_58 = arith.constant 1 : i32
    %add3A_59 = arith.addi %sub3A_52, %add3A_58 : i32
    %jit3A_60 = arith.constant 2 : i32
    %div3A_61 = arith.divsi %add3A_59, %jit3A_60 : i32
    %sign3A_62 = arith.constant 0 : i32
    %sign3A_63 = arith.cmpi sgt, %add3A_59, %sign3A_62 : i32
    %sign3A_64 = arith.extui %sign3A_63 : i1 to i32
    %sign3A_65 = arith.constant 0 : i32
    %sign3A_66 = arith.cmpi slt, %add3A_59, %sign3A_65 : i32
    %sign3A_67 = arith.extui %sign3A_66 : i1 to i32
    %sign3A_68 = arith.subi %sign3A_64, %sign3A_67 : i32
    %sign3A_69 = arith.constant 0 : i32
    %sign3A_70 = arith.cmpi sgt, %jit3A_60, %sign3A_69 : i32
    %sign3A_71 = arith.extui %sign3A_70 : i1 to i32
    %sign3A_72 = arith.constant 0 : i32
    %sign3A_73 = arith.cmpi slt, %jit3A_60, %sign3A_72 : i32
    %sign3A_74 = arith.extui %sign3A_73 : i1 to i32
    %sign3A_75 = arith.subi %sign3A_71, %sign3A_74 : i32
    %ne3A_76 = arith.cmpi ne, %sign3A_68, %sign3A_75 : i32
    %rem3A_77 = arith.remsi %add3A_59, %jit3A_60 : i32
    %ne3A_78 = arith.constant 0 : i32
    %ne3A_79 = arith.cmpi ne, %rem3A_77, %ne3A_78 : i32
    %and3A_80 = arith.andi %ne3A_76, %ne3A_79 : i1
    %sub3A_81 = arith.constant 1 : i32
    %sub3A_82 = arith.subi %div3A_61, %sub3A_81 : i32
    %select_n3A_83 = arith.select %and3A_80, %sub3A_82, %div3A_61 : i32
    %while3A = arith.constant 0 : i32
    %while3A_84 = arith.constant 0 : i32
    %while3A_85 = arith.subi %select_n3A_83, %while3A : i32
    %while3A_86 = arith.addi %while3A, %while3A_85 : i32
    %while3A_87 = arith.constant 1 : i32
    %while3A_88 = arith.divsi %while3A_85, %while3A_87 : i32
    %while3A_89 = arith.muli %while3A_88, %while3A_87 : i32
    %while3A_90 = arith.addi %while3A, %while3A_89 : i32
    %while3A_91 = arith.constant 1 : i32
    %while3A_92 = scf.for %while3A_101 = %while3A to %while3A_90 step %while3A_91 iter_args(%while3A_102 = %while3A_84) -> (i32)  : i32 {
      %mul3A_103 = arith.constant 2 : i32
      %mul3A_104 = arith.muli %mul3A_103, %while3A_101 : i32
      %add3A_105 = arith.constant 1 : i32
      %add3A_106 = arith.addi %mul3A_104, %add3A_105 : i32
      %lt3A = arith.cmpi slt, %add3A_106, %sub3A_52 : i32
      %convert_element_type3A_107 = arith.extui %lt3A : i1 to i32
      %cond3A_108 = arith.constant 0 : i32
      %cond3A_109 = arith.cmpi ne, %convert_element_type3A_107, %cond3A_108 : i32
      scf.if %cond3A_109 {
        %add3A_223 = arith.addi %select_n3A_23, %add3A_106 : i32
        %mul3A_224 = arith.constant 512 : i32
        %mul3A_225 = arith.muli %add3A_223, %mul3A_224 : i32
        %dma_start3A_226 = tpu.memref_slice %arg2[%mul3A_225] : memref<163840xi32, #tpu.memory_space<hbm>> -> memref<512xi32, #tpu.memory_space<hbm>>
        tpu.enqueue_dma source(%dma_start3A_226 : memref<512xi32, #tpu.memory_space<hbm>>) target(%arg13 : memref<512xi32, #tpu.memory_space<vmem>>) target_semaphore(%arg21 : memref<!tpu.dma_semaphore, #tpu.memory_space<semaphore_mem>>)
        %dma_start3A_227 = arith.constant 0 : i32
        %dma_start3A_228 = tpu.memref_slice %arg3[%mul3A_225, %dma_start3A_227] : memref<163840x16xf32, #tpu.memory_space<hbm>> -> memref<512x16xf32, #tpu.memory_space<hbm>>
        tpu.enqueue_dma source(%dma_start3A_228 : memref<512x16xf32, #tpu.memory_space<hbm>>) target(%arg14 : memref<512x16xf32, #tpu.memory_space<vmem>>) target_semaphore(%arg22 : memref<!tpu.dma_semaphore, #tpu.memory_space<semaphore_mem>>)
        %dma_start3A_229 = arith.constant 0 : i32
        %dma_start3A_230 = tpu.memref_slice %arg4[%mul3A_225, %dma_start3A_229] : memref<163840x16xf32, #tpu.memory_space<hbm>> -> memref<512x16xf32, #tpu.memory_space<hbm>>
        tpu.enqueue_dma source(%dma_start3A_230 : memref<512x16xf32, #tpu.memory_space<hbm>>) target(%arg15 : memref<512x16xf32, #tpu.memory_space<vmem>>) target_semaphore(%arg23 : memref<!tpu.dma_semaphore, #tpu.memory_space<semaphore_mem>>)
      } else {
      }
      %add3A_110 = arith.addi %select_n3A_23, %mul3A_104 : i32
      %mul3A_111 = arith.constant 512 : i32
      %mul3A_112 = arith.muli %add3A_110, %mul3A_111 : i32
      %dma_wait3A = tpu.memref_slice %arg2[%mul3A_112] : memref<163840xi32, #tpu.memory_space<hbm>> -> memref<512xi32, #tpu.memory_space<hbm>>
      tpu.wait_dma2 semaphore(%arg18 : memref<!tpu.dma_semaphore, #tpu.memory_space<semaphore_mem>>) src(%dma_wait3A : memref<512xi32, #tpu.memory_space<hbm>>) dst(%arg10 : memref<512xi32, #tpu.memory_space<vmem>>)
      %dma_wait3A_113 = arith.constant 0 : i32
      %dma_wait3A_114 = tpu.memref_slice %arg3[%mul3A_112, %dma_wait3A_113] : memref<163840x16xf32, #tpu.memory_space<hbm>> -> memref<512x16xf32, #tpu.memory_space<hbm>>
      tpu.wait_dma2 semaphore(%arg19 : memref<!tpu.dma_semaphore, #tpu.memory_space<semaphore_mem>>) src(%dma_wait3A_114 : memref<512x16xf32, #tpu.memory_space<hbm>>) dst(%arg11 : memref<512x16xf32, #tpu.memory_space<vmem>>)
      %dma_wait3A_115 = arith.constant 0 : i32
      %dma_wait3A_116 = tpu.memref_slice %arg4[%mul3A_112, %dma_wait3A_115] : memref<163840x16xf32, #tpu.memory_space<hbm>> -> memref<512x16xf32, #tpu.memory_space<hbm>>
      tpu.wait_dma2 semaphore(%arg20 : memref<!tpu.dma_semaphore, #tpu.memory_space<semaphore_mem>>) src(%dma_wait3A_116 : memref<512x16xf32, #tpu.memory_space<hbm>>) dst(%arg12 : memref<512x16xf32, #tpu.memory_space<vmem>>)
      %get3A_117 = arith.constant 0 : index
      %get3A_118 = arith.constant 0 : index
      %get3A_119 = vector.load %arg11[%get3A_117, %get3A_118] : memref<512x16xf32, #tpu.memory_space<vmem>>, vector<512x16xf32>
      %get3A_120 = arith.constant 0 : index
      %get3A_121 = arith.constant 0 : index
      %get3A_122 = vector.load %arg12[%get3A_120, %get3A_121] : memref<512x16xf32, #tpu.memory_space<vmem>>, vector<512x16xf32>
      %slice3A = vector.extract_strided_slice %get3A_119 {offsets = [0, 0], sizes = [512, 3], strides = [1, 1]} : vector<512x16xf32> to vector<512x3xf32>
      %slice3A_123 = vector.extract_strided_slice %get3A_122 {offsets = [0, 0], sizes = [512, 3], strides = [1, 1]} : vector<512x16xf32> to vector<512x3xf32>
      %sub3A_124 = arith.subf %slice3A, %slice3A_123 : vector<512x3xf32>
      %mul3A_125 = arith.mulf %sub3A_124, %sub3A_124 : vector<512x3xf32>
      %reduce_sum3A = arith.constant dense<0.000000e+00> : vector<512xf32>
      %reduce_sum3A_126 = vector.multi_reduction <add>, %mul3A_125, %reduce_sum3A [1] : vector<512x3xf32> to vector<512xf32>
      %broadcast_in_dim3A_127 = vector.shape_cast %reduce_sum3A_126 : vector<512xf32> to vector<512x1xf32>
      %add3A_128 = arith.constant 9.99999996E-13 : f32
      %add3A_129 = vector.broadcast %add3A_128 : f32 to vector<512x1xf32>
      %add3A_130 = arith.addf %broadcast_in_dim3A_127, %add3A_129 : vector<512x1xf32>
      %sqrt3A = math.sqrt %add3A_130 : vector<512x1xf32>
      %iota3A = tpu.iota {dimensions = array<i32: 1>} : vector<1x128xi32>
      %convert_element_type3A_131 = arith.sitofp %iota3A : vector<1x128xi32> to vector<1x128xf32>
      %mul3A_132 = arith.constant 0.0472440943 : f32
      %mul3A_133 = vector.broadcast %mul3A_132 : f32 to vector<1x128xf32>
      %mul3A_134 = arith.mulf %convert_element_type3A_131, %mul3A_133 : vector<1x128xf32>
      %sub3A_135 = vector.broadcast %sqrt3A : vector<512x1xf32> to vector<512x128xf32>
      %sub3A_136 = vector.broadcast %mul3A_134 : vector<1x128xf32> to vector<512x128xf32>
      %sub3A_137 = arith.subf %sub3A_135, %sub3A_136 : vector<512x128xf32>
      %mul3A_138 = arith.constant 21.333334 : f32
      %mul3A_139 = vector.broadcast %mul3A_138 : f32 to vector<512x128xf32>
      %mul3A_140 = arith.mulf %sub3A_137, %mul3A_139 : vector<512x128xf32>
      %mul3A_141 = arith.constant -5.000000e-01 : f32
      %mul3A_142 = vector.broadcast %mul3A_141 : f32 to vector<512x128xf32>
      %mul3A_143 = arith.mulf %mul3A_142, %mul3A_140 : vector<512x128xf32>
      %mul3A_144 = arith.mulf %mul3A_143, %mul3A_140 : vector<512x128xf32>
      %exp3A = math.exp %mul3A_144 : vector<512x128xf32>
      %div3A_145 = arith.constant 1.000000e+00 : f32
      %div3A_146 = vector.broadcast %div3A_145 : f32 to vector<512x1xf32>
      %div3A_147 = arith.divf %div3A_146, %sqrt3A : vector<512x1xf32>
      %get3A_148 = arith.constant 0 : index
      %get3A_149 = arith.constant 0 : index
      %get3A_150 = vector.load %arg7[%get3A_148, %get3A_149] : memref<128x16xf32, #tpu.memory_space<vmem>>, vector<128x16xf32>
      %dot_general3A = arith.constant dense<0.000000e+00> : vector<512x16xf32>
      %dot_general3A_151 = tpu.matmul %exp3A, %get3A_150, %dot_general3A {dimension_numbers = #tpu.dot_dimension_numbers<[1], [0], [0], [1], [0, 0, 1, 1], [], []>, transpose_lhs_hint = false} : vector<512x128xf32>, vector<128x16xf32>, vector<512x16xf32> -> vector<512x16xf32>
      %swap3A_152 = arith.constant 0 : index
      %swap3A_153 = arith.constant 0 : index
      %swap3A_154 = vector.load %arg17[%swap3A_152, %swap3A_153] : memref<512x16xf32, #tpu.memory_space<vmem>>, vector<512x16xf32>
      tpu.vector_store %arg17[%swap3A_152, %swap3A_153], %dot_general3A_151 {strides = array<i32>} : memref<512x16xf32, #tpu.memory_space<vmem>>, vector<512x16xf32>,
      %dma_start3A = arith.constant 0 : i32
      %dma_start3A_155 = tpu.memref_slice %arg9[%mul3A_112, %dma_start3A] : memref<163840x16xf32, #tpu.memory_space<hbm>> -> memref<512x16xf32, #tpu.memory_space<hbm>>
      tpu.enqueue_dma source(%arg17 : memref<512x16xf32, #tpu.memory_space<vmem>>) target(%dma_start3A_155 : memref<512x16xf32, #tpu.memory_space<hbm>>) target_semaphore(%arg24 : memref<!tpu.dma_semaphore, #tpu.memory_space<semaphore_mem>>)
      %get3A_156 = arith.constant 0 : index
      %get3A_157 = arith.constant 0 : index
      %get3A_158 = vector.load %arg5[%get3A_156, %get3A_157] : memref<128x64xf32, #tpu.memory_space<vmem>>, vector<128x64xf32>
      %dot_general3A_159 = arith.constant dense<0.000000e+00> : vector<512x64xf32>
      %dot_general3A_160 = tpu.matmul %exp3A, %get3A_158, %dot_general3A_159 {dimension_numbers = #tpu.dot_dimension_numbers<[1], [0], [0], [1], [0, 0, 1, 1], [], []>, transpose_lhs_hint = false} : vector<512x128xf32>, vector<128x64xf32>, vector<512x64xf32> -> vector<512x64xf32>
      %logistic3A = arith.negf %dot_general3A_160 : vector<512x64xf32>
      %logistic3A_161 = math.exp %logistic3A : vector<512x64xf32>
      %logistic3A_162 = arith.constant 1.000000e+00 : f32
      %logistic3A_163 = vector.broadcast %logistic3A_162 : f32 to vector<512x64xf32>
      %logistic3A_164 = arith.addf %logistic3A_163, %logistic3A_161 : vector<512x64xf32>
      %logistic3A_165 = arith.divf %logistic3A_163, %logistic3A_164 : vector<512x64xf32>
      %mul3A_166 = arith.mulf %dot_general3A_160, %logistic3A_165 : vector<512x64xf32>
      %get3A_167 = arith.constant 0 : index
      %get3A_168 = arith.constant 0 : index
      %get3A_169 = vector.load %arg6[%get3A_167, %get3A_168] : memref<64x64xf32, #tpu.memory_space<vmem>>, vector<64x64xf32>
      %dot_general3A_170 = arith.constant dense<0.000000e+00> : vector<512x64xf32>
      %dot_general3A_171 = tpu.matmul %mul3A_166, %get3A_169, %dot_general3A_170 {dimension_numbers = #tpu.dot_dimension_numbers<[1], [0], [0], [1], [0, 0, 1, 1], [], []>, transpose_lhs_hint = false} : vector<512x64xf32>, vector<64x64xf32>, vector<512x64xf32> -> vector<512x64xf32>
      %logistic3A_172 = arith.negf %dot_general3A_171 : vector<512x64xf32>
      %logistic3A_173 = math.exp %logistic3A_172 : vector<512x64xf32>
      %logistic3A_174 = arith.constant 1.000000e+00 : f32
      %logistic3A_175 = vector.broadcast %logistic3A_174 : f32 to vector<512x64xf32>
      %logistic3A_176 = arith.addf %logistic3A_175, %logistic3A_173 : vector<512x64xf32>
      %logistic3A_177 = arith.divf %logistic3A_175, %logistic3A_176 : vector<512x64xf32>
      %mul3A_178 = arith.mulf %dot_general3A_171, %logistic3A_177 : vector<512x64xf32>
      %mul3A_179 = vector.broadcast %div3A_147 : vector<512x1xf32> to vector<512x3xf32>
      %mul3A_180 = arith.mulf %sub3A_124, %mul3A_179 : vector<512x3xf32>
      %slice3A_181 = vector.extract_strided_slice %mul3A_180 {offsets = [0, 0], sizes = [512, 1], strides = [1, 1]} : vector<512x3xf32> to vector<512x1xf32>
      %mul3A_182 = vector.broadcast %slice3A_181 : vector<512x1xf32> to vector<512x64xf32>
      %mul3A_183 = arith.mulf %mul3A_178, %mul3A_182 : vector<512x64xf32>
      %slice3A_184 = vector.extract_strided_slice %mul3A_180 {offsets = [0, 1], sizes = [512, 1], strides = [1, 1]} : vector<512x3xf32> to vector<512x1xf32>
      %mul3A_185 = vector.broadcast %slice3A_184 : vector<512x1xf32> to vector<512x64xf32>
      %mul3A_186 = arith.mulf %mul3A_178, %mul3A_185 : vector<512x64xf32>
      %slice3A_187 = vector.extract_strided_slice %mul3A_180 {offsets = [0, 2], sizes = [512, 1], strides = [1, 1]} : vector<512x3xf32> to vector<512x1xf32>
      %mul3A_188 = vector.broadcast %slice3A_187 : vector<512x1xf32> to vector<512x64xf32>
      %mul3A_189 = arith.mulf %mul3A_178, %mul3A_188 : vector<512x64xf32>
      %concatenate3A = tpu.concatenate %mul3A_178, %mul3A_183, %mul3A_186, %mul3A_189 in 1 : vector<512x64xf32>, vector<512x64xf32>, vector<512x64xf32>, vector<512x64xf32> -> vector<512x256xf32>
      %convert_element_type3A_190 = arith.truncf %concatenate3A : vector<512x256xf32> to vector<512x256xbf16>
      %get3A_191 = arith.constant 0 : index
      %get3A_192 = vector.load %arg10[%get3A_191] : memref<512xi32, #tpu.memory_space<vmem>>, vector<512xi32>
      %reshape3A = vector.shape_cast %get3A_192 : vector<512xi32> to vector<512x1xi32>
      %iota3A_193 = tpu.iota {dimensions = array<i32: 1>} : vector<512x128xi32>
      %sub3A_194 = vector.broadcast %mul3A_5 : i32 to vector<512x1xi32>
      %sub3A_195 = arith.subi %reshape3A, %sub3A_194 : vector<512x1xi32>
      %eq3A_196 = vector.broadcast %sub3A_195 : vector<512x1xi32> to vector<512x128xi32>
      %eq3A_197 = arith.cmpi eq, %eq3A_196, %iota3A_193 : vector<512x128xi32>
      %convert_element_type3A_198 = arith.extui %eq3A_197 : vector<512x128xi1> to vector<512x128xi32>
      %convert_element_type3A_199 = arith.sitofp %convert_element_type3A_198 : vector<512x128xi32> to vector<512x128xf32>
      %convert_element_type3A_200 = arith.truncf %convert_element_type3A_199 : vector<512x128xf32> to vector<512x128xbf16>
      %get3A_201 = arith.constant 0 : index
      %get3A_202 = arith.constant 0 : index
      %get3A_203 = vector.load %arg16[%get3A_201, %get3A_202] : memref<128x256xf32, #tpu.memory_space<vmem>>, vector<128x256xf32>
      %dot_general3A_204 = arith.constant dense<0.000000e+00> : vector<128x256xf32>
      %dot_general3A_205 = tpu.matmul %convert_element_type3A_200, %convert_element_type3A_190, %dot_general3A_204 {dimension_numbers = #tpu.dot_dimension_numbers<[0], [0], [1], [1], [0, 1, 1, 1], [], []>, transpose_lhs_hint = false} : vector<512x128xbf16>, vector<512x256xbf16>, vector<128x256xf32> -> vector<128x256xf32>
      %add3A_206 = arith.addf %get3A_203, %dot_general3A_205 : vector<128x256xf32>
      %swap3A_207 = arith.constant 0 : index
      %swap3A_208 = arith.constant 0 : index
      %swap3A_209 = vector.load %arg16[%swap3A_207, %swap3A_208] : memref<128x256xf32, #tpu.memory_space<vmem>>, vector<128x256xf32>
      tpu.vector_store %arg16[%swap3A_207, %swap3A_208], %add3A_206 {strides = array<i32>} : memref<128x256xf32, #tpu.memory_space<vmem>>, vector<128x256xf32>,
      %dma_wait3A_210 = arith.constant 0 : i32
      %dma_wait3A_211 = tpu.memref_slice %arg9[%mul3A_112, %dma_wait3A_210] : memref<163840x16xf32, #tpu.memory_space<hbm>> -> memref<512x16xf32, #tpu.memory_space<hbm>>
      tpu.wait_dma2 semaphore(%arg24 : memref<!tpu.dma_semaphore, #tpu.memory_space<semaphore_mem>>) src(%arg17 : memref<512x16xf32, #tpu.memory_space<vmem>>) dst(%dma_wait3A_211 : memref<512x16xf32, #tpu.memory_space<hbm>>)
      %add3A_212 = arith.constant 1 : i32
      %add3A_213 = arith.addi %add3A_106, %add3A_212 : i32
      %lt3A_214 = arith.cmpi slt, %add3A_213, %sub3A_52 : i32
      %convert_element_type3A_215 = arith.extui %lt3A_214 : i1 to i32
      %cond3A_216 = arith.constant 0 : i32
      %cond3A_217 = arith.cmpi ne, %convert_element_type3A_215, %cond3A_216 : i32
      scf.if %cond3A_217 {
        %add3A_223 = arith.constant 1 : i32
        %add3A_224 = arith.addi %add3A_106, %add3A_223 : i32
        %add3A_225 = arith.addi %select_n3A_23, %add3A_224 : i32
        %mul3A_226 = arith.constant 512 : i32
        %mul3A_227 = arith.muli %add3A_225, %mul3A_226 : i32
        %dma_start3A_228 = tpu.memref_slice %arg2[%mul3A_227] : memref<163840xi32, #tpu.memory_space<hbm>> -> memref<512xi32, #tpu.memory_space<hbm>>
        tpu.enqueue_dma source(%dma_start3A_228 : memref<512xi32, #tpu.memory_space<hbm>>) target(%arg10 : memref<512xi32, #tpu.memory_space<vmem>>) target_semaphore(%arg18 : memref<!tpu.dma_semaphore, #tpu.memory_space<semaphore_mem>>)
        %dma_start3A_229 = arith.constant 0 : i32
        %dma_start3A_230 = tpu.memref_slice %arg3[%mul3A_227, %dma_start3A_229] : memref<163840x16xf32, #tpu.memory_space<hbm>> -> memref<512x16xf32, #tpu.memory_space<hbm>>
        tpu.enqueue_dma source(%dma_start3A_230 : memref<512x16xf32, #tpu.memory_space<hbm>>) target(%arg11 : memref<512x16xf32, #tpu.memory_space<vmem>>) target_semaphore(%arg19 : memref<!tpu.dma_semaphore, #tpu.memory_space<semaphore_mem>>)
        %dma_start3A_231 = arith.constant 0 : i32
        %dma_start3A_232 = tpu.memref_slice %arg4[%mul3A_227, %dma_start3A_231] : memref<163840x16xf32, #tpu.memory_space<hbm>> -> memref<512x16xf32, #tpu.memory_space<hbm>>
        tpu.enqueue_dma source(%dma_start3A_232 : memref<512x16xf32, #tpu.memory_space<hbm>>) target(%arg12 : memref<512x16xf32, #tpu.memory_space<vmem>>) target_semaphore(%arg20 : memref<!tpu.dma_semaphore, #tpu.memory_space<semaphore_mem>>)
      } else {
      }
      %lt3A_218 = arith.cmpi slt, %add3A_106, %sub3A_52 : i32
      %convert_element_type3A_219 = arith.extui %lt3A_218 : i1 to i32
      %cond3A_220 = arith.constant 0 : i32
      %cond3A_221 = arith.cmpi ne, %convert_element_type3A_219, %cond3A_220 : i32
      scf.if %cond3A_221 {
        %add3A_223 = arith.addi %select_n3A_23, %add3A_106 : i32
        %mul3A_224 = arith.constant 512 : i32
        %mul3A_225 = arith.muli %add3A_223, %mul3A_224 : i32
        %dma_wait3A_226 = tpu.memref_slice %arg2[%mul3A_225] : memref<163840xi32, #tpu.memory_space<hbm>> -> memref<512xi32, #tpu.memory_space<hbm>>
        tpu.wait_dma2 semaphore(%arg21 : memref<!tpu.dma_semaphore, #tpu.memory_space<semaphore_mem>>) src(%dma_wait3A_226 : memref<512xi32, #tpu.memory_space<hbm>>) dst(%arg13 : memref<512xi32, #tpu.memory_space<vmem>>)
        %dma_wait3A_227 = arith.constant 0 : i32
        %dma_wait3A_228 = tpu.memref_slice %arg3[%mul3A_225, %dma_wait3A_227] : memref<163840x16xf32, #tpu.memory_space<hbm>> -> memref<512x16xf32, #tpu.memory_space<hbm>>
        tpu.wait_dma2 semaphore(%arg22 : memref<!tpu.dma_semaphore, #tpu.memory_space<semaphore_mem>>) src(%dma_wait3A_228 : memref<512x16xf32, #tpu.memory_space<hbm>>) dst(%arg14 : memref<512x16xf32, #tpu.memory_space<vmem>>)
        %dma_wait3A_229 = arith.constant 0 : i32
        %dma_wait3A_230 = tpu.memref_slice %arg4[%mul3A_225, %dma_wait3A_229] : memref<163840x16xf32, #tpu.memory_space<hbm>> -> memref<512x16xf32, #tpu.memory_space<hbm>>
        tpu.wait_dma2 semaphore(%arg23 : memref<!tpu.dma_semaphore, #tpu.memory_space<semaphore_mem>>) src(%dma_wait3A_230 : memref<512x16xf32, #tpu.memory_space<hbm>>) dst(%arg15 : memref<512x16xf32, #tpu.memory_space<vmem>>)
        %get3A_231 = arith.constant 0 : index
        %get3A_232 = arith.constant 0 : index
        %get3A_233 = vector.load %arg14[%get3A_231, %get3A_232] : memref<512x16xf32, #tpu.memory_space<vmem>>, vector<512x16xf32>
        %get3A_234 = arith.constant 0 : index
        %get3A_235 = arith.constant 0 : index
        %get3A_236 = vector.load %arg15[%get3A_234, %get3A_235] : memref<512x16xf32, #tpu.memory_space<vmem>>, vector<512x16xf32>
        %slice3A_237 = vector.extract_strided_slice %get3A_233 {offsets = [0, 0], sizes = [512, 3], strides = [1, 1]} : vector<512x16xf32> to vector<512x3xf32>
        %slice3A_238 = vector.extract_strided_slice %get3A_236 {offsets = [0, 0], sizes = [512, 3], strides = [1, 1]} : vector<512x16xf32> to vector<512x3xf32>
        %sub3A_239 = arith.subf %slice3A_237, %slice3A_238 : vector<512x3xf32>
        %mul3A_240 = arith.mulf %sub3A_239, %sub3A_239 : vector<512x3xf32>
        %reduce_sum3A_241 = arith.constant dense<0.000000e+00> : vector<512xf32>
        %reduce_sum3A_242 = vector.multi_reduction <add>, %mul3A_240, %reduce_sum3A_241 [1] : vector<512x3xf32> to vector<512xf32>
        %broadcast_in_dim3A_243 = vector.shape_cast %reduce_sum3A_242 : vector<512xf32> to vector<512x1xf32>
        %add3A_244 = arith.constant 9.99999996E-13 : f32
        %add3A_245 = vector.broadcast %add3A_244 : f32 to vector<512x1xf32>
        %add3A_246 = arith.addf %broadcast_in_dim3A_243, %add3A_245 : vector<512x1xf32>
        %sqrt3A_247 = math.sqrt %add3A_246 : vector<512x1xf32>
        %iota3A_248 = tpu.iota {dimensions = array<i32: 1>} : vector<1x128xi32>
        %convert_element_type3A_249 = arith.sitofp %iota3A_248 : vector<1x128xi32> to vector<1x128xf32>
        %mul3A_250 = arith.constant 0.0472440943 : f32
        %mul3A_251 = vector.broadcast %mul3A_250 : f32 to vector<1x128xf32>
        %mul3A_252 = arith.mulf %convert_element_type3A_249, %mul3A_251 : vector<1x128xf32>
        %sub3A_253 = vector.broadcast %sqrt3A_247 : vector<512x1xf32> to vector<512x128xf32>
        %sub3A_254 = vector.broadcast %mul3A_252 : vector<1x128xf32> to vector<512x128xf32>
        %sub3A_255 = arith.subf %sub3A_253, %sub3A_254 : vector<512x128xf32>
        %mul3A_256 = arith.constant 21.333334 : f32
        %mul3A_257 = vector.broadcast %mul3A_256 : f32 to vector<512x128xf32>
        %mul3A_258 = arith.mulf %sub3A_255, %mul3A_257 : vector<512x128xf32>
        %mul3A_259 = arith.constant -5.000000e-01 : f32
        %mul3A_260 = vector.broadcast %mul3A_259 : f32 to vector<512x128xf32>
        %mul3A_261 = arith.mulf %mul3A_260, %mul3A_258 : vector<512x128xf32>
        %mul3A_262 = arith.mulf %mul3A_261, %mul3A_258 : vector<512x128xf32>
        %exp3A_263 = math.exp %mul3A_262 : vector<512x128xf32>
        %div3A_264 = arith.constant 1.000000e+00 : f32
        %div3A_265 = vector.broadcast %div3A_264 : f32 to vector<512x1xf32>
        %div3A_266 = arith.divf %div3A_265, %sqrt3A_247 : vector<512x1xf32>
        %get3A_267 = arith.constant 0 : index
        %get3A_268 = arith.constant 0 : index
        %get3A_269 = vector.load %arg7[%get3A_267, %get3A_268] : memref<128x16xf32, #tpu.memory_space<vmem>>, vector<128x16xf32>
        %dot_general3A_270 = arith.constant dense<0.000000e+00> : vector<512x16xf32>
        %dot_general3A_271 = tpu.matmul %exp3A_263, %get3A_269, %dot_general3A_270 {dimension_numbers = #tpu.dot_dimension_numbers<[1], [0], [0], [1], [0, 0, 1, 1], [], []>, transpose_lhs_hint = false} : vector<512x128xf32>, vector<128x16xf32>, vector<512x16xf32> -> vector<512x16xf32>
        %swap3A_272 = arith.constant 0 : index
        %swap3A_273 = arith.constant 0 : index
        %swap3A_274 = vector.load %arg17[%swap3A_272, %swap3A_273] : memref<512x16xf32, #tpu.memory_space<vmem>>, vector<512x16xf32>
        tpu.vector_store %arg17[%swap3A_272, %swap3A_273], %dot_general3A_271 {strides = array<i32>} : memref<512x16xf32, #tpu.memory_space<vmem>>, vector<512x16xf32>,
        %dma_start3A_275 = arith.constant 0 : i32
        %dma_start3A_276 = tpu.memref_slice %arg9[%mul3A_225, %dma_start3A_275] : memref<163840x16xf32, #tpu.memory_space<hbm>> -> memref<512x16xf32, #tpu.memory_space<hbm>>
        tpu.enqueue_dma source(%arg17 : memref<512x16xf32, #tpu.memory_space<vmem>>) target(%dma_start3A_276 : memref<512x16xf32, #tpu.memory_space<hbm>>) target_semaphore(%arg24 : memref<!tpu.dma_semaphore, #tpu.memory_space<semaphore_mem>>)
        %get3A_277 = arith.constant 0 : index
        %get3A_278 = arith.constant 0 : index
        %get3A_279 = vector.load %arg5[%get3A_277, %get3A_278] : memref<128x64xf32, #tpu.memory_space<vmem>>, vector<128x64xf32>
        %dot_general3A_280 = arith.constant dense<0.000000e+00> : vector<512x64xf32>
        %dot_general3A_281 = tpu.matmul %exp3A_263, %get3A_279, %dot_general3A_280 {dimension_numbers = #tpu.dot_dimension_numbers<[1], [0], [0], [1], [0, 0, 1, 1], [], []>, transpose_lhs_hint = false} : vector<512x128xf32>, vector<128x64xf32>, vector<512x64xf32> -> vector<512x64xf32>
        %logistic3A_282 = arith.negf %dot_general3A_281 : vector<512x64xf32>
        %logistic3A_283 = math.exp %logistic3A_282 : vector<512x64xf32>
        %logistic3A_284 = arith.constant 1.000000e+00 : f32
        %logistic3A_285 = vector.broadcast %logistic3A_284 : f32 to vector<512x64xf32>
        %logistic3A_286 = arith.addf %logistic3A_285, %logistic3A_283 : vector<512x64xf32>
        %logistic3A_287 = arith.divf %logistic3A_285, %logistic3A_286 : vector<512x64xf32>
        %mul3A_288 = arith.mulf %dot_general3A_281, %logistic3A_287 : vector<512x64xf32>
        %get3A_289 = arith.constant 0 : index
        %get3A_290 = arith.constant 0 : index
        %get3A_291 = vector.load %arg6[%get3A_289, %get3A_290] : memref<64x64xf32, #tpu.memory_space<vmem>>, vector<64x64xf32>
        %dot_general3A_292 = arith.constant dense<0.000000e+00> : vector<512x64xf32>
        %dot_general3A_293 = tpu.matmul %mul3A_288, %get3A_291, %dot_general3A_292 {dimension_numbers = #tpu.dot_dimension_numbers<[1], [0], [0], [1], [0, 0, 1, 1], [], []>, transpose_lhs_hint = false} : vector<512x64xf32>, vector<64x64xf32>, vector<512x64xf32> -> vector<512x64xf32>
        %logistic3A_294 = arith.negf %dot_general3A_293 : vector<512x64xf32>
        %logistic3A_295 = math.exp %logistic3A_294 : vector<512x64xf32>
        %logistic3A_296 = arith.constant 1.000000e+00 : f32
        %logistic3A_297 = vector.broadcast %logistic3A_296 : f32 to vector<512x64xf32>
        %logistic3A_298 = arith.addf %logistic3A_297, %logistic3A_295 : vector<512x64xf32>
        %logistic3A_299 = arith.divf %logistic3A_297, %logistic3A_298 : vector<512x64xf32>
        %mul3A_300 = arith.mulf %dot_general3A_293, %logistic3A_299 : vector<512x64xf32>
        %mul3A_301 = vector.broadcast %div3A_266 : vector<512x1xf32> to vector<512x3xf32>
        %mul3A_302 = arith.mulf %sub3A_239, %mul3A_301 : vector<512x3xf32>
        %slice3A_303 = vector.extract_strided_slice %mul3A_302 {offsets = [0, 0], sizes = [512, 1], strides = [1, 1]} : vector<512x3xf32> to vector<512x1xf32>
        %mul3A_304 = vector.broadcast %slice3A_303 : vector<512x1xf32> to vector<512x64xf32>
        %mul3A_305 = arith.mulf %mul3A_300, %mul3A_304 : vector<512x64xf32>
        %slice3A_306 = vector.extract_strided_slice %mul3A_302 {offsets = [0, 1], sizes = [512, 1], strides = [1, 1]} : vector<512x3xf32> to vector<512x1xf32>
        %mul3A_307 = vector.broadcast %slice3A_306 : vector<512x1xf32> to vector<512x64xf32>
        %mul3A_308 = arith.mulf %mul3A_300, %mul3A_307 : vector<512x64xf32>
        %slice3A_309 = vector.extract_strided_slice %mul3A_302 {offsets = [0, 2], sizes = [512, 1], strides = [1, 1]} : vector<512x3xf32> to vector<512x1xf32>
        %mul3A_310 = vector.broadcast %slice3A_309 : vector<512x1xf32> to vector<512x64xf32>
        %mul3A_311 = arith.mulf %mul3A_300, %mul3A_310 : vector<512x64xf32>
        %concatenate3A_312 = tpu.concatenate %mul3A_300, %mul3A_305, %mul3A_308, %mul3A_311 in 1 : vector<512x64xf32>, vector<512x64xf32>, vector<512x64xf32>, vector<512x64xf32> -> vector<512x256xf32>
        %convert_element_type3A_313 = arith.truncf %concatenate3A_312 : vector<512x256xf32> to vector<512x256xbf16>
        %get3A_314 = arith.constant 0 : index
        %get3A_315 = vector.load %arg13[%get3A_314] : memref<512xi32, #tpu.memory_space<vmem>>, vector<512xi32>
        %reshape3A_316 = vector.shape_cast %get3A_315 : vector<512xi32> to vector<512x1xi32>
        %iota3A_317 = tpu.iota {dimensions = array<i32: 1>} : vector<512x128xi32>
        %sub3A_318 = vector.broadcast %mul3A_5 : i32 to vector<512x1xi32>
        %sub3A_319 = arith.subi %reshape3A_316, %sub3A_318 : vector<512x1xi32>
        %eq3A_320 = vector.broadcast %sub3A_319 : vector<512x1xi32> to vector<512x128xi32>
        %eq3A_321 = arith.cmpi eq, %eq3A_320, %iota3A_317 : vector<512x128xi32>
        %convert_element_type3A_322 = arith.extui %eq3A_321 : vector<512x128xi1> to vector<512x128xi32>
        %convert_element_type3A_323 = arith.sitofp %convert_element_type3A_322 : vector<512x128xi32> to vector<512x128xf32>
        %convert_element_type3A_324 = arith.truncf %convert_element_type3A_323 : vector<512x128xf32> to vector<512x128xbf16>
        %get3A_325 = arith.constant 0 : index
        %get3A_326 = arith.constant 0 : index
        %get3A_327 = vector.load %arg16[%get3A_325, %get3A_326] : memref<128x256xf32, #tpu.memory_space<vmem>>, vector<128x256xf32>
        %dot_general3A_328 = arith.constant dense<0.000000e+00> : vector<128x256xf32>
        %dot_general3A_329 = tpu.matmul %convert_element_type3A_324, %convert_element_type3A_313, %dot_general3A_328 {dimension_numbers = #tpu.dot_dimension_numbers<[0], [0], [1], [1], [0, 1, 1, 1], [], []>, transpose_lhs_hint = false} : vector<512x128xbf16>, vector<512x256xbf16>, vector<128x256xf32> -> vector<128x256xf32>
        %add3A_330 = arith.addf %get3A_327, %dot_general3A_329 : vector<128x256xf32>
        %swap3A_331 = arith.constant 0 : index
        %swap3A_332 = arith.constant 0 : index
        %swap3A_333 = vector.load %arg16[%swap3A_331, %swap3A_332] : memref<128x256xf32, #tpu.memory_space<vmem>>, vector<128x256xf32>
        tpu.vector_store %arg16[%swap3A_331, %swap3A_332], %add3A_330 {strides = array<i32>} : memref<128x256xf32, #tpu.memory_space<vmem>>, vector<128x256xf32>,
        %dma_wait3A_334 = arith.constant 0 : i32
        %dma_wait3A_335 = tpu.memref_slice %arg9[%mul3A_225, %dma_wait3A_334] : memref<163840x16xf32, #tpu.memory_space<hbm>> -> memref<512x16xf32, #tpu.memory_space<hbm>>
        tpu.wait_dma2 semaphore(%arg24 : memref<!tpu.dma_semaphore, #tpu.memory_space<semaphore_mem>>) src(%arg17 : memref<512x16xf32, #tpu.memory_space<vmem>>) dst(%dma_wait3A_335 : memref<512x16xf32, #tpu.memory_space<hbm>>)
      } else {
      }
      %while3A_222 = arith.constant 0 : i32
      scf.yield %while3A_222 : i32
    }
    %while3A_93 = arith.constant 1 : i32
    %while3A_94 = scf.for %while3A_101 = %while3A_90 to %while3A_86 step %while3A_93 iter_args(%while3A_102 = %while3A_92) -> (i32)  : i32 {
      %mul3A_103 = arith.constant 2 : i32
      %mul3A_104 = arith.muli %mul3A_103, %while3A_101 : i32
      %add3A_105 = arith.constant 1 : i32
      %add3A_106 = arith.addi %mul3A_104, %add3A_105 : i32
      %lt3A = arith.cmpi slt, %add3A_106, %sub3A_52 : i32
      %convert_element_type3A_107 = arith.extui %lt3A : i1 to i32
      %cond3A_108 = arith.constant 0 : i32
      %cond3A_109 = arith.cmpi ne, %convert_element_type3A_107, %cond3A_108 : i32
      scf.if %cond3A_109 {
        %add3A_223 = arith.addi %select_n3A_23, %add3A_106 : i32
        %mul3A_224 = arith.constant 512 : i32
        %mul3A_225 = arith.muli %add3A_223, %mul3A_224 : i32
        %dma_start3A_226 = tpu.memref_slice %arg2[%mul3A_225] : memref<163840xi32, #tpu.memory_space<hbm>> -> memref<512xi32, #tpu.memory_space<hbm>>
        tpu.enqueue_dma source(%dma_start3A_226 : memref<512xi32, #tpu.memory_space<hbm>>) target(%arg13 : memref<512xi32, #tpu.memory_space<vmem>>) target_semaphore(%arg21 : memref<!tpu.dma_semaphore, #tpu.memory_space<semaphore_mem>>)
        %dma_start3A_227 = arith.constant 0 : i32
        %dma_start3A_228 = tpu.memref_slice %arg3[%mul3A_225, %dma_start3A_227] : memref<163840x16xf32, #tpu.memory_space<hbm>> -> memref<512x16xf32, #tpu.memory_space<hbm>>
        tpu.enqueue_dma source(%dma_start3A_228 : memref<512x16xf32, #tpu.memory_space<hbm>>) target(%arg14 : memref<512x16xf32, #tpu.memory_space<vmem>>) target_semaphore(%arg22 : memref<!tpu.dma_semaphore, #tpu.memory_space<semaphore_mem>>)
        %dma_start3A_229 = arith.constant 0 : i32
        %dma_start3A_230 = tpu.memref_slice %arg4[%mul3A_225, %dma_start3A_229] : memref<163840x16xf32, #tpu.memory_space<hbm>> -> memref<512x16xf32, #tpu.memory_space<hbm>>
        tpu.enqueue_dma source(%dma_start3A_230 : memref<512x16xf32, #tpu.memory_space<hbm>>) target(%arg15 : memref<512x16xf32, #tpu.memory_space<vmem>>) target_semaphore(%arg23 : memref<!tpu.dma_semaphore, #tpu.memory_space<semaphore_mem>>)
      } else {
      }
      %add3A_110 = arith.addi %select_n3A_23, %mul3A_104 : i32
      %mul3A_111 = arith.constant 512 : i32
      %mul3A_112 = arith.muli %add3A_110, %mul3A_111 : i32
      %dma_wait3A = tpu.memref_slice %arg2[%mul3A_112] : memref<163840xi32, #tpu.memory_space<hbm>> -> memref<512xi32, #tpu.memory_space<hbm>>
      tpu.wait_dma2 semaphore(%arg18 : memref<!tpu.dma_semaphore, #tpu.memory_space<semaphore_mem>>) src(%dma_wait3A : memref<512xi32, #tpu.memory_space<hbm>>) dst(%arg10 : memref<512xi32, #tpu.memory_space<vmem>>)
      %dma_wait3A_113 = arith.constant 0 : i32
      %dma_wait3A_114 = tpu.memref_slice %arg3[%mul3A_112, %dma_wait3A_113] : memref<163840x16xf32, #tpu.memory_space<hbm>> -> memref<512x16xf32, #tpu.memory_space<hbm>>
      tpu.wait_dma2 semaphore(%arg19 : memref<!tpu.dma_semaphore, #tpu.memory_space<semaphore_mem>>) src(%dma_wait3A_114 : memref<512x16xf32, #tpu.memory_space<hbm>>) dst(%arg11 : memref<512x16xf32, #tpu.memory_space<vmem>>)
      %dma_wait3A_115 = arith.constant 0 : i32
      %dma_wait3A_116 = tpu.memref_slice %arg4[%mul3A_112, %dma_wait3A_115] : memref<163840x16xf32, #tpu.memory_space<hbm>> -> memref<512x16xf32, #tpu.memory_space<hbm>>
      tpu.wait_dma2 semaphore(%arg20 : memref<!tpu.dma_semaphore, #tpu.memory_space<semaphore_mem>>) src(%dma_wait3A_116 : memref<512x16xf32, #tpu.memory_space<hbm>>) dst(%arg12 : memref<512x16xf32, #tpu.memory_space<vmem>>)
      %get3A_117 = arith.constant 0 : index
      %get3A_118 = arith.constant 0 : index
      %get3A_119 = vector.load %arg11[%get3A_117, %get3A_118] : memref<512x16xf32, #tpu.memory_space<vmem>>, vector<512x16xf32>
      %get3A_120 = arith.constant 0 : index
      %get3A_121 = arith.constant 0 : index
      %get3A_122 = vector.load %arg12[%get3A_120, %get3A_121] : memref<512x16xf32, #tpu.memory_space<vmem>>, vector<512x16xf32>
      %slice3A = vector.extract_strided_slice %get3A_119 {offsets = [0, 0], sizes = [512, 3], strides = [1, 1]} : vector<512x16xf32> to vector<512x3xf32>
      %slice3A_123 = vector.extract_strided_slice %get3A_122 {offsets = [0, 0], sizes = [512, 3], strides = [1, 1]} : vector<512x16xf32> to vector<512x3xf32>
      %sub3A_124 = arith.subf %slice3A, %slice3A_123 : vector<512x3xf32>
      %mul3A_125 = arith.mulf %sub3A_124, %sub3A_124 : vector<512x3xf32>
      %reduce_sum3A = arith.constant dense<0.000000e+00> : vector<512xf32>
      %reduce_sum3A_126 = vector.multi_reduction <add>, %mul3A_125, %reduce_sum3A [1] : vector<512x3xf32> to vector<512xf32>
      %broadcast_in_dim3A_127 = vector.shape_cast %reduce_sum3A_126 : vector<512xf32> to vector<512x1xf32>
      %add3A_128 = arith.constant 9.99999996E-13 : f32
      %add3A_129 = vector.broadcast %add3A_128 : f32 to vector<512x1xf32>
      %add3A_130 = arith.addf %broadcast_in_dim3A_127, %add3A_129 : vector<512x1xf32>
      %sqrt3A = math.sqrt %add3A_130 : vector<512x1xf32>
      %iota3A = tpu.iota {dimensions = array<i32: 1>} : vector<1x128xi32>
      %convert_element_type3A_131 = arith.sitofp %iota3A : vector<1x128xi32> to vector<1x128xf32>
      %mul3A_132 = arith.constant 0.0472440943 : f32
      %mul3A_133 = vector.broadcast %mul3A_132 : f32 to vector<1x128xf32>
      %mul3A_134 = arith.mulf %convert_element_type3A_131, %mul3A_133 : vector<1x128xf32>
      %sub3A_135 = vector.broadcast %sqrt3A : vector<512x1xf32> to vector<512x128xf32>
      %sub3A_136 = vector.broadcast %mul3A_134 : vector<1x128xf32> to vector<512x128xf32>
      %sub3A_137 = arith.subf %sub3A_135, %sub3A_136 : vector<512x128xf32>
      %mul3A_138 = arith.constant 21.333334 : f32
      %mul3A_139 = vector.broadcast %mul3A_138 : f32 to vector<512x128xf32>
      %mul3A_140 = arith.mulf %sub3A_137, %mul3A_139 : vector<512x128xf32>
      %mul3A_141 = arith.constant -5.000000e-01 : f32
      %mul3A_142 = vector.broadcast %mul3A_141 : f32 to vector<512x128xf32>
      %mul3A_143 = arith.mulf %mul3A_142, %mul3A_140 : vector<512x128xf32>
      %mul3A_144 = arith.mulf %mul3A_143, %mul3A_140 : vector<512x128xf32>
      %exp3A = math.exp %mul3A_144 : vector<512x128xf32>
      %div3A_145 = arith.constant 1.000000e+00 : f32
      %div3A_146 = vector.broadcast %div3A_145 : f32 to vector<512x1xf32>
      %div3A_147 = arith.divf %div3A_146, %sqrt3A : vector<512x1xf32>
      %get3A_148 = arith.constant 0 : index
      %get3A_149 = arith.constant 0 : index
      %get3A_150 = vector.load %arg7[%get3A_148, %get3A_149] : memref<128x16xf32, #tpu.memory_space<vmem>>, vector<128x16xf32>
      %dot_general3A = arith.constant dense<0.000000e+00> : vector<512x16xf32>
      %dot_general3A_151 = tpu.matmul %exp3A, %get3A_150, %dot_general3A {dimension_numbers = #tpu.dot_dimension_numbers<[1], [0], [0], [1], [0, 0, 1, 1], [], []>, transpose_lhs_hint = false} : vector<512x128xf32>, vector<128x16xf32>, vector<512x16xf32> -> vector<512x16xf32>
      %swap3A_152 = arith.constant 0 : index
      %swap3A_153 = arith.constant 0 : index
      %swap3A_154 = vector.load %arg17[%swap3A_152, %swap3A_153] : memref<512x16xf32, #tpu.memory_space<vmem>>, vector<512x16xf32>
      tpu.vector_store %arg17[%swap3A_152, %swap3A_153], %dot_general3A_151 {strides = array<i32>} : memref<512x16xf32, #tpu.memory_space<vmem>>, vector<512x16xf32>,
      %dma_start3A = arith.constant 0 : i32
      %dma_start3A_155 = tpu.memref_slice %arg9[%mul3A_112, %dma_start3A] : memref<163840x16xf32, #tpu.memory_space<hbm>> -> memref<512x16xf32, #tpu.memory_space<hbm>>
      tpu.enqueue_dma source(%arg17 : memref<512x16xf32, #tpu.memory_space<vmem>>) target(%dma_start3A_155 : memref<512x16xf32, #tpu.memory_space<hbm>>) target_semaphore(%arg24 : memref<!tpu.dma_semaphore, #tpu.memory_space<semaphore_mem>>)
      %get3A_156 = arith.constant 0 : index
      %get3A_157 = arith.constant 0 : index
      %get3A_158 = vector.load %arg5[%get3A_156, %get3A_157] : memref<128x64xf32, #tpu.memory_space<vmem>>, vector<128x64xf32>
      %dot_general3A_159 = arith.constant dense<0.000000e+00> : vector<512x64xf32>
      %dot_general3A_160 = tpu.matmul %exp3A, %get3A_158, %dot_general3A_159 {dimension_numbers = #tpu.dot_dimension_numbers<[1], [0], [0], [1], [0, 0, 1, 1], [], []>, transpose_lhs_hint = false} : vector<512x128xf32>, vector<128x64xf32>, vector<512x64xf32> -> vector<512x64xf32>
      %logistic3A = arith.negf %dot_general3A_160 : vector<512x64xf32>
      %logistic3A_161 = math.exp %logistic3A : vector<512x64xf32>
      %logistic3A_162 = arith.constant 1.000000e+00 : f32
      %logistic3A_163 = vector.broadcast %logistic3A_162 : f32 to vector<512x64xf32>
      %logistic3A_164 = arith.addf %logistic3A_163, %logistic3A_161 : vector<512x64xf32>
      %logistic3A_165 = arith.divf %logistic3A_163, %logistic3A_164 : vector<512x64xf32>
      %mul3A_166 = arith.mulf %dot_general3A_160, %logistic3A_165 : vector<512x64xf32>
      %get3A_167 = arith.constant 0 : index
      %get3A_168 = arith.constant 0 : index
      %get3A_169 = vector.load %arg6[%get3A_167, %get3A_168] : memref<64x64xf32, #tpu.memory_space<vmem>>, vector<64x64xf32>
      %dot_general3A_170 = arith.constant dense<0.000000e+00> : vector<512x64xf32>
      %dot_general3A_171 = tpu.matmul %mul3A_166, %get3A_169, %dot_general3A_170 {dimension_numbers = #tpu.dot_dimension_numbers<[1], [0], [0], [1], [0, 0, 1, 1], [], []>, transpose_lhs_hint = false} : vector<512x64xf32>, vector<64x64xf32>, vector<512x64xf32> -> vector<512x64xf32>
      %logistic3A_172 = arith.negf %dot_general3A_171 : vector<512x64xf32>
      %logistic3A_173 = math.exp %logistic3A_172 : vector<512x64xf32>
      %logistic3A_174 = arith.constant 1.000000e+00 : f32
      %logistic3A_175 = vector.broadcast %logistic3A_174 : f32 to vector<512x64xf32>
      %logistic3A_176 = arith.addf %logistic3A_175, %logistic3A_173 : vector<512x64xf32>
      %logistic3A_177 = arith.divf %logistic3A_175, %logistic3A_176 : vector<512x64xf32>
      %mul3A_178 = arith.mulf %dot_general3A_171, %logistic3A_177 : vector<512x64xf32>
      %mul3A_179 = vector.broadcast %div3A_147 : vector<512x1xf32> to vector<512x3xf32>
      %mul3A_180 = arith.mulf %sub3A_124, %mul3A_179 : vector<512x3xf32>
      %slice3A_181 = vector.extract_strided_slice %mul3A_180 {offsets = [0, 0], sizes = [512, 1], strides = [1, 1]} : vector<512x3xf32> to vector<512x1xf32>
      %mul3A_182 = vector.broadcast %slice3A_181 : vector<512x1xf32> to vector<512x64xf32>
      %mul3A_183 = arith.mulf %mul3A_178, %mul3A_182 : vector<512x64xf32>
      %slice3A_184 = vector.extract_strided_slice %mul3A_180 {offsets = [0, 1], sizes = [512, 1], strides = [1, 1]} : vector<512x3xf32> to vector<512x1xf32>
      %mul3A_185 = vector.broadcast %slice3A_184 : vector<512x1xf32> to vector<512x64xf32>
      %mul3A_186 = arith.mulf %mul3A_178, %mul3A_185 : vector<512x64xf32>
      %slice3A_187 = vector.extract_strided_slice %mul3A_180 {offsets = [0, 2], sizes = [512, 1], strides = [1, 1]} : vector<512x3xf32> to vector<512x1xf32>
      %mul3A_188 = vector.broadcast %slice3A_187 : vector<512x1xf32> to vector<512x64xf32>
      %mul3A_189 = arith.mulf %mul3A_178, %mul3A_188 : vector<512x64xf32>
      %concatenate3A = tpu.concatenate %mul3A_178, %mul3A_183, %mul3A_186, %mul3A_189 in 1 : vector<512x64xf32>, vector<512x64xf32>, vector<512x64xf32>, vector<512x64xf32> -> vector<512x256xf32>
      %convert_element_type3A_190 = arith.truncf %concatenate3A : vector<512x256xf32> to vector<512x256xbf16>
      %get3A_191 = arith.constant 0 : index
      %get3A_192 = vector.load %arg10[%get3A_191] : memref<512xi32, #tpu.memory_space<vmem>>, vector<512xi32>
      %reshape3A = vector.shape_cast %get3A_192 : vector<512xi32> to vector<512x1xi32>
      %iota3A_193 = tpu.iota {dimensions = array<i32: 1>} : vector<512x128xi32>
      %sub3A_194 = vector.broadcast %mul3A_5 : i32 to vector<512x1xi32>
      %sub3A_195 = arith.subi %reshape3A, %sub3A_194 : vector<512x1xi32>
      %eq3A_196 = vector.broadcast %sub3A_195 : vector<512x1xi32> to vector<512x128xi32>
      %eq3A_197 = arith.cmpi eq, %eq3A_196, %iota3A_193 : vector<512x128xi32>
      %convert_element_type3A_198 = arith.extui %eq3A_197 : vector<512x128xi1> to vector<512x128xi32>
      %convert_element_type3A_199 = arith.sitofp %convert_element_type3A_198 : vector<512x128xi32> to vector<512x128xf32>
      %convert_element_type3A_200 = arith.truncf %convert_element_type3A_199 : vector<512x128xf32> to vector<512x128xbf16>
      %get3A_201 = arith.constant 0 : index
      %get3A_202 = arith.constant 0 : index
      %get3A_203 = vector.load %arg16[%get3A_201, %get3A_202] : memref<128x256xf32, #tpu.memory_space<vmem>>, vector<128x256xf32>
      %dot_general3A_204 = arith.constant dense<0.000000e+00> : vector<128x256xf32>
      %dot_general3A_205 = tpu.matmul %convert_element_type3A_200, %convert_element_type3A_190, %dot_general3A_204 {dimension_numbers = #tpu.dot_dimension_numbers<[0], [0], [1], [1], [0, 1, 1, 1], [], []>, transpose_lhs_hint = false} : vector<512x128xbf16>, vector<512x256xbf16>, vector<128x256xf32> -> vector<128x256xf32>
      %add3A_206 = arith.addf %get3A_203, %dot_general3A_205 : vector<128x256xf32>
      %swap3A_207 = arith.constant 0 : index
      %swap3A_208 = arith.constant 0 : index
      %swap3A_209 = vector.load %arg16[%swap3A_207, %swap3A_208] : memref<128x256xf32, #tpu.memory_space<vmem>>, vector<128x256xf32>
      tpu.vector_store %arg16[%swap3A_207, %swap3A_208], %add3A_206 {strides = array<i32>} : memref<128x256xf32, #tpu.memory_space<vmem>>, vector<128x256xf32>,
      %dma_wait3A_210 = arith.constant 0 : i32
      %dma_wait3A_211 = tpu.memref_slice %arg9[%mul3A_112, %dma_wait3A_210] : memref<163840x16xf32, #tpu.memory_space<hbm>> -> memref<512x16xf32, #tpu.memory_space<hbm>>
      tpu.wait_dma2 semaphore(%arg24 : memref<!tpu.dma_semaphore, #tpu.memory_space<semaphore_mem>>) src(%arg17 : memref<512x16xf32, #tpu.memory_space<vmem>>) dst(%dma_wait3A_211 : memref<512x16xf32, #tpu.memory_space<hbm>>)
      %add3A_212 = arith.constant 1 : i32
      %add3A_213 = arith.addi %add3A_106, %add3A_212 : i32
      %lt3A_214 = arith.cmpi slt, %add3A_213, %sub3A_52 : i32
      %convert_element_type3A_215 = arith.extui %lt3A_214 : i1 to i32
      %cond3A_216 = arith.constant 0 : i32
      %cond3A_217 = arith.cmpi ne, %convert_element_type3A_215, %cond3A_216 : i32
      scf.if %cond3A_217 {
        %add3A_223 = arith.constant 1 : i32
        %add3A_224 = arith.addi %add3A_106, %add3A_223 : i32
        %add3A_225 = arith.addi %select_n3A_23, %add3A_224 : i32
        %mul3A_226 = arith.constant 512 : i32
        %mul3A_227 = arith.muli %add3A_225, %mul3A_226 : i32
        %dma_start3A_228 = tpu.memref_slice %arg2[%mul3A_227] : memref<163840xi32, #tpu.memory_space<hbm>> -> memref<512xi32, #tpu.memory_space<hbm>>
        tpu.enqueue_dma source(%dma_start3A_228 : memref<512xi32, #tpu.memory_space<hbm>>) target(%arg10 : memref<512xi32, #tpu.memory_space<vmem>>) target_semaphore(%arg18 : memref<!tpu.dma_semaphore, #tpu.memory_space<semaphore_mem>>)
        %dma_start3A_229 = arith.constant 0 : i32
        %dma_start3A_230 = tpu.memref_slice %arg3[%mul3A_227, %dma_start3A_229] : memref<163840x16xf32, #tpu.memory_space<hbm>> -> memref<512x16xf32, #tpu.memory_space<hbm>>
        tpu.enqueue_dma source(%dma_start3A_230 : memref<512x16xf32, #tpu.memory_space<hbm>>) target(%arg11 : memref<512x16xf32, #tpu.memory_space<vmem>>) target_semaphore(%arg19 : memref<!tpu.dma_semaphore, #tpu.memory_space<semaphore_mem>>)
        %dma_start3A_231 = arith.constant 0 : i32
        %dma_start3A_232 = tpu.memref_slice %arg4[%mul3A_227, %dma_start3A_231] : memref<163840x16xf32, #tpu.memory_space<hbm>> -> memref<512x16xf32, #tpu.memory_space<hbm>>
        tpu.enqueue_dma source(%dma_start3A_232 : memref<512x16xf32, #tpu.memory_space<hbm>>) target(%arg12 : memref<512x16xf32, #tpu.memory_space<vmem>>) target_semaphore(%arg20 : memref<!tpu.dma_semaphore, #tpu.memory_space<semaphore_mem>>)
      } else {
      }
      %lt3A_218 = arith.cmpi slt, %add3A_106, %sub3A_52 : i32
      %convert_element_type3A_219 = arith.extui %lt3A_218 : i1 to i32
      %cond3A_220 = arith.constant 0 : i32
      %cond3A_221 = arith.cmpi ne, %convert_element_type3A_219, %cond3A_220 : i32
      scf.if %cond3A_221 {
        %add3A_223 = arith.addi %select_n3A_23, %add3A_106 : i32
        %mul3A_224 = arith.constant 512 : i32
        %mul3A_225 = arith.muli %add3A_223, %mul3A_224 : i32
        %dma_wait3A_226 = tpu.memref_slice %arg2[%mul3A_225] : memref<163840xi32, #tpu.memory_space<hbm>> -> memref<512xi32, #tpu.memory_space<hbm>>
        tpu.wait_dma2 semaphore(%arg21 : memref<!tpu.dma_semaphore, #tpu.memory_space<semaphore_mem>>) src(%dma_wait3A_226 : memref<512xi32, #tpu.memory_space<hbm>>) dst(%arg13 : memref<512xi32, #tpu.memory_space<vmem>>)
        %dma_wait3A_227 = arith.constant 0 : i32
        %dma_wait3A_228 = tpu.memref_slice %arg3[%mul3A_225, %dma_wait3A_227] : memref<163840x16xf32, #tpu.memory_space<hbm>> -> memref<512x16xf32, #tpu.memory_space<hbm>>
        tpu.wait_dma2 semaphore(%arg22 : memref<!tpu.dma_semaphore, #tpu.memory_space<semaphore_mem>>) src(%dma_wait3A_228 : memref<512x16xf32, #tpu.memory_space<hbm>>) dst(%arg14 : memref<512x16xf32, #tpu.memory_space<vmem>>)
        %dma_wait3A_229 = arith.constant 0 : i32
        %dma_wait3A_230 = tpu.memref_slice %arg4[%mul3A_225, %dma_wait3A_229] : memref<163840x16xf32, #tpu.memory_space<hbm>> -> memref<512x16xf32, #tpu.memory_space<hbm>>
        tpu.wait_dma2 semaphore(%arg23 : memref<!tpu.dma_semaphore, #tpu.memory_space<semaphore_mem>>) src(%dma_wait3A_230 : memref<512x16xf32, #tpu.memory_space<hbm>>) dst(%arg15 : memref<512x16xf32, #tpu.memory_space<vmem>>)
        %get3A_231 = arith.constant 0 : index
        %get3A_232 = arith.constant 0 : index
        %get3A_233 = vector.load %arg14[%get3A_231, %get3A_232] : memref<512x16xf32, #tpu.memory_space<vmem>>, vector<512x16xf32>
        %get3A_234 = arith.constant 0 : index
        %get3A_235 = arith.constant 0 : index
        %get3A_236 = vector.load %arg15[%get3A_234, %get3A_235] : memref<512x16xf32, #tpu.memory_space<vmem>>, vector<512x16xf32>
        %slice3A_237 = vector.extract_strided_slice %get3A_233 {offsets = [0, 0], sizes = [512, 3], strides = [1, 1]} : vector<512x16xf32> to vector<512x3xf32>
        %slice3A_238 = vector.extract_strided_slice %get3A_236 {offsets = [0, 0], sizes = [512, 3], strides = [1, 1]} : vector<512x16xf32> to vector<512x3xf32>
        %sub3A_239 = arith.subf %slice3A_237, %slice3A_238 : vector<512x3xf32>
        %mul3A_240 = arith.mulf %sub3A_239, %sub3A_239 : vector<512x3xf32>
        %reduce_sum3A_241 = arith.constant dense<0.000000e+00> : vector<512xf32>
        %reduce_sum3A_242 = vector.multi_reduction <add>, %mul3A_240, %reduce_sum3A_241 [1] : vector<512x3xf32> to vector<512xf32>
        %broadcast_in_dim3A_243 = vector.shape_cast %reduce_sum3A_242 : vector<512xf32> to vector<512x1xf32>
        %add3A_244 = arith.constant 9.99999996E-13 : f32
        %add3A_245 = vector.broadcast %add3A_244 : f32 to vector<512x1xf32>
        %add3A_246 = arith.addf %broadcast_in_dim3A_243, %add3A_245 : vector<512x1xf32>
        %sqrt3A_247 = math.sqrt %add3A_246 : vector<512x1xf32>
        %iota3A_248 = tpu.iota {dimensions = array<i32: 1>} : vector<1x128xi32>
        %convert_element_type3A_249 = arith.sitofp %iota3A_248 : vector<1x128xi32> to vector<1x128xf32>
        %mul3A_250 = arith.constant 0.0472440943 : f32
        %mul3A_251 = vector.broadcast %mul3A_250 : f32 to vector<1x128xf32>
        %mul3A_252 = arith.mulf %convert_element_type3A_249, %mul3A_251 : vector<1x128xf32>
        %sub3A_253 = vector.broadcast %sqrt3A_247 : vector<512x1xf32> to vector<512x128xf32>
        %sub3A_254 = vector.broadcast %mul3A_252 : vector<1x128xf32> to vector<512x128xf32>
        %sub3A_255 = arith.subf %sub3A_253, %sub3A_254 : vector<512x128xf32>
        %mul3A_256 = arith.constant 21.333334 : f32
        %mul3A_257 = vector.broadcast %mul3A_256 : f32 to vector<512x128xf32>
        %mul3A_258 = arith.mulf %sub3A_255, %mul3A_257 : vector<512x128xf32>
        %mul3A_259 = arith.constant -5.000000e-01 : f32
        %mul3A_260 = vector.broadcast %mul3A_259 : f32 to vector<512x128xf32>
        %mul3A_261 = arith.mulf %mul3A_260, %mul3A_258 : vector<512x128xf32>
        %mul3A_262 = arith.mulf %mul3A_261, %mul3A_258 : vector<512x128xf32>
        %exp3A_263 = math.exp %mul3A_262 : vector<512x128xf32>
        %div3A_264 = arith.constant 1.000000e+00 : f32
        %div3A_265 = vector.broadcast %div3A_264 : f32 to vector<512x1xf32>
        %div3A_266 = arith.divf %div3A_265, %sqrt3A_247 : vector<512x1xf32>
        %get3A_267 = arith.constant 0 : index
        %get3A_268 = arith.constant 0 : index
        %get3A_269 = vector.load %arg7[%get3A_267, %get3A_268] : memref<128x16xf32, #tpu.memory_space<vmem>>, vector<128x16xf32>
        %dot_general3A_270 = arith.constant dense<0.000000e+00> : vector<512x16xf32>
        %dot_general3A_271 = tpu.matmul %exp3A_263, %get3A_269, %dot_general3A_270 {dimension_numbers = #tpu.dot_dimension_numbers<[1], [0], [0], [1], [0, 0, 1, 1], [], []>, transpose_lhs_hint = false} : vector<512x128xf32>, vector<128x16xf32>, vector<512x16xf32> -> vector<512x16xf32>
        %swap3A_272 = arith.constant 0 : index
        %swap3A_273 = arith.constant 0 : index
        %swap3A_274 = vector.load %arg17[%swap3A_272, %swap3A_273] : memref<512x16xf32, #tpu.memory_space<vmem>>, vector<512x16xf32>
        tpu.vector_store %arg17[%swap3A_272, %swap3A_273], %dot_general3A_271 {strides = array<i32>} : memref<512x16xf32, #tpu.memory_space<vmem>>, vector<512x16xf32>,
        %dma_start3A_275 = arith.constant 0 : i32
        %dma_start3A_276 = tpu.memref_slice %arg9[%mul3A_225, %dma_start3A_275] : memref<163840x16xf32, #tpu.memory_space<hbm>> -> memref<512x16xf32, #tpu.memory_space<hbm>>
        tpu.enqueue_dma source(%arg17 : memref<512x16xf32, #tpu.memory_space<vmem>>) target(%dma_start3A_276 : memref<512x16xf32, #tpu.memory_space<hbm>>) target_semaphore(%arg24 : memref<!tpu.dma_semaphore, #tpu.memory_space<semaphore_mem>>)
        %get3A_277 = arith.constant 0 : index
        %get3A_278 = arith.constant 0 : index
        %get3A_279 = vector.load %arg5[%get3A_277, %get3A_278] : memref<128x64xf32, #tpu.memory_space<vmem>>, vector<128x64xf32>
        %dot_general3A_280 = arith.constant dense<0.000000e+00> : vector<512x64xf32>
        %dot_general3A_281 = tpu.matmul %exp3A_263, %get3A_279, %dot_general3A_280 {dimension_numbers = #tpu.dot_dimension_numbers<[1], [0], [0], [1], [0, 0, 1, 1], [], []>, transpose_lhs_hint = false} : vector<512x128xf32>, vector<128x64xf32>, vector<512x64xf32> -> vector<512x64xf32>
        %logistic3A_282 = arith.negf %dot_general3A_281 : vector<512x64xf32>
        %logistic3A_283 = math.exp %logistic3A_282 : vector<512x64xf32>
        %logistic3A_284 = arith.constant 1.000000e+00 : f32
        %logistic3A_285 = vector.broadcast %logistic3A_284 : f32 to vector<512x64xf32>
        %logistic3A_286 = arith.addf %logistic3A_285, %logistic3A_283 : vector<512x64xf32>
        %logistic3A_287 = arith.divf %logistic3A_285, %logistic3A_286 : vector<512x64xf32>
        %mul3A_288 = arith.mulf %dot_general3A_281, %logistic3A_287 : vector<512x64xf32>
        %get3A_289 = arith.constant 0 : index
        %get3A_290 = arith.constant 0 : index
        %get3A_291 = vector.load %arg6[%get3A_289, %get3A_290] : memref<64x64xf32, #tpu.memory_space<vmem>>, vector<64x64xf32>
        %dot_general3A_292 = arith.constant dense<0.000000e+00> : vector<512x64xf32>
        %dot_general3A_293 = tpu.matmul %mul3A_288, %get3A_291, %dot_general3A_292 {dimension_numbers = #tpu.dot_dimension_numbers<[1], [0], [0], [1], [0, 0, 1, 1], [], []>, transpose_lhs_hint = false} : vector<512x64xf32>, vector<64x64xf32>, vector<512x64xf32> -> vector<512x64xf32>
        %logistic3A_294 = arith.negf %dot_general3A_293 : vector<512x64xf32>
        %logistic3A_295 = math.exp %logistic3A_294 : vector<512x64xf32>
        %logistic3A_296 = arith.constant 1.000000e+00 : f32
        %logistic3A_297 = vector.broadcast %logistic3A_296 : f32 to vector<512x64xf32>
        %logistic3A_298 = arith.addf %logistic3A_297, %logistic3A_295 : vector<512x64xf32>
        %logistic3A_299 = arith.divf %logistic3A_297, %logistic3A_298 : vector<512x64xf32>
        %mul3A_300 = arith.mulf %dot_general3A_293, %logistic3A_299 : vector<512x64xf32>
        %mul3A_301 = vector.broadcast %div3A_266 : vector<512x1xf32> to vector<512x3xf32>
        %mul3A_302 = arith.mulf %sub3A_239, %mul3A_301 : vector<512x3xf32>
        %slice3A_303 = vector.extract_strided_slice %mul3A_302 {offsets = [0, 0], sizes = [512, 1], strides = [1, 1]} : vector<512x3xf32> to vector<512x1xf32>
        %mul3A_304 = vector.broadcast %slice3A_303 : vector<512x1xf32> to vector<512x64xf32>
        %mul3A_305 = arith.mulf %mul3A_300, %mul3A_304 : vector<512x64xf32>
        %slice3A_306 = vector.extract_strided_slice %mul3A_302 {offsets = [0, 1], sizes = [512, 1], strides = [1, 1]} : vector<512x3xf32> to vector<512x1xf32>
        %mul3A_307 = vector.broadcast %slice3A_306 : vector<512x1xf32> to vector<512x64xf32>
        %mul3A_308 = arith.mulf %mul3A_300, %mul3A_307 : vector<512x64xf32>
        %slice3A_309 = vector.extract_strided_slice %mul3A_302 {offsets = [0, 2], sizes = [512, 1], strides = [1, 1]} : vector<512x3xf32> to vector<512x1xf32>
        %mul3A_310 = vector.broadcast %slice3A_309 : vector<512x1xf32> to vector<512x64xf32>
        %mul3A_311 = arith.mulf %mul3A_300, %mul3A_310 : vector<512x64xf32>
        %concatenate3A_312 = tpu.concatenate %mul3A_300, %mul3A_305, %mul3A_308, %mul3A_311 in 1 : vector<512x64xf32>, vector<512x64xf32>, vector<512x64xf32>, vector<512x64xf32> -> vector<512x256xf32>
        %convert_element_type3A_313 = arith.truncf %concatenate3A_312 : vector<512x256xf32> to vector<512x256xbf16>
        %get3A_314 = arith.constant 0 : index
        %get3A_315 = vector.load %arg13[%get3A_314] : memref<512xi32, #tpu.memory_space<vmem>>, vector<512xi32>
        %reshape3A_316 = vector.shape_cast %get3A_315 : vector<512xi32> to vector<512x1xi32>
        %iota3A_317 = tpu.iota {dimensions = array<i32: 1>} : vector<512x128xi32>
        %sub3A_318 = vector.broadcast %mul3A_5 : i32 to vector<512x1xi32>
        %sub3A_319 = arith.subi %reshape3A_316, %sub3A_318 : vector<512x1xi32>
        %eq3A_320 = vector.broadcast %sub3A_319 : vector<512x1xi32> to vector<512x128xi32>
        %eq3A_321 = arith.cmpi eq, %eq3A_320, %iota3A_317 : vector<512x128xi32>
        %convert_element_type3A_322 = arith.extui %eq3A_321 : vector<512x128xi1> to vector<512x128xi32>
        %convert_element_type3A_323 = arith.sitofp %convert_element_type3A_322 : vector<512x128xi32> to vector<512x128xf32>
        %convert_element_type3A_324 = arith.truncf %convert_element_type3A_323 : vector<512x128xf32> to vector<512x128xbf16>
        %get3A_325 = arith.constant 0 : index
        %get3A_326 = arith.constant 0 : index
        %get3A_327 = vector.load %arg16[%get3A_325, %get3A_326] : memref<128x256xf32, #tpu.memory_space<vmem>>, vector<128x256xf32>
        %dot_general3A_328 = arith.constant dense<0.000000e+00> : vector<128x256xf32>
        %dot_general3A_329 = tpu.matmul %convert_element_type3A_324, %convert_element_type3A_313, %dot_general3A_328 {dimension_numbers = #tpu.dot_dimension_numbers<[0], [0], [1], [1], [0, 1, 1, 1], [], []>, transpose_lhs_hint = false} : vector<512x128xbf16>, vector<512x256xbf16>, vector<128x256xf32> -> vector<128x256xf32>
        %add3A_330 = arith.addf %get3A_327, %dot_general3A_329 : vector<128x256xf32>
        %swap3A_331 = arith.constant 0 : index
        %swap3A_332 = arith.constant 0 : index
        %swap3A_333 = vector.load %arg16[%swap3A_331, %swap3A_332] : memref<128x256xf32, #tpu.memory_space<vmem>>, vector<128x256xf32>
        tpu.vector_store %arg16[%swap3A_331, %swap3A_332], %add3A_330 {strides = array<i32>} : memref<128x256xf32, #tpu.memory_space<vmem>>, vector<128x256xf32>,
        %dma_wait3A_334 = arith.constant 0 : i32
        %dma_wait3A_335 = tpu.memref_slice %arg9[%mul3A_225, %dma_wait3A_334] : memref<163840x16xf32, #tpu.memory_space<hbm>> -> memref<512x16xf32, #tpu.memory_space<hbm>>
        tpu.wait_dma2 semaphore(%arg24 : memref<!tpu.dma_semaphore, #tpu.memory_space<semaphore_mem>>) src(%arg17 : memref<512x16xf32, #tpu.memory_space<vmem>>) dst(%dma_wait3A_335 : memref<512x16xf32, #tpu.memory_space<hbm>>)
      } else {
      }
      %while3A_222 = arith.constant 0 : i32
      scf.yield %while3A_222 : i32
    }
    %get3A_95 = arith.constant 0 : index
    %get3A_96 = arith.constant 0 : index
    %get3A_97 = vector.load %arg16[%get3A_95, %get3A_96] : memref<128x256xf32, #tpu.memory_space<vmem>>, vector<128x256xf32>
    %swap3A_98 = arith.constant 0 : index
    %swap3A_99 = arith.constant 0 : index
    %swap3A_100 = vector.load %arg8[%swap3A_98, %swap3A_99] : memref<128x256xf32, #tpu.memory_space<vmem>>, vector<128x256xf32>
    tpu.vector_store %arg8[%swap3A_98, %swap3A_99], %get3A_97 {strides = array<i32>} : memref<128x256xf32, #tpu.memory_space<vmem>>, vector<128x256xf32>,
    return
  }
  func.func @transform_3(%arg0: i32, %arg1: memref<81xi32, #tpu.memory_space<smem>>) -> (i32, i32) {
    %c0_i32 = arith.constant 0 : i32
    %c0_i32_0 = arith.constant 0 : i32
    %c0_i32_1 = arith.constant 0 : i32
    return %c0_i32, %c0_i32_0 : i32, i32
  }
  func.func @transform_4(%arg0: i32, %arg1: memref<81xi32, #tpu.memory_space<smem>>) -> (i32, i32) {
    %c0_i32 = arith.constant 0 : i32
    %c0_i32_0 = arith.constant 0 : i32
    %c0_i32_1 = arith.constant 0 : i32
    return %c0_i32, %c0_i32_0 : i32, i32
  }
  func.func @transform_5(%arg0: i32, %arg1: memref<81xi32, #tpu.memory_space<smem>>) -> (i32, i32) {
    %c0_i32 = arith.constant 0 : i32
    %c0_i32_0 = arith.constant 0 : i32
    %c0_i32_1 = arith.constant 0 : i32
    return %c0_i32, %c0_i32_0 : i32, i32
  }
  func.func @transform_6(%arg0: i32, %arg1: memref<81xi32, #tpu.memory_space<smem>>) -> (i32, i32) {
    %c0_i32 = arith.constant 0 : i32
    %c0_i32_0 = arith.constant 0 : i32
    return %arg0, %c0_i32 : i32, i32
  }
}

module attributes {stable_mosaic.version = 14 : i64} {
  func.func @_degproj_kernel(%arg0: i32, %arg1: memref<512x256xf32, #tpu.memory_space<vmem>>, %arg2: memref<512x256xf32, #tpu.memory_space<vmem>>, %arg3: memref<64x256xf32, #tpu.memory_space<vmem>>, %arg4: memref<64x128xf32, #tpu.memory_space<vmem>>, %arg5: memref<512x256xf32, #tpu.memory_space<vmem>>, %arg6: memref<512x384xf32, #tpu.memory_space<vmem>>) attributes {dimension_semantics = [#tpu.dimension_semantics<arbitrary>], iteration_bounds = array<i64: 20>, scalar_prefetch = 0 : i64, scratch_operands = 0 : i64, tpu.core_type = #tpu.core_type<tc>, window_params = [{transform_indices = @transform_0, window_bounds = array<i64: 512, 256>}, {transform_indices = @transform_1, window_bounds = array<i64: 512, 256>}, {pipeline_mode = #tpu.pipeline_mode<synchronous>, transform_indices = @transform_2, window_bounds = array<i64: 64, 256>}, {pipeline_mode = #tpu.pipeline_mode<synchronous>, transform_indices = @transform_3, window_bounds = array<i64: 64, 128>}, {transform_indices = @transform_4, window_bounds = array<i64: 512, 256>}, {transform_indices = @transform_5, window_bounds = array<i64: 512, 384>}]} {
    %get3A = arith.constant 0 : index
    %get3A_0 = arith.constant 0 : index
    %get3A_1 = vector.load %arg1[%get3A, %get3A_0] : memref<512x256xf32, #tpu.memory_space<vmem>>, vector<512x256xf32>
    %get3A_2 = arith.constant 0 : index
    %get3A_3 = arith.constant 0 : index
    %get3A_4 = vector.load %arg2[%get3A_2, %get3A_3] : memref<512x256xf32, #tpu.memory_space<vmem>>, vector<512x64xf32>
    %get3A_5 = arith.constant 0 : index
    %get3A_6 = arith.constant 0 : index
    %get3A_7 = vector.load %arg3[%get3A_5, %get3A_6] : memref<64x256xf32, #tpu.memory_space<vmem>>, vector<64x256xf32>
    %dot_general3A = arith.constant dense<0.000000e+00> : vector<512x256xf32>
    %dot_general3A_8 = tpu.matmul %get3A_4, %get3A_7, %dot_general3A {dimension_numbers = #tpu.dot_dimension_numbers<[1], [0], [0], [1], [0, 0, 1, 1], [], []>, transpose_lhs_hint = false} : vector<512x64xf32>, vector<64x256xf32>, vector<512x256xf32> -> vector<512x256xf32>
    %mul3A = arith.constant 0.206745595 : f32
    %mul3A_9 = vector.broadcast %mul3A : f32 to vector<512x256xf32>
    %mul3A_10 = arith.mulf %dot_general3A_8, %mul3A_9 : vector<512x256xf32>
    %add3A = arith.addf %get3A_1, %mul3A_10 : vector<512x256xf32>
    %swap3A = arith.constant 0 : index
    %swap3A_11 = arith.constant 0 : index
    %swap3A_12 = vector.load %arg5[%swap3A, %swap3A_11] : memref<512x256xf32, #tpu.memory_space<vmem>>, vector<512x256xf32>
    tpu.vector_store %arg5[%swap3A, %swap3A_11], %add3A {strides = array<i32>} : memref<512x256xf32, #tpu.memory_space<vmem>>, vector<512x256xf32>,
    %get3A_13 = arith.constant 0 : index
    %get3A_14 = arith.constant 64 : index
    %get3A_15 = vector.load %arg2[%get3A_13, %get3A_14] : memref<512x256xf32, #tpu.memory_space<vmem>>, vector<512x64xf32>
    %get3A_16 = arith.constant 0 : index
    %get3A_17 = arith.constant 0 : index
    %get3A_18 = vector.load %arg4[%get3A_16, %get3A_17] : memref<64x128xf32, #tpu.memory_space<vmem>>, vector<64x128xf32>
    %dot_general3A_19 = arith.constant dense<0.000000e+00> : vector<512x128xf32>
    %dot_general3A_20 = tpu.matmul %get3A_15, %get3A_18, %dot_general3A_19 {dimension_numbers = #tpu.dot_dimension_numbers<[1], [0], [0], [1], [0, 0, 1, 1], [], []>, transpose_lhs_hint = false} : vector<512x64xf32>, vector<64x128xf32>, vector<512x128xf32> -> vector<512x128xf32>
    %mul3A_21 = arith.constant 0.206745595 : f32
    %mul3A_22 = vector.broadcast %mul3A_21 : f32 to vector<512x128xf32>
    %mul3A_23 = arith.mulf %dot_general3A_20, %mul3A_22 : vector<512x128xf32>
    %swap3A_24 = arith.constant 0 : index
    %swap3A_25 = arith.constant 0 : index
    %swap3A_26 = vector.load %arg6[%swap3A_24, %swap3A_25] : memref<512x384xf32, #tpu.memory_space<vmem>>, vector<512x128xf32>
    tpu.vector_store %arg6[%swap3A_24, %swap3A_25], %mul3A_23 {strides = array<i32>} : memref<512x384xf32, #tpu.memory_space<vmem>>, vector<512x128xf32>,
    %get3A_27 = arith.constant 0 : index
    %get3A_28 = arith.constant 128 : index
    %get3A_29 = vector.load %arg2[%get3A_27, %get3A_28] : memref<512x256xf32, #tpu.memory_space<vmem>>, vector<512x64xf32>
    %get3A_30 = arith.constant 0 : index
    %get3A_31 = arith.constant 0 : index
    %get3A_32 = vector.load %arg4[%get3A_30, %get3A_31] : memref<64x128xf32, #tpu.memory_space<vmem>>, vector<64x128xf32>
    %dot_general3A_33 = arith.constant dense<0.000000e+00> : vector<512x128xf32>
    %dot_general3A_34 = tpu.matmul %get3A_29, %get3A_32, %dot_general3A_33 {dimension_numbers = #tpu.dot_dimension_numbers<[1], [0], [0], [1], [0, 0, 1, 1], [], []>, transpose_lhs_hint = false} : vector<512x64xf32>, vector<64x128xf32>, vector<512x128xf32> -> vector<512x128xf32>
    %mul3A_35 = arith.constant 0.206745595 : f32
    %mul3A_36 = vector.broadcast %mul3A_35 : f32 to vector<512x128xf32>
    %mul3A_37 = arith.mulf %dot_general3A_34, %mul3A_36 : vector<512x128xf32>
    %swap3A_38 = arith.constant 0 : index
    %swap3A_39 = arith.constant 128 : index
    %swap3A_40 = vector.load %arg6[%swap3A_38, %swap3A_39] : memref<512x384xf32, #tpu.memory_space<vmem>>, vector<512x128xf32>
    tpu.vector_store %arg6[%swap3A_38, %swap3A_39], %mul3A_37 {strides = array<i32>} : memref<512x384xf32, #tpu.memory_space<vmem>>, vector<512x128xf32>,
    %get3A_41 = arith.constant 0 : index
    %get3A_42 = arith.constant 192 : index
    %get3A_43 = vector.load %arg2[%get3A_41, %get3A_42] : memref<512x256xf32, #tpu.memory_space<vmem>>, vector<512x64xf32>
    %get3A_44 = arith.constant 0 : index
    %get3A_45 = arith.constant 0 : index
    %get3A_46 = vector.load %arg4[%get3A_44, %get3A_45] : memref<64x128xf32, #tpu.memory_space<vmem>>, vector<64x128xf32>
    %dot_general3A_47 = arith.constant dense<0.000000e+00> : vector<512x128xf32>
    %dot_general3A_48 = tpu.matmul %get3A_43, %get3A_46, %dot_general3A_47 {dimension_numbers = #tpu.dot_dimension_numbers<[1], [0], [0], [1], [0, 0, 1, 1], [], []>, transpose_lhs_hint = false} : vector<512x64xf32>, vector<64x128xf32>, vector<512x128xf32> -> vector<512x128xf32>
    %mul3A_49 = arith.constant 0.206745595 : f32
    %mul3A_50 = vector.broadcast %mul3A_49 : f32 to vector<512x128xf32>
    %mul3A_51 = arith.mulf %dot_general3A_48, %mul3A_50 : vector<512x128xf32>
    %swap3A_52 = arith.constant 0 : index
    %swap3A_53 = arith.constant 256 : index
    %swap3A_54 = vector.load %arg6[%swap3A_52, %swap3A_53] : memref<512x384xf32, #tpu.memory_space<vmem>>, vector<512x128xf32>
    tpu.vector_store %arg6[%swap3A_52, %swap3A_53], %mul3A_51 {strides = array<i32>} : memref<512x384xf32, #tpu.memory_space<vmem>>, vector<512x128xf32>,
    return
  }
  func.func @transform_0(%arg0: i32) -> (i32, i32) {
    %c0_i32 = arith.constant 0 : i32
    %c0_i32_0 = arith.constant 0 : i32
    return %arg0, %c0_i32 : i32, i32
  }
  func.func @transform_1(%arg0: i32) -> (i32, i32) {
    %c0_i32 = arith.constant 0 : i32
    %c0_i32_0 = arith.constant 0 : i32
    return %arg0, %c0_i32 : i32, i32
  }
  func.func @transform_2(%arg0: i32) -> (i32, i32) {
    %c0_i32 = arith.constant 0 : i32
    %c0_i32_0 = arith.constant 0 : i32
    %c0_i32_1 = arith.constant 0 : i32
    return %c0_i32, %c0_i32_0 : i32, i32
  }
  func.func @transform_3(%arg0: i32) -> (i32, i32) {
    %c0_i32 = arith.constant 0 : i32
    %c0_i32_0 = arith.constant 0 : i32
    %c0_i32_1 = arith.constant 0 : i32
    return %c0_i32, %c0_i32_0 : i32, i32
  }
  func.func @transform_4(%arg0: i32) -> (i32, i32) {
    %c0_i32 = arith.constant 0 : i32
    %c0_i32_0 = arith.constant 0 : i32
    return %arg0, %c0_i32 : i32, i32
  }
  func.func @transform_5(%arg0: i32) -> (i32, i32) {
    %c0_i32 = arith.constant 0 : i32
    %c0_i32_0 = arith.constant 0 : i32
    return %arg0, %c0_i32 : i32, i32
  }
}

module attributes {stable_mosaic.version = 14 : i64} {
  func.func @_pre_kernel(%arg0: i32, %arg1: memref<512x256xf32, #tpu.memory_space<vmem>>, %arg2: memref<512x384xf32, #tpu.memory_space<vmem>>, %arg3: memref<256x256xf32, #tpu.memory_space<vmem>>, %arg4: memref<256x256xf32, #tpu.memory_space<vmem>>, %arg5: memref<256x256xf32, #tpu.memory_space<vmem>>, %arg6: memref<128x128xf32, #tpu.memory_space<vmem>>, %arg7: memref<512x256xbf16, #tpu.memory_space<vmem>>, %arg8: memref<512x512xi32, #tpu.memory_space<vmem>>) attributes {dimension_semantics = [#tpu.dimension_semantics<arbitrary>], iteration_bounds = array<i64: 20>, scalar_prefetch = 0 : i64, scratch_operands = 0 : i64, tpu.core_type = #tpu.core_type<tc>, window_params = [{transform_indices = @transform_0, window_bounds = array<i64: 512, 256>}, {transform_indices = @transform_1, window_bounds = array<i64: 512, 384>}, {pipeline_mode = #tpu.pipeline_mode<synchronous>, transform_indices = @transform_2, window_bounds = array<i64: 256, 256>}, {pipeline_mode = #tpu.pipeline_mode<synchronous>, transform_indices = @transform_3, window_bounds = array<i64: 256, 256>}, {pipeline_mode = #tpu.pipeline_mode<synchronous>, transform_indices = @transform_4, window_bounds = array<i64: 256, 256>}, {pipeline_mode = #tpu.pipeline_mode<synchronous>, transform_indices = @transform_5, window_bounds = array<i64: 128, 128>}, {transform_indices = @transform_6, window_bounds = array<i64: 512, 256>}, {transform_indices = @transform_7, window_bounds = array<i64: 512, 512>}]} {
    %get3A = arith.constant 0 : index
    %get3A_0 = arith.constant 0 : index
    %get3A_1 = vector.load %arg1[%get3A, %get3A_0] : memref<512x256xf32, #tpu.memory_space<vmem>>, vector<512x256xf32>
    %reduce_sum3A = arith.constant dense<0.000000e+00> : vector<512xf32>
    %reduce_sum3A_2 = vector.multi_reduction <add>, %get3A_1, %reduce_sum3A [1] : vector<512x256xf32> to vector<512xf32>
    %broadcast_in_dim3A = vector.shape_cast %reduce_sum3A_2 : vector<512xf32> to vector<512x1xf32>
    %div3A = arith.constant 2.560000e+02 : f32
    %div3A_3 = vector.broadcast %div3A : f32 to vector<512x1xf32>
    %div3A_4 = arith.divf %broadcast_in_dim3A, %div3A_3 : vector<512x1xf32>
    %sub3A = vector.broadcast %div3A_4 : vector<512x1xf32> to vector<512x256xf32>
    %sub3A_5 = arith.subf %get3A_1, %sub3A : vector<512x256xf32>
    %integer_pow3A = arith.mulf %sub3A_5, %sub3A_5 : vector<512x256xf32>
    %reduce_sum3A_6 = arith.constant dense<0.000000e+00> : vector<512xf32>
    %reduce_sum3A_7 = vector.multi_reduction <add>, %integer_pow3A, %reduce_sum3A_6 [1] : vector<512x256xf32> to vector<512xf32>
    %broadcast_in_dim3A_8 = vector.shape_cast %reduce_sum3A_7 : vector<512xf32> to vector<512x1xf32>
    %div3A_9 = arith.constant 2.560000e+02 : f32
    %div3A_10 = vector.broadcast %div3A_9 : f32 to vector<512x1xf32>
    %div3A_11 = arith.divf %broadcast_in_dim3A_8, %div3A_10 : vector<512x1xf32>
    %sub3A_12 = vector.broadcast %div3A_4 : vector<512x1xf32> to vector<512x256xf32>
    %sub3A_13 = arith.subf %get3A_1, %sub3A_12 : vector<512x256xf32>
    %add3A = arith.constant 9.99999974E-6 : f32
    %add3A_14 = vector.broadcast %add3A : f32 to vector<512x1xf32>
    %add3A_15 = arith.addf %div3A_11, %add3A_14 : vector<512x1xf32>
    %sqrt3A = math.sqrt %add3A_15 : vector<512x1xf32>
    %div3A_16 = vector.broadcast %sqrt3A : vector<512x1xf32> to vector<512x256xf32>
    %div3A_17 = arith.divf %sub3A_13, %div3A_16 : vector<512x256xf32>
    %get3A_18 = arith.constant 0 : index
    %get3A_19 = arith.constant 0 : index
    %get3A_20 = vector.load %arg3[%get3A_18, %get3A_19] : memref<256x256xf32, #tpu.memory_space<vmem>>, vector<256x256xf32>
    %dot_general3A = arith.constant dense<0.000000e+00> : vector<512x256xf32>
    %dot_general3A_21 = tpu.matmul %div3A_17, %get3A_20, %dot_general3A {dimension_numbers = #tpu.dot_dimension_numbers<[1], [0], [0], [1], [0, 0, 1, 1], [], []>, transpose_lhs_hint = false} : vector<512x256xf32>, vector<256x256xf32>, vector<512x256xf32> -> vector<512x256xf32>
    %mul3A = arith.constant 0.176776692 : f32
    %mul3A_22 = vector.broadcast %mul3A : f32 to vector<512x256xf32>
    %mul3A_23 = arith.mulf %dot_general3A_21, %mul3A_22 : vector<512x256xf32>
    %convert_element_type3A = arith.truncf %mul3A_23 : vector<512x256xf32> to vector<512x256xbf16>
    %swap3A = arith.constant 0 : index
    %swap3A_24 = arith.constant 0 : index
    %swap3A_25 = vector.load %arg7[%swap3A, %swap3A_24] : memref<512x256xbf16, #tpu.memory_space<vmem>>, vector<512x256xbf16>
    tpu.vector_store %arg7[%swap3A, %swap3A_24], %convert_element_type3A {strides = array<i32>} : memref<512x256xbf16, #tpu.memory_space<vmem>>, vector<512x256xbf16>,
    %get3A_26 = arith.constant 0 : index
    %get3A_27 = arith.constant 0 : index
    %get3A_28 = vector.load %arg4[%get3A_26, %get3A_27] : memref<256x256xf32, #tpu.memory_space<vmem>>, vector<256x256xf32>
    %dot_general3A_29 = arith.constant dense<0.000000e+00> : vector<512x256xf32>
    %dot_general3A_30 = tpu.matmul %div3A_17, %get3A_28, %dot_general3A_29 {dimension_numbers = #tpu.dot_dimension_numbers<[1], [0], [0], [1], [0, 0, 1, 1], [], []>, transpose_lhs_hint = false} : vector<512x256xf32>, vector<256x256xf32>, vector<512x256xf32> -> vector<512x256xf32>
    %get3A_31 = arith.constant 0 : index
    %get3A_32 = arith.constant 0 : index
    %get3A_33 = vector.load %arg5[%get3A_31, %get3A_32] : memref<256x256xf32, #tpu.memory_space<vmem>>, vector<256x256xf32>
    %dot_general3A_34 = arith.constant dense<0.000000e+00> : vector<512x256xf32>
    %dot_general3A_35 = tpu.matmul %div3A_17, %get3A_33, %dot_general3A_34 {dimension_numbers = #tpu.dot_dimension_numbers<[1], [0], [0], [1], [0, 0, 1, 1], [], []>, transpose_lhs_hint = false} : vector<512x256xf32>, vector<256x256xf32>, vector<512x256xf32> -> vector<512x256xf32>
    %get3A_36 = arith.constant 0 : index
    %get3A_37 = arith.constant 0 : index
    %get3A_38 = vector.load %arg2[%get3A_36, %get3A_37] : memref<512x384xf32, #tpu.memory_space<vmem>>, vector<512x128xf32>
    %get3A_39 = arith.constant 0 : index
    %get3A_40 = arith.constant 0 : index
    %get3A_41 = vector.load %arg6[%get3A_39, %get3A_40] : memref<128x128xf32, #tpu.memory_space<vmem>>, vector<128x128xf32>
    %dot_general3A_42 = arith.constant dense<0.000000e+00> : vector<512x128xf32>
    %dot_general3A_43 = tpu.matmul %get3A_38, %get3A_41, %dot_general3A_42 {dimension_numbers = #tpu.dot_dimension_numbers<[1], [0], [0], [1], [0, 0, 1, 1], [], []>, transpose_lhs_hint = false} : vector<512x128xf32>, vector<128x128xf32>, vector<512x128xf32> -> vector<512x128xf32>
    %get3A_44 = arith.constant 0 : index
    %get3A_45 = arith.constant 128 : index
    %get3A_46 = vector.load %arg2[%get3A_44, %get3A_45] : memref<512x384xf32, #tpu.memory_space<vmem>>, vector<512x128xf32>
    %get3A_47 = arith.constant 0 : index
    %get3A_48 = arith.constant 0 : index
    %get3A_49 = vector.load %arg6[%get3A_47, %get3A_48] : memref<128x128xf32, #tpu.memory_space<vmem>>, vector<128x128xf32>
    %dot_general3A_50 = arith.constant dense<0.000000e+00> : vector<512x128xf32>
    %dot_general3A_51 = tpu.matmul %get3A_46, %get3A_49, %dot_general3A_50 {dimension_numbers = #tpu.dot_dimension_numbers<[1], [0], [0], [1], [0, 0, 1, 1], [], []>, transpose_lhs_hint = false} : vector<512x128xf32>, vector<128x128xf32>, vector<512x128xf32> -> vector<512x128xf32>
    %get3A_52 = arith.constant 0 : index
    %get3A_53 = arith.constant 256 : index
    %get3A_54 = vector.load %arg2[%get3A_52, %get3A_53] : memref<512x384xf32, #tpu.memory_space<vmem>>, vector<512x128xf32>
    %get3A_55 = arith.constant 0 : index
    %get3A_56 = arith.constant 0 : index
    %get3A_57 = vector.load %arg6[%get3A_55, %get3A_56] : memref<128x128xf32, #tpu.memory_space<vmem>>, vector<128x128xf32>
    %dot_general3A_58 = arith.constant dense<0.000000e+00> : vector<512x128xf32>
    %dot_general3A_59 = tpu.matmul %get3A_54, %get3A_57, %dot_general3A_58 {dimension_numbers = #tpu.dot_dimension_numbers<[1], [0], [0], [1], [0, 0, 1, 1], [], []>, transpose_lhs_hint = false} : vector<512x128xf32>, vector<128x128xf32>, vector<512x128xf32> -> vector<512x128xf32>
    %slice3A = vector.extract_strided_slice %dot_general3A_35 {offsets = [0, 0], sizes = [512, 192], strides = [1, 1]} : vector<512x256xf32> to vector<512x192xf32>
    %concatenate3A = tpu.concatenate %dot_general3A_30, %slice3A in 1 : vector<512x256xf32>, vector<512x192xf32> -> vector<512x448xf32>
    %slice3A_60 = vector.extract_strided_slice %dot_general3A_35 {offsets = [0, 192], sizes = [512, 64], strides = [1, 1]} : vector<512x256xf32> to vector<512x64xf32>
    %broadcast_in_dim3A_61 = arith.constant 0.000000e+00 : f32
    %broadcast_in_dim3A_62 = vector.broadcast %broadcast_in_dim3A_61 : f32 to vector<512x64xf32>
    %concatenate3A_63 = tpu.concatenate %slice3A_60, %dot_general3A_43, %dot_general3A_51, %dot_general3A_59, %broadcast_in_dim3A_62 in 1 : vector<512x64xf32>, vector<512x128xf32>, vector<512x128xf32>, vector<512x128xf32>, vector<512x64xf32> -> vector<512x512xf32>
    %convert_element_type3A_64 = arith.truncf %concatenate3A : vector<512x448xf32> to vector<512x448xbf16>
    %convert_element_type3A_65 = arith.extf %convert_element_type3A_64 : vector<512x448xbf16> to vector<512x448xf32>
    %bitcast_convert_type3A = tpu.bitcast %convert_element_type3A_65 : vector<512x448xf32> -> vector<512x448xi32>
    %shift_right_logical3A = arith.constant 16 : i32
    %shift_right_logical3A_66 = vector.broadcast %shift_right_logical3A : i32 to vector<512x448xi32>
    %shift_right_logical3A_67 = arith.shrui %bitcast_convert_type3A, %shift_right_logical3A_66 : vector<512x448xi32>
    %convert_element_type3A_68 = arith.truncf %concatenate3A_63 : vector<512x512xf32> to vector<512x512xbf16>
    %convert_element_type3A_69 = arith.extf %convert_element_type3A_68 : vector<512x512xbf16> to vector<512x512xf32>
    %bitcast_convert_type3A_70 = tpu.bitcast %convert_element_type3A_69 : vector<512x512xf32> -> vector<512x512xi32>
    %and3A = arith.constant -65536 : i32
    %and3A_71 = vector.broadcast %and3A : i32 to vector<512x512xi32>
    %and3A_72 = arith.andi %bitcast_convert_type3A_70, %and3A_71 : vector<512x512xi32>
    %broadcast_in_dim3A_73 = arith.constant 0 : i32
    %broadcast_in_dim3A_74 = vector.broadcast %broadcast_in_dim3A_73 : i32 to vector<512x64xi32>
    %concatenate3A_75 = tpu.concatenate %shift_right_logical3A_67, %broadcast_in_dim3A_74 in 1 : vector<512x448xi32>, vector<512x64xi32> -> vector<512x512xi32>
    %or3A = arith.ori %concatenate3A_75, %and3A_72 : vector<512x512xi32>
    %swap3A_76 = arith.constant 0 : index
    %swap3A_77 = arith.constant 0 : index
    %swap3A_78 = vector.load %arg8[%swap3A_76, %swap3A_77] : memref<512x512xi32, #tpu.memory_space<vmem>>, vector<512x512xi32>
    tpu.vector_store %arg8[%swap3A_76, %swap3A_77], %or3A {strides = array<i32>} : memref<512x512xi32, #tpu.memory_space<vmem>>, vector<512x512xi32>,
    return
  }
  func.func @transform_0(%arg0: i32) -> (i32, i32) {
    %c0_i32 = arith.constant 0 : i32
    %c0_i32_0 = arith.constant 0 : i32
    return %arg0, %c0_i32 : i32, i32
  }
  func.func @transform_1(%arg0: i32) -> (i32, i32) {
    %c0_i32 = arith.constant 0 : i32
    %c0_i32_0 = arith.constant 0 : i32
    return %arg0, %c0_i32 : i32, i32
  }
  func.func @transform_2(%arg0: i32) -> (i32, i32) {
    %c0_i32 = arith.constant 0 : i32
    %c0_i32_0 = arith.constant 0 : i32
    %c0_i32_1 = arith.constant 0 : i32
    return %c0_i32, %c0_i32_0 : i32, i32
  }
  func.func @transform_3(%arg0: i32) -> (i32, i32) {
    %c0_i32 = arith.constant 0 : i32
    %c0_i32_0 = arith.constant 0 : i32
    %c0_i32_1 = arith.constant 0 : i32
    return %c0_i32, %c0_i32_0 : i32, i32
  }
  func.func @transform_4(%arg0: i32) -> (i32, i32) {
    %c0_i32 = arith.constant 0 : i32
    %c0_i32_0 = arith.constant 0 : i32
    %c0_i32_1 = arith.constant 0 : i32
    return %c0_i32, %c0_i32_0 : i32, i32
  }
  func.func @transform_5(%arg0: i32) -> (i32, i32) {
    %c0_i32 = arith.constant 0 : i32
    %c0_i32_0 = arith.constant 0 : i32
    %c0_i32_1 = arith.constant 0 : i32
    return %c0_i32, %c0_i32_0 : i32, i32
  }
  func.func @transform_6(%arg0: i32) -> (i32, i32) {
    %c0_i32 = arith.constant 0 : i32
    %c0_i32_0 = arith.constant 0 : i32
    return %arg0, %c0_i32 : i32, i32
  }
  func.func @transform_7(%arg0: i32) -> (i32, i32) {
    %c0_i32 = arith.constant 0 : i32
    %c0_i32_0 = arith.constant 0 : i32
    return %arg0, %c0_i32 : i32, i32
  }
}

module attributes {stable_mosaic.version = 14 : i64} {
  func.func @_attn_kernel(%arg0: i32, %arg1: memref<81xi32, #tpu.memory_space<smem>>, %arg2: memref<163840xi32, #tpu.memory_space<hbm>>, %arg3: memref<163840x512xi32, #tpu.memory_space<hbm>>, %arg4: memref<163840x16xf32, #tpu.memory_space<hbm>>, %arg5: memref<128x256xbf16, #tpu.memory_space<vmem>>, %arg6: memref<128x640xf32, #tpu.memory_space<vmem>>, %arg7: memref<1024xi32, #tpu.memory_space<vmem>>, %arg8: memref<1024x512xi32, #tpu.memory_space<vmem>>, %arg9: memref<1024x16xf32, #tpu.memory_space<vmem>>, %arg10: memref<1024xi32, #tpu.memory_space<vmem>>, %arg11: memref<1024x512xi32, #tpu.memory_space<vmem>>, %arg12: memref<1024x16xf32, #tpu.memory_space<vmem>>, %arg13: memref<128x648xf32, #tpu.memory_space<vmem>>, %arg14: memref<!tpu.dma_semaphore, #tpu.memory_space<semaphore_mem>>, %arg15: memref<!tpu.dma_semaphore, #tpu.memory_space<semaphore_mem>>, %arg16: memref<!tpu.dma_semaphore, #tpu.memory_space<semaphore_mem>>, %arg17: memref<!tpu.dma_semaphore, #tpu.memory_space<semaphore_mem>>, %arg18: memref<!tpu.dma_semaphore, #tpu.memory_space<semaphore_mem>>, %arg19: memref<!tpu.dma_semaphore, #tpu.memory_space<semaphore_mem>>) attributes {dimension_semantics = [#tpu.dimension_semantics<arbitrary>], iteration_bounds = array<i64: 80>, scalar_prefetch = 1 : i64, scratch_operands = 13 : i64, tpu.core_type = #tpu.core_type<tc>, window_params = [{}, {}, {}, {transform_indices = @transform_3, window_bounds = array<i64: 128, 256>}, {transform_indices = @transform_4, window_bounds = array<i64: 128, 640>}]} {
    %get3A = arith.index_cast %arg0 : i32 to index
    %get3A_0 = memref.load %arg1[%get3A] : memref<81xi32, #tpu.memory_space<smem>>
    %add3A = arith.constant 1 : i32
    %add3A_1 = arith.addi %arg0, %add3A : i32
    %get3A_2 = arith.index_cast %add3A_1 : i32 to index
    %get3A_3 = memref.load %arg1[%get3A_2] : memref<81xi32, #tpu.memory_space<smem>>
    %mul3A = arith.constant 128 : i32
    %mul3A_4 = arith.muli %arg0, %mul3A : i32
    %jit3A = arith.constant 1024 : i32
    %div3A = arith.divsi %get3A_0, %jit3A : i32
    %sign3A = arith.constant 0 : i32
    %sign3A_5 = arith.cmpi sgt, %get3A_0, %sign3A : i32
    %sign3A_6 = arith.extui %sign3A_5 : i1 to i32
    %sign3A_7 = arith.constant 0 : i32
    %sign3A_8 = arith.cmpi slt, %get3A_0, %sign3A_7 : i32
    %sign3A_9 = arith.extui %sign3A_8 : i1 to i32
    %sign3A_10 = arith.subi %sign3A_6, %sign3A_9 : i32
    %sign3A_11 = arith.constant 0 : i32
    %sign3A_12 = arith.cmpi sgt, %jit3A, %sign3A_11 : i32
    %sign3A_13 = arith.extui %sign3A_12 : i1 to i32
    %sign3A_14 = arith.constant 0 : i32
    %sign3A_15 = arith.cmpi slt, %jit3A, %sign3A_14 : i32
    %sign3A_16 = arith.extui %sign3A_15 : i1 to i32
    %sign3A_17 = arith.subi %sign3A_13, %sign3A_16 : i32
    %ne3A = arith.cmpi ne, %sign3A_10, %sign3A_17 : i32
    %rem3A = arith.remsi %get3A_0, %jit3A : i32
    %ne3A_18 = arith.constant 0 : i32
    %ne3A_19 = arith.cmpi ne, %rem3A, %ne3A_18 : i32
    %and3A = arith.andi %ne3A, %ne3A_19 : i1
    %sub3A = arith.constant 1 : i32
    %sub3A_20 = arith.subi %div3A, %sub3A : i32
    %select_n3A = arith.select %and3A, %sub3A_20, %div3A : i32
    %add3A_21 = arith.constant 1024 : i32
    %add3A_22 = arith.addi %get3A_3, %add3A_21 : i32
    %sub3A_23 = arith.constant 1 : i32
    %sub3A_24 = arith.subi %add3A_22, %sub3A_23 : i32
    %jit3A_25 = arith.constant 1024 : i32
    %div3A_26 = arith.divsi %sub3A_24, %jit3A_25 : i32
    %sign3A_27 = arith.constant 0 : i32
    %sign3A_28 = arith.cmpi sgt, %sub3A_24, %sign3A_27 : i32
    %sign3A_29 = arith.extui %sign3A_28 : i1 to i32
    %sign3A_30 = arith.constant 0 : i32
    %sign3A_31 = arith.cmpi slt, %sub3A_24, %sign3A_30 : i32
    %sign3A_32 = arith.extui %sign3A_31 : i1 to i32
    %sign3A_33 = arith.subi %sign3A_29, %sign3A_32 : i32
    %sign3A_34 = arith.constant 0 : i32
    %sign3A_35 = arith.cmpi sgt, %jit3A_25, %sign3A_34 : i32
    %sign3A_36 = arith.extui %sign3A_35 : i1 to i32
    %sign3A_37 = arith.constant 0 : i32
    %sign3A_38 = arith.cmpi slt, %jit3A_25, %sign3A_37 : i32
    %sign3A_39 = arith.extui %sign3A_38 : i1 to i32
    %sign3A_40 = arith.subi %sign3A_36, %sign3A_39 : i32
    %ne3A_41 = arith.cmpi ne, %sign3A_33, %sign3A_40 : i32
    %rem3A_42 = arith.remsi %sub3A_24, %jit3A_25 : i32
    %ne3A_43 = arith.constant 0 : i32
    %ne3A_44 = arith.cmpi ne, %rem3A_42, %ne3A_43 : i32
    %and3A_45 = arith.andi %ne3A_41, %ne3A_44 : i1
    %sub3A_46 = arith.constant 1 : i32
    %sub3A_47 = arith.subi %div3A_26, %sub3A_46 : i32
    %select_n3A_48 = arith.select %and3A_45, %sub3A_47, %div3A_26 : i32
    %sub3A_49 = arith.subi %select_n3A_48, %select_n3A : i32
    %broadcast_in_dim3A = arith.constant 0.000000e+00 : f32
    %broadcast_in_dim3A_50 = vector.broadcast %broadcast_in_dim3A : f32 to vector<128x648xf32>
    %swap3A = arith.constant 0 : index
    %swap3A_51 = arith.constant 0 : index
    %swap3A_52 = vector.load %arg13[%swap3A, %swap3A_51] : memref<128x648xf32, #tpu.memory_space<vmem>>, vector<128x648xf32>
    tpu.vector_store %arg13[%swap3A, %swap3A_51], %broadcast_in_dim3A_50 {strides = array<i32>} : memref<128x648xf32, #tpu.memory_space<vmem>>, vector<128x648xf32>,
    %gt3A = arith.constant 0 : i32
    %gt3A_53 = arith.cmpi sgt, %sub3A_49, %gt3A : i32
    %convert_element_type3A = arith.extui %gt3A_53 : i1 to i32
    %cond3A = arith.constant 0 : i32
    %cond3A_54 = arith.cmpi ne, %convert_element_type3A, %cond3A : i32
    scf.if %cond3A_54 {
      %add3A_200 = arith.constant 0 : i32
      %add3A_201 = arith.addi %select_n3A, %add3A_200 : i32
      %mul3A_202 = arith.constant 1024 : i32
      %mul3A_203 = arith.muli %add3A_201, %mul3A_202 : i32
      %dma_start3A = tpu.memref_slice %arg2[%mul3A_203] : memref<163840xi32, #tpu.memory_space<hbm>> -> memref<1024xi32, #tpu.memory_space<hbm>>
      tpu.enqueue_dma source(%dma_start3A : memref<1024xi32, #tpu.memory_space<hbm>>) target(%arg7 : memref<1024xi32, #tpu.memory_space<vmem>>) target_semaphore(%arg14 : memref<!tpu.dma_semaphore, #tpu.memory_space<semaphore_mem>>)
      %dma_start3A_204 = arith.constant 0 : i32
      %dma_start3A_205 = tpu.memref_slice %arg3[%mul3A_203, %dma_start3A_204] : memref<163840x512xi32, #tpu.memory_space<hbm>> -> memref<1024x512xi32, #tpu.memory_space<hbm>>
      tpu.enqueue_dma source(%dma_start3A_205 : memref<1024x512xi32, #tpu.memory_space<hbm>>) target(%arg8 : memref<1024x512xi32, #tpu.memory_space<vmem>>) target_semaphore(%arg15 : memref<!tpu.dma_semaphore, #tpu.memory_space<semaphore_mem>>)
      %dma_start3A_206 = arith.constant 0 : i32
      %dma_start3A_207 = tpu.memref_slice %arg4[%mul3A_203, %dma_start3A_206] : memref<163840x16xf32, #tpu.memory_space<hbm>> -> memref<1024x16xf32, #tpu.memory_space<hbm>>
      tpu.enqueue_dma source(%dma_start3A_207 : memref<1024x16xf32, #tpu.memory_space<hbm>>) target(%arg9 : memref<1024x16xf32, #tpu.memory_space<vmem>>) target_semaphore(%arg16 : memref<!tpu.dma_semaphore, #tpu.memory_space<semaphore_mem>>)
    } else {
    }
    %add3A_55 = arith.constant 1 : i32
    %add3A_56 = arith.addi %sub3A_49, %add3A_55 : i32
    %jit3A_57 = arith.constant 2 : i32
    %div3A_58 = arith.divsi %add3A_56, %jit3A_57 : i32
    %sign3A_59 = arith.constant 0 : i32
    %sign3A_60 = arith.cmpi sgt, %add3A_56, %sign3A_59 : i32
    %sign3A_61 = arith.extui %sign3A_60 : i1 to i32
    %sign3A_62 = arith.constant 0 : i32
    %sign3A_63 = arith.cmpi slt, %add3A_56, %sign3A_62 : i32
    %sign3A_64 = arith.extui %sign3A_63 : i1 to i32
    %sign3A_65 = arith.subi %sign3A_61, %sign3A_64 : i32
    %sign3A_66 = arith.constant 0 : i32
    %sign3A_67 = arith.cmpi sgt, %jit3A_57, %sign3A_66 : i32
    %sign3A_68 = arith.extui %sign3A_67 : i1 to i32
    %sign3A_69 = arith.constant 0 : i32
    %sign3A_70 = arith.cmpi slt, %jit3A_57, %sign3A_69 : i32
    %sign3A_71 = arith.extui %sign3A_70 : i1 to i32
    %sign3A_72 = arith.subi %sign3A_68, %sign3A_71 : i32
    %ne3A_73 = arith.cmpi ne, %sign3A_65, %sign3A_72 : i32
    %rem3A_74 = arith.remsi %add3A_56, %jit3A_57 : i32
    %ne3A_75 = arith.constant 0 : i32
    %ne3A_76 = arith.cmpi ne, %rem3A_74, %ne3A_75 : i32
    %and3A_77 = arith.andi %ne3A_73, %ne3A_76 : i1
    %sub3A_78 = arith.constant 1 : i32
    %sub3A_79 = arith.subi %div3A_58, %sub3A_78 : i32
    %select_n3A_80 = arith.select %and3A_77, %sub3A_79, %div3A_58 : i32
    %while3A = arith.constant 0 : i32
    %while3A_81 = arith.constant 0 : i32
    %while3A_82 = arith.subi %select_n3A_80, %while3A : i32
    %while3A_83 = arith.addi %while3A, %while3A_82 : i32
    %while3A_84 = arith.constant 1 : i32
    %while3A_85 = arith.divsi %while3A_82, %while3A_84 : i32
    %while3A_86 = arith.muli %while3A_85, %while3A_84 : i32
    %while3A_87 = arith.addi %while3A, %while3A_86 : i32
    %while3A_88 = arith.constant 1 : i32
    %while3A_89 = scf.for %while3A_200 = %while3A to %while3A_87 step %while3A_88 iter_args(%while3A_201 = %while3A_81) -> (i32)  : i32 {
      %mul3A_202 = arith.constant 2 : i32
      %mul3A_203 = arith.muli %mul3A_202, %while3A_200 : i32
      %add3A_204 = arith.constant 1 : i32
      %add3A_205 = arith.addi %mul3A_203, %add3A_204 : i32
      %lt3A_206 = arith.cmpi slt, %add3A_205, %sub3A_49 : i32
      %convert_element_type3A_207 = arith.extui %lt3A_206 : i1 to i32
      %cond3A_208 = arith.constant 0 : i32
      %cond3A_209 = arith.cmpi ne, %convert_element_type3A_207, %cond3A_208 : i32
      scf.if %cond3A_209 {
        %add3A_412 = arith.addi %select_n3A, %add3A_205 : i32
        %mul3A_413 = arith.constant 1024 : i32
        %mul3A_414 = arith.muli %add3A_412, %mul3A_413 : i32
        %dma_start3A = tpu.memref_slice %arg2[%mul3A_414] : memref<163840xi32, #tpu.memory_space<hbm>> -> memref<1024xi32, #tpu.memory_space<hbm>>
        tpu.enqueue_dma source(%dma_start3A : memref<1024xi32, #tpu.memory_space<hbm>>) target(%arg10 : memref<1024xi32, #tpu.memory_space<vmem>>) target_semaphore(%arg17 : memref<!tpu.dma_semaphore, #tpu.memory_space<semaphore_mem>>)
        %dma_start3A_415 = arith.constant 0 : i32
        %dma_start3A_416 = tpu.memref_slice %arg3[%mul3A_414, %dma_start3A_415] : memref<163840x512xi32, #tpu.memory_space<hbm>> -> memref<1024x512xi32, #tpu.memory_space<hbm>>
        tpu.enqueue_dma source(%dma_start3A_416 : memref<1024x512xi32, #tpu.memory_space<hbm>>) target(%arg11 : memref<1024x512xi32, #tpu.memory_space<vmem>>) target_semaphore(%arg18 : memref<!tpu.dma_semaphore, #tpu.memory_space<semaphore_mem>>)
        %dma_start3A_417 = arith.constant 0 : i32
        %dma_start3A_418 = tpu.memref_slice %arg4[%mul3A_414, %dma_start3A_417] : memref<163840x16xf32, #tpu.memory_space<hbm>> -> memref<1024x16xf32, #tpu.memory_space<hbm>>
        tpu.enqueue_dma source(%dma_start3A_418 : memref<1024x16xf32, #tpu.memory_space<hbm>>) target(%arg12 : memref<1024x16xf32, #tpu.memory_space<vmem>>) target_semaphore(%arg19 : memref<!tpu.dma_semaphore, #tpu.memory_space<semaphore_mem>>)
      } else {
      }
      %add3A_210 = arith.addi %select_n3A, %mul3A_203 : i32
      %mul3A_211 = arith.constant 1024 : i32
      %mul3A_212 = arith.muli %add3A_210, %mul3A_211 : i32
      %dma_wait3A = tpu.memref_slice %arg2[%mul3A_212] : memref<163840xi32, #tpu.memory_space<hbm>> -> memref<1024xi32, #tpu.memory_space<hbm>>
      tpu.wait_dma2 semaphore(%arg14 : memref<!tpu.dma_semaphore, #tpu.memory_space<semaphore_mem>>) src(%dma_wait3A : memref<1024xi32, #tpu.memory_space<hbm>>) dst(%arg7 : memref<1024xi32, #tpu.memory_space<vmem>>)
      %dma_wait3A_213 = arith.constant 0 : i32
      %dma_wait3A_214 = tpu.memref_slice %arg3[%mul3A_212, %dma_wait3A_213] : memref<163840x512xi32, #tpu.memory_space<hbm>> -> memref<1024x512xi32, #tpu.memory_space<hbm>>
      tpu.wait_dma2 semaphore(%arg15 : memref<!tpu.dma_semaphore, #tpu.memory_space<semaphore_mem>>) src(%dma_wait3A_214 : memref<1024x512xi32, #tpu.memory_space<hbm>>) dst(%arg8 : memref<1024x512xi32, #tpu.memory_space<vmem>>)
      %dma_wait3A_215 = arith.constant 0 : i32
      %dma_wait3A_216 = tpu.memref_slice %arg4[%mul3A_212, %dma_wait3A_215] : memref<163840x16xf32, #tpu.memory_space<hbm>> -> memref<1024x16xf32, #tpu.memory_space<hbm>>
      tpu.wait_dma2 semaphore(%arg16 : memref<!tpu.dma_semaphore, #tpu.memory_space<semaphore_mem>>) src(%dma_wait3A_216 : memref<1024x16xf32, #tpu.memory_space<hbm>>) dst(%arg9 : memref<1024x16xf32, #tpu.memory_space<vmem>>)
      %get3A_217 = arith.constant 0 : index
      %get3A_218 = arith.constant 0 : index
      %get3A_219 = vector.load %arg8[%get3A_217, %get3A_218] : memref<1024x512xi32, #tpu.memory_space<vmem>>, vector<1024x448xi32>
      %shift_left3A = arith.constant 16 : i32
      %shift_left3A_220 = vector.broadcast %shift_left3A : i32 to vector<1024x448xi32>
      %shift_left3A_221 = arith.shli %get3A_219, %shift_left3A_220 : vector<1024x448xi32>
      %bitcast_convert_type3A = tpu.bitcast %shift_left3A_221 : vector<1024x448xi32> -> vector<1024x448xf32>
      %and3A_222 = arith.constant -65536 : i32
      %and3A_223 = vector.broadcast %and3A_222 : i32 to vector<1024x448xi32>
      %and3A_224 = arith.andi %get3A_219, %and3A_223 : vector<1024x448xi32>
      %bitcast_convert_type3A_225 = tpu.bitcast %and3A_224 : vector<1024x448xi32> -> vector<1024x448xf32>
      %concatenate3A_226 = tpu.concatenate %bitcast_convert_type3A, %bitcast_convert_type3A_225 in 1 : vector<1024x448xf32>, vector<1024x448xf32> -> vector<1024x896xf32>
      %get3A_227 = arith.constant 0 : index
      %get3A_228 = vector.load %arg7[%get3A_227] : memref<1024xi32, #tpu.memory_space<vmem>>, vector<1024xi32>
      %reshape3A = vector.shape_cast %get3A_228 : vector<1024xi32> to vector<1024x1xi32>
      %iota3A_229 = tpu.iota {dimensions = array<i32: 1>} : vector<1024x128xi32>
      %sub3A_230 = vector.broadcast %mul3A_4 : i32 to vector<1024x1xi32>
      %sub3A_231 = arith.subi %reshape3A, %sub3A_230 : vector<1024x1xi32>
      %eq3A_232 = vector.broadcast %sub3A_231 : vector<1024x1xi32> to vector<1024x128xi32>
      %eq3A_233 = arith.cmpi eq, %eq3A_232, %iota3A_229 : vector<1024x128xi32>
      %convert_element_type3A_234 = arith.extui %eq3A_233 : vector<1024x128xi1> to vector<1024x128xi32>
      %convert_element_type3A_235 = arith.sitofp %convert_element_type3A_234 : vector<1024x128xi32> to vector<1024x128xf32>
      %convert_element_type3A_236 = arith.truncf %convert_element_type3A_235 : vector<1024x128xf32> to vector<1024x128xbf16>
      %get3A_237 = arith.constant 0 : index
      %get3A_238 = arith.constant 0 : index
      %get3A_239 = vector.load %arg5[%get3A_237, %get3A_238] : memref<128x256xbf16, #tpu.memory_space<vmem>>, vector<128x256xbf16>
      %dot_general3A_240 = arith.constant dense<0.000000e+00> : vector<1024x256xf32>
      %dot_general3A_241 = tpu.matmul %convert_element_type3A_236, %get3A_239, %dot_general3A_240 {dimension_numbers = #tpu.dot_dimension_numbers<[1], [0], [0], [1], [0, 0, 1, 1], [], []>, transpose_lhs_hint = false} : vector<1024x128xbf16>, vector<128x256xbf16>, vector<1024x256xf32> -> vector<1024x256xf32>
      %slice3A = vector.extract_strided_slice %concatenate3A_226 {offsets = [0, 0], sizes = [1024, 256], strides = [1, 1]} : vector<1024x896xf32> to vector<1024x256xf32>
      %mul3A_242 = arith.mulf %dot_general3A_241, %slice3A : vector<1024x256xf32>
      %convert_element_type3A_243 = arith.truncf %mul3A_242 : vector<1024x256xf32> to vector<1024x256xbf16>
      %iota3A_244 = tpu.iota {dimensions = array<i32: 0>} : vector<256x8xi32>
      %iota3A_245 = tpu.iota {dimensions = array<i32: 1>} : vector<256x8xi32>
      %jit3A_246 = arith.constant 32 : i32
      %div3A_247 = vector.broadcast %jit3A_246 : i32 to vector<256x8xi32>
      %div3A_248 = arith.divsi %iota3A_244, %div3A_247 : vector<256x8xi32>
      %sign3A_249 = arith.constant 0 : i32
      %sign3A_250 = vector.broadcast %sign3A_249 : i32 to vector<256x8xi32>
      %sign3A_251 = arith.cmpi sgt, %iota3A_244, %sign3A_250 : vector<256x8xi32>
      %sign3A_252 = arith.extui %sign3A_251 : vector<256x8xi1> to vector<256x8xi32>
      %sign3A_253 = arith.constant 0 : i32
      %sign3A_254 = vector.broadcast %sign3A_253 : i32 to vector<256x8xi32>
      %sign3A_255 = arith.cmpi slt, %iota3A_244, %sign3A_254 : vector<256x8xi32>
      %sign3A_256 = arith.extui %sign3A_255 : vector<256x8xi1> to vector<256x8xi32>
      %sign3A_257 = arith.subi %sign3A_252, %sign3A_256 : vector<256x8xi32>
      %sign3A_258 = arith.constant 0 : i32
      %sign3A_259 = arith.cmpi sgt, %jit3A_246, %sign3A_258 : i32
      %sign3A_260 = arith.extui %sign3A_259 : i1 to i32
      %sign3A_261 = arith.constant 0 : i32
      %sign3A_262 = arith.cmpi slt, %jit3A_246, %sign3A_261 : i32
      %sign3A_263 = arith.extui %sign3A_262 : i1 to i32
      %sign3A_264 = arith.subi %sign3A_260, %sign3A_263 : i32
      %ne3A_265 = vector.broadcast %sign3A_264 : i32 to vector<256x8xi32>
      %ne3A_266 = arith.cmpi ne, %sign3A_257, %ne3A_265 : vector<256x8xi32>
      %rem3A_267 = vector.broadcast %jit3A_246 : i32 to vector<256x8xi32>
      %rem3A_268 = arith.remsi %iota3A_244, %rem3A_267 : vector<256x8xi32>
      %ne3A_269 = arith.constant 0 : i32
      %ne3A_270 = vector.broadcast %ne3A_269 : i32 to vector<256x8xi32>
      %ne3A_271 = arith.cmpi ne, %rem3A_268, %ne3A_270 : vector<256x8xi32>
      %and3A_272 = arith.andi %ne3A_266, %ne3A_271 : vector<256x8xi1>
      %sub3A_273 = arith.constant 1 : i32
      %sub3A_274 = vector.broadcast %sub3A_273 : i32 to vector<256x8xi32>
      %sub3A_275 = arith.subi %div3A_248, %sub3A_274 : vector<256x8xi32>
      %select_n3A_276 = arith.select %and3A_272, %sub3A_275, %div3A_248 : vector<256x8xi1>, vector<256x8xi32>
      %eq3A_277 = arith.cmpi eq, %select_n3A_276, %iota3A_245 : vector<256x8xi32>
      %convert_element_type3A_278 = arith.extui %eq3A_277 : vector<256x8xi1> to vector<256x8xi32>
      %convert_element_type3A_279 = arith.sitofp %convert_element_type3A_278 : vector<256x8xi32> to vector<256x8xf32>
      %convert_element_type3A_280 = arith.truncf %convert_element_type3A_279 : vector<256x8xf32> to vector<256x8xbf16>
      %dot_general3A_281 = arith.constant dense<0.000000e+00> : vector<1024x8xf32>
      %dot_general3A_282 = tpu.matmul %convert_element_type3A_243, %convert_element_type3A_280, %dot_general3A_281 {dimension_numbers = #tpu.dot_dimension_numbers<[1], [0], [0], [1], [0, 0, 1, 1], [], []>, transpose_lhs_hint = false} : vector<1024x256xbf16>, vector<256x8xbf16>, vector<1024x8xf32> -> vector<1024x8xf32>
      %get3A_283 = arith.constant 0 : index
      %get3A_284 = arith.constant 0 : index
      %get3A_285 = vector.load %arg9[%get3A_283, %get3A_284] : memref<1024x16xf32, #tpu.memory_space<vmem>>, vector<1024x8xf32>
      %add3A_286 = arith.addf %dot_general3A_282, %get3A_285 : vector<1024x8xf32>
      %jit3A_287 = arith.constant -6.000000e+01 : f32
      %jit3A_288 = arith.constant 6.000000e+01 : f32
      %max3A = vector.broadcast %jit3A_287 : f32 to vector<1024x8xf32>
      %max3A_289 = arith.maximumf %max3A, %add3A_286 : vector<1024x8xf32>
      %min3A = vector.broadcast %jit3A_288 : f32 to vector<1024x8xf32>
      %min3A_290 = arith.minimumf %min3A, %max3A_289 : vector<1024x8xf32>
      %exp3A = math.exp %min3A_290 : vector<1024x8xf32>
      %iota3A_291 = tpu.iota {dimensions = array<i32: 0>} : vector<8x256xi32>
      %iota3A_292 = tpu.iota {dimensions = array<i32: 1>} : vector<8x256xi32>
      %jit3A_293 = arith.constant 32 : i32
      %div3A_294 = vector.broadcast %jit3A_293 : i32 to vector<8x256xi32>
      %div3A_295 = arith.divsi %iota3A_292, %div3A_294 : vector<8x256xi32>
      %sign3A_296 = arith.constant 0 : i32
      %sign3A_297 = vector.broadcast %sign3A_296 : i32 to vector<8x256xi32>
      %sign3A_298 = arith.cmpi sgt, %iota3A_292, %sign3A_297 : vector<8x256xi32>
      %sign3A_299 = arith.extui %sign3A_298 : vector<8x256xi1> to vector<8x256xi32>
      %sign3A_300 = arith.constant 0 : i32
      %sign3A_301 = vector.broadcast %sign3A_300 : i32 to vector<8x256xi32>
      %sign3A_302 = arith.cmpi slt, %iota3A_292, %sign3A_301 : vector<8x256xi32>
      %sign3A_303 = arith.extui %sign3A_302 : vector<8x256xi1> to vector<8x256xi32>
      %sign3A_304 = arith.subi %sign3A_299, %sign3A_303 : vector<8x256xi32>
      %sign3A_305 = arith.constant 0 : i32
      %sign3A_306 = arith.cmpi sgt, %jit3A_293, %sign3A_305 : i32
      %sign3A_307 = arith.extui %sign3A_306 : i1 to i32
      %sign3A_308 = arith.constant 0 : i32
      %sign3A_309 = arith.cmpi slt, %jit3A_293, %sign3A_308 : i32
      %sign3A_310 = arith.extui %sign3A_309 : i1 to i32
      %sign3A_311 = arith.subi %sign3A_307, %sign3A_310 : i32
      %ne3A_312 = vector.broadcast %sign3A_311 : i32 to vector<8x256xi32>
      %ne3A_313 = arith.cmpi ne, %sign3A_304, %ne3A_312 : vector<8x256xi32>
      %rem3A_314 = vector.broadcast %jit3A_293 : i32 to vector<8x256xi32>
      %rem3A_315 = arith.remsi %iota3A_292, %rem3A_314 : vector<8x256xi32>
      %ne3A_316 = arith.constant 0 : i32
      %ne3A_317 = vector.broadcast %ne3A_316 : i32 to vector<8x256xi32>
      %ne3A_318 = arith.cmpi ne, %rem3A_315, %ne3A_317 : vector<8x256xi32>
      %and3A_319 = arith.andi %ne3A_313, %ne3A_318 : vector<8x256xi1>
      %sub3A_320 = arith.constant 1 : i32
      %sub3A_321 = vector.broadcast %sub3A_320 : i32 to vector<8x256xi32>
      %sub3A_322 = arith.subi %div3A_295, %sub3A_321 : vector<8x256xi32>
      %select_n3A_323 = arith.select %and3A_319, %sub3A_322, %div3A_295 : vector<8x256xi1>, vector<8x256xi32>
      %eq3A_324 = arith.cmpi eq, %select_n3A_323, %iota3A_291 : vector<8x256xi32>
      %convert_element_type3A_325 = arith.extui %eq3A_324 : vector<8x256xi1> to vector<8x256xi32>
      %convert_element_type3A_326 = arith.sitofp %convert_element_type3A_325 : vector<8x256xi32> to vector<8x256xf32>
      %iota3A_327 = tpu.iota {dimensions = array<i32: 0>} : vector<8x384xi32>
      %iota3A_328 = tpu.iota {dimensions = array<i32: 1>} : vector<8x384xi32>
      %jit3A_329 = arith.constant 128 : i32
      %eq3A_330 = arith.constant 0 : i32
      %eq3A_331 = arith.cmpi eq, %jit3A_329, %eq3A_330 : i32
      %jit3A_332 = arith.constant 1 : i32
      %select_n3A_333 = arith.select %eq3A_331, %jit3A_332, %jit3A_329 : i32
      %rem3A_334 = vector.broadcast %select_n3A_333 : i32 to vector<8x384xi32>
      %rem3A_335 = arith.remsi %iota3A_328, %rem3A_334 : vector<8x384xi32>
      %ne3A_336 = arith.constant 0 : i32
      %ne3A_337 = vector.broadcast %ne3A_336 : i32 to vector<8x384xi32>
      %ne3A_338 = arith.cmpi ne, %rem3A_335, %ne3A_337 : vector<8x384xi32>
      %lt3A_339 = arith.constant 0 : i32
      %lt3A_340 = vector.broadcast %lt3A_339 : i32 to vector<8x384xi32>
      %lt3A_341 = arith.cmpi slt, %rem3A_335, %lt3A_340 : vector<8x384xi32>
      %lt3A_342 = arith.constant 0 : i32
      %lt3A_343 = arith.cmpi slt, %select_n3A_333, %lt3A_342 : i32
      %ne3A_344 = vector.broadcast %lt3A_343 : i1 to vector<8x384xi1>
      %ne3A_345 = vector.broadcast %ne3A_344 : vector<8x384xi1> to vector<8x384xi1>
      %ne3A_346 = arith.xori %lt3A_341, %ne3A_345 : vector<8x384xi1>
      %and3A_347 = arith.andi %ne3A_346, %ne3A_338 : vector<8x384xi1>
      %add3A_348 = vector.broadcast %select_n3A_333 : i32 to vector<8x384xi32>
      %add3A_349 = arith.addi %rem3A_335, %add3A_348 : vector<8x384xi32>
      %select_n3A_350 = arith.select %and3A_347, %add3A_349, %rem3A_335 : vector<8x384xi1>, vector<8x384xi32>
      %jit3A_351 = arith.constant 16 : i32
      %div3A_352 = vector.broadcast %jit3A_351 : i32 to vector<8x384xi32>
      %div3A_353 = arith.divsi %select_n3A_350, %div3A_352 : vector<8x384xi32>
      %sign3A_354 = arith.constant 0 : i32
      %sign3A_355 = vector.broadcast %sign3A_354 : i32 to vector<8x384xi32>
      %sign3A_356 = arith.cmpi sgt, %select_n3A_350, %sign3A_355 : vector<8x384xi32>
      %sign3A_357 = arith.extui %sign3A_356 : vector<8x384xi1> to vector<8x384xi32>
      %sign3A_358 = arith.constant 0 : i32
      %sign3A_359 = vector.broadcast %sign3A_358 : i32 to vector<8x384xi32>
      %sign3A_360 = arith.cmpi slt, %select_n3A_350, %sign3A_359 : vector<8x384xi32>
      %sign3A_361 = arith.extui %sign3A_360 : vector<8x384xi1> to vector<8x384xi32>
      %sign3A_362 = arith.subi %sign3A_357, %sign3A_361 : vector<8x384xi32>
      %sign3A_363 = arith.constant 0 : i32
      %sign3A_364 = arith.cmpi sgt, %jit3A_351, %sign3A_363 : i32
      %sign3A_365 = arith.extui %sign3A_364 : i1 to i32
      %sign3A_366 = arith.constant 0 : i32
      %sign3A_367 = arith.cmpi slt, %jit3A_351, %sign3A_366 : i32
      %sign3A_368 = arith.extui %sign3A_367 : i1 to i32
      %sign3A_369 = arith.subi %sign3A_365, %sign3A_368 : i32
      %ne3A_370 = vector.broadcast %sign3A_369 : i32 to vector<8x384xi32>
      %ne3A_371 = arith.cmpi ne, %sign3A_362, %ne3A_370 : vector<8x384xi32>
      %rem3A_372 = vector.broadcast %jit3A_351 : i32 to vector<8x384xi32>
      %rem3A_373 = arith.remsi %select_n3A_350, %rem3A_372 : vector<8x384xi32>
      %ne3A_374 = arith.constant 0 : i32
      %ne3A_375 = vector.broadcast %ne3A_374 : i32 to vector<8x384xi32>
      %ne3A_376 = arith.cmpi ne, %rem3A_373, %ne3A_375 : vector<8x384xi32>
      %and3A_377 = arith.andi %ne3A_371, %ne3A_376 : vector<8x384xi1>
      %sub3A_378 = arith.constant 1 : i32
      %sub3A_379 = vector.broadcast %sub3A_378 : i32 to vector<8x384xi32>
      %sub3A_380 = arith.subi %div3A_353, %sub3A_379 : vector<8x384xi32>
      %select_n3A_381 = arith.select %and3A_377, %sub3A_380, %div3A_353 : vector<8x384xi1>, vector<8x384xi32>
      %eq3A_382 = arith.cmpi eq, %select_n3A_381, %iota3A_327 : vector<8x384xi32>
      %convert_element_type3A_383 = arith.extui %eq3A_382 : vector<8x384xi1> to vector<8x384xi32>
      %convert_element_type3A_384 = arith.sitofp %convert_element_type3A_383 : vector<8x384xi32> to vector<8x384xf32>
      %concatenate3A_385 = tpu.concatenate %convert_element_type3A_326, %convert_element_type3A_384 in 1 : vector<8x256xf32>, vector<8x384xf32> -> vector<8x640xf32>
      %dot_general3A_386 = arith.constant dense<0.000000e+00> : vector<1024x640xf32>
      %dot_general3A_387 = tpu.matmul %exp3A, %concatenate3A_385, %dot_general3A_386 {dimension_numbers = #tpu.dot_dimension_numbers<[1], [0], [0], [1], [0, 0, 1, 1], [], []>, transpose_lhs_hint = false} : vector<1024x8xf32>, vector<8x640xf32>, vector<1024x640xf32> -> vector<1024x640xf32>
      %slice3A_388 = vector.extract_strided_slice %concatenate3A_226 {offsets = [0, 256], sizes = [1024, 640], strides = [1, 1]} : vector<1024x896xf32> to vector<1024x640xf32>
      %mul3A_389 = arith.mulf %slice3A_388, %dot_general3A_387 : vector<1024x640xf32>
      %concatenate3A_390 = tpu.concatenate %mul3A_389, %exp3A in 1 : vector<1024x640xf32>, vector<1024x8xf32> -> vector<1024x648xf32>
      %convert_element_type3A_391 = arith.truncf %concatenate3A_390 : vector<1024x648xf32> to vector<1024x648xbf16>
      %get3A_392 = arith.constant 0 : index
      %get3A_393 = arith.constant 0 : index
      %get3A_394 = vector.load %arg13[%get3A_392, %get3A_393] : memref<128x648xf32, #tpu.memory_space<vmem>>, vector<128x648xf32>
      %dot_general3A_395 = arith.constant dense<0.000000e+00> : vector<128x648xf32>
      %dot_general3A_396 = tpu.matmul %convert_element_type3A_236, %convert_element_type3A_391, %dot_general3A_395 {dimension_numbers = #tpu.dot_dimension_numbers<[0], [0], [1], [1], [0, 1, 1, 1], [], []>, transpose_lhs_hint = false} : vector<1024x128xbf16>, vector<1024x648xbf16>, vector<128x648xf32> -> vector<128x648xf32>
      %add3A_397 = arith.addf %get3A_394, %dot_general3A_396 : vector<128x648xf32>
      %swap3A_398 = arith.constant 0 : index
      %swap3A_399 = arith.constant 0 : index
      %swap3A_400 = vector.load %arg13[%swap3A_398, %swap3A_399] : memref<128x648xf32, #tpu.memory_space<vmem>>, vector<128x648xf32>
      tpu.vector_store %arg13[%swap3A_398, %swap3A_399], %add3A_397 {strides = array<i32>} : memref<128x648xf32, #tpu.memory_space<vmem>>, vector<128x648xf32>,
      %add3A_401 = arith.constant 1 : i32
      %add3A_402 = arith.addi %add3A_205, %add3A_401 : i32
      %lt3A_403 = arith.cmpi slt, %add3A_402, %sub3A_49 : i32
      %convert_element_type3A_404 = arith.extui %lt3A_403 : i1 to i32
      %cond3A_405 = arith.constant 0 : i32
      %cond3A_406 = arith.cmpi ne, %convert_element_type3A_404, %cond3A_405 : i32
      scf.if %cond3A_406 {
        %add3A_412 = arith.constant 1 : i32
        %add3A_413 = arith.addi %add3A_205, %add3A_412 : i32
        %add3A_414 = arith.addi %select_n3A, %add3A_413 : i32
        %mul3A_415 = arith.constant 1024 : i32
        %mul3A_416 = arith.muli %add3A_414, %mul3A_415 : i32
        %dma_start3A = tpu.memref_slice %arg2[%mul3A_416] : memref<163840xi32, #tpu.memory_space<hbm>> -> memref<1024xi32, #tpu.memory_space<hbm>>
        tpu.enqueue_dma source(%dma_start3A : memref<1024xi32, #tpu.memory_space<hbm>>) target(%arg7 : memref<1024xi32, #tpu.memory_space<vmem>>) target_semaphore(%arg14 : memref<!tpu.dma_semaphore, #tpu.memory_space<semaphore_mem>>)
        %dma_start3A_417 = arith.constant 0 : i32
        %dma_start3A_418 = tpu.memref_slice %arg3[%mul3A_416, %dma_start3A_417] : memref<163840x512xi32, #tpu.memory_space<hbm>> -> memref<1024x512xi32, #tpu.memory_space<hbm>>
        tpu.enqueue_dma source(%dma_start3A_418 : memref<1024x512xi32, #tpu.memory_space<hbm>>) target(%arg8 : memref<1024x512xi32, #tpu.memory_space<vmem>>) target_semaphore(%arg15 : memref<!tpu.dma_semaphore, #tpu.memory_space<semaphore_mem>>)
        %dma_start3A_419 = arith.constant 0 : i32
        %dma_start3A_420 = tpu.memref_slice %arg4[%mul3A_416, %dma_start3A_419] : memref<163840x16xf32, #tpu.memory_space<hbm>> -> memref<1024x16xf32, #tpu.memory_space<hbm>>
        tpu.enqueue_dma source(%dma_start3A_420 : memref<1024x16xf32, #tpu.memory_space<hbm>>) target(%arg9 : memref<1024x16xf32, #tpu.memory_space<vmem>>) target_semaphore(%arg16 : memref<!tpu.dma_semaphore, #tpu.memory_space<semaphore_mem>>)
      } else {
      }
      %lt3A_407 = arith.cmpi slt, %add3A_205, %sub3A_49 : i32
      %convert_element_type3A_408 = arith.extui %lt3A_407 : i1 to i32
      %cond3A_409 = arith.constant 0 : i32
      %cond3A_410 = arith.cmpi ne, %convert_element_type3A_408, %cond3A_409 : i32
      scf.if %cond3A_410 {
        %add3A_412 = arith.addi %select_n3A, %add3A_205 : i32
        %mul3A_413 = arith.constant 1024 : i32
        %mul3A_414 = arith.muli %add3A_412, %mul3A_413 : i32
        %dma_wait3A_415 = tpu.memref_slice %arg2[%mul3A_414] : memref<163840xi32, #tpu.memory_space<hbm>> -> memref<1024xi32, #tpu.memory_space<hbm>>
        tpu.wait_dma2 semaphore(%arg17 : memref<!tpu.dma_semaphore, #tpu.memory_space<semaphore_mem>>) src(%dma_wait3A_415 : memref<1024xi32, #tpu.memory_space<hbm>>) dst(%arg10 : memref<1024xi32, #tpu.memory_space<vmem>>)
        %dma_wait3A_416 = arith.constant 0 : i32
        %dma_wait3A_417 = tpu.memref_slice %arg3[%mul3A_414, %dma_wait3A_416] : memref<163840x512xi32, #tpu.memory_space<hbm>> -> memref<1024x512xi32, #tpu.memory_space<hbm>>
        tpu.wait_dma2 semaphore(%arg18 : memref<!tpu.dma_semaphore, #tpu.memory_space<semaphore_mem>>) src(%dma_wait3A_417 : memref<1024x512xi32, #tpu.memory_space<hbm>>) dst(%arg11 : memref<1024x512xi32, #tpu.memory_space<vmem>>)
        %dma_wait3A_418 = arith.constant 0 : i32
        %dma_wait3A_419 = tpu.memref_slice %arg4[%mul3A_414, %dma_wait3A_418] : memref<163840x16xf32, #tpu.memory_space<hbm>> -> memref<1024x16xf32, #tpu.memory_space<hbm>>
        tpu.wait_dma2 semaphore(%arg19 : memref<!tpu.dma_semaphore, #tpu.memory_space<semaphore_mem>>) src(%dma_wait3A_419 : memref<1024x16xf32, #tpu.memory_space<hbm>>) dst(%arg12 : memref<1024x16xf32, #tpu.memory_space<vmem>>)
        %get3A_420 = arith.constant 0 : index
        %get3A_421 = arith.constant 0 : index
        %get3A_422 = vector.load %arg11[%get3A_420, %get3A_421] : memref<1024x512xi32, #tpu.memory_space<vmem>>, vector<1024x448xi32>
        %shift_left3A_423 = arith.constant 16 : i32
        %shift_left3A_424 = vector.broadcast %shift_left3A_423 : i32 to vector<1024x448xi32>
        %shift_left3A_425 = arith.shli %get3A_422, %shift_left3A_424 : vector<1024x448xi32>
        %bitcast_convert_type3A_426 = tpu.bitcast %shift_left3A_425 : vector<1024x448xi32> -> vector<1024x448xf32>
        %and3A_427 = arith.constant -65536 : i32
        %and3A_428 = vector.broadcast %and3A_427 : i32 to vector<1024x448xi32>
        %and3A_429 = arith.andi %get3A_422, %and3A_428 : vector<1024x448xi32>
        %bitcast_convert_type3A_430 = tpu.bitcast %and3A_429 : vector<1024x448xi32> -> vector<1024x448xf32>
        %concatenate3A_431 = tpu.concatenate %bitcast_convert_type3A_426, %bitcast_convert_type3A_430 in 1 : vector<1024x448xf32>, vector<1024x448xf32> -> vector<1024x896xf32>
        %get3A_432 = arith.constant 0 : index
        %get3A_433 = vector.load %arg10[%get3A_432] : memref<1024xi32, #tpu.memory_space<vmem>>, vector<1024xi32>
        %reshape3A_434 = vector.shape_cast %get3A_433 : vector<1024xi32> to vector<1024x1xi32>
        %iota3A_435 = tpu.iota {dimensions = array<i32: 1>} : vector<1024x128xi32>
        %sub3A_436 = vector.broadcast %mul3A_4 : i32 to vector<1024x1xi32>
        %sub3A_437 = arith.subi %reshape3A_434, %sub3A_436 : vector<1024x1xi32>
        %eq3A_438 = vector.broadcast %sub3A_437 : vector<1024x1xi32> to vector<1024x128xi32>
        %eq3A_439 = arith.cmpi eq, %eq3A_438, %iota3A_435 : vector<1024x128xi32>
        %convert_element_type3A_440 = arith.extui %eq3A_439 : vector<1024x128xi1> to vector<1024x128xi32>
        %convert_element_type3A_441 = arith.sitofp %convert_element_type3A_440 : vector<1024x128xi32> to vector<1024x128xf32>
        %convert_element_type3A_442 = arith.truncf %convert_element_type3A_441 : vector<1024x128xf32> to vector<1024x128xbf16>
        %get3A_443 = arith.constant 0 : index
        %get3A_444 = arith.constant 0 : index
        %get3A_445 = vector.load %arg5[%get3A_443, %get3A_444] : memref<128x256xbf16, #tpu.memory_space<vmem>>, vector<128x256xbf16>
        %dot_general3A_446 = arith.constant dense<0.000000e+00> : vector<1024x256xf32>
        %dot_general3A_447 = tpu.matmul %convert_element_type3A_442, %get3A_445, %dot_general3A_446 {dimension_numbers = #tpu.dot_dimension_numbers<[1], [0], [0], [1], [0, 0, 1, 1], [], []>, transpose_lhs_hint = false} : vector<1024x128xbf16>, vector<128x256xbf16>, vector<1024x256xf32> -> vector<1024x256xf32>
        %slice3A_448 = vector.extract_strided_slice %concatenate3A_431 {offsets = [0, 0], sizes = [1024, 256], strides = [1, 1]} : vector<1024x896xf32> to vector<1024x256xf32>
        %mul3A_449 = arith.mulf %dot_general3A_447, %slice3A_448 : vector<1024x256xf32>
        %convert_element_type3A_450 = arith.truncf %mul3A_449 : vector<1024x256xf32> to vector<1024x256xbf16>
        %iota3A_451 = tpu.iota {dimensions = array<i32: 0>} : vector<256x8xi32>
        %iota3A_452 = tpu.iota {dimensions = array<i32: 1>} : vector<256x8xi32>
        %jit3A_453 = arith.constant 32 : i32
        %div3A_454 = vector.broadcast %jit3A_453 : i32 to vector<256x8xi32>
        %div3A_455 = arith.divsi %iota3A_451, %div3A_454 : vector<256x8xi32>
        %sign3A_456 = arith.constant 0 : i32
        %sign3A_457 = vector.broadcast %sign3A_456 : i32 to vector<256x8xi32>
        %sign3A_458 = arith.cmpi sgt, %iota3A_451, %sign3A_457 : vector<256x8xi32>
        %sign3A_459 = arith.extui %sign3A_458 : vector<256x8xi1> to vector<256x8xi32>
        %sign3A_460 = arith.constant 0 : i32
        %sign3A_461 = vector.broadcast %sign3A_460 : i32 to vector<256x8xi32>
        %sign3A_462 = arith.cmpi slt, %iota3A_451, %sign3A_461 : vector<256x8xi32>
        %sign3A_463 = arith.extui %sign3A_462 : vector<256x8xi1> to vector<256x8xi32>
        %sign3A_464 = arith.subi %sign3A_459, %sign3A_463 : vector<256x8xi32>
        %sign3A_465 = arith.constant 0 : i32
        %sign3A_466 = arith.cmpi sgt, %jit3A_453, %sign3A_465 : i32
        %sign3A_467 = arith.extui %sign3A_466 : i1 to i32
        %sign3A_468 = arith.constant 0 : i32
        %sign3A_469 = arith.cmpi slt, %jit3A_453, %sign3A_468 : i32
        %sign3A_470 = arith.extui %sign3A_469 : i1 to i32
        %sign3A_471 = arith.subi %sign3A_467, %sign3A_470 : i32
        %ne3A_472 = vector.broadcast %sign3A_471 : i32 to vector<256x8xi32>
        %ne3A_473 = arith.cmpi ne, %sign3A_464, %ne3A_472 : vector<256x8xi32>
        %rem3A_474 = vector.broadcast %jit3A_453 : i32 to vector<256x8xi32>
        %rem3A_475 = arith.remsi %iota3A_451, %rem3A_474 : vector<256x8xi32>
        %ne3A_476 = arith.constant 0 : i32
        %ne3A_477 = vector.broadcast %ne3A_476 : i32 to vector<256x8xi32>
        %ne3A_478 = arith.cmpi ne, %rem3A_475, %ne3A_477 : vector<256x8xi32>
        %and3A_479 = arith.andi %ne3A_473, %ne3A_478 : vector<256x8xi1>
        %sub3A_480 = arith.constant 1 : i32
        %sub3A_481 = vector.broadcast %sub3A_480 : i32 to vector<256x8xi32>
        %sub3A_482 = arith.subi %div3A_455, %sub3A_481 : vector<256x8xi32>
        %select_n3A_483 = arith.select %and3A_479, %sub3A_482, %div3A_455 : vector<256x8xi1>, vector<256x8xi32>
        %eq3A_484 = arith.cmpi eq, %select_n3A_483, %iota3A_452 : vector<256x8xi32>
        %convert_element_type3A_485 = arith.extui %eq3A_484 : vector<256x8xi1> to vector<256x8xi32>
        %convert_element_type3A_486 = arith.sitofp %convert_element_type3A_485 : vector<256x8xi32> to vector<256x8xf32>
        %convert_element_type3A_487 = arith.truncf %convert_element_type3A_486 : vector<256x8xf32> to vector<256x8xbf16>
        %dot_general3A_488 = arith.constant dense<0.000000e+00> : vector<1024x8xf32>
        %dot_general3A_489 = tpu.matmul %convert_element_type3A_450, %convert_element_type3A_487, %dot_general3A_488 {dimension_numbers = #tpu.dot_dimension_numbers<[1], [0], [0], [1], [0, 0, 1, 1], [], []>, transpose_lhs_hint = false} : vector<1024x256xbf16>, vector<256x8xbf16>, vector<1024x8xf32> -> vector<1024x8xf32>
        %get3A_490 = arith.constant 0 : index
        %get3A_491 = arith.constant 0 : index
        %get3A_492 = vector.load %arg12[%get3A_490, %get3A_491] : memref<1024x16xf32, #tpu.memory_space<vmem>>, vector<1024x8xf32>
        %add3A_493 = arith.addf %dot_general3A_489, %get3A_492 : vector<1024x8xf32>
        %jit3A_494 = arith.constant -6.000000e+01 : f32
        %jit3A_495 = arith.constant 6.000000e+01 : f32
        %max3A_496 = vector.broadcast %jit3A_494 : f32 to vector<1024x8xf32>
        %max3A_497 = arith.maximumf %max3A_496, %add3A_493 : vector<1024x8xf32>
        %min3A_498 = vector.broadcast %jit3A_495 : f32 to vector<1024x8xf32>
        %min3A_499 = arith.minimumf %min3A_498, %max3A_497 : vector<1024x8xf32>
        %exp3A_500 = math.exp %min3A_499 : vector<1024x8xf32>
        %iota3A_501 = tpu.iota {dimensions = array<i32: 0>} : vector<8x256xi32>
        %iota3A_502 = tpu.iota {dimensions = array<i32: 1>} : vector<8x256xi32>
        %jit3A_503 = arith.constant 32 : i32
        %div3A_504 = vector.broadcast %jit3A_503 : i32 to vector<8x256xi32>
        %div3A_505 = arith.divsi %iota3A_502, %div3A_504 : vector<8x256xi32>
        %sign3A_506 = arith.constant 0 : i32
        %sign3A_507 = vector.broadcast %sign3A_506 : i32 to vector<8x256xi32>
        %sign3A_508 = arith.cmpi sgt, %iota3A_502, %sign3A_507 : vector<8x256xi32>
        %sign3A_509 = arith.extui %sign3A_508 : vector<8x256xi1> to vector<8x256xi32>
        %sign3A_510 = arith.constant 0 : i32
        %sign3A_511 = vector.broadcast %sign3A_510 : i32 to vector<8x256xi32>
        %sign3A_512 = arith.cmpi slt, %iota3A_502, %sign3A_511 : vector<8x256xi32>
        %sign3A_513 = arith.extui %sign3A_512 : vector<8x256xi1> to vector<8x256xi32>
        %sign3A_514 = arith.subi %sign3A_509, %sign3A_513 : vector<8x256xi32>
        %sign3A_515 = arith.constant 0 : i32
        %sign3A_516 = arith.cmpi sgt, %jit3A_503, %sign3A_515 : i32
        %sign3A_517 = arith.extui %sign3A_516 : i1 to i32
        %sign3A_518 = arith.constant 0 : i32
        %sign3A_519 = arith.cmpi slt, %jit3A_503, %sign3A_518 : i32
        %sign3A_520 = arith.extui %sign3A_519 : i1 to i32
        %sign3A_521 = arith.subi %sign3A_517, %sign3A_520 : i32
        %ne3A_522 = vector.broadcast %sign3A_521 : i32 to vector<8x256xi32>
        %ne3A_523 = arith.cmpi ne, %sign3A_514, %ne3A_522 : vector<8x256xi32>
        %rem3A_524 = vector.broadcast %jit3A_503 : i32 to vector<8x256xi32>
        %rem3A_525 = arith.remsi %iota3A_502, %rem3A_524 : vector<8x256xi32>
        %ne3A_526 = arith.constant 0 : i32
        %ne3A_527 = vector.broadcast %ne3A_526 : i32 to vector<8x256xi32>
        %ne3A_528 = arith.cmpi ne, %rem3A_525, %ne3A_527 : vector<8x256xi32>
        %and3A_529 = arith.andi %ne3A_523, %ne3A_528 : vector<8x256xi1>
        %sub3A_530 = arith.constant 1 : i32
        %sub3A_531 = vector.broadcast %sub3A_530 : i32 to vector<8x256xi32>
        %sub3A_532 = arith.subi %div3A_505, %sub3A_531 : vector<8x256xi32>
        %select_n3A_533 = arith.select %and3A_529, %sub3A_532, %div3A_505 : vector<8x256xi1>, vector<8x256xi32>
        %eq3A_534 = arith.cmpi eq, %select_n3A_533, %iota3A_501 : vector<8x256xi32>
        %convert_element_type3A_535 = arith.extui %eq3A_534 : vector<8x256xi1> to vector<8x256xi32>
        %convert_element_type3A_536 = arith.sitofp %convert_element_type3A_535 : vector<8x256xi32> to vector<8x256xf32>
        %iota3A_537 = tpu.iota {dimensions = array<i32: 0>} : vector<8x384xi32>
        %iota3A_538 = tpu.iota {dimensions = array<i32: 1>} : vector<8x384xi32>
        %jit3A_539 = arith.constant 128 : i32
        %eq3A_540 = arith.constant 0 : i32
        %eq3A_541 = arith.cmpi eq, %jit3A_539, %eq3A_540 : i32
        %jit3A_542 = arith.constant 1 : i32
        %select_n3A_543 = arith.select %eq3A_541, %jit3A_542, %jit3A_539 : i32
        %rem3A_544 = vector.broadcast %select_n3A_543 : i32 to vector<8x384xi32>
        %rem3A_545 = arith.remsi %iota3A_538, %rem3A_544 : vector<8x384xi32>
        %ne3A_546 = arith.constant 0 : i32
        %ne3A_547 = vector.broadcast %ne3A_546 : i32 to vector<8x384xi32>
        %ne3A_548 = arith.cmpi ne, %rem3A_545, %ne3A_547 : vector<8x384xi32>
        %lt3A_549 = arith.constant 0 : i32
        %lt3A_550 = vector.broadcast %lt3A_549 : i32 to vector<8x384xi32>
        %lt3A_551 = arith.cmpi slt, %rem3A_545, %lt3A_550 : vector<8x384xi32>
        %lt3A_552 = arith.constant 0 : i32
        %lt3A_553 = arith.cmpi slt, %select_n3A_543, %lt3A_552 : i32
        %ne3A_554 = vector.broadcast %lt3A_553 : i1 to vector<8x384xi1>
        %ne3A_555 = vector.broadcast %ne3A_554 : vector<8x384xi1> to vector<8x384xi1>
        %ne3A_556 = arith.xori %lt3A_551, %ne3A_555 : vector<8x384xi1>
        %and3A_557 = arith.andi %ne3A_556, %ne3A_548 : vector<8x384xi1>
        %add3A_558 = vector.broadcast %select_n3A_543 : i32 to vector<8x384xi32>
        %add3A_559 = arith.addi %rem3A_545, %add3A_558 : vector<8x384xi32>
        %select_n3A_560 = arith.select %and3A_557, %add3A_559, %rem3A_545 : vector<8x384xi1>, vector<8x384xi32>
        %jit3A_561 = arith.constant 16 : i32
        %div3A_562 = vector.broadcast %jit3A_561 : i32 to vector<8x384xi32>
        %div3A_563 = arith.divsi %select_n3A_560, %div3A_562 : vector<8x384xi32>
        %sign3A_564 = arith.constant 0 : i32
        %sign3A_565 = vector.broadcast %sign3A_564 : i32 to vector<8x384xi32>
        %sign3A_566 = arith.cmpi sgt, %select_n3A_560, %sign3A_565 : vector<8x384xi32>
        %sign3A_567 = arith.extui %sign3A_566 : vector<8x384xi1> to vector<8x384xi32>
        %sign3A_568 = arith.constant 0 : i32
        %sign3A_569 = vector.broadcast %sign3A_568 : i32 to vector<8x384xi32>
        %sign3A_570 = arith.cmpi slt, %select_n3A_560, %sign3A_569 : vector<8x384xi32>
        %sign3A_571 = arith.extui %sign3A_570 : vector<8x384xi1> to vector<8x384xi32>
        %sign3A_572 = arith.subi %sign3A_567, %sign3A_571 : vector<8x384xi32>
        %sign3A_573 = arith.constant 0 : i32
        %sign3A_574 = arith.cmpi sgt, %jit3A_561, %sign3A_573 : i32
        %sign3A_575 = arith.extui %sign3A_574 : i1 to i32
        %sign3A_576 = arith.constant 0 : i32
        %sign3A_577 = arith.cmpi slt, %jit3A_561, %sign3A_576 : i32
        %sign3A_578 = arith.extui %sign3A_577 : i1 to i32
        %sign3A_579 = arith.subi %sign3A_575, %sign3A_578 : i32
        %ne3A_580 = vector.broadcast %sign3A_579 : i32 to vector<8x384xi32>
        %ne3A_581 = arith.cmpi ne, %sign3A_572, %ne3A_580 : vector<8x384xi32>
        %rem3A_582 = vector.broadcast %jit3A_561 : i32 to vector<8x384xi32>
        %rem3A_583 = arith.remsi %select_n3A_560, %rem3A_582 : vector<8x384xi32>
        %ne3A_584 = arith.constant 0 : i32
        %ne3A_585 = vector.broadcast %ne3A_584 : i32 to vector<8x384xi32>
        %ne3A_586 = arith.cmpi ne, %rem3A_583, %ne3A_585 : vector<8x384xi32>
        %and3A_587 = arith.andi %ne3A_581, %ne3A_586 : vector<8x384xi1>
        %sub3A_588 = arith.constant 1 : i32
        %sub3A_589 = vector.broadcast %sub3A_588 : i32 to vector<8x384xi32>
        %sub3A_590 = arith.subi %div3A_563, %sub3A_589 : vector<8x384xi32>
        %select_n3A_591 = arith.select %and3A_587, %sub3A_590, %div3A_563 : vector<8x384xi1>, vector<8x384xi32>
        %eq3A_592 = arith.cmpi eq, %select_n3A_591, %iota3A_537 : vector<8x384xi32>
        %convert_element_type3A_593 = arith.extui %eq3A_592 : vector<8x384xi1> to vector<8x384xi32>
        %convert_element_type3A_594 = arith.sitofp %convert_element_type3A_593 : vector<8x384xi32> to vector<8x384xf32>
        %concatenate3A_595 = tpu.concatenate %convert_element_type3A_536, %convert_element_type3A_594 in 1 : vector<8x256xf32>, vector<8x384xf32> -> vector<8x640xf32>
        %dot_general3A_596 = arith.constant dense<0.000000e+00> : vector<1024x640xf32>
        %dot_general3A_597 = tpu.matmul %exp3A_500, %concatenate3A_595, %dot_general3A_596 {dimension_numbers = #tpu.dot_dimension_numbers<[1], [0], [0], [1], [0, 0, 1, 1], [], []>, transpose_lhs_hint = false} : vector<1024x8xf32>, vector<8x640xf32>, vector<1024x640xf32> -> vector<1024x640xf32>
        %slice3A_598 = vector.extract_strided_slice %concatenate3A_431 {offsets = [0, 256], sizes = [1024, 640], strides = [1, 1]} : vector<1024x896xf32> to vector<1024x640xf32>
        %mul3A_599 = arith.mulf %slice3A_598, %dot_general3A_597 : vector<1024x640xf32>
        %concatenate3A_600 = tpu.concatenate %mul3A_599, %exp3A_500 in 1 : vector<1024x640xf32>, vector<1024x8xf32> -> vector<1024x648xf32>
        %convert_element_type3A_601 = arith.truncf %concatenate3A_600 : vector<1024x648xf32> to vector<1024x648xbf16>
        %get3A_602 = arith.constant 0 : index
        %get3A_603 = arith.constant 0 : index
        %get3A_604 = vector.load %arg13[%get3A_602, %get3A_603] : memref<128x648xf32, #tpu.memory_space<vmem>>, vector<128x648xf32>
        %dot_general3A_605 = arith.constant dense<0.000000e+00> : vector<128x648xf32>
        %dot_general3A_606 = tpu.matmul %convert_element_type3A_442, %convert_element_type3A_601, %dot_general3A_605 {dimension_numbers = #tpu.dot_dimension_numbers<[0], [0], [1], [1], [0, 1, 1, 1], [], []>, transpose_lhs_hint = false} : vector<1024x128xbf16>, vector<1024x648xbf16>, vector<128x648xf32> -> vector<128x648xf32>
        %add3A_607 = arith.addf %get3A_604, %dot_general3A_606 : vector<128x648xf32>
        %swap3A_608 = arith.constant 0 : index
        %swap3A_609 = arith.constant 0 : index
        %swap3A_610 = vector.load %arg13[%swap3A_608, %swap3A_609] : memref<128x648xf32, #tpu.memory_space<vmem>>, vector<128x648xf32>
        tpu.vector_store %arg13[%swap3A_608, %swap3A_609], %add3A_607 {strides = array<i32>} : memref<128x648xf32, #tpu.memory_space<vmem>>, vector<128x648xf32>,
      } else {
      }
      %while3A_411 = arith.constant 0 : i32
      scf.yield %while3A_411 : i32
    }
    %while3A_90 = arith.constant 1 : i32
    %while3A_91 = scf.for %while3A_200 = %while3A_87 to %while3A_83 step %while3A_90 iter_args(%while3A_201 = %while3A_89) -> (i32)  : i32 {
      %mul3A_202 = arith.constant 2 : i32
      %mul3A_203 = arith.muli %mul3A_202, %while3A_200 : i32
      %add3A_204 = arith.constant 1 : i32
      %add3A_205 = arith.addi %mul3A_203, %add3A_204 : i32
      %lt3A_206 = arith.cmpi slt, %add3A_205, %sub3A_49 : i32
      %convert_element_type3A_207 = arith.extui %lt3A_206 : i1 to i32
      %cond3A_208 = arith.constant 0 : i32
      %cond3A_209 = arith.cmpi ne, %convert_element_type3A_207, %cond3A_208 : i32
      scf.if %cond3A_209 {
        %add3A_412 = arith.addi %select_n3A, %add3A_205 : i32
        %mul3A_413 = arith.constant 1024 : i32
        %mul3A_414 = arith.muli %add3A_412, %mul3A_413 : i32
        %dma_start3A = tpu.memref_slice %arg2[%mul3A_414] : memref<163840xi32, #tpu.memory_space<hbm>> -> memref<1024xi32, #tpu.memory_space<hbm>>
        tpu.enqueue_dma source(%dma_start3A : memref<1024xi32, #tpu.memory_space<hbm>>) target(%arg10 : memref<1024xi32, #tpu.memory_space<vmem>>) target_semaphore(%arg17 : memref<!tpu.dma_semaphore, #tpu.memory_space<semaphore_mem>>)
        %dma_start3A_415 = arith.constant 0 : i32
        %dma_start3A_416 = tpu.memref_slice %arg3[%mul3A_414, %dma_start3A_415] : memref<163840x512xi32, #tpu.memory_space<hbm>> -> memref<1024x512xi32, #tpu.memory_space<hbm>>
        tpu.enqueue_dma source(%dma_start3A_416 : memref<1024x512xi32, #tpu.memory_space<hbm>>) target(%arg11 : memref<1024x512xi32, #tpu.memory_space<vmem>>) target_semaphore(%arg18 : memref<!tpu.dma_semaphore, #tpu.memory_space<semaphore_mem>>)
        %dma_start3A_417 = arith.constant 0 : i32
        %dma_start3A_418 = tpu.memref_slice %arg4[%mul3A_414, %dma_start3A_417] : memref<163840x16xf32, #tpu.memory_space<hbm>> -> memref<1024x16xf32, #tpu.memory_space<hbm>>
        tpu.enqueue_dma source(%dma_start3A_418 : memref<1024x16xf32, #tpu.memory_space<hbm>>) target(%arg12 : memref<1024x16xf32, #tpu.memory_space<vmem>>) target_semaphore(%arg19 : memref<!tpu.dma_semaphore, #tpu.memory_space<semaphore_mem>>)
      } else {
      }
      %add3A_210 = arith.addi %select_n3A, %mul3A_203 : i32
      %mul3A_211 = arith.constant 1024 : i32
      %mul3A_212 = arith.muli %add3A_210, %mul3A_211 : i32
      %dma_wait3A = tpu.memref_slice %arg2[%mul3A_212] : memref<163840xi32, #tpu.memory_space<hbm>> -> memref<1024xi32, #tpu.memory_space<hbm>>
      tpu.wait_dma2 semaphore(%arg14 : memref<!tpu.dma_semaphore, #tpu.memory_space<semaphore_mem>>) src(%dma_wait3A : memref<1024xi32, #tpu.memory_space<hbm>>) dst(%arg7 : memref<1024xi32, #tpu.memory_space<vmem>>)
      %dma_wait3A_213 = arith.constant 0 : i32
      %dma_wait3A_214 = tpu.memref_slice %arg3[%mul3A_212, %dma_wait3A_213] : memref<163840x512xi32, #tpu.memory_space<hbm>> -> memref<1024x512xi32, #tpu.memory_space<hbm>>
      tpu.wait_dma2 semaphore(%arg15 : memref<!tpu.dma_semaphore, #tpu.memory_space<semaphore_mem>>) src(%dma_wait3A_214 : memref<1024x512xi32, #tpu.memory_space<hbm>>) dst(%arg8 : memref<1024x512xi32, #tpu.memory_space<vmem>>)
      %dma_wait3A_215 = arith.constant 0 : i32
      %dma_wait3A_216 = tpu.memref_slice %arg4[%mul3A_212, %dma_wait3A_215] : memref<163840x16xf32, #tpu.memory_space<hbm>> -> memref<1024x16xf32, #tpu.memory_space<hbm>>
      tpu.wait_dma2 semaphore(%arg16 : memref<!tpu.dma_semaphore, #tpu.memory_space<semaphore_mem>>) src(%dma_wait3A_216 : memref<1024x16xf32, #tpu.memory_space<hbm>>) dst(%arg9 : memref<1024x16xf32, #tpu.memory_space<vmem>>)
      %get3A_217 = arith.constant 0 : index
      %get3A_218 = arith.constant 0 : index
      %get3A_219 = vector.load %arg8[%get3A_217, %get3A_218] : memref<1024x512xi32, #tpu.memory_space<vmem>>, vector<1024x448xi32>
      %shift_left3A = arith.constant 16 : i32
      %shift_left3A_220 = vector.broadcast %shift_left3A : i32 to vector<1024x448xi32>
      %shift_left3A_221 = arith.shli %get3A_219, %shift_left3A_220 : vector<1024x448xi32>
      %bitcast_convert_type3A = tpu.bitcast %shift_left3A_221 : vector<1024x448xi32> -> vector<1024x448xf32>
      %and3A_222 = arith.constant -65536 : i32
      %and3A_223 = vector.broadcast %and3A_222 : i32 to vector<1024x448xi32>
      %and3A_224 = arith.andi %get3A_219, %and3A_223 : vector<1024x448xi32>
      %bitcast_convert_type3A_225 = tpu.bitcast %and3A_224 : vector<1024x448xi32> -> vector<1024x448xf32>
      %concatenate3A_226 = tpu.concatenate %bitcast_convert_type3A, %bitcast_convert_type3A_225 in 1 : vector<1024x448xf32>, vector<1024x448xf32> -> vector<1024x896xf32>
      %get3A_227 = arith.constant 0 : index
      %get3A_228 = vector.load %arg7[%get3A_227] : memref<1024xi32, #tpu.memory_space<vmem>>, vector<1024xi32>
      %reshape3A = vector.shape_cast %get3A_228 : vector<1024xi32> to vector<1024x1xi32>
      %iota3A_229 = tpu.iota {dimensions = array<i32: 1>} : vector<1024x128xi32>
      %sub3A_230 = vector.broadcast %mul3A_4 : i32 to vector<1024x1xi32>
      %sub3A_231 = arith.subi %reshape3A, %sub3A_230 : vector<1024x1xi32>
      %eq3A_232 = vector.broadcast %sub3A_231 : vector<1024x1xi32> to vector<1024x128xi32>
      %eq3A_233 = arith.cmpi eq, %eq3A_232, %iota3A_229 : vector<1024x128xi32>
      %convert_element_type3A_234 = arith.extui %eq3A_233 : vector<1024x128xi1> to vector<1024x128xi32>
      %convert_element_type3A_235 = arith.sitofp %convert_element_type3A_234 : vector<1024x128xi32> to vector<1024x128xf32>
      %convert_element_type3A_236 = arith.truncf %convert_element_type3A_235 : vector<1024x128xf32> to vector<1024x128xbf16>
      %get3A_237 = arith.constant 0 : index
      %get3A_238 = arith.constant 0 : index
      %get3A_239 = vector.load %arg5[%get3A_237, %get3A_238] : memref<128x256xbf16, #tpu.memory_space<vmem>>, vector<128x256xbf16>
      %dot_general3A_240 = arith.constant dense<0.000000e+00> : vector<1024x256xf32>
      %dot_general3A_241 = tpu.matmul %convert_element_type3A_236, %get3A_239, %dot_general3A_240 {dimension_numbers = #tpu.dot_dimension_numbers<[1], [0], [0], [1], [0, 0, 1, 1], [], []>, transpose_lhs_hint = false} : vector<1024x128xbf16>, vector<128x256xbf16>, vector<1024x256xf32> -> vector<1024x256xf32>
      %slice3A = vector.extract_strided_slice %concatenate3A_226 {offsets = [0, 0], sizes = [1024, 256], strides = [1, 1]} : vector<1024x896xf32> to vector<1024x256xf32>
      %mul3A_242 = arith.mulf %dot_general3A_241, %slice3A : vector<1024x256xf32>
      %convert_element_type3A_243 = arith.truncf %mul3A_242 : vector<1024x256xf32> to vector<1024x256xbf16>
      %iota3A_244 = tpu.iota {dimensions = array<i32: 0>} : vector<256x8xi32>
      %iota3A_245 = tpu.iota {dimensions = array<i32: 1>} : vector<256x8xi32>
      %jit3A_246 = arith.constant 32 : i32
      %div3A_247 = vector.broadcast %jit3A_246 : i32 to vector<256x8xi32>
      %div3A_248 = arith.divsi %iota3A_244, %div3A_247 : vector<256x8xi32>
      %sign3A_249 = arith.constant 0 : i32
      %sign3A_250 = vector.broadcast %sign3A_249 : i32 to vector<256x8xi32>
      %sign3A_251 = arith.cmpi sgt, %iota3A_244, %sign3A_250 : vector<256x8xi32>
      %sign3A_252 = arith.extui %sign3A_251 : vector<256x8xi1> to vector<256x8xi32>
      %sign3A_253 = arith.constant 0 : i32
      %sign3A_254 = vector.broadcast %sign3A_253 : i32 to vector<256x8xi32>
      %sign3A_255 = arith.cmpi slt, %iota3A_244, %sign3A_254 : vector<256x8xi32>
      %sign3A_256 = arith.extui %sign3A_255 : vector<256x8xi1> to vector<256x8xi32>
      %sign3A_257 = arith.subi %sign3A_252, %sign3A_256 : vector<256x8xi32>
      %sign3A_258 = arith.constant 0 : i32
      %sign3A_259 = arith.cmpi sgt, %jit3A_246, %sign3A_258 : i32
      %sign3A_260 = arith.extui %sign3A_259 : i1 to i32
      %sign3A_261 = arith.constant 0 : i32
      %sign3A_262 = arith.cmpi slt, %jit3A_246, %sign3A_261 : i32
      %sign3A_263 = arith.extui %sign3A_262 : i1 to i32
      %sign3A_264 = arith.subi %sign3A_260, %sign3A_263 : i32
      %ne3A_265 = vector.broadcast %sign3A_264 : i32 to vector<256x8xi32>
      %ne3A_266 = arith.cmpi ne, %sign3A_257, %ne3A_265 : vector<256x8xi32>
      %rem3A_267 = vector.broadcast %jit3A_246 : i32 to vector<256x8xi32>
      %rem3A_268 = arith.remsi %iota3A_244, %rem3A_267 : vector<256x8xi32>
      %ne3A_269 = arith.constant 0 : i32
      %ne3A_270 = vector.broadcast %ne3A_269 : i32 to vector<256x8xi32>
      %ne3A_271 = arith.cmpi ne, %rem3A_268, %ne3A_270 : vector<256x8xi32>
      %and3A_272 = arith.andi %ne3A_266, %ne3A_271 : vector<256x8xi1>
      %sub3A_273 = arith.constant 1 : i32
      %sub3A_274 = vector.broadcast %sub3A_273 : i32 to vector<256x8xi32>
      %sub3A_275 = arith.subi %div3A_248, %sub3A_274 : vector<256x8xi32>
      %select_n3A_276 = arith.select %and3A_272, %sub3A_275, %div3A_248 : vector<256x8xi1>, vector<256x8xi32>
      %eq3A_277 = arith.cmpi eq, %select_n3A_276, %iota3A_245 : vector<256x8xi32>
      %convert_element_type3A_278 = arith.extui %eq3A_277 : vector<256x8xi1> to vector<256x8xi32>
      %convert_element_type3A_279 = arith.sitofp %convert_element_type3A_278 : vector<256x8xi32> to vector<256x8xf32>
      %convert_element_type3A_280 = arith.truncf %convert_element_type3A_279 : vector<256x8xf32> to vector<256x8xbf16>
      %dot_general3A_281 = arith.constant dense<0.000000e+00> : vector<1024x8xf32>
      %dot_general3A_282 = tpu.matmul %convert_element_type3A_243, %convert_element_type3A_280, %dot_general3A_281 {dimension_numbers = #tpu.dot_dimension_numbers<[1], [0], [0], [1], [0, 0, 1, 1], [], []>, transpose_lhs_hint = false} : vector<1024x256xbf16>, vector<256x8xbf16>, vector<1024x8xf32> -> vector<1024x8xf32>
      %get3A_283 = arith.constant 0 : index
      %get3A_284 = arith.constant 0 : index
      %get3A_285 = vector.load %arg9[%get3A_283, %get3A_284] : memref<1024x16xf32, #tpu.memory_space<vmem>>, vector<1024x8xf32>
      %add3A_286 = arith.addf %dot_general3A_282, %get3A_285 : vector<1024x8xf32>
      %jit3A_287 = arith.constant -6.000000e+01 : f32
      %jit3A_288 = arith.constant 6.000000e+01 : f32
      %max3A = vector.broadcast %jit3A_287 : f32 to vector<1024x8xf32>
      %max3A_289 = arith.maximumf %max3A, %add3A_286 : vector<1024x8xf32>
      %min3A = vector.broadcast %jit3A_288 : f32 to vector<1024x8xf32>
      %min3A_290 = arith.minimumf %min3A, %max3A_289 : vector<1024x8xf32>
      %exp3A = math.exp %min3A_290 : vector<1024x8xf32>
      %iota3A_291 = tpu.iota {dimensions = array<i32: 0>} : vector<8x256xi32>
      %iota3A_292 = tpu.iota {dimensions = array<i32: 1>} : vector<8x256xi32>
      %jit3A_293 = arith.constant 32 : i32
      %div3A_294 = vector.broadcast %jit3A_293 : i32 to vector<8x256xi32>
      %div3A_295 = arith.divsi %iota3A_292, %div3A_294 : vector<8x256xi32>
      %sign3A_296 = arith.constant 0 : i32
      %sign3A_297 = vector.broadcast %sign3A_296 : i32 to vector<8x256xi32>
      %sign3A_298 = arith.cmpi sgt, %iota3A_292, %sign3A_297 : vector<8x256xi32>
      %sign3A_299 = arith.extui %sign3A_298 : vector<8x256xi1> to vector<8x256xi32>
      %sign3A_300 = arith.constant 0 : i32
      %sign3A_301 = vector.broadcast %sign3A_300 : i32 to vector<8x256xi32>
      %sign3A_302 = arith.cmpi slt, %iota3A_292, %sign3A_301 : vector<8x256xi32>
      %sign3A_303 = arith.extui %sign3A_302 : vector<8x256xi1> to vector<8x256xi32>
      %sign3A_304 = arith.subi %sign3A_299, %sign3A_303 : vector<8x256xi32>
      %sign3A_305 = arith.constant 0 : i32
      %sign3A_306 = arith.cmpi sgt, %jit3A_293, %sign3A_305 : i32
      %sign3A_307 = arith.extui %sign3A_306 : i1 to i32
      %sign3A_308 = arith.constant 0 : i32
      %sign3A_309 = arith.cmpi slt, %jit3A_293, %sign3A_308 : i32
      %sign3A_310 = arith.extui %sign3A_309 : i1 to i32
      %sign3A_311 = arith.subi %sign3A_307, %sign3A_310 : i32
      %ne3A_312 = vector.broadcast %sign3A_311 : i32 to vector<8x256xi32>
      %ne3A_313 = arith.cmpi ne, %sign3A_304, %ne3A_312 : vector<8x256xi32>
      %rem3A_314 = vector.broadcast %jit3A_293 : i32 to vector<8x256xi32>
      %rem3A_315 = arith.remsi %iota3A_292, %rem3A_314 : vector<8x256xi32>
      %ne3A_316 = arith.constant 0 : i32
      %ne3A_317 = vector.broadcast %ne3A_316 : i32 to vector<8x256xi32>
      %ne3A_318 = arith.cmpi ne, %rem3A_315, %ne3A_317 : vector<8x256xi32>
      %and3A_319 = arith.andi %ne3A_313, %ne3A_318 : vector<8x256xi1>
      %sub3A_320 = arith.constant 1 : i32
      %sub3A_321 = vector.broadcast %sub3A_320 : i32 to vector<8x256xi32>
      %sub3A_322 = arith.subi %div3A_295, %sub3A_321 : vector<8x256xi32>
      %select_n3A_323 = arith.select %and3A_319, %sub3A_322, %div3A_295 : vector<8x256xi1>, vector<8x256xi32>
      %eq3A_324 = arith.cmpi eq, %select_n3A_323, %iota3A_291 : vector<8x256xi32>
      %convert_element_type3A_325 = arith.extui %eq3A_324 : vector<8x256xi1> to vector<8x256xi32>
      %convert_element_type3A_326 = arith.sitofp %convert_element_type3A_325 : vector<8x256xi32> to vector<8x256xf32>
      %iota3A_327 = tpu.iota {dimensions = array<i32: 0>} : vector<8x384xi32>
      %iota3A_328 = tpu.iota {dimensions = array<i32: 1>} : vector<8x384xi32>
      %jit3A_329 = arith.constant 128 : i32
      %eq3A_330 = arith.constant 0 : i32
      %eq3A_331 = arith.cmpi eq, %jit3A_329, %eq3A_330 : i32
      %jit3A_332 = arith.constant 1 : i32
      %select_n3A_333 = arith.select %eq3A_331, %jit3A_332, %jit3A_329 : i32
      %rem3A_334 = vector.broadcast %select_n3A_333 : i32 to vector<8x384xi32>
      %rem3A_335 = arith.remsi %iota3A_328, %rem3A_334 : vector<8x384xi32>
      %ne3A_336 = arith.constant 0 : i32
      %ne3A_337 = vector.broadcast %ne3A_336 : i32 to vector<8x384xi32>
      %ne3A_338 = arith.cmpi ne, %rem3A_335, %ne3A_337 : vector<8x384xi32>
      %lt3A_339 = arith.constant 0 : i32
      %lt3A_340 = vector.broadcast %lt3A_339 : i32 to vector<8x384xi32>
      %lt3A_341 = arith.cmpi slt, %rem3A_335, %lt3A_340 : vector<8x384xi32>
      %lt3A_342 = arith.constant 0 : i32
      %lt3A_343 = arith.cmpi slt, %select_n3A_333, %lt3A_342 : i32
      %ne3A_344 = vector.broadcast %lt3A_343 : i1 to vector<8x384xi1>
      %ne3A_345 = vector.broadcast %ne3A_344 : vector<8x384xi1> to vector<8x384xi1>
      %ne3A_346 = arith.xori %lt3A_341, %ne3A_345 : vector<8x384xi1>
      %and3A_347 = arith.andi %ne3A_346, %ne3A_338 : vector<8x384xi1>
      %add3A_348 = vector.broadcast %select_n3A_333 : i32 to vector<8x384xi32>
      %add3A_349 = arith.addi %rem3A_335, %add3A_348 : vector<8x384xi32>
      %select_n3A_350 = arith.select %and3A_347, %add3A_349, %rem3A_335 : vector<8x384xi1>, vector<8x384xi32>
      %jit3A_351 = arith.constant 16 : i32
      %div3A_352 = vector.broadcast %jit3A_351 : i32 to vector<8x384xi32>
      %div3A_353 = arith.divsi %select_n3A_350, %div3A_352 : vector<8x384xi32>
      %sign3A_354 = arith.constant 0 : i32
      %sign3A_355 = vector.broadcast %sign3A_354 : i32 to vector<8x384xi32>
      %sign3A_356 = arith.cmpi sgt, %select_n3A_350, %sign3A_355 : vector<8x384xi32>
      %sign3A_357 = arith.extui %sign3A_356 : vector<8x384xi1> to vector<8x384xi32>
      %sign3A_358 = arith.constant 0 : i32
      %sign3A_359 = vector.broadcast %sign3A_358 : i32 to vector<8x384xi32>
      %sign3A_360 = arith.cmpi slt, %select_n3A_350, %sign3A_359 : vector<8x384xi32>
      %sign3A_361 = arith.extui %sign3A_360 : vector<8x384xi1> to vector<8x384xi32>
      %sign3A_362 = arith.subi %sign3A_357, %sign3A_361 : vector<8x384xi32>
      %sign3A_363 = arith.constant 0 : i32
      %sign3A_364 = arith.cmpi sgt, %jit3A_351, %sign3A_363 : i32
      %sign3A_365 = arith.extui %sign3A_364 : i1 to i32
      %sign3A_366 = arith.constant 0 : i32
      %sign3A_367 = arith.cmpi slt, %jit3A_351, %sign3A_366 : i32
      %sign3A_368 = arith.extui %sign3A_367 : i1 to i32
      %sign3A_369 = arith.subi %sign3A_365, %sign3A_368 : i32
      %ne3A_370 = vector.broadcast %sign3A_369 : i32 to vector<8x384xi32>
      %ne3A_371 = arith.cmpi ne, %sign3A_362, %ne3A_370 : vector<8x384xi32>
      %rem3A_372 = vector.broadcast %jit3A_351 : i32 to vector<8x384xi32>
      %rem3A_373 = arith.remsi %select_n3A_350, %rem3A_372 : vector<8x384xi32>
      %ne3A_374 = arith.constant 0 : i32
      %ne3A_375 = vector.broadcast %ne3A_374 : i32 to vector<8x384xi32>
      %ne3A_376 = arith.cmpi ne, %rem3A_373, %ne3A_375 : vector<8x384xi32>
      %and3A_377 = arith.andi %ne3A_371, %ne3A_376 : vector<8x384xi1>
      %sub3A_378 = arith.constant 1 : i32
      %sub3A_379 = vector.broadcast %sub3A_378 : i32 to vector<8x384xi32>
      %sub3A_380 = arith.subi %div3A_353, %sub3A_379 : vector<8x384xi32>
      %select_n3A_381 = arith.select %and3A_377, %sub3A_380, %div3A_353 : vector<8x384xi1>, vector<8x384xi32>
      %eq3A_382 = arith.cmpi eq, %select_n3A_381, %iota3A_327 : vector<8x384xi32>
      %convert_element_type3A_383 = arith.extui %eq3A_382 : vector<8x384xi1> to vector<8x384xi32>
      %convert_element_type3A_384 = arith.sitofp %convert_element_type3A_383 : vector<8x384xi32> to vector<8x384xf32>
      %concatenate3A_385 = tpu.concatenate %convert_element_type3A_326, %convert_element_type3A_384 in 1 : vector<8x256xf32>, vector<8x384xf32> -> vector<8x640xf32>
      %dot_general3A_386 = arith.constant dense<0.000000e+00> : vector<1024x640xf32>
      %dot_general3A_387 = tpu.matmul %exp3A, %concatenate3A_385, %dot_general3A_386 {dimension_numbers = #tpu.dot_dimension_numbers<[1], [0], [0], [1], [0, 0, 1, 1], [], []>, transpose_lhs_hint = false} : vector<1024x8xf32>, vector<8x640xf32>, vector<1024x640xf32> -> vector<1024x640xf32>
      %slice3A_388 = vector.extract_strided_slice %concatenate3A_226 {offsets = [0, 256], sizes = [1024, 640], strides = [1, 1]} : vector<1024x896xf32> to vector<1024x640xf32>
      %mul3A_389 = arith.mulf %slice3A_388, %dot_general3A_387 : vector<1024x640xf32>
      %concatenate3A_390 = tpu.concatenate %mul3A_389, %exp3A in 1 : vector<1024x640xf32>, vector<1024x8xf32> -> vector<1024x648xf32>
      %convert_element_type3A_391 = arith.truncf %concatenate3A_390 : vector<1024x648xf32> to vector<1024x648xbf16>
      %get3A_392 = arith.constant 0 : index
      %get3A_393 = arith.constant 0 : index
      %get3A_394 = vector.load %arg13[%get3A_392, %get3A_393] : memref<128x648xf32, #tpu.memory_space<vmem>>, vector<128x648xf32>
      %dot_general3A_395 = arith.constant dense<0.000000e+00> : vector<128x648xf32>
      %dot_general3A_396 = tpu.matmul %convert_element_type3A_236, %convert_element_type3A_391, %dot_general3A_395 {dimension_numbers = #tpu.dot_dimension_numbers<[0], [0], [1], [1], [0, 1, 1, 1], [], []>, transpose_lhs_hint = false} : vector<1024x128xbf16>, vector<1024x648xbf16>, vector<128x648xf32> -> vector<128x648xf32>
      %add3A_397 = arith.addf %get3A_394, %dot_general3A_396 : vector<128x648xf32>
      %swap3A_398 = arith.constant 0 : index
      %swap3A_399 = arith.constant 0 : index
      %swap3A_400 = vector.load %arg13[%swap3A_398, %swap3A_399] : memref<128x648xf32, #tpu.memory_space<vmem>>, vector<128x648xf32>
      tpu.vector_store %arg13[%swap3A_398, %swap3A_399], %add3A_397 {strides = array<i32>} : memref<128x648xf32, #tpu.memory_space<vmem>>, vector<128x648xf32>,
      %add3A_401 = arith.constant 1 : i32
      %add3A_402 = arith.addi %add3A_205, %add3A_401 : i32
      %lt3A_403 = arith.cmpi slt, %add3A_402, %sub3A_49 : i32
      %convert_element_type3A_404 = arith.extui %lt3A_403 : i1 to i32
      %cond3A_405 = arith.constant 0 : i32
      %cond3A_406 = arith.cmpi ne, %convert_element_type3A_404, %cond3A_405 : i32
      scf.if %cond3A_406 {
        %add3A_412 = arith.constant 1 : i32
        %add3A_413 = arith.addi %add3A_205, %add3A_412 : i32
        %add3A_414 = arith.addi %select_n3A, %add3A_413 : i32
        %mul3A_415 = arith.constant 1024 : i32
        %mul3A_416 = arith.muli %add3A_414, %mul3A_415 : i32
        %dma_start3A = tpu.memref_slice %arg2[%mul3A_416] : memref<163840xi32, #tpu.memory_space<hbm>> -> memref<1024xi32, #tpu.memory_space<hbm>>
        tpu.enqueue_dma source(%dma_start3A : memref<1024xi32, #tpu.memory_space<hbm>>) target(%arg7 : memref<1024xi32, #tpu.memory_space<vmem>>) target_semaphore(%arg14 : memref<!tpu.dma_semaphore, #tpu.memory_space<semaphore_mem>>)
        %dma_start3A_417 = arith.constant 0 : i32
        %dma_start3A_418 = tpu.memref_slice %arg3[%mul3A_416, %dma_start3A_417] : memref<163840x512xi32, #tpu.memory_space<hbm>> -> memref<1024x512xi32, #tpu.memory_space<hbm>>
        tpu.enqueue_dma source(%dma_start3A_418 : memref<1024x512xi32, #tpu.memory_space<hbm>>) target(%arg8 : memref<1024x512xi32, #tpu.memory_space<vmem>>) target_semaphore(%arg15 : memref<!tpu.dma_semaphore, #tpu.memory_space<semaphore_mem>>)
        %dma_start3A_419 = arith.constant 0 : i32
        %dma_start3A_420 = tpu.memref_slice %arg4[%mul3A_416, %dma_start3A_419] : memref<163840x16xf32, #tpu.memory_space<hbm>> -> memref<1024x16xf32, #tpu.memory_space<hbm>>
        tpu.enqueue_dma source(%dma_start3A_420 : memref<1024x16xf32, #tpu.memory_space<hbm>>) target(%arg9 : memref<1024x16xf32, #tpu.memory_space<vmem>>) target_semaphore(%arg16 : memref<!tpu.dma_semaphore, #tpu.memory_space<semaphore_mem>>)
      } else {
      }
      %lt3A_407 = arith.cmpi slt, %add3A_205, %sub3A_49 : i32
      %convert_element_type3A_408 = arith.extui %lt3A_407 : i1 to i32
      %cond3A_409 = arith.constant 0 : i32
      %cond3A_410 = arith.cmpi ne, %convert_element_type3A_408, %cond3A_409 : i32
      scf.if %cond3A_410 {
        %add3A_412 = arith.addi %select_n3A, %add3A_205 : i32
        %mul3A_413 = arith.constant 1024 : i32
        %mul3A_414 = arith.muli %add3A_412, %mul3A_413 : i32
        %dma_wait3A_415 = tpu.memref_slice %arg2[%mul3A_414] : memref<163840xi32, #tpu.memory_space<hbm>> -> memref<1024xi32, #tpu.memory_space<hbm>>
        tpu.wait_dma2 semaphore(%arg17 : memref<!tpu.dma_semaphore, #tpu.memory_space<semaphore_mem>>) src(%dma_wait3A_415 : memref<1024xi32, #tpu.memory_space<hbm>>) dst(%arg10 : memref<1024xi32, #tpu.memory_space<vmem>>)
        %dma_wait3A_416 = arith.constant 0 : i32
        %dma_wait3A_417 = tpu.memref_slice %arg3[%mul3A_414, %dma_wait3A_416] : memref<163840x512xi32, #tpu.memory_space<hbm>> -> memref<1024x512xi32, #tpu.memory_space<hbm>>
        tpu.wait_dma2 semaphore(%arg18 : memref<!tpu.dma_semaphore, #tpu.memory_space<semaphore_mem>>) src(%dma_wait3A_417 : memref<1024x512xi32, #tpu.memory_space<hbm>>) dst(%arg11 : memref<1024x512xi32, #tpu.memory_space<vmem>>)
        %dma_wait3A_418 = arith.constant 0 : i32
        %dma_wait3A_419 = tpu.memref_slice %arg4[%mul3A_414, %dma_wait3A_418] : memref<163840x16xf32, #tpu.memory_space<hbm>> -> memref<1024x16xf32, #tpu.memory_space<hbm>>
        tpu.wait_dma2 semaphore(%arg19 : memref<!tpu.dma_semaphore, #tpu.memory_space<semaphore_mem>>) src(%dma_wait3A_419 : memref<1024x16xf32, #tpu.memory_space<hbm>>) dst(%arg12 : memref<1024x16xf32, #tpu.memory_space<vmem>>)
        %get3A_420 = arith.constant 0 : index
        %get3A_421 = arith.constant 0 : index
        %get3A_422 = vector.load %arg11[%get3A_420, %get3A_421] : memref<1024x512xi32, #tpu.memory_space<vmem>>, vector<1024x448xi32>
        %shift_left3A_423 = arith.constant 16 : i32
        %shift_left3A_424 = vector.broadcast %shift_left3A_423 : i32 to vector<1024x448xi32>
        %shift_left3A_425 = arith.shli %get3A_422, %shift_left3A_424 : vector<1024x448xi32>
        %bitcast_convert_type3A_426 = tpu.bitcast %shift_left3A_425 : vector<1024x448xi32> -> vector<1024x448xf32>
        %and3A_427 = arith.constant -65536 : i32
        %and3A_428 = vector.broadcast %and3A_427 : i32 to vector<1024x448xi32>
        %and3A_429 = arith.andi %get3A_422, %and3A_428 : vector<1024x448xi32>
        %bitcast_convert_type3A_430 = tpu.bitcast %and3A_429 : vector<1024x448xi32> -> vector<1024x448xf32>
        %concatenate3A_431 = tpu.concatenate %bitcast_convert_type3A_426, %bitcast_convert_type3A_430 in 1 : vector<1024x448xf32>, vector<1024x448xf32> -> vector<1024x896xf32>
        %get3A_432 = arith.constant 0 : index
        %get3A_433 = vector.load %arg10[%get3A_432] : memref<1024xi32, #tpu.memory_space<vmem>>, vector<1024xi32>
        %reshape3A_434 = vector.shape_cast %get3A_433 : vector<1024xi32> to vector<1024x1xi32>
        %iota3A_435 = tpu.iota {dimensions = array<i32: 1>} : vector<1024x128xi32>
        %sub3A_436 = vector.broadcast %mul3A_4 : i32 to vector<1024x1xi32>
        %sub3A_437 = arith.subi %reshape3A_434, %sub3A_436 : vector<1024x1xi32>
        %eq3A_438 = vector.broadcast %sub3A_437 : vector<1024x1xi32> to vector<1024x128xi32>
        %eq3A_439 = arith.cmpi eq, %eq3A_438, %iota3A_435 : vector<1024x128xi32>
        %convert_element_type3A_440 = arith.extui %eq3A_439 : vector<1024x128xi1> to vector<1024x128xi32>
        %convert_element_type3A_441 = arith.sitofp %convert_element_type3A_440 : vector<1024x128xi32> to vector<1024x128xf32>
        %convert_element_type3A_442 = arith.truncf %convert_element_type3A_441 : vector<1024x128xf32> to vector<1024x128xbf16>
        %get3A_443 = arith.constant 0 : index
        %get3A_444 = arith.constant 0 : index
        %get3A_445 = vector.load %arg5[%get3A_443, %get3A_444] : memref<128x256xbf16, #tpu.memory_space<vmem>>, vector<128x256xbf16>
        %dot_general3A_446 = arith.constant dense<0.000000e+00> : vector<1024x256xf32>
        %dot_general3A_447 = tpu.matmul %convert_element_type3A_442, %get3A_445, %dot_general3A_446 {dimension_numbers = #tpu.dot_dimension_numbers<[1], [0], [0], [1], [0, 0, 1, 1], [], []>, transpose_lhs_hint = false} : vector<1024x128xbf16>, vector<128x256xbf16>, vector<1024x256xf32> -> vector<1024x256xf32>
        %slice3A_448 = vector.extract_strided_slice %concatenate3A_431 {offsets = [0, 0], sizes = [1024, 256], strides = [1, 1]} : vector<1024x896xf32> to vector<1024x256xf32>
        %mul3A_449 = arith.mulf %dot_general3A_447, %slice3A_448 : vector<1024x256xf32>
        %convert_element_type3A_450 = arith.truncf %mul3A_449 : vector<1024x256xf32> to vector<1024x256xbf16>
        %iota3A_451 = tpu.iota {dimensions = array<i32: 0>} : vector<256x8xi32>
        %iota3A_452 = tpu.iota {dimensions = array<i32: 1>} : vector<256x8xi32>
        %jit3A_453 = arith.constant 32 : i32
        %div3A_454 = vector.broadcast %jit3A_453 : i32 to vector<256x8xi32>
        %div3A_455 = arith.divsi %iota3A_451, %div3A_454 : vector<256x8xi32>
        %sign3A_456 = arith.constant 0 : i32
        %sign3A_457 = vector.broadcast %sign3A_456 : i32 to vector<256x8xi32>
        %sign3A_458 = arith.cmpi sgt, %iota3A_451, %sign3A_457 : vector<256x8xi32>
        %sign3A_459 = arith.extui %sign3A_458 : vector<256x8xi1> to vector<256x8xi32>
        %sign3A_460 = arith.constant 0 : i32
        %sign3A_461 = vector.broadcast %sign3A_460 : i32 to vector<256x8xi32>
        %sign3A_462 = arith.cmpi slt, %iota3A_451, %sign3A_461 : vector<256x8xi32>
        %sign3A_463 = arith.extui %sign3A_462 : vector<256x8xi1> to vector<256x8xi32>
        %sign3A_464 = arith.subi %sign3A_459, %sign3A_463 : vector<256x8xi32>
        %sign3A_465 = arith.constant 0 : i32
        %sign3A_466 = arith.cmpi sgt, %jit3A_453, %sign3A_465 : i32
        %sign3A_467 = arith.extui %sign3A_466 : i1 to i32
        %sign3A_468 = arith.constant 0 : i32
        %sign3A_469 = arith.cmpi slt, %jit3A_453, %sign3A_468 : i32
        %sign3A_470 = arith.extui %sign3A_469 : i1 to i32
        %sign3A_471 = arith.subi %sign3A_467, %sign3A_470 : i32
        %ne3A_472 = vector.broadcast %sign3A_471 : i32 to vector<256x8xi32>
        %ne3A_473 = arith.cmpi ne, %sign3A_464, %ne3A_472 : vector<256x8xi32>
        %rem3A_474 = vector.broadcast %jit3A_453 : i32 to vector<256x8xi32>
        %rem3A_475 = arith.remsi %iota3A_451, %rem3A_474 : vector<256x8xi32>
        %ne3A_476 = arith.constant 0 : i32
        %ne3A_477 = vector.broadcast %ne3A_476 : i32 to vector<256x8xi32>
        %ne3A_478 = arith.cmpi ne, %rem3A_475, %ne3A_477 : vector<256x8xi32>
        %and3A_479 = arith.andi %ne3A_473, %ne3A_478 : vector<256x8xi1>
        %sub3A_480 = arith.constant 1 : i32
        %sub3A_481 = vector.broadcast %sub3A_480 : i32 to vector<256x8xi32>
        %sub3A_482 = arith.subi %div3A_455, %sub3A_481 : vector<256x8xi32>
        %select_n3A_483 = arith.select %and3A_479, %sub3A_482, %div3A_455 : vector<256x8xi1>, vector<256x8xi32>
        %eq3A_484 = arith.cmpi eq, %select_n3A_483, %iota3A_452 : vector<256x8xi32>
        %convert_element_type3A_485 = arith.extui %eq3A_484 : vector<256x8xi1> to vector<256x8xi32>
        %convert_element_type3A_486 = arith.sitofp %convert_element_type3A_485 : vector<256x8xi32> to vector<256x8xf32>
        %convert_element_type3A_487 = arith.truncf %convert_element_type3A_486 : vector<256x8xf32> to vector<256x8xbf16>
        %dot_general3A_488 = arith.constant dense<0.000000e+00> : vector<1024x8xf32>
        %dot_general3A_489 = tpu.matmul %convert_element_type3A_450, %convert_element_type3A_487, %dot_general3A_488 {dimension_numbers = #tpu.dot_dimension_numbers<[1], [0], [0], [1], [0, 0, 1, 1], [], []>, transpose_lhs_hint = false} : vector<1024x256xbf16>, vector<256x8xbf16>, vector<1024x8xf32> -> vector<1024x8xf32>
        %get3A_490 = arith.constant 0 : index
        %get3A_491 = arith.constant 0 : index
        %get3A_492 = vector.load %arg12[%get3A_490, %get3A_491] : memref<1024x16xf32, #tpu.memory_space<vmem>>, vector<1024x8xf32>
        %add3A_493 = arith.addf %dot_general3A_489, %get3A_492 : vector<1024x8xf32>
        %jit3A_494 = arith.constant -6.000000e+01 : f32
        %jit3A_495 = arith.constant 6.000000e+01 : f32
        %max3A_496 = vector.broadcast %jit3A_494 : f32 to vector<1024x8xf32>
        %max3A_497 = arith.maximumf %max3A_496, %add3A_493 : vector<1024x8xf32>
        %min3A_498 = vector.broadcast %jit3A_495 : f32 to vector<1024x8xf32>
        %min3A_499 = arith.minimumf %min3A_498, %max3A_497 : vector<1024x8xf32>
        %exp3A_500 = math.exp %min3A_499 : vector<1024x8xf32>
        %iota3A_501 = tpu.iota {dimensions = array<i32: 0>} : vector<8x256xi32>
        %iota3A_502 = tpu.iota {dimensions = array<i32: 1>} : vector<8x256xi32>
        %jit3A_503 = arith.constant 32 : i32
        %div3A_504 = vector.broadcast %jit3A_503 : i32 to vector<8x256xi32>
        %div3A_505 = arith.divsi %iota3A_502, %div3A_504 : vector<8x256xi32>
        %sign3A_506 = arith.constant 0 : i32
        %sign3A_507 = vector.broadcast %sign3A_506 : i32 to vector<8x256xi32>
        %sign3A_508 = arith.cmpi sgt, %iota3A_502, %sign3A_507 : vector<8x256xi32>
        %sign3A_509 = arith.extui %sign3A_508 : vector<8x256xi1> to vector<8x256xi32>
        %sign3A_510 = arith.constant 0 : i32
        %sign3A_511 = vector.broadcast %sign3A_510 : i32 to vector<8x256xi32>
        %sign3A_512 = arith.cmpi slt, %iota3A_502, %sign3A_511 : vector<8x256xi32>
        %sign3A_513 = arith.extui %sign3A_512 : vector<8x256xi1> to vector<8x256xi32>
        %sign3A_514 = arith.subi %sign3A_509, %sign3A_513 : vector<8x256xi32>
        %sign3A_515 = arith.constant 0 : i32
        %sign3A_516 = arith.cmpi sgt, %jit3A_503, %sign3A_515 : i32
        %sign3A_517 = arith.extui %sign3A_516 : i1 to i32
        %sign3A_518 = arith.constant 0 : i32
        %sign3A_519 = arith.cmpi slt, %jit3A_503, %sign3A_518 : i32
        %sign3A_520 = arith.extui %sign3A_519 : i1 to i32
        %sign3A_521 = arith.subi %sign3A_517, %sign3A_520 : i32
        %ne3A_522 = vector.broadcast %sign3A_521 : i32 to vector<8x256xi32>
        %ne3A_523 = arith.cmpi ne, %sign3A_514, %ne3A_522 : vector<8x256xi32>
        %rem3A_524 = vector.broadcast %jit3A_503 : i32 to vector<8x256xi32>
        %rem3A_525 = arith.remsi %iota3A_502, %rem3A_524 : vector<8x256xi32>
        %ne3A_526 = arith.constant 0 : i32
        %ne3A_527 = vector.broadcast %ne3A_526 : i32 to vector<8x256xi32>
        %ne3A_528 = arith.cmpi ne, %rem3A_525, %ne3A_527 : vector<8x256xi32>
        %and3A_529 = arith.andi %ne3A_523, %ne3A_528 : vector<8x256xi1>
        %sub3A_530 = arith.constant 1 : i32
        %sub3A_531 = vector.broadcast %sub3A_530 : i32 to vector<8x256xi32>
        %sub3A_532 = arith.subi %div3A_505, %sub3A_531 : vector<8x256xi32>
        %select_n3A_533 = arith.select %and3A_529, %sub3A_532, %div3A_505 : vector<8x256xi1>, vector<8x256xi32>
        %eq3A_534 = arith.cmpi eq, %select_n3A_533, %iota3A_501 : vector<8x256xi32>
        %convert_element_type3A_535 = arith.extui %eq3A_534 : vector<8x256xi1> to vector<8x256xi32>
        %convert_element_type3A_536 = arith.sitofp %convert_element_type3A_535 : vector<8x256xi32> to vector<8x256xf32>
        %iota3A_537 = tpu.iota {dimensions = array<i32: 0>} : vector<8x384xi32>
        %iota3A_538 = tpu.iota {dimensions = array<i32: 1>} : vector<8x384xi32>
        %jit3A_539 = arith.constant 128 : i32
        %eq3A_540 = arith.constant 0 : i32
        %eq3A_541 = arith.cmpi eq, %jit3A_539, %eq3A_540 : i32
        %jit3A_542 = arith.constant 1 : i32
        %select_n3A_543 = arith.select %eq3A_541, %jit3A_542, %jit3A_539 : i32
        %rem3A_544 = vector.broadcast %select_n3A_543 : i32 to vector<8x384xi32>
        %rem3A_545 = arith.remsi %iota3A_538, %rem3A_544 : vector<8x384xi32>
        %ne3A_546 = arith.constant 0 : i32
        %ne3A_547 = vector.broadcast %ne3A_546 : i32 to vector<8x384xi32>
        %ne3A_548 = arith.cmpi ne, %rem3A_545, %ne3A_547 : vector<8x384xi32>
        %lt3A_549 = arith.constant 0 : i32
        %lt3A_550 = vector.broadcast %lt3A_549 : i32 to vector<8x384xi32>
        %lt3A_551 = arith.cmpi slt, %rem3A_545, %lt3A_550 : vector<8x384xi32>
        %lt3A_552 = arith.constant 0 : i32
        %lt3A_553 = arith.cmpi slt, %select_n3A_543, %lt3A_552 : i32
        %ne3A_554 = vector.broadcast %lt3A_553 : i1 to vector<8x384xi1>
        %ne3A_555 = vector.broadcast %ne3A_554 : vector<8x384xi1> to vector<8x384xi1>
        %ne3A_556 = arith.xori %lt3A_551, %ne3A_555 : vector<8x384xi1>
        %and3A_557 = arith.andi %ne3A_556, %ne3A_548 : vector<8x384xi1>
        %add3A_558 = vector.broadcast %select_n3A_543 : i32 to vector<8x384xi32>
        %add3A_559 = arith.addi %rem3A_545, %add3A_558 : vector<8x384xi32>
        %select_n3A_560 = arith.select %and3A_557, %add3A_559, %rem3A_545 : vector<8x384xi1>, vector<8x384xi32>
        %jit3A_561 = arith.constant 16 : i32
        %div3A_562 = vector.broadcast %jit3A_561 : i32 to vector<8x384xi32>
        %div3A_563 = arith.divsi %select_n3A_560, %div3A_562 : vector<8x384xi32>
        %sign3A_564 = arith.constant 0 : i32
        %sign3A_565 = vector.broadcast %sign3A_564 : i32 to vector<8x384xi32>
        %sign3A_566 = arith.cmpi sgt, %select_n3A_560, %sign3A_565 : vector<8x384xi32>
        %sign3A_567 = arith.extui %sign3A_566 : vector<8x384xi1> to vector<8x384xi32>
        %sign3A_568 = arith.constant 0 : i32
        %sign3A_569 = vector.broadcast %sign3A_568 : i32 to vector<8x384xi32>
        %sign3A_570 = arith.cmpi slt, %select_n3A_560, %sign3A_569 : vector<8x384xi32>
        %sign3A_571 = arith.extui %sign3A_570 : vector<8x384xi1> to vector<8x384xi32>
        %sign3A_572 = arith.subi %sign3A_567, %sign3A_571 : vector<8x384xi32>
        %sign3A_573 = arith.constant 0 : i32
        %sign3A_574 = arith.cmpi sgt, %jit3A_561, %sign3A_573 : i32
        %sign3A_575 = arith.extui %sign3A_574 : i1 to i32
        %sign3A_576 = arith.constant 0 : i32
        %sign3A_577 = arith.cmpi slt, %jit3A_561, %sign3A_576 : i32
        %sign3A_578 = arith.extui %sign3A_577 : i1 to i32
        %sign3A_579 = arith.subi %sign3A_575, %sign3A_578 : i32
        %ne3A_580 = vector.broadcast %sign3A_579 : i32 to vector<8x384xi32>
        %ne3A_581 = arith.cmpi ne, %sign3A_572, %ne3A_580 : vector<8x384xi32>
        %rem3A_582 = vector.broadcast %jit3A_561 : i32 to vector<8x384xi32>
        %rem3A_583 = arith.remsi %select_n3A_560, %rem3A_582 : vector<8x384xi32>
        %ne3A_584 = arith.constant 0 : i32
        %ne3A_585 = vector.broadcast %ne3A_584 : i32 to vector<8x384xi32>
        %ne3A_586 = arith.cmpi ne, %rem3A_583, %ne3A_585 : vector<8x384xi32>
        %and3A_587 = arith.andi %ne3A_581, %ne3A_586 : vector<8x384xi1>
        %sub3A_588 = arith.constant 1 : i32
        %sub3A_589 = vector.broadcast %sub3A_588 : i32 to vector<8x384xi32>
        %sub3A_590 = arith.subi %div3A_563, %sub3A_589 : vector<8x384xi32>
        %select_n3A_591 = arith.select %and3A_587, %sub3A_590, %div3A_563 : vector<8x384xi1>, vector<8x384xi32>
        %eq3A_592 = arith.cmpi eq, %select_n3A_591, %iota3A_537 : vector<8x384xi32>
        %convert_element_type3A_593 = arith.extui %eq3A_592 : vector<8x384xi1> to vector<8x384xi32>
        %convert_element_type3A_594 = arith.sitofp %convert_element_type3A_593 : vector<8x384xi32> to vector<8x384xf32>
        %concatenate3A_595 = tpu.concatenate %convert_element_type3A_536, %convert_element_type3A_594 in 1 : vector<8x256xf32>, vector<8x384xf32> -> vector<8x640xf32>
        %dot_general3A_596 = arith.constant dense<0.000000e+00> : vector<1024x640xf32>
        %dot_general3A_597 = tpu.matmul %exp3A_500, %concatenate3A_595, %dot_general3A_596 {dimension_numbers = #tpu.dot_dimension_numbers<[1], [0], [0], [1], [0, 0, 1, 1], [], []>, transpose_lhs_hint = false} : vector<1024x8xf32>, vector<8x640xf32>, vector<1024x640xf32> -> vector<1024x640xf32>
        %slice3A_598 = vector.extract_strided_slice %concatenate3A_431 {offsets = [0, 256], sizes = [1024, 640], strides = [1, 1]} : vector<1024x896xf32> to vector<1024x640xf32>
        %mul3A_599 = arith.mulf %slice3A_598, %dot_general3A_597 : vector<1024x640xf32>
        %concatenate3A_600 = tpu.concatenate %mul3A_599, %exp3A_500 in 1 : vector<1024x640xf32>, vector<1024x8xf32> -> vector<1024x648xf32>
        %convert_element_type3A_601 = arith.truncf %concatenate3A_600 : vector<1024x648xf32> to vector<1024x648xbf16>
        %get3A_602 = arith.constant 0 : index
        %get3A_603 = arith.constant 0 : index
        %get3A_604 = vector.load %arg13[%get3A_602, %get3A_603] : memref<128x648xf32, #tpu.memory_space<vmem>>, vector<128x648xf32>
        %dot_general3A_605 = arith.constant dense<0.000000e+00> : vector<128x648xf32>
        %dot_general3A_606 = tpu.matmul %convert_element_type3A_442, %convert_element_type3A_601, %dot_general3A_605 {dimension_numbers = #tpu.dot_dimension_numbers<[0], [0], [1], [1], [0, 1, 1, 1], [], []>, transpose_lhs_hint = false} : vector<1024x128xbf16>, vector<1024x648xbf16>, vector<128x648xf32> -> vector<128x648xf32>
        %add3A_607 = arith.addf %get3A_604, %dot_general3A_606 : vector<128x648xf32>
        %swap3A_608 = arith.constant 0 : index
        %swap3A_609 = arith.constant 0 : index
        %swap3A_610 = vector.load %arg13[%swap3A_608, %swap3A_609] : memref<128x648xf32, #tpu.memory_space<vmem>>, vector<128x648xf32>
        tpu.vector_store %arg13[%swap3A_608, %swap3A_609], %add3A_607 {strides = array<i32>} : memref<128x648xf32, #tpu.memory_space<vmem>>, vector<128x648xf32>,
      } else {
      }
      %while3A_411 = arith.constant 0 : i32
      scf.yield %while3A_411 : i32
    }
    %get3A_92 = arith.constant 0 : index
    %get3A_93 = arith.constant 640 : index
    %get3A_94 = vector.load %arg13[%get3A_92, %get3A_93] : memref<128x648xf32, #tpu.memory_space<vmem>>, vector<128x8xf32>
    %iota3A = tpu.iota {dimensions = array<i32: 0>} : vector<8x256xi32>
    %iota3A_95 = tpu.iota {dimensions = array<i32: 1>} : vector<8x256xi32>
    %jit3A_96 = arith.constant 32 : i32
    %div3A_97 = vector.broadcast %jit3A_96 : i32 to vector<8x256xi32>
    %div3A_98 = arith.divsi %iota3A_95, %div3A_97 : vector<8x256xi32>
    %sign3A_99 = arith.constant 0 : i32
    %sign3A_100 = vector.broadcast %sign3A_99 : i32 to vector<8x256xi32>
    %sign3A_101 = arith.cmpi sgt, %iota3A_95, %sign3A_100 : vector<8x256xi32>
    %sign3A_102 = arith.extui %sign3A_101 : vector<8x256xi1> to vector<8x256xi32>
    %sign3A_103 = arith.constant 0 : i32
    %sign3A_104 = vector.broadcast %sign3A_103 : i32 to vector<8x256xi32>
    %sign3A_105 = arith.cmpi slt, %iota3A_95, %sign3A_104 : vector<8x256xi32>
    %sign3A_106 = arith.extui %sign3A_105 : vector<8x256xi1> to vector<8x256xi32>
    %sign3A_107 = arith.subi %sign3A_102, %sign3A_106 : vector<8x256xi32>
    %sign3A_108 = arith.constant 0 : i32
    %sign3A_109 = arith.cmpi sgt, %jit3A_96, %sign3A_108 : i32
    %sign3A_110 = arith.extui %sign3A_109 : i1 to i32
    %sign3A_111 = arith.constant 0 : i32
    %sign3A_112 = arith.cmpi slt, %jit3A_96, %sign3A_111 : i32
    %sign3A_113 = arith.extui %sign3A_112 : i1 to i32
    %sign3A_114 = arith.subi %sign3A_110, %sign3A_113 : i32
    %ne3A_115 = vector.broadcast %sign3A_114 : i32 to vector<8x256xi32>
    %ne3A_116 = arith.cmpi ne, %sign3A_107, %ne3A_115 : vector<8x256xi32>
    %rem3A_117 = vector.broadcast %jit3A_96 : i32 to vector<8x256xi32>
    %rem3A_118 = arith.remsi %iota3A_95, %rem3A_117 : vector<8x256xi32>
    %ne3A_119 = arith.constant 0 : i32
    %ne3A_120 = vector.broadcast %ne3A_119 : i32 to vector<8x256xi32>
    %ne3A_121 = arith.cmpi ne, %rem3A_118, %ne3A_120 : vector<8x256xi32>
    %and3A_122 = arith.andi %ne3A_116, %ne3A_121 : vector<8x256xi1>
    %sub3A_123 = arith.constant 1 : i32
    %sub3A_124 = vector.broadcast %sub3A_123 : i32 to vector<8x256xi32>
    %sub3A_125 = arith.subi %div3A_98, %sub3A_124 : vector<8x256xi32>
    %select_n3A_126 = arith.select %and3A_122, %sub3A_125, %div3A_98 : vector<8x256xi1>, vector<8x256xi32>
    %eq3A = arith.cmpi eq, %select_n3A_126, %iota3A : vector<8x256xi32>
    %convert_element_type3A_127 = arith.extui %eq3A : vector<8x256xi1> to vector<8x256xi32>
    %convert_element_type3A_128 = arith.sitofp %convert_element_type3A_127 : vector<8x256xi32> to vector<8x256xf32>
    %iota3A_129 = tpu.iota {dimensions = array<i32: 0>} : vector<8x384xi32>
    %iota3A_130 = tpu.iota {dimensions = array<i32: 1>} : vector<8x384xi32>
    %jit3A_131 = arith.constant 128 : i32
    %eq3A_132 = arith.constant 0 : i32
    %eq3A_133 = arith.cmpi eq, %jit3A_131, %eq3A_132 : i32
    %jit3A_134 = arith.constant 1 : i32
    %select_n3A_135 = arith.select %eq3A_133, %jit3A_134, %jit3A_131 : i32
    %rem3A_136 = vector.broadcast %select_n3A_135 : i32 to vector<8x384xi32>
    %rem3A_137 = arith.remsi %iota3A_130, %rem3A_136 : vector<8x384xi32>
    %ne3A_138 = arith.constant 0 : i32
    %ne3A_139 = vector.broadcast %ne3A_138 : i32 to vector<8x384xi32>
    %ne3A_140 = arith.cmpi ne, %rem3A_137, %ne3A_139 : vector<8x384xi32>
    %lt3A = arith.constant 0 : i32
    %lt3A_141 = vector.broadcast %lt3A : i32 to vector<8x384xi32>
    %lt3A_142 = arith.cmpi slt, %rem3A_137, %lt3A_141 : vector<8x384xi32>
    %lt3A_143 = arith.constant 0 : i32
    %lt3A_144 = arith.cmpi slt, %select_n3A_135, %lt3A_143 : i32
    %ne3A_145 = vector.broadcast %lt3A_144 : i1 to vector<8x384xi1>
    %ne3A_146 = vector.broadcast %ne3A_145 : vector<8x384xi1> to vector<8x384xi1>
    %ne3A_147 = arith.xori %lt3A_142, %ne3A_146 : vector<8x384xi1>
    %and3A_148 = arith.andi %ne3A_147, %ne3A_140 : vector<8x384xi1>
    %add3A_149 = vector.broadcast %select_n3A_135 : i32 to vector<8x384xi32>
    %add3A_150 = arith.addi %rem3A_137, %add3A_149 : vector<8x384xi32>
    %select_n3A_151 = arith.select %and3A_148, %add3A_150, %rem3A_137 : vector<8x384xi1>, vector<8x384xi32>
    %jit3A_152 = arith.constant 16 : i32
    %div3A_153 = vector.broadcast %jit3A_152 : i32 to vector<8x384xi32>
    %div3A_154 = arith.divsi %select_n3A_151, %div3A_153 : vector<8x384xi32>
    %sign3A_155 = arith.constant 0 : i32
    %sign3A_156 = vector.broadcast %sign3A_155 : i32 to vector<8x384xi32>
    %sign3A_157 = arith.cmpi sgt, %select_n3A_151, %sign3A_156 : vector<8x384xi32>
    %sign3A_158 = arith.extui %sign3A_157 : vector<8x384xi1> to vector<8x384xi32>
    %sign3A_159 = arith.constant 0 : i32
    %sign3A_160 = vector.broadcast %sign3A_159 : i32 to vector<8x384xi32>
    %sign3A_161 = arith.cmpi slt, %select_n3A_151, %sign3A_160 : vector<8x384xi32>
    %sign3A_162 = arith.extui %sign3A_161 : vector<8x384xi1> to vector<8x384xi32>
    %sign3A_163 = arith.subi %sign3A_158, %sign3A_162 : vector<8x384xi32>
    %sign3A_164 = arith.constant 0 : i32
    %sign3A_165 = arith.cmpi sgt, %jit3A_152, %sign3A_164 : i32
    %sign3A_166 = arith.extui %sign3A_165 : i1 to i32
    %sign3A_167 = arith.constant 0 : i32
    %sign3A_168 = arith.cmpi slt, %jit3A_152, %sign3A_167 : i32
    %sign3A_169 = arith.extui %sign3A_168 : i1 to i32
    %sign3A_170 = arith.subi %sign3A_166, %sign3A_169 : i32
    %ne3A_171 = vector.broadcast %sign3A_170 : i32 to vector<8x384xi32>
    %ne3A_172 = arith.cmpi ne, %sign3A_163, %ne3A_171 : vector<8x384xi32>
    %rem3A_173 = vector.broadcast %jit3A_152 : i32 to vector<8x384xi32>
    %rem3A_174 = arith.remsi %select_n3A_151, %rem3A_173 : vector<8x384xi32>
    %ne3A_175 = arith.constant 0 : i32
    %ne3A_176 = vector.broadcast %ne3A_175 : i32 to vector<8x384xi32>
    %ne3A_177 = arith.cmpi ne, %rem3A_174, %ne3A_176 : vector<8x384xi32>
    %and3A_178 = arith.andi %ne3A_172, %ne3A_177 : vector<8x384xi1>
    %sub3A_179 = arith.constant 1 : i32
    %sub3A_180 = vector.broadcast %sub3A_179 : i32 to vector<8x384xi32>
    %sub3A_181 = arith.subi %div3A_154, %sub3A_180 : vector<8x384xi32>
    %select_n3A_182 = arith.select %and3A_178, %sub3A_181, %div3A_154 : vector<8x384xi1>, vector<8x384xi32>
    %eq3A_183 = arith.cmpi eq, %select_n3A_182, %iota3A_129 : vector<8x384xi32>
    %convert_element_type3A_184 = arith.extui %eq3A_183 : vector<8x384xi1> to vector<8x384xi32>
    %convert_element_type3A_185 = arith.sitofp %convert_element_type3A_184 : vector<8x384xi32> to vector<8x384xf32>
    %concatenate3A = tpu.concatenate %convert_element_type3A_128, %convert_element_type3A_185 in 1 : vector<8x256xf32>, vector<8x384xf32> -> vector<8x640xf32>
    %dot_general3A = arith.constant dense<0.000000e+00> : vector<128x640xf32>
    %dot_general3A_186 = tpu.matmul %get3A_94, %concatenate3A, %dot_general3A {dimension_numbers = #tpu.dot_dimension_numbers<[1], [0], [0], [1], [0, 0, 1, 1], [], []>, transpose_lhs_hint = false} : vector<128x8xf32>, vector<8x640xf32>, vector<128x640xf32> -> vector<128x640xf32>
    %gt3A_187 = arith.constant 0.000000e+00 : f32
    %gt3A_188 = vector.broadcast %gt3A_187 : f32 to vector<128x640xf32>
    %gt3A_189 = arith.cmpf ogt, %dot_general3A_186, %gt3A_188 : vector<128x640xf32>
    %get3A_190 = arith.constant 0 : index
    %get3A_191 = arith.constant 0 : index
    %get3A_192 = vector.load %arg13[%get3A_190, %get3A_191] : memref<128x648xf32, #tpu.memory_space<vmem>>, vector<128x640xf32>
    %div3A_193 = arith.divf %get3A_192, %dot_general3A_186 : vector<128x640xf32>
    %jit3A_194 = arith.constant 0.000000e+00 : f32
    %broadcast_in_dim3A_195 = vector.broadcast %jit3A_194 : f32 to vector<128x640xf32>
    %select_n3A_196 = arith.select %gt3A_189, %div3A_193, %broadcast_in_dim3A_195 : vector<128x640xi1>, vector<128x640xf32>
    %swap3A_197 = arith.constant 0 : index
    %swap3A_198 = arith.constant 0 : index
    %swap3A_199 = vector.load %arg6[%swap3A_197, %swap3A_198] : memref<128x640xf32, #tpu.memory_space<vmem>>, vector<128x640xf32>
    tpu.vector_store %arg6[%swap3A_197, %swap3A_198], %select_n3A_196 {strides = array<i32>} : memref<128x640xf32, #tpu.memory_space<vmem>>, vector<128x640xf32>,
    return
  }
  func.func @transform_3(%arg0: i32, %arg1: memref<81xi32, #tpu.memory_space<smem>>) -> (i32, i32) {
    %c0_i32 = arith.constant 0 : i32
    %c0_i32_0 = arith.constant 0 : i32
    return %arg0, %c0_i32 : i32, i32
  }
  func.func @transform_4(%arg0: i32, %arg1: memref<81xi32, #tpu.memory_space<smem>>) -> (i32, i32) {
    %c0_i32 = arith.constant 0 : i32
    %c0_i32_0 = arith.constant 0 : i32
    return %arg0, %c0_i32 : i32, i32
  }
}

module attributes {stable_mosaic.version = 14 : i64} {
  func.func @_post_kernel(%arg0: i32, %arg1: memref<512x256xf32, #tpu.memory_space<vmem>>, %arg2: memref<512x384xf32, #tpu.memory_space<vmem>>, %arg3: memref<512x640xf32, #tpu.memory_space<vmem>>, %arg4: memref<256x256xf32, #tpu.memory_space<vmem>>, %arg5: memref<128x128xf32, #tpu.memory_space<vmem>>, %arg6: memref<256x768xf32, #tpu.memory_space<vmem>>, %arg7: memref<768x256xf32, #tpu.memory_space<vmem>>, %arg8: memref<256x384xf32, #tpu.memory_space<vmem>>, %arg9: memref<128x384xf32, #tpu.memory_space<vmem>>, %arg10: memref<384x128xf32, #tpu.memory_space<vmem>>, %arg11: memref<512x256xf32, #tpu.memory_space<vmem>>, %arg12: memref<512x384xf32, #tpu.memory_space<vmem>>) attributes {dimension_semantics = [#tpu.dimension_semantics<arbitrary>], iteration_bounds = array<i64: 20>, scalar_prefetch = 0 : i64, scratch_operands = 0 : i64, tpu.core_type = #tpu.core_type<tc>, window_params = [{transform_indices = @transform_0, window_bounds = array<i64: 512, 256>}, {transform_indices = @transform_1, window_bounds = array<i64: 512, 384>}, {transform_indices = @transform_2, window_bounds = array<i64: 512, 640>}, {pipeline_mode = #tpu.pipeline_mode<synchronous>, transform_indices = @transform_3, window_bounds = array<i64: 256, 256>}, {pipeline_mode = #tpu.pipeline_mode<synchronous>, transform_indices = @transform_4, window_bounds = array<i64: 128, 128>}, {pipeline_mode = #tpu.pipeline_mode<synchronous>, transform_indices = @transform_5, window_bounds = array<i64: 256, 768>}, {pipeline_mode = #tpu.pipeline_mode<synchronous>, transform_indices = @transform_6, window_bounds = array<i64: 768, 256>}, {pipeline_mode = #tpu.pipeline_mode<synchronous>, transform_indices = @transform_7, window_bounds = array<i64: 256, 384>}, {pipeline_mode = #tpu.pipeline_mode<synchronous>, transform_indices = @transform_8, window_bounds = array<i64: 128, 384>}, {pipeline_mode = #tpu.pipeline_mode<synchronous>, transform_indices = @transform_9, window_bounds = array<i64: 384, 128>}, {transform_indices = @transform_10, window_bounds = array<i64: 512, 256>}, {transform_indices = @transform_11, window_bounds = array<i64: 512, 384>}]} {
    %get3A = arith.constant 0 : index
    %get3A_0 = arith.constant 0 : index
    %get3A_1 = vector.load %arg1[%get3A, %get3A_0] : memref<512x256xf32, #tpu.memory_space<vmem>>, vector<512x256xf32>
    %get3A_2 = arith.constant 0 : index
    %get3A_3 = arith.constant 0 : index
    %get3A_4 = vector.load %arg3[%get3A_2, %get3A_3] : memref<512x640xf32, #tpu.memory_space<vmem>>, vector<512x256xf32>
    %get3A_5 = arith.constant 0 : index
    %get3A_6 = arith.constant 0 : index
    %get3A_7 = vector.load %arg4[%get3A_5, %get3A_6] : memref<256x256xf32, #tpu.memory_space<vmem>>, vector<256x256xf32>
    %dot_general3A = arith.constant dense<0.000000e+00> : vector<512x256xf32>
    %dot_general3A_8 = tpu.matmul %get3A_4, %get3A_7, %dot_general3A {dimension_numbers = #tpu.dot_dimension_numbers<[1], [0], [0], [1], [0, 0, 1, 1], [], []>, transpose_lhs_hint = false} : vector<512x256xf32>, vector<256x256xf32>, vector<512x256xf32> -> vector<512x256xf32>
    %add3A = arith.addf %get3A_1, %dot_general3A_8 : vector<512x256xf32>
    %get3A_9 = arith.constant 0 : index
    %get3A_10 = arith.constant 0 : index
    %get3A_11 = vector.load %arg2[%get3A_9, %get3A_10] : memref<512x384xf32, #tpu.memory_space<vmem>>, vector<512x128xf32>
    %get3A_12 = arith.constant 0 : index
    %get3A_13 = arith.constant 256 : index
    %get3A_14 = vector.load %arg3[%get3A_12, %get3A_13] : memref<512x640xf32, #tpu.memory_space<vmem>>, vector<512x128xf32>
    %get3A_15 = arith.constant 0 : index
    %get3A_16 = arith.constant 0 : index
    %get3A_17 = vector.load %arg5[%get3A_15, %get3A_16] : memref<128x128xf32, #tpu.memory_space<vmem>>, vector<128x128xf32>
    %dot_general3A_18 = arith.constant dense<0.000000e+00> : vector<512x128xf32>
    %dot_general3A_19 = tpu.matmul %get3A_14, %get3A_17, %dot_general3A_18 {dimension_numbers = #tpu.dot_dimension_numbers<[1], [0], [0], [1], [0, 0, 1, 1], [], []>, transpose_lhs_hint = false} : vector<512x128xf32>, vector<128x128xf32>, vector<512x128xf32> -> vector<512x128xf32>
    %add3A_20 = arith.addf %get3A_11, %dot_general3A_19 : vector<512x128xf32>
    %get3A_21 = arith.constant 0 : index
    %get3A_22 = arith.constant 128 : index
    %get3A_23 = vector.load %arg2[%get3A_21, %get3A_22] : memref<512x384xf32, #tpu.memory_space<vmem>>, vector<512x128xf32>
    %get3A_24 = arith.constant 0 : index
    %get3A_25 = arith.constant 384 : index
    %get3A_26 = vector.load %arg3[%get3A_24, %get3A_25] : memref<512x640xf32, #tpu.memory_space<vmem>>, vector<512x128xf32>
    %get3A_27 = arith.constant 0 : index
    %get3A_28 = arith.constant 0 : index
    %get3A_29 = vector.load %arg5[%get3A_27, %get3A_28] : memref<128x128xf32, #tpu.memory_space<vmem>>, vector<128x128xf32>
    %dot_general3A_30 = arith.constant dense<0.000000e+00> : vector<512x128xf32>
    %dot_general3A_31 = tpu.matmul %get3A_26, %get3A_29, %dot_general3A_30 {dimension_numbers = #tpu.dot_dimension_numbers<[1], [0], [0], [1], [0, 0, 1, 1], [], []>, transpose_lhs_hint = false} : vector<512x128xf32>, vector<128x128xf32>, vector<512x128xf32> -> vector<512x128xf32>
    %add3A_32 = arith.addf %get3A_23, %dot_general3A_31 : vector<512x128xf32>
    %get3A_33 = arith.constant 0 : index
    %get3A_34 = arith.constant 256 : index
    %get3A_35 = vector.load %arg2[%get3A_33, %get3A_34] : memref<512x384xf32, #tpu.memory_space<vmem>>, vector<512x128xf32>
    %get3A_36 = arith.constant 0 : index
    %get3A_37 = arith.constant 512 : index
    %get3A_38 = vector.load %arg3[%get3A_36, %get3A_37] : memref<512x640xf32, #tpu.memory_space<vmem>>, vector<512x128xf32>
    %get3A_39 = arith.constant 0 : index
    %get3A_40 = arith.constant 0 : index
    %get3A_41 = vector.load %arg5[%get3A_39, %get3A_40] : memref<128x128xf32, #tpu.memory_space<vmem>>, vector<128x128xf32>
    %dot_general3A_42 = arith.constant dense<0.000000e+00> : vector<512x128xf32>
    %dot_general3A_43 = tpu.matmul %get3A_38, %get3A_41, %dot_general3A_42 {dimension_numbers = #tpu.dot_dimension_numbers<[1], [0], [0], [1], [0, 0, 1, 1], [], []>, transpose_lhs_hint = false} : vector<512x128xf32>, vector<128x128xf32>, vector<512x128xf32> -> vector<512x128xf32>
    %add3A_44 = arith.addf %get3A_35, %dot_general3A_43 : vector<512x128xf32>
    %reduce_sum3A = arith.constant dense<0.000000e+00> : vector<512xf32>
    %reduce_sum3A_45 = vector.multi_reduction <add>, %add3A, %reduce_sum3A [1] : vector<512x256xf32> to vector<512xf32>
    %broadcast_in_dim3A = vector.shape_cast %reduce_sum3A_45 : vector<512xf32> to vector<512x1xf32>
    %div3A = arith.constant 2.560000e+02 : f32
    %div3A_46 = vector.broadcast %div3A : f32 to vector<512x1xf32>
    %div3A_47 = arith.divf %broadcast_in_dim3A, %div3A_46 : vector<512x1xf32>
    %sub3A = vector.broadcast %div3A_47 : vector<512x1xf32> to vector<512x256xf32>
    %sub3A_48 = arith.subf %add3A, %sub3A : vector<512x256xf32>
    %integer_pow3A = arith.mulf %sub3A_48, %sub3A_48 : vector<512x256xf32>
    %reduce_sum3A_49 = arith.constant dense<0.000000e+00> : vector<512xf32>
    %reduce_sum3A_50 = vector.multi_reduction <add>, %integer_pow3A, %reduce_sum3A_49 [1] : vector<512x256xf32> to vector<512xf32>
    %broadcast_in_dim3A_51 = vector.shape_cast %reduce_sum3A_50 : vector<512xf32> to vector<512x1xf32>
    %div3A_52 = arith.constant 2.560000e+02 : f32
    %div3A_53 = vector.broadcast %div3A_52 : f32 to vector<512x1xf32>
    %div3A_54 = arith.divf %broadcast_in_dim3A_51, %div3A_53 : vector<512x1xf32>
    %sub3A_55 = vector.broadcast %div3A_47 : vector<512x1xf32> to vector<512x256xf32>
    %sub3A_56 = arith.subf %add3A, %sub3A_55 : vector<512x256xf32>
    %add3A_57 = arith.constant 9.99999974E-6 : f32
    %add3A_58 = vector.broadcast %add3A_57 : f32 to vector<512x1xf32>
    %add3A_59 = arith.addf %div3A_54, %add3A_58 : vector<512x1xf32>
    %sqrt3A = math.sqrt %add3A_59 : vector<512x1xf32>
    %div3A_60 = vector.broadcast %sqrt3A : vector<512x1xf32> to vector<512x256xf32>
    %div3A_61 = arith.divf %sub3A_56, %div3A_60 : vector<512x256xf32>
    %get3A_62 = arith.constant 0 : index
    %get3A_63 = arith.constant 0 : index
    %get3A_64 = vector.load %arg6[%get3A_62, %get3A_63] : memref<256x768xf32, #tpu.memory_space<vmem>>, vector<256x768xf32>
    %dot_general3A_65 = arith.constant dense<0.000000e+00> : vector<512x768xf32>
    %dot_general3A_66 = tpu.matmul %div3A_61, %get3A_64, %dot_general3A_65 {dimension_numbers = #tpu.dot_dimension_numbers<[1], [0], [0], [1], [0, 0, 1, 1], [], []>, transpose_lhs_hint = false} : vector<512x256xf32>, vector<256x768xf32>, vector<512x768xf32> -> vector<512x768xf32>
    %logistic3A = arith.negf %dot_general3A_66 : vector<512x768xf32>
    %logistic3A_67 = math.exp %logistic3A : vector<512x768xf32>
    %logistic3A_68 = arith.constant 1.000000e+00 : f32
    %logistic3A_69 = vector.broadcast %logistic3A_68 : f32 to vector<512x768xf32>
    %logistic3A_70 = arith.addf %logistic3A_69, %logistic3A_67 : vector<512x768xf32>
    %logistic3A_71 = arith.divf %logistic3A_69, %logistic3A_70 : vector<512x768xf32>
    %mul3A = arith.mulf %dot_general3A_66, %logistic3A_71 : vector<512x768xf32>
    %get3A_72 = arith.constant 0 : index
    %get3A_73 = arith.constant 0 : index
    %get3A_74 = vector.load %arg7[%get3A_72, %get3A_73] : memref<768x256xf32, #tpu.memory_space<vmem>>, vector<768x256xf32>
    %dot_general3A_75 = arith.constant dense<0.000000e+00> : vector<512x256xf32>
    %dot_general3A_76 = tpu.matmul %mul3A, %get3A_74, %dot_general3A_75 {dimension_numbers = #tpu.dot_dimension_numbers<[1], [0], [0], [1], [0, 0, 1, 1], [], []>, transpose_lhs_hint = false} : vector<512x768xf32>, vector<768x256xf32>, vector<512x256xf32> -> vector<512x256xf32>
    %add3A_77 = arith.addf %add3A, %dot_general3A_76 : vector<512x256xf32>
    %get3A_78 = arith.constant 0 : index
    %get3A_79 = arith.constant 0 : index
    %get3A_80 = vector.load %arg8[%get3A_78, %get3A_79] : memref<256x384xf32, #tpu.memory_space<vmem>>, vector<256x384xf32>
    %dot_general3A_81 = arith.constant dense<0.000000e+00> : vector<512x384xf32>
    %dot_general3A_82 = tpu.matmul %div3A_61, %get3A_80, %dot_general3A_81 {dimension_numbers = #tpu.dot_dimension_numbers<[1], [0], [0], [1], [0, 0, 1, 1], [], []>, transpose_lhs_hint = false} : vector<512x256xf32>, vector<256x384xf32>, vector<512x384xf32> -> vector<512x384xf32>
    %logistic3A_83 = arith.negf %dot_general3A_82 : vector<512x384xf32>
    %logistic3A_84 = math.exp %logistic3A_83 : vector<512x384xf32>
    %logistic3A_85 = arith.constant 1.000000e+00 : f32
    %logistic3A_86 = vector.broadcast %logistic3A_85 : f32 to vector<512x384xf32>
    %logistic3A_87 = arith.addf %logistic3A_86, %logistic3A_84 : vector<512x384xf32>
    %logistic3A_88 = arith.divf %logistic3A_86, %logistic3A_87 : vector<512x384xf32>
    %swap3A = arith.constant 0 : index
    %swap3A_89 = arith.constant 0 : index
    %swap3A_90 = vector.load %arg11[%swap3A, %swap3A_89] : memref<512x256xf32, #tpu.memory_space<vmem>>, vector<512x256xf32>
    tpu.vector_store %arg11[%swap3A, %swap3A_89], %add3A_77 {strides = array<i32>} : memref<512x256xf32, #tpu.memory_space<vmem>>, vector<512x256xf32>,
    %get3A_91 = arith.constant 0 : index
    %get3A_92 = arith.constant 0 : index
    %get3A_93 = vector.load %arg9[%get3A_91, %get3A_92] : memref<128x384xf32, #tpu.memory_space<vmem>>, vector<128x384xf32>
    %dot_general3A_94 = arith.constant dense<0.000000e+00> : vector<512x384xf32>
    %dot_general3A_95 = tpu.matmul %add3A_20, %get3A_93, %dot_general3A_94 {dimension_numbers = #tpu.dot_dimension_numbers<[1], [0], [0], [1], [0, 0, 1, 1], [], []>, transpose_lhs_hint = false} : vector<512x128xf32>, vector<128x384xf32>, vector<512x384xf32> -> vector<512x384xf32>
    %mul3A_96 = arith.mulf %dot_general3A_95, %logistic3A_88 : vector<512x384xf32>
    %get3A_97 = arith.constant 0 : index
    %get3A_98 = arith.constant 0 : index
    %get3A_99 = vector.load %arg10[%get3A_97, %get3A_98] : memref<384x128xf32, #tpu.memory_space<vmem>>, vector<384x128xf32>
    %dot_general3A_100 = arith.constant dense<0.000000e+00> : vector<512x128xf32>
    %dot_general3A_101 = tpu.matmul %mul3A_96, %get3A_99, %dot_general3A_100 {dimension_numbers = #tpu.dot_dimension_numbers<[1], [0], [0], [1], [0, 0, 1, 1], [], []>, transpose_lhs_hint = false} : vector<512x384xf32>, vector<384x128xf32>, vector<512x128xf32> -> vector<512x128xf32>
    %add3A_102 = arith.addf %add3A_20, %dot_general3A_101 : vector<512x128xf32>
    %swap3A_103 = arith.constant 0 : index
    %swap3A_104 = arith.constant 0 : index
    %swap3A_105 = vector.load %arg12[%swap3A_103, %swap3A_104] : memref<512x384xf32, #tpu.memory_space<vmem>>, vector<512x128xf32>
    tpu.vector_store %arg12[%swap3A_103, %swap3A_104], %add3A_102 {strides = array<i32>} : memref<512x384xf32, #tpu.memory_space<vmem>>, vector<512x128xf32>,
    %get3A_106 = arith.constant 0 : index
    %get3A_107 = arith.constant 0 : index
    %get3A_108 = vector.load %arg9[%get3A_106, %get3A_107] : memref<128x384xf32, #tpu.memory_space<vmem>>, vector<128x384xf32>
    %dot_general3A_109 = arith.constant dense<0.000000e+00> : vector<512x384xf32>
    %dot_general3A_110 = tpu.matmul %add3A_32, %get3A_108, %dot_general3A_109 {dimension_numbers = #tpu.dot_dimension_numbers<[1], [0], [0], [1], [0, 0, 1, 1], [], []>, transpose_lhs_hint = false} : vector<512x128xf32>, vector<128x384xf32>, vector<512x384xf32> -> vector<512x384xf32>
    %mul3A_111 = arith.mulf %dot_general3A_110, %logistic3A_88 : vector<512x384xf32>
    %get3A_112 = arith.constant 0 : index
    %get3A_113 = arith.constant 0 : index
    %get3A_114 = vector.load %arg10[%get3A_112, %get3A_113] : memref<384x128xf32, #tpu.memory_space<vmem>>, vector<384x128xf32>
    %dot_general3A_115 = arith.constant dense<0.000000e+00> : vector<512x128xf32>
    %dot_general3A_116 = tpu.matmul %mul3A_111, %get3A_114, %dot_general3A_115 {dimension_numbers = #tpu.dot_dimension_numbers<[1], [0], [0], [1], [0, 0, 1, 1], [], []>, transpose_lhs_hint = false} : vector<512x384xf32>, vector<384x128xf32>, vector<512x128xf32> -> vector<512x128xf32>
    %add3A_117 = arith.addf %add3A_32, %dot_general3A_116 : vector<512x128xf32>
    %swap3A_118 = arith.constant 0 : index
    %swap3A_119 = arith.constant 128 : index
    %swap3A_120 = vector.load %arg12[%swap3A_118, %swap3A_119] : memref<512x384xf32, #tpu.memory_space<vmem>>, vector<512x128xf32>
    tpu.vector_store %arg12[%swap3A_118, %swap3A_119], %add3A_117 {strides = array<i32>} : memref<512x384xf32, #tpu.memory_space<vmem>>, vector<512x128xf32>,
    %get3A_121 = arith.constant 0 : index
    %get3A_122 = arith.constant 0 : index
    %get3A_123 = vector.load %arg9[%get3A_121, %get3A_122] : memref<128x384xf32, #tpu.memory_space<vmem>>, vector<128x384xf32>
    %dot_general3A_124 = arith.constant dense<0.000000e+00> : vector<512x384xf32>
    %dot_general3A_125 = tpu.matmul %add3A_44, %get3A_123, %dot_general3A_124 {dimension_numbers = #tpu.dot_dimension_numbers<[1], [0], [0], [1], [0, 0, 1, 1], [], []>, transpose_lhs_hint = false} : vector<512x128xf32>, vector<128x384xf32>, vector<512x384xf32> -> vector<512x384xf32>
    %mul3A_126 = arith.mulf %dot_general3A_125, %logistic3A_88 : vector<512x384xf32>
    %get3A_127 = arith.constant 0 : index
    %get3A_128 = arith.constant 0 : index
    %get3A_129 = vector.load %arg10[%get3A_127, %get3A_128] : memref<384x128xf32, #tpu.memory_space<vmem>>, vector<384x128xf32>
    %dot_general3A_130 = arith.constant dense<0.000000e+00> : vector<512x128xf32>
    %dot_general3A_131 = tpu.matmul %mul3A_126, %get3A_129, %dot_general3A_130 {dimension_numbers = #tpu.dot_dimension_numbers<[1], [0], [0], [1], [0, 0, 1, 1], [], []>, transpose_lhs_hint = false} : vector<512x384xf32>, vector<384x128xf32>, vector<512x128xf32> -> vector<512x128xf32>
    %add3A_132 = arith.addf %add3A_44, %dot_general3A_131 : vector<512x128xf32>
    %swap3A_133 = arith.constant 0 : index
    %swap3A_134 = arith.constant 256 : index
    %swap3A_135 = vector.load %arg12[%swap3A_133, %swap3A_134] : memref<512x384xf32, #tpu.memory_space<vmem>>, vector<512x128xf32>
    tpu.vector_store %arg12[%swap3A_133, %swap3A_134], %add3A_132 {strides = array<i32>} : memref<512x384xf32, #tpu.memory_space<vmem>>, vector<512x128xf32>,
    return
  }
  func.func @transform_0(%arg0: i32) -> (i32, i32) {
    %c0_i32 = arith.constant 0 : i32
    %c0_i32_0 = arith.constant 0 : i32
    return %arg0, %c0_i32 : i32, i32
  }
  func.func @transform_1(%arg0: i32) -> (i32, i32) {
    %c0_i32 = arith.constant 0 : i32
    %c0_i32_0 = arith.constant 0 : i32
    return %arg0, %c0_i32 : i32, i32
  }
  func.func @transform_2(%arg0: i32) -> (i32, i32) {
    %c0_i32 = arith.constant 0 : i32
    %c0_i32_0 = arith.constant 0 : i32
    return %arg0, %c0_i32 : i32, i32
  }
  func.func @transform_3(%arg0: i32) -> (i32, i32) {
    %c0_i32 = arith.constant 0 : i32
    %c0_i32_0 = arith.constant 0 : i32
    %c0_i32_1 = arith.constant 0 : i32
    return %c0_i32, %c0_i32_0 : i32, i32
  }
  func.func @transform_4(%arg0: i32) -> (i32, i32) {
    %c0_i32 = arith.constant 0 : i32
    %c0_i32_0 = arith.constant 0 : i32
    %c0_i32_1 = arith.constant 0 : i32
    return %c0_i32, %c0_i32_0 : i32, i32
  }
  func.func @transform_5(%arg0: i32) -> (i32, i32) {
    %c0_i32 = arith.constant 0 : i32
    %c0_i32_0 = arith.constant 0 : i32
    %c0_i32_1 = arith.constant 0 : i32
    return %c0_i32, %c0_i32_0 : i32, i32
  }
  func.func @transform_6(%arg0: i32) -> (i32, i32) {
    %c0_i32 = arith.constant 0 : i32
    %c0_i32_0 = arith.constant 0 : i32
    %c0_i32_1 = arith.constant 0 : i32
    return %c0_i32, %c0_i32_0 : i32, i32
  }
  func.func @transform_7(%arg0: i32) -> (i32, i32) {
    %c0_i32 = arith.constant 0 : i32
    %c0_i32_0 = arith.constant 0 : i32
    %c0_i32_1 = arith.constant 0 : i32
    return %c0_i32, %c0_i32_0 : i32, i32
  }
  func.func @transform_8(%arg0: i32) -> (i32, i32) {
    %c0_i32 = arith.constant 0 : i32
    %c0_i32_0 = arith.constant 0 : i32
    %c0_i32_1 = arith.constant 0 : i32
    return %c0_i32, %c0_i32_0 : i32, i32
  }
  func.func @transform_9(%arg0: i32) -> (i32, i32) {
    %c0_i32 = arith.constant 0 : i32
    %c0_i32_0 = arith.constant 0 : i32
    %c0_i32_1 = arith.constant 0 : i32
    return %c0_i32, %c0_i32_0 : i32, i32
  }
  func.func @transform_10(%arg0: i32) -> (i32, i32) {
    %c0_i32 = arith.constant 0 : i32
    %c0_i32_0 = arith.constant 0 : i32
    return %arg0, %c0_i32 : i32, i32
  }
  func.func @transform_11(%arg0: i32) -> (i32, i32) {
    %c0_i32 = arith.constant 0 : i32
    %c0_i32_0 = arith.constant 0 : i32
    return %arg0, %c0_i32 : i32, i32
  }
}

module attributes {stable_mosaic.version = 14 : i64} {
  func.func @_attn_kernel(%arg0: i32, %arg1: memref<81xi32, #tpu.memory_space<smem>>, %arg2: memref<163840xi32, #tpu.memory_space<hbm>>, %arg3: memref<163840x512xi32, #tpu.memory_space<hbm>>, %arg4: memref<163840x16xf32, #tpu.memory_space<hbm>>, %arg5: memref<128x256xbf16, #tpu.memory_space<vmem>>, %arg6: memref<128x640xf32, #tpu.memory_space<vmem>>, %arg7: memref<1024xi32, #tpu.memory_space<vmem>>, %arg8: memref<1024x512xi32, #tpu.memory_space<vmem>>, %arg9: memref<1024x16xf32, #tpu.memory_space<vmem>>, %arg10: memref<1024xi32, #tpu.memory_space<vmem>>, %arg11: memref<1024x512xi32, #tpu.memory_space<vmem>>, %arg12: memref<1024x16xf32, #tpu.memory_space<vmem>>, %arg13: memref<128x648xf32, #tpu.memory_space<vmem>>, %arg14: memref<!tpu.dma_semaphore, #tpu.memory_space<semaphore_mem>>, %arg15: memref<!tpu.dma_semaphore, #tpu.memory_space<semaphore_mem>>, %arg16: memref<!tpu.dma_semaphore, #tpu.memory_space<semaphore_mem>>, %arg17: memref<!tpu.dma_semaphore, #tpu.memory_space<semaphore_mem>>, %arg18: memref<!tpu.dma_semaphore, #tpu.memory_space<semaphore_mem>>, %arg19: memref<!tpu.dma_semaphore, #tpu.memory_space<semaphore_mem>>) attributes {dimension_semantics = [#tpu.dimension_semantics<arbitrary>], iteration_bounds = array<i64: 80>, scalar_prefetch = 1 : i64, scratch_operands = 13 : i64, tpu.core_type = #tpu.core_type<tc>, window_params = [{}, {}, {}, {transform_indices = @transform_3, window_bounds = array<i64: 128, 256>}, {transform_indices = @transform_4, window_bounds = array<i64: 128, 640>}]} {
    %get3A = arith.index_cast %arg0 : i32 to index
    %get3A_0 = memref.load %arg1[%get3A] : memref<81xi32, #tpu.memory_space<smem>>
    %add3A = arith.constant 1 : i32
    %add3A_1 = arith.addi %arg0, %add3A : i32
    %get3A_2 = arith.index_cast %add3A_1 : i32 to index
    %get3A_3 = memref.load %arg1[%get3A_2] : memref<81xi32, #tpu.memory_space<smem>>
    %mul3A = arith.constant 128 : i32
    %mul3A_4 = arith.muli %arg0, %mul3A : i32
    %jit3A = arith.constant 1024 : i32
    %div3A = arith.divsi %get3A_0, %jit3A : i32
    %sign3A = arith.constant 0 : i32
    %sign3A_5 = arith.cmpi sgt, %get3A_0, %sign3A : i32
    %sign3A_6 = arith.extui %sign3A_5 : i1 to i32
    %sign3A_7 = arith.constant 0 : i32
    %sign3A_8 = arith.cmpi slt, %get3A_0, %sign3A_7 : i32
    %sign3A_9 = arith.extui %sign3A_8 : i1 to i32
    %sign3A_10 = arith.subi %sign3A_6, %sign3A_9 : i32
    %sign3A_11 = arith.constant 0 : i32
    %sign3A_12 = arith.cmpi sgt, %jit3A, %sign3A_11 : i32
    %sign3A_13 = arith.extui %sign3A_12 : i1 to i32
    %sign3A_14 = arith.constant 0 : i32
    %sign3A_15 = arith.cmpi slt, %jit3A, %sign3A_14 : i32
    %sign3A_16 = arith.extui %sign3A_15 : i1 to i32
    %sign3A_17 = arith.subi %sign3A_13, %sign3A_16 : i32
    %ne3A = arith.cmpi ne, %sign3A_10, %sign3A_17 : i32
    %rem3A = arith.remsi %get3A_0, %jit3A : i32
    %ne3A_18 = arith.constant 0 : i32
    %ne3A_19 = arith.cmpi ne, %rem3A, %ne3A_18 : i32
    %and3A = arith.andi %ne3A, %ne3A_19 : i1
    %sub3A = arith.constant 1 : i32
    %sub3A_20 = arith.subi %div3A, %sub3A : i32
    %select_n3A = arith.select %and3A, %sub3A_20, %div3A : i32
    %add3A_21 = arith.constant 1024 : i32
    %add3A_22 = arith.addi %get3A_3, %add3A_21 : i32
    %sub3A_23 = arith.constant 1 : i32
    %sub3A_24 = arith.subi %add3A_22, %sub3A_23 : i32
    %jit3A_25 = arith.constant 1024 : i32
    %div3A_26 = arith.divsi %sub3A_24, %jit3A_25 : i32
    %sign3A_27 = arith.constant 0 : i32
    %sign3A_28 = arith.cmpi sgt, %sub3A_24, %sign3A_27 : i32
    %sign3A_29 = arith.extui %sign3A_28 : i1 to i32
    %sign3A_30 = arith.constant 0 : i32
    %sign3A_31 = arith.cmpi slt, %sub3A_24, %sign3A_30 : i32
    %sign3A_32 = arith.extui %sign3A_31 : i1 to i32
    %sign3A_33 = arith.subi %sign3A_29, %sign3A_32 : i32
    %sign3A_34 = arith.constant 0 : i32
    %sign3A_35 = arith.cmpi sgt, %jit3A_25, %sign3A_34 : i32
    %sign3A_36 = arith.extui %sign3A_35 : i1 to i32
    %sign3A_37 = arith.constant 0 : i32
    %sign3A_38 = arith.cmpi slt, %jit3A_25, %sign3A_37 : i32
    %sign3A_39 = arith.extui %sign3A_38 : i1 to i32
    %sign3A_40 = arith.subi %sign3A_36, %sign3A_39 : i32
    %ne3A_41 = arith.cmpi ne, %sign3A_33, %sign3A_40 : i32
    %rem3A_42 = arith.remsi %sub3A_24, %jit3A_25 : i32
    %ne3A_43 = arith.constant 0 : i32
    %ne3A_44 = arith.cmpi ne, %rem3A_42, %ne3A_43 : i32
    %and3A_45 = arith.andi %ne3A_41, %ne3A_44 : i1
    %sub3A_46 = arith.constant 1 : i32
    %sub3A_47 = arith.subi %div3A_26, %sub3A_46 : i32
    %select_n3A_48 = arith.select %and3A_45, %sub3A_47, %div3A_26 : i32
    %sub3A_49 = arith.subi %select_n3A_48, %select_n3A : i32
    %broadcast_in_dim3A = arith.constant 0.000000e+00 : f32
    %broadcast_in_dim3A_50 = vector.broadcast %broadcast_in_dim3A : f32 to vector<128x648xf32>
    %swap3A = arith.constant 0 : index
    %swap3A_51 = arith.constant 0 : index
    %swap3A_52 = vector.load %arg13[%swap3A, %swap3A_51] : memref<128x648xf32, #tpu.memory_space<vmem>>, vector<128x648xf32>
    tpu.vector_store %arg13[%swap3A, %swap3A_51], %broadcast_in_dim3A_50 {strides = array<i32>} : memref<128x648xf32, #tpu.memory_space<vmem>>, vector<128x648xf32>,
    %gt3A = arith.constant 0 : i32
    %gt3A_53 = arith.cmpi sgt, %sub3A_49, %gt3A : i32
    %convert_element_type3A = arith.extui %gt3A_53 : i1 to i32
    %cond3A = arith.constant 0 : i32
    %cond3A_54 = arith.cmpi ne, %convert_element_type3A, %cond3A : i32
    scf.if %cond3A_54 {
      %add3A_200 = arith.constant 0 : i32
      %add3A_201 = arith.addi %select_n3A, %add3A_200 : i32
      %mul3A_202 = arith.constant 1024 : i32
      %mul3A_203 = arith.muli %add3A_201, %mul3A_202 : i32
      %dma_start3A = tpu.memref_slice %arg2[%mul3A_203] : memref<163840xi32, #tpu.memory_space<hbm>> -> memref<1024xi32, #tpu.memory_space<hbm>>
      tpu.enqueue_dma source(%dma_start3A : memref<1024xi32, #tpu.memory_space<hbm>>) target(%arg7 : memref<1024xi32, #tpu.memory_space<vmem>>) target_semaphore(%arg14 : memref<!tpu.dma_semaphore, #tpu.memory_space<semaphore_mem>>)
      %dma_start3A_204 = arith.constant 0 : i32
      %dma_start3A_205 = tpu.memref_slice %arg3[%mul3A_203, %dma_start3A_204] : memref<163840x512xi32, #tpu.memory_space<hbm>> -> memref<1024x512xi32, #tpu.memory_space<hbm>>
      tpu.enqueue_dma source(%dma_start3A_205 : memref<1024x512xi32, #tpu.memory_space<hbm>>) target(%arg8 : memref<1024x512xi32, #tpu.memory_space<vmem>>) target_semaphore(%arg15 : memref<!tpu.dma_semaphore, #tpu.memory_space<semaphore_mem>>)
      %dma_start3A_206 = arith.constant 0 : i32
      %dma_start3A_207 = tpu.memref_slice %arg4[%mul3A_203, %dma_start3A_206] : memref<163840x16xf32, #tpu.memory_space<hbm>> -> memref<1024x16xf32, #tpu.memory_space<hbm>>
      tpu.enqueue_dma source(%dma_start3A_207 : memref<1024x16xf32, #tpu.memory_space<hbm>>) target(%arg9 : memref<1024x16xf32, #tpu.memory_space<vmem>>) target_semaphore(%arg16 : memref<!tpu.dma_semaphore, #tpu.memory_space<semaphore_mem>>)
    } else {
    }
    %add3A_55 = arith.constant 1 : i32
    %add3A_56 = arith.addi %sub3A_49, %add3A_55 : i32
    %jit3A_57 = arith.constant 2 : i32
    %div3A_58 = arith.divsi %add3A_56, %jit3A_57 : i32
    %sign3A_59 = arith.constant 0 : i32
    %sign3A_60 = arith.cmpi sgt, %add3A_56, %sign3A_59 : i32
    %sign3A_61 = arith.extui %sign3A_60 : i1 to i32
    %sign3A_62 = arith.constant 0 : i32
    %sign3A_63 = arith.cmpi slt, %add3A_56, %sign3A_62 : i32
    %sign3A_64 = arith.extui %sign3A_63 : i1 to i32
    %sign3A_65 = arith.subi %sign3A_61, %sign3A_64 : i32
    %sign3A_66 = arith.constant 0 : i32
    %sign3A_67 = arith.cmpi sgt, %jit3A_57, %sign3A_66 : i32
    %sign3A_68 = arith.extui %sign3A_67 : i1 to i32
    %sign3A_69 = arith.constant 0 : i32
    %sign3A_70 = arith.cmpi slt, %jit3A_57, %sign3A_69 : i32
    %sign3A_71 = arith.extui %sign3A_70 : i1 to i32
    %sign3A_72 = arith.subi %sign3A_68, %sign3A_71 : i32
    %ne3A_73 = arith.cmpi ne, %sign3A_65, %sign3A_72 : i32
    %rem3A_74 = arith.remsi %add3A_56, %jit3A_57 : i32
    %ne3A_75 = arith.constant 0 : i32
    %ne3A_76 = arith.cmpi ne, %rem3A_74, %ne3A_75 : i32
    %and3A_77 = arith.andi %ne3A_73, %ne3A_76 : i1
    %sub3A_78 = arith.constant 1 : i32
    %sub3A_79 = arith.subi %div3A_58, %sub3A_78 : i32
    %select_n3A_80 = arith.select %and3A_77, %sub3A_79, %div3A_58 : i32
    %while3A = arith.constant 0 : i32
    %while3A_81 = arith.constant 0 : i32
    %while3A_82 = arith.subi %select_n3A_80, %while3A : i32
    %while3A_83 = arith.addi %while3A, %while3A_82 : i32
    %while3A_84 = arith.constant 1 : i32
    %while3A_85 = arith.divsi %while3A_82, %while3A_84 : i32
    %while3A_86 = arith.muli %while3A_85, %while3A_84 : i32
    %while3A_87 = arith.addi %while3A, %while3A_86 : i32
    %while3A_88 = arith.constant 1 : i32
    %while3A_89 = scf.for %while3A_200 = %while3A to %while3A_87 step %while3A_88 iter_args(%while3A_201 = %while3A_81) -> (i32)  : i32 {
      %mul3A_202 = arith.constant 2 : i32
      %mul3A_203 = arith.muli %mul3A_202, %while3A_200 : i32
      %add3A_204 = arith.constant 1 : i32
      %add3A_205 = arith.addi %mul3A_203, %add3A_204 : i32
      %lt3A_206 = arith.cmpi slt, %add3A_205, %sub3A_49 : i32
      %convert_element_type3A_207 = arith.extui %lt3A_206 : i1 to i32
      %cond3A_208 = arith.constant 0 : i32
      %cond3A_209 = arith.cmpi ne, %convert_element_type3A_207, %cond3A_208 : i32
      scf.if %cond3A_209 {
        %add3A_412 = arith.addi %select_n3A, %add3A_205 : i32
        %mul3A_413 = arith.constant 1024 : i32
        %mul3A_414 = arith.muli %add3A_412, %mul3A_413 : i32
        %dma_start3A = tpu.memref_slice %arg2[%mul3A_414] : memref<163840xi32, #tpu.memory_space<hbm>> -> memref<1024xi32, #tpu.memory_space<hbm>>
        tpu.enqueue_dma source(%dma_start3A : memref<1024xi32, #tpu.memory_space<hbm>>) target(%arg10 : memref<1024xi32, #tpu.memory_space<vmem>>) target_semaphore(%arg17 : memref<!tpu.dma_semaphore, #tpu.memory_space<semaphore_mem>>)
        %dma_start3A_415 = arith.constant 0 : i32
        %dma_start3A_416 = tpu.memref_slice %arg3[%mul3A_414, %dma_start3A_415] : memref<163840x512xi32, #tpu.memory_space<hbm>> -> memref<1024x512xi32, #tpu.memory_space<hbm>>
        tpu.enqueue_dma source(%dma_start3A_416 : memref<1024x512xi32, #tpu.memory_space<hbm>>) target(%arg11 : memref<1024x512xi32, #tpu.memory_space<vmem>>) target_semaphore(%arg18 : memref<!tpu.dma_semaphore, #tpu.memory_space<semaphore_mem>>)
        %dma_start3A_417 = arith.constant 0 : i32
        %dma_start3A_418 = tpu.memref_slice %arg4[%mul3A_414, %dma_start3A_417] : memref<163840x16xf32, #tpu.memory_space<hbm>> -> memref<1024x16xf32, #tpu.memory_space<hbm>>
        tpu.enqueue_dma source(%dma_start3A_418 : memref<1024x16xf32, #tpu.memory_space<hbm>>) target(%arg12 : memref<1024x16xf32, #tpu.memory_space<vmem>>) target_semaphore(%arg19 : memref<!tpu.dma_semaphore, #tpu.memory_space<semaphore_mem>>)
      } else {
      }
      %add3A_210 = arith.addi %select_n3A, %mul3A_203 : i32
      %mul3A_211 = arith.constant 1024 : i32
      %mul3A_212 = arith.muli %add3A_210, %mul3A_211 : i32
      %dma_wait3A = tpu.memref_slice %arg2[%mul3A_212] : memref<163840xi32, #tpu.memory_space<hbm>> -> memref<1024xi32, #tpu.memory_space<hbm>>
      tpu.wait_dma2 semaphore(%arg14 : memref<!tpu.dma_semaphore, #tpu.memory_space<semaphore_mem>>) src(%dma_wait3A : memref<1024xi32, #tpu.memory_space<hbm>>) dst(%arg7 : memref<1024xi32, #tpu.memory_space<vmem>>)
      %dma_wait3A_213 = arith.constant 0 : i32
      %dma_wait3A_214 = tpu.memref_slice %arg3[%mul3A_212, %dma_wait3A_213] : memref<163840x512xi32, #tpu.memory_space<hbm>> -> memref<1024x512xi32, #tpu.memory_space<hbm>>
      tpu.wait_dma2 semaphore(%arg15 : memref<!tpu.dma_semaphore, #tpu.memory_space<semaphore_mem>>) src(%dma_wait3A_214 : memref<1024x512xi32, #tpu.memory_space<hbm>>) dst(%arg8 : memref<1024x512xi32, #tpu.memory_space<vmem>>)
      %dma_wait3A_215 = arith.constant 0 : i32
      %dma_wait3A_216 = tpu.memref_slice %arg4[%mul3A_212, %dma_wait3A_215] : memref<163840x16xf32, #tpu.memory_space<hbm>> -> memref<1024x16xf32, #tpu.memory_space<hbm>>
      tpu.wait_dma2 semaphore(%arg16 : memref<!tpu.dma_semaphore, #tpu.memory_space<semaphore_mem>>) src(%dma_wait3A_216 : memref<1024x16xf32, #tpu.memory_space<hbm>>) dst(%arg9 : memref<1024x16xf32, #tpu.memory_space<vmem>>)
      %get3A_217 = arith.constant 0 : index
      %get3A_218 = arith.constant 0 : index
      %get3A_219 = vector.load %arg8[%get3A_217, %get3A_218] : memref<1024x512xi32, #tpu.memory_space<vmem>>, vector<1024x448xi32>
      %shift_left3A = arith.constant 16 : i32
      %shift_left3A_220 = vector.broadcast %shift_left3A : i32 to vector<1024x448xi32>
      %shift_left3A_221 = arith.shli %get3A_219, %shift_left3A_220 : vector<1024x448xi32>
      %bitcast_convert_type3A = tpu.bitcast %shift_left3A_221 : vector<1024x448xi32> -> vector<1024x448xf32>
      %and3A_222 = arith.constant -65536 : i32
      %and3A_223 = vector.broadcast %and3A_222 : i32 to vector<1024x448xi32>
      %and3A_224 = arith.andi %get3A_219, %and3A_223 : vector<1024x448xi32>
      %bitcast_convert_type3A_225 = tpu.bitcast %and3A_224 : vector<1024x448xi32> -> vector<1024x448xf32>
      %concatenate3A_226 = tpu.concatenate %bitcast_convert_type3A, %bitcast_convert_type3A_225 in 1 : vector<1024x448xf32>, vector<1024x448xf32> -> vector<1024x896xf32>
      %get3A_227 = arith.constant 0 : index
      %get3A_228 = vector.load %arg7[%get3A_227] : memref<1024xi32, #tpu.memory_space<vmem>>, vector<1024xi32>
      %reshape3A = vector.shape_cast %get3A_228 : vector<1024xi32> to vector<1024x1xi32>
      %iota3A_229 = tpu.iota {dimensions = array<i32: 1>} : vector<1024x128xi32>
      %sub3A_230 = vector.broadcast %mul3A_4 : i32 to vector<1024x1xi32>
      %sub3A_231 = arith.subi %reshape3A, %sub3A_230 : vector<1024x1xi32>
      %eq3A_232 = vector.broadcast %sub3A_231 : vector<1024x1xi32> to vector<1024x128xi32>
      %eq3A_233 = arith.cmpi eq, %eq3A_232, %iota3A_229 : vector<1024x128xi32>
      %convert_element_type3A_234 = arith.extui %eq3A_233 : vector<1024x128xi1> to vector<1024x128xi32>
      %convert_element_type3A_235 = arith.sitofp %convert_element_type3A_234 : vector<1024x128xi32> to vector<1024x128xf32>
      %convert_element_type3A_236 = arith.truncf %convert_element_type3A_235 : vector<1024x128xf32> to vector<1024x128xbf16>
      %get3A_237 = arith.constant 0 : index
      %get3A_238 = arith.constant 0 : index
      %get3A_239 = vector.load %arg5[%get3A_237, %get3A_238] : memref<128x256xbf16, #tpu.memory_space<vmem>>, vector<128x256xbf16>
      %dot_general3A_240 = arith.constant dense<0.000000e+00> : vector<1024x256xf32>
      %dot_general3A_241 = tpu.matmul %convert_element_type3A_236, %get3A_239, %dot_general3A_240 {dimension_numbers = #tpu.dot_dimension_numbers<[1], [0], [0], [1], [0, 0, 1, 1], [], []>, transpose_lhs_hint = false} : vector<1024x128xbf16>, vector<128x256xbf16>, vector<1024x256xf32> -> vector<1024x256xf32>
      %slice3A = vector.extract_strided_slice %concatenate3A_226 {offsets = [0, 0], sizes = [1024, 256], strides = [1, 1]} : vector<1024x896xf32> to vector<1024x256xf32>
      %mul3A_242 = arith.mulf %dot_general3A_241, %slice3A : vector<1024x256xf32>
      %convert_element_type3A_243 = arith.truncf %mul3A_242 : vector<1024x256xf32> to vector<1024x256xbf16>
      %iota3A_244 = tpu.iota {dimensions = array<i32: 0>} : vector<256x8xi32>
      %iota3A_245 = tpu.iota {dimensions = array<i32: 1>} : vector<256x8xi32>
      %jit3A_246 = arith.constant 32 : i32
      %div3A_247 = vector.broadcast %jit3A_246 : i32 to vector<256x8xi32>
      %div3A_248 = arith.divsi %iota3A_244, %div3A_247 : vector<256x8xi32>
      %sign3A_249 = arith.constant 0 : i32
      %sign3A_250 = vector.broadcast %sign3A_249 : i32 to vector<256x8xi32>
      %sign3A_251 = arith.cmpi sgt, %iota3A_244, %sign3A_250 : vector<256x8xi32>
      %sign3A_252 = arith.extui %sign3A_251 : vector<256x8xi1> to vector<256x8xi32>
      %sign3A_253 = arith.constant 0 : i32
      %sign3A_254 = vector.broadcast %sign3A_253 : i32 to vector<256x8xi32>
      %sign3A_255 = arith.cmpi slt, %iota3A_244, %sign3A_254 : vector<256x8xi32>
      %sign3A_256 = arith.extui %sign3A_255 : vector<256x8xi1> to vector<256x8xi32>
      %sign3A_257 = arith.subi %sign3A_252, %sign3A_256 : vector<256x8xi32>
      %sign3A_258 = arith.constant 0 : i32
      %sign3A_259 = arith.cmpi sgt, %jit3A_246, %sign3A_258 : i32
      %sign3A_260 = arith.extui %sign3A_259 : i1 to i32
      %sign3A_261 = arith.constant 0 : i32
      %sign3A_262 = arith.cmpi slt, %jit3A_246, %sign3A_261 : i32
      %sign3A_263 = arith.extui %sign3A_262 : i1 to i32
      %sign3A_264 = arith.subi %sign3A_260, %sign3A_263 : i32
      %ne3A_265 = vector.broadcast %sign3A_264 : i32 to vector<256x8xi32>
      %ne3A_266 = arith.cmpi ne, %sign3A_257, %ne3A_265 : vector<256x8xi32>
      %rem3A_267 = vector.broadcast %jit3A_246 : i32 to vector<256x8xi32>
      %rem3A_268 = arith.remsi %iota3A_244, %rem3A_267 : vector<256x8xi32>
      %ne3A_269 = arith.constant 0 : i32
      %ne3A_270 = vector.broadcast %ne3A_269 : i32 to vector<256x8xi32>
      %ne3A_271 = arith.cmpi ne, %rem3A_268, %ne3A_270 : vector<256x8xi32>
      %and3A_272 = arith.andi %ne3A_266, %ne3A_271 : vector<256x8xi1>
      %sub3A_273 = arith.constant 1 : i32
      %sub3A_274 = vector.broadcast %sub3A_273 : i32 to vector<256x8xi32>
      %sub3A_275 = arith.subi %div3A_248, %sub3A_274 : vector<256x8xi32>
      %select_n3A_276 = arith.select %and3A_272, %sub3A_275, %div3A_248 : vector<256x8xi1>, vector<256x8xi32>
      %eq3A_277 = arith.cmpi eq, %select_n3A_276, %iota3A_245 : vector<256x8xi32>
      %convert_element_type3A_278 = arith.extui %eq3A_277 : vector<256x8xi1> to vector<256x8xi32>
      %convert_element_type3A_279 = arith.sitofp %convert_element_type3A_278 : vector<256x8xi32> to vector<256x8xf32>
      %convert_element_type3A_280 = arith.truncf %convert_element_type3A_279 : vector<256x8xf32> to vector<256x8xbf16>
      %dot_general3A_281 = arith.constant dense<0.000000e+00> : vector<1024x8xf32>
      %dot_general3A_282 = tpu.matmul %convert_element_type3A_243, %convert_element_type3A_280, %dot_general3A_281 {dimension_numbers = #tpu.dot_dimension_numbers<[1], [0], [0], [1], [0, 0, 1, 1], [], []>, transpose_lhs_hint = false} : vector<1024x256xbf16>, vector<256x8xbf16>, vector<1024x8xf32> -> vector<1024x8xf32>
      %get3A_283 = arith.constant 0 : index
      %get3A_284 = arith.constant 8 : index
      %get3A_285 = vector.load %arg9[%get3A_283, %get3A_284] : memref<1024x16xf32, #tpu.memory_space<vmem>>, vector<1024x8xf32>
      %add3A_286 = arith.addf %dot_general3A_282, %get3A_285 : vector<1024x8xf32>
      %jit3A_287 = arith.constant -6.000000e+01 : f32
      %jit3A_288 = arith.constant 6.000000e+01 : f32
      %max3A = vector.broadcast %jit3A_287 : f32 to vector<1024x8xf32>
      %max3A_289 = arith.maximumf %max3A, %add3A_286 : vector<1024x8xf32>
      %min3A = vector.broadcast %jit3A_288 : f32 to vector<1024x8xf32>
      %min3A_290 = arith.minimumf %min3A, %max3A_289 : vector<1024x8xf32>
      %exp3A = math.exp %min3A_290 : vector<1024x8xf32>
      %iota3A_291 = tpu.iota {dimensions = array<i32: 0>} : vector<8x256xi32>
      %iota3A_292 = tpu.iota {dimensions = array<i32: 1>} : vector<8x256xi32>
      %jit3A_293 = arith.constant 32 : i32
      %div3A_294 = vector.broadcast %jit3A_293 : i32 to vector<8x256xi32>
      %div3A_295 = arith.divsi %iota3A_292, %div3A_294 : vector<8x256xi32>
      %sign3A_296 = arith.constant 0 : i32
      %sign3A_297 = vector.broadcast %sign3A_296 : i32 to vector<8x256xi32>
      %sign3A_298 = arith.cmpi sgt, %iota3A_292, %sign3A_297 : vector<8x256xi32>
      %sign3A_299 = arith.extui %sign3A_298 : vector<8x256xi1> to vector<8x256xi32>
      %sign3A_300 = arith.constant 0 : i32
      %sign3A_301 = vector.broadcast %sign3A_300 : i32 to vector<8x256xi32>
      %sign3A_302 = arith.cmpi slt, %iota3A_292, %sign3A_301 : vector<8x256xi32>
      %sign3A_303 = arith.extui %sign3A_302 : vector<8x256xi1> to vector<8x256xi32>
      %sign3A_304 = arith.subi %sign3A_299, %sign3A_303 : vector<8x256xi32>
      %sign3A_305 = arith.constant 0 : i32
      %sign3A_306 = arith.cmpi sgt, %jit3A_293, %sign3A_305 : i32
      %sign3A_307 = arith.extui %sign3A_306 : i1 to i32
      %sign3A_308 = arith.constant 0 : i32
      %sign3A_309 = arith.cmpi slt, %jit3A_293, %sign3A_308 : i32
      %sign3A_310 = arith.extui %sign3A_309 : i1 to i32
      %sign3A_311 = arith.subi %sign3A_307, %sign3A_310 : i32
      %ne3A_312 = vector.broadcast %sign3A_311 : i32 to vector<8x256xi32>
      %ne3A_313 = arith.cmpi ne, %sign3A_304, %ne3A_312 : vector<8x256xi32>
      %rem3A_314 = vector.broadcast %jit3A_293 : i32 to vector<8x256xi32>
      %rem3A_315 = arith.remsi %iota3A_292, %rem3A_314 : vector<8x256xi32>
      %ne3A_316 = arith.constant 0 : i32
      %ne3A_317 = vector.broadcast %ne3A_316 : i32 to vector<8x256xi32>
      %ne3A_318 = arith.cmpi ne, %rem3A_315, %ne3A_317 : vector<8x256xi32>
      %and3A_319 = arith.andi %ne3A_313, %ne3A_318 : vector<8x256xi1>
      %sub3A_320 = arith.constant 1 : i32
      %sub3A_321 = vector.broadcast %sub3A_320 : i32 to vector<8x256xi32>
      %sub3A_322 = arith.subi %div3A_295, %sub3A_321 : vector<8x256xi32>
      %select_n3A_323 = arith.select %and3A_319, %sub3A_322, %div3A_295 : vector<8x256xi1>, vector<8x256xi32>
      %eq3A_324 = arith.cmpi eq, %select_n3A_323, %iota3A_291 : vector<8x256xi32>
      %convert_element_type3A_325 = arith.extui %eq3A_324 : vector<8x256xi1> to vector<8x256xi32>
      %convert_element_type3A_326 = arith.sitofp %convert_element_type3A_325 : vector<8x256xi32> to vector<8x256xf32>
      %iota3A_327 = tpu.iota {dimensions = array<i32: 0>} : vector<8x384xi32>
      %iota3A_328 = tpu.iota {dimensions = array<i32: 1>} : vector<8x384xi32>
      %jit3A_329 = arith.constant 128 : i32
      %eq3A_330 = arith.constant 0 : i32
      %eq3A_331 = arith.cmpi eq, %jit3A_329, %eq3A_330 : i32
      %jit3A_332 = arith.constant 1 : i32
      %select_n3A_333 = arith.select %eq3A_331, %jit3A_332, %jit3A_329 : i32
      %rem3A_334 = vector.broadcast %select_n3A_333 : i32 to vector<8x384xi32>
      %rem3A_335 = arith.remsi %iota3A_328, %rem3A_334 : vector<8x384xi32>
      %ne3A_336 = arith.constant 0 : i32
      %ne3A_337 = vector.broadcast %ne3A_336 : i32 to vector<8x384xi32>
      %ne3A_338 = arith.cmpi ne, %rem3A_335, %ne3A_337 : vector<8x384xi32>
      %lt3A_339 = arith.constant 0 : i32
      %lt3A_340 = vector.broadcast %lt3A_339 : i32 to vector<8x384xi32>
      %lt3A_341 = arith.cmpi slt, %rem3A_335, %lt3A_340 : vector<8x384xi32>
      %lt3A_342 = arith.constant 0 : i32
      %lt3A_343 = arith.cmpi slt, %select_n3A_333, %lt3A_342 : i32
      %ne3A_344 = vector.broadcast %lt3A_343 : i1 to vector<8x384xi1>
      %ne3A_345 = vector.broadcast %ne3A_344 : vector<8x384xi1> to vector<8x384xi1>
      %ne3A_346 = arith.xori %lt3A_341, %ne3A_345 : vector<8x384xi1>
      %and3A_347 = arith.andi %ne3A_346, %ne3A_338 : vector<8x384xi1>
      %add3A_348 = vector.broadcast %select_n3A_333 : i32 to vector<8x384xi32>
      %add3A_349 = arith.addi %rem3A_335, %add3A_348 : vector<8x384xi32>
      %select_n3A_350 = arith.select %and3A_347, %add3A_349, %rem3A_335 : vector<8x384xi1>, vector<8x384xi32>
      %jit3A_351 = arith.constant 16 : i32
      %div3A_352 = vector.broadcast %jit3A_351 : i32 to vector<8x384xi32>
      %div3A_353 = arith.divsi %select_n3A_350, %div3A_352 : vector<8x384xi32>
      %sign3A_354 = arith.constant 0 : i32
      %sign3A_355 = vector.broadcast %sign3A_354 : i32 to vector<8x384xi32>
      %sign3A_356 = arith.cmpi sgt, %select_n3A_350, %sign3A_355 : vector<8x384xi32>
      %sign3A_357 = arith.extui %sign3A_356 : vector<8x384xi1> to vector<8x384xi32>
      %sign3A_358 = arith.constant 0 : i32
      %sign3A_359 = vector.broadcast %sign3A_358 : i32 to vector<8x384xi32>
      %sign3A_360 = arith.cmpi slt, %select_n3A_350, %sign3A_359 : vector<8x384xi32>
      %sign3A_361 = arith.extui %sign3A_360 : vector<8x384xi1> to vector<8x384xi32>
      %sign3A_362 = arith.subi %sign3A_357, %sign3A_361 : vector<8x384xi32>
      %sign3A_363 = arith.constant 0 : i32
      %sign3A_364 = arith.cmpi sgt, %jit3A_351, %sign3A_363 : i32
      %sign3A_365 = arith.extui %sign3A_364 : i1 to i32
      %sign3A_366 = arith.constant 0 : i32
      %sign3A_367 = arith.cmpi slt, %jit3A_351, %sign3A_366 : i32
      %sign3A_368 = arith.extui %sign3A_367 : i1 to i32
      %sign3A_369 = arith.subi %sign3A_365, %sign3A_368 : i32
      %ne3A_370 = vector.broadcast %sign3A_369 : i32 to vector<8x384xi32>
      %ne3A_371 = arith.cmpi ne, %sign3A_362, %ne3A_370 : vector<8x384xi32>
      %rem3A_372 = vector.broadcast %jit3A_351 : i32 to vector<8x384xi32>
      %rem3A_373 = arith.remsi %select_n3A_350, %rem3A_372 : vector<8x384xi32>
      %ne3A_374 = arith.constant 0 : i32
      %ne3A_375 = vector.broadcast %ne3A_374 : i32 to vector<8x384xi32>
      %ne3A_376 = arith.cmpi ne, %rem3A_373, %ne3A_375 : vector<8x384xi32>
      %and3A_377 = arith.andi %ne3A_371, %ne3A_376 : vector<8x384xi1>
      %sub3A_378 = arith.constant 1 : i32
      %sub3A_379 = vector.broadcast %sub3A_378 : i32 to vector<8x384xi32>
      %sub3A_380 = arith.subi %div3A_353, %sub3A_379 : vector<8x384xi32>
      %select_n3A_381 = arith.select %and3A_377, %sub3A_380, %div3A_353 : vector<8x384xi1>, vector<8x384xi32>
      %eq3A_382 = arith.cmpi eq, %select_n3A_381, %iota3A_327 : vector<8x384xi32>
      %convert_element_type3A_383 = arith.extui %eq3A_382 : vector<8x384xi1> to vector<8x384xi32>
      %convert_element_type3A_384 = arith.sitofp %convert_element_type3A_383 : vector<8x384xi32> to vector<8x384xf32>
      %concatenate3A_385 = tpu.concatenate %convert_element_type3A_326, %convert_element_type3A_384 in 1 : vector<8x256xf32>, vector<8x384xf32> -> vector<8x640xf32>
      %dot_general3A_386 = arith.constant dense<0.000000e+00> : vector<1024x640xf32>
      %dot_general3A_387 = tpu.matmul %exp3A, %concatenate3A_385, %dot_general3A_386 {dimension_numbers = #tpu.dot_dimension_numbers<[1], [0], [0], [1], [0, 0, 1, 1], [], []>, transpose_lhs_hint = false} : vector<1024x8xf32>, vector<8x640xf32>, vector<1024x640xf32> -> vector<1024x640xf32>
      %slice3A_388 = vector.extract_strided_slice %concatenate3A_226 {offsets = [0, 256], sizes = [1024, 640], strides = [1, 1]} : vector<1024x896xf32> to vector<1024x640xf32>
      %mul3A_389 = arith.mulf %slice3A_388, %dot_general3A_387 : vector<1024x640xf32>
      %concatenate3A_390 = tpu.concatenate %mul3A_389, %exp3A in 1 : vector<1024x640xf32>, vector<1024x8xf32> -> vector<1024x648xf32>
      %convert_element_type3A_391 = arith.truncf %concatenate3A_390 : vector<1024x648xf32> to vector<1024x648xbf16>
      %get3A_392 = arith.constant 0 : index
      %get3A_393 = arith.constant 0 : index
      %get3A_394 = vector.load %arg13[%get3A_392, %get3A_393] : memref<128x648xf32, #tpu.memory_space<vmem>>, vector<128x648xf32>
      %dot_general3A_395 = arith.constant dense<0.000000e+00> : vector<128x648xf32>
      %dot_general3A_396 = tpu.matmul %convert_element_type3A_236, %convert_element_type3A_391, %dot_general3A_395 {dimension_numbers = #tpu.dot_dimension_numbers<[0], [0], [1], [1], [0, 1, 1, 1], [], []>, transpose_lhs_hint = false} : vector<1024x128xbf16>, vector<1024x648xbf16>, vector<128x648xf32> -> vector<128x648xf32>
      %add3A_397 = arith.addf %get3A_394, %dot_general3A_396 : vector<128x648xf32>
      %swap3A_398 = arith.constant 0 : index
      %swap3A_399 = arith.constant 0 : index
      %swap3A_400 = vector.load %arg13[%swap3A_398, %swap3A_399] : memref<128x648xf32, #tpu.memory_space<vmem>>, vector<128x648xf32>
      tpu.vector_store %arg13[%swap3A_398, %swap3A_399], %add3A_397 {strides = array<i32>} : memref<128x648xf32, #tpu.memory_space<vmem>>, vector<128x648xf32>,
      %add3A_401 = arith.constant 1 : i32
      %add3A_402 = arith.addi %add3A_205, %add3A_401 : i32
      %lt3A_403 = arith.cmpi slt, %add3A_402, %sub3A_49 : i32
      %convert_element_type3A_404 = arith.extui %lt3A_403 : i1 to i32
      %cond3A_405 = arith.constant 0 : i32
      %cond3A_406 = arith.cmpi ne, %convert_element_type3A_404, %cond3A_405 : i32
      scf.if %cond3A_406 {
        %add3A_412 = arith.constant 1 : i32
        %add3A_413 = arith.addi %add3A_205, %add3A_412 : i32
        %add3A_414 = arith.addi %select_n3A, %add3A_413 : i32
        %mul3A_415 = arith.constant 1024 : i32
        %mul3A_416 = arith.muli %add3A_414, %mul3A_415 : i32
        %dma_start3A = tpu.memref_slice %arg2[%mul3A_416] : memref<163840xi32, #tpu.memory_space<hbm>> -> memref<1024xi32, #tpu.memory_space<hbm>>
        tpu.enqueue_dma source(%dma_start3A : memref<1024xi32, #tpu.memory_space<hbm>>) target(%arg7 : memref<1024xi32, #tpu.memory_space<vmem>>) target_semaphore(%arg14 : memref<!tpu.dma_semaphore, #tpu.memory_space<semaphore_mem>>)
        %dma_start3A_417 = arith.constant 0 : i32
        %dma_start3A_418 = tpu.memref_slice %arg3[%mul3A_416, %dma_start3A_417] : memref<163840x512xi32, #tpu.memory_space<hbm>> -> memref<1024x512xi32, #tpu.memory_space<hbm>>
        tpu.enqueue_dma source(%dma_start3A_418 : memref<1024x512xi32, #tpu.memory_space<hbm>>) target(%arg8 : memref<1024x512xi32, #tpu.memory_space<vmem>>) target_semaphore(%arg15 : memref<!tpu.dma_semaphore, #tpu.memory_space<semaphore_mem>>)
        %dma_start3A_419 = arith.constant 0 : i32
        %dma_start3A_420 = tpu.memref_slice %arg4[%mul3A_416, %dma_start3A_419] : memref<163840x16xf32, #tpu.memory_space<hbm>> -> memref<1024x16xf32, #tpu.memory_space<hbm>>
        tpu.enqueue_dma source(%dma_start3A_420 : memref<1024x16xf32, #tpu.memory_space<hbm>>) target(%arg9 : memref<1024x16xf32, #tpu.memory_space<vmem>>) target_semaphore(%arg16 : memref<!tpu.dma_semaphore, #tpu.memory_space<semaphore_mem>>)
      } else {
      }
      %lt3A_407 = arith.cmpi slt, %add3A_205, %sub3A_49 : i32
      %convert_element_type3A_408 = arith.extui %lt3A_407 : i1 to i32
      %cond3A_409 = arith.constant 0 : i32
      %cond3A_410 = arith.cmpi ne, %convert_element_type3A_408, %cond3A_409 : i32
      scf.if %cond3A_410 {
        %add3A_412 = arith.addi %select_n3A, %add3A_205 : i32
        %mul3A_413 = arith.constant 1024 : i32
        %mul3A_414 = arith.muli %add3A_412, %mul3A_413 : i32
        %dma_wait3A_415 = tpu.memref_slice %arg2[%mul3A_414] : memref<163840xi32, #tpu.memory_space<hbm>> -> memref<1024xi32, #tpu.memory_space<hbm>>
        tpu.wait_dma2 semaphore(%arg17 : memref<!tpu.dma_semaphore, #tpu.memory_space<semaphore_mem>>) src(%dma_wait3A_415 : memref<1024xi32, #tpu.memory_space<hbm>>) dst(%arg10 : memref<1024xi32, #tpu.memory_space<vmem>>)
        %dma_wait3A_416 = arith.constant 0 : i32
        %dma_wait3A_417 = tpu.memref_slice %arg3[%mul3A_414, %dma_wait3A_416] : memref<163840x512xi32, #tpu.memory_space<hbm>> -> memref<1024x512xi32, #tpu.memory_space<hbm>>
        tpu.wait_dma2 semaphore(%arg18 : memref<!tpu.dma_semaphore, #tpu.memory_space<semaphore_mem>>) src(%dma_wait3A_417 : memref<1024x512xi32, #tpu.memory_space<hbm>>) dst(%arg11 : memref<1024x512xi32, #tpu.memory_space<vmem>>)
        %dma_wait3A_418 = arith.constant 0 : i32
        %dma_wait3A_419 = tpu.memref_slice %arg4[%mul3A_414, %dma_wait3A_418] : memref<163840x16xf32, #tpu.memory_space<hbm>> -> memref<1024x16xf32, #tpu.memory_space<hbm>>
        tpu.wait_dma2 semaphore(%arg19 : memref<!tpu.dma_semaphore, #tpu.memory_space<semaphore_mem>>) src(%dma_wait3A_419 : memref<1024x16xf32, #tpu.memory_space<hbm>>) dst(%arg12 : memref<1024x16xf32, #tpu.memory_space<vmem>>)
        %get3A_420 = arith.constant 0 : index
        %get3A_421 = arith.constant 0 : index
        %get3A_422 = vector.load %arg11[%get3A_420, %get3A_421] : memref<1024x512xi32, #tpu.memory_space<vmem>>, vector<1024x448xi32>
        %shift_left3A_423 = arith.constant 16 : i32
        %shift_left3A_424 = vector.broadcast %shift_left3A_423 : i32 to vector<1024x448xi32>
        %shift_left3A_425 = arith.shli %get3A_422, %shift_left3A_424 : vector<1024x448xi32>
        %bitcast_convert_type3A_426 = tpu.bitcast %shift_left3A_425 : vector<1024x448xi32> -> vector<1024x448xf32>
        %and3A_427 = arith.constant -65536 : i32
        %and3A_428 = vector.broadcast %and3A_427 : i32 to vector<1024x448xi32>
        %and3A_429 = arith.andi %get3A_422, %and3A_428 : vector<1024x448xi32>
        %bitcast_convert_type3A_430 = tpu.bitcast %and3A_429 : vector<1024x448xi32> -> vector<1024x448xf32>
        %concatenate3A_431 = tpu.concatenate %bitcast_convert_type3A_426, %bitcast_convert_type3A_430 in 1 : vector<1024x448xf32>, vector<1024x448xf32> -> vector<1024x896xf32>
        %get3A_432 = arith.constant 0 : index
        %get3A_433 = vector.load %arg10[%get3A_432] : memref<1024xi32, #tpu.memory_space<vmem>>, vector<1024xi32>
        %reshape3A_434 = vector.shape_cast %get3A_433 : vector<1024xi32> to vector<1024x1xi32>
        %iota3A_435 = tpu.iota {dimensions = array<i32: 1>} : vector<1024x128xi32>
        %sub3A_436 = vector.broadcast %mul3A_4 : i32 to vector<1024x1xi32>
        %sub3A_437 = arith.subi %reshape3A_434, %sub3A_436 : vector<1024x1xi32>
        %eq3A_438 = vector.broadcast %sub3A_437 : vector<1024x1xi32> to vector<1024x128xi32>
        %eq3A_439 = arith.cmpi eq, %eq3A_438, %iota3A_435 : vector<1024x128xi32>
        %convert_element_type3A_440 = arith.extui %eq3A_439 : vector<1024x128xi1> to vector<1024x128xi32>
        %convert_element_type3A_441 = arith.sitofp %convert_element_type3A_440 : vector<1024x128xi32> to vector<1024x128xf32>
        %convert_element_type3A_442 = arith.truncf %convert_element_type3A_441 : vector<1024x128xf32> to vector<1024x128xbf16>
        %get3A_443 = arith.constant 0 : index
        %get3A_444 = arith.constant 0 : index
        %get3A_445 = vector.load %arg5[%get3A_443, %get3A_444] : memref<128x256xbf16, #tpu.memory_space<vmem>>, vector<128x256xbf16>
        %dot_general3A_446 = arith.constant dense<0.000000e+00> : vector<1024x256xf32>
        %dot_general3A_447 = tpu.matmul %convert_element_type3A_442, %get3A_445, %dot_general3A_446 {dimension_numbers = #tpu.dot_dimension_numbers<[1], [0], [0], [1], [0, 0, 1, 1], [], []>, transpose_lhs_hint = false} : vector<1024x128xbf16>, vector<128x256xbf16>, vector<1024x256xf32> -> vector<1024x256xf32>
        %slice3A_448 = vector.extract_strided_slice %concatenate3A_431 {offsets = [0, 0], sizes = [1024, 256], strides = [1, 1]} : vector<1024x896xf32> to vector<1024x256xf32>
        %mul3A_449 = arith.mulf %dot_general3A_447, %slice3A_448 : vector<1024x256xf32>
        %convert_element_type3A_450 = arith.truncf %mul3A_449 : vector<1024x256xf32> to vector<1024x256xbf16>
        %iota3A_451 = tpu.iota {dimensions = array<i32: 0>} : vector<256x8xi32>
        %iota3A_452 = tpu.iota {dimensions = array<i32: 1>} : vector<256x8xi32>
        %jit3A_453 = arith.constant 32 : i32
        %div3A_454 = vector.broadcast %jit3A_453 : i32 to vector<256x8xi32>
        %div3A_455 = arith.divsi %iota3A_451, %div3A_454 : vector<256x8xi32>
        %sign3A_456 = arith.constant 0 : i32
        %sign3A_457 = vector.broadcast %sign3A_456 : i32 to vector<256x8xi32>
        %sign3A_458 = arith.cmpi sgt, %iota3A_451, %sign3A_457 : vector<256x8xi32>
        %sign3A_459 = arith.extui %sign3A_458 : vector<256x8xi1> to vector<256x8xi32>
        %sign3A_460 = arith.constant 0 : i32
        %sign3A_461 = vector.broadcast %sign3A_460 : i32 to vector<256x8xi32>
        %sign3A_462 = arith.cmpi slt, %iota3A_451, %sign3A_461 : vector<256x8xi32>
        %sign3A_463 = arith.extui %sign3A_462 : vector<256x8xi1> to vector<256x8xi32>
        %sign3A_464 = arith.subi %sign3A_459, %sign3A_463 : vector<256x8xi32>
        %sign3A_465 = arith.constant 0 : i32
        %sign3A_466 = arith.cmpi sgt, %jit3A_453, %sign3A_465 : i32
        %sign3A_467 = arith.extui %sign3A_466 : i1 to i32
        %sign3A_468 = arith.constant 0 : i32
        %sign3A_469 = arith.cmpi slt, %jit3A_453, %sign3A_468 : i32
        %sign3A_470 = arith.extui %sign3A_469 : i1 to i32
        %sign3A_471 = arith.subi %sign3A_467, %sign3A_470 : i32
        %ne3A_472 = vector.broadcast %sign3A_471 : i32 to vector<256x8xi32>
        %ne3A_473 = arith.cmpi ne, %sign3A_464, %ne3A_472 : vector<256x8xi32>
        %rem3A_474 = vector.broadcast %jit3A_453 : i32 to vector<256x8xi32>
        %rem3A_475 = arith.remsi %iota3A_451, %rem3A_474 : vector<256x8xi32>
        %ne3A_476 = arith.constant 0 : i32
        %ne3A_477 = vector.broadcast %ne3A_476 : i32 to vector<256x8xi32>
        %ne3A_478 = arith.cmpi ne, %rem3A_475, %ne3A_477 : vector<256x8xi32>
        %and3A_479 = arith.andi %ne3A_473, %ne3A_478 : vector<256x8xi1>
        %sub3A_480 = arith.constant 1 : i32
        %sub3A_481 = vector.broadcast %sub3A_480 : i32 to vector<256x8xi32>
        %sub3A_482 = arith.subi %div3A_455, %sub3A_481 : vector<256x8xi32>
        %select_n3A_483 = arith.select %and3A_479, %sub3A_482, %div3A_455 : vector<256x8xi1>, vector<256x8xi32>
        %eq3A_484 = arith.cmpi eq, %select_n3A_483, %iota3A_452 : vector<256x8xi32>
        %convert_element_type3A_485 = arith.extui %eq3A_484 : vector<256x8xi1> to vector<256x8xi32>
        %convert_element_type3A_486 = arith.sitofp %convert_element_type3A_485 : vector<256x8xi32> to vector<256x8xf32>
        %convert_element_type3A_487 = arith.truncf %convert_element_type3A_486 : vector<256x8xf32> to vector<256x8xbf16>
        %dot_general3A_488 = arith.constant dense<0.000000e+00> : vector<1024x8xf32>
        %dot_general3A_489 = tpu.matmul %convert_element_type3A_450, %convert_element_type3A_487, %dot_general3A_488 {dimension_numbers = #tpu.dot_dimension_numbers<[1], [0], [0], [1], [0, 0, 1, 1], [], []>, transpose_lhs_hint = false} : vector<1024x256xbf16>, vector<256x8xbf16>, vector<1024x8xf32> -> vector<1024x8xf32>
        %get3A_490 = arith.constant 0 : index
        %get3A_491 = arith.constant 8 : index
        %get3A_492 = vector.load %arg12[%get3A_490, %get3A_491] : memref<1024x16xf32, #tpu.memory_space<vmem>>, vector<1024x8xf32>
        %add3A_493 = arith.addf %dot_general3A_489, %get3A_492 : vector<1024x8xf32>
        %jit3A_494 = arith.constant -6.000000e+01 : f32
        %jit3A_495 = arith.constant 6.000000e+01 : f32
        %max3A_496 = vector.broadcast %jit3A_494 : f32 to vector<1024x8xf32>
        %max3A_497 = arith.maximumf %max3A_496, %add3A_493 : vector<1024x8xf32>
        %min3A_498 = vector.broadcast %jit3A_495 : f32 to vector<1024x8xf32>
        %min3A_499 = arith.minimumf %min3A_498, %max3A_497 : vector<1024x8xf32>
        %exp3A_500 = math.exp %min3A_499 : vector<1024x8xf32>
        %iota3A_501 = tpu.iota {dimensions = array<i32: 0>} : vector<8x256xi32>
        %iota3A_502 = tpu.iota {dimensions = array<i32: 1>} : vector<8x256xi32>
        %jit3A_503 = arith.constant 32 : i32
        %div3A_504 = vector.broadcast %jit3A_503 : i32 to vector<8x256xi32>
        %div3A_505 = arith.divsi %iota3A_502, %div3A_504 : vector<8x256xi32>
        %sign3A_506 = arith.constant 0 : i32
        %sign3A_507 = vector.broadcast %sign3A_506 : i32 to vector<8x256xi32>
        %sign3A_508 = arith.cmpi sgt, %iota3A_502, %sign3A_507 : vector<8x256xi32>
        %sign3A_509 = arith.extui %sign3A_508 : vector<8x256xi1> to vector<8x256xi32>
        %sign3A_510 = arith.constant 0 : i32
        %sign3A_511 = vector.broadcast %sign3A_510 : i32 to vector<8x256xi32>
        %sign3A_512 = arith.cmpi slt, %iota3A_502, %sign3A_511 : vector<8x256xi32>
        %sign3A_513 = arith.extui %sign3A_512 : vector<8x256xi1> to vector<8x256xi32>
        %sign3A_514 = arith.subi %sign3A_509, %sign3A_513 : vector<8x256xi32>
        %sign3A_515 = arith.constant 0 : i32
        %sign3A_516 = arith.cmpi sgt, %jit3A_503, %sign3A_515 : i32
        %sign3A_517 = arith.extui %sign3A_516 : i1 to i32
        %sign3A_518 = arith.constant 0 : i32
        %sign3A_519 = arith.cmpi slt, %jit3A_503, %sign3A_518 : i32
        %sign3A_520 = arith.extui %sign3A_519 : i1 to i32
        %sign3A_521 = arith.subi %sign3A_517, %sign3A_520 : i32
        %ne3A_522 = vector.broadcast %sign3A_521 : i32 to vector<8x256xi32>
        %ne3A_523 = arith.cmpi ne, %sign3A_514, %ne3A_522 : vector<8x256xi32>
        %rem3A_524 = vector.broadcast %jit3A_503 : i32 to vector<8x256xi32>
        %rem3A_525 = arith.remsi %iota3A_502, %rem3A_524 : vector<8x256xi32>
        %ne3A_526 = arith.constant 0 : i32
        %ne3A_527 = vector.broadcast %ne3A_526 : i32 to vector<8x256xi32>
        %ne3A_528 = arith.cmpi ne, %rem3A_525, %ne3A_527 : vector<8x256xi32>
        %and3A_529 = arith.andi %ne3A_523, %ne3A_528 : vector<8x256xi1>
        %sub3A_530 = arith.constant 1 : i32
        %sub3A_531 = vector.broadcast %sub3A_530 : i32 to vector<8x256xi32>
        %sub3A_532 = arith.subi %div3A_505, %sub3A_531 : vector<8x256xi32>
        %select_n3A_533 = arith.select %and3A_529, %sub3A_532, %div3A_505 : vector<8x256xi1>, vector<8x256xi32>
        %eq3A_534 = arith.cmpi eq, %select_n3A_533, %iota3A_501 : vector<8x256xi32>
        %convert_element_type3A_535 = arith.extui %eq3A_534 : vector<8x256xi1> to vector<8x256xi32>
        %convert_element_type3A_536 = arith.sitofp %convert_element_type3A_535 : vector<8x256xi32> to vector<8x256xf32>
        %iota3A_537 = tpu.iota {dimensions = array<i32: 0>} : vector<8x384xi32>
        %iota3A_538 = tpu.iota {dimensions = array<i32: 1>} : vector<8x384xi32>
        %jit3A_539 = arith.constant 128 : i32
        %eq3A_540 = arith.constant 0 : i32
        %eq3A_541 = arith.cmpi eq, %jit3A_539, %eq3A_540 : i32
        %jit3A_542 = arith.constant 1 : i32
        %select_n3A_543 = arith.select %eq3A_541, %jit3A_542, %jit3A_539 : i32
        %rem3A_544 = vector.broadcast %select_n3A_543 : i32 to vector<8x384xi32>
        %rem3A_545 = arith.remsi %iota3A_538, %rem3A_544 : vector<8x384xi32>
        %ne3A_546 = arith.constant 0 : i32
        %ne3A_547 = vector.broadcast %ne3A_546 : i32 to vector<8x384xi32>
        %ne3A_548 = arith.cmpi ne, %rem3A_545, %ne3A_547 : vector<8x384xi32>
        %lt3A_549 = arith.constant 0 : i32
        %lt3A_550 = vector.broadcast %lt3A_549 : i32 to vector<8x384xi32>
        %lt3A_551 = arith.cmpi slt, %rem3A_545, %lt3A_550 : vector<8x384xi32>
        %lt3A_552 = arith.constant 0 : i32
        %lt3A_553 = arith.cmpi slt, %select_n3A_543, %lt3A_552 : i32
        %ne3A_554 = vector.broadcast %lt3A_553 : i1 to vector<8x384xi1>
        %ne3A_555 = vector.broadcast %ne3A_554 : vector<8x384xi1> to vector<8x384xi1>
        %ne3A_556 = arith.xori %lt3A_551, %ne3A_555 : vector<8x384xi1>
        %and3A_557 = arith.andi %ne3A_556, %ne3A_548 : vector<8x384xi1>
        %add3A_558 = vector.broadcast %select_n3A_543 : i32 to vector<8x384xi32>
        %add3A_559 = arith.addi %rem3A_545, %add3A_558 : vector<8x384xi32>
        %select_n3A_560 = arith.select %and3A_557, %add3A_559, %rem3A_545 : vector<8x384xi1>, vector<8x384xi32>
        %jit3A_561 = arith.constant 16 : i32
        %div3A_562 = vector.broadcast %jit3A_561 : i32 to vector<8x384xi32>
        %div3A_563 = arith.divsi %select_n3A_560, %div3A_562 : vector<8x384xi32>
        %sign3A_564 = arith.constant 0 : i32
        %sign3A_565 = vector.broadcast %sign3A_564 : i32 to vector<8x384xi32>
        %sign3A_566 = arith.cmpi sgt, %select_n3A_560, %sign3A_565 : vector<8x384xi32>
        %sign3A_567 = arith.extui %sign3A_566 : vector<8x384xi1> to vector<8x384xi32>
        %sign3A_568 = arith.constant 0 : i32
        %sign3A_569 = vector.broadcast %sign3A_568 : i32 to vector<8x384xi32>
        %sign3A_570 = arith.cmpi slt, %select_n3A_560, %sign3A_569 : vector<8x384xi32>
        %sign3A_571 = arith.extui %sign3A_570 : vector<8x384xi1> to vector<8x384xi32>
        %sign3A_572 = arith.subi %sign3A_567, %sign3A_571 : vector<8x384xi32>
        %sign3A_573 = arith.constant 0 : i32
        %sign3A_574 = arith.cmpi sgt, %jit3A_561, %sign3A_573 : i32
        %sign3A_575 = arith.extui %sign3A_574 : i1 to i32
        %sign3A_576 = arith.constant 0 : i32
        %sign3A_577 = arith.cmpi slt, %jit3A_561, %sign3A_576 : i32
        %sign3A_578 = arith.extui %sign3A_577 : i1 to i32
        %sign3A_579 = arith.subi %sign3A_575, %sign3A_578 : i32
        %ne3A_580 = vector.broadcast %sign3A_579 : i32 to vector<8x384xi32>
        %ne3A_581 = arith.cmpi ne, %sign3A_572, %ne3A_580 : vector<8x384xi32>
        %rem3A_582 = vector.broadcast %jit3A_561 : i32 to vector<8x384xi32>
        %rem3A_583 = arith.remsi %select_n3A_560, %rem3A_582 : vector<8x384xi32>
        %ne3A_584 = arith.constant 0 : i32
        %ne3A_585 = vector.broadcast %ne3A_584 : i32 to vector<8x384xi32>
        %ne3A_586 = arith.cmpi ne, %rem3A_583, %ne3A_585 : vector<8x384xi32>
        %and3A_587 = arith.andi %ne3A_581, %ne3A_586 : vector<8x384xi1>
        %sub3A_588 = arith.constant 1 : i32
        %sub3A_589 = vector.broadcast %sub3A_588 : i32 to vector<8x384xi32>
        %sub3A_590 = arith.subi %div3A_563, %sub3A_589 : vector<8x384xi32>
        %select_n3A_591 = arith.select %and3A_587, %sub3A_590, %div3A_563 : vector<8x384xi1>, vector<8x384xi32>
        %eq3A_592 = arith.cmpi eq, %select_n3A_591, %iota3A_537 : vector<8x384xi32>
        %convert_element_type3A_593 = arith.extui %eq3A_592 : vector<8x384xi1> to vector<8x384xi32>
        %convert_element_type3A_594 = arith.sitofp %convert_element_type3A_593 : vector<8x384xi32> to vector<8x384xf32>
        %concatenate3A_595 = tpu.concatenate %convert_element_type3A_536, %convert_element_type3A_594 in 1 : vector<8x256xf32>, vector<8x384xf32> -> vector<8x640xf32>
        %dot_general3A_596 = arith.constant dense<0.000000e+00> : vector<1024x640xf32>
        %dot_general3A_597 = tpu.matmul %exp3A_500, %concatenate3A_595, %dot_general3A_596 {dimension_numbers = #tpu.dot_dimension_numbers<[1], [0], [0], [1], [0, 0, 1, 1], [], []>, transpose_lhs_hint = false} : vector<1024x8xf32>, vector<8x640xf32>, vector<1024x640xf32> -> vector<1024x640xf32>
        %slice3A_598 = vector.extract_strided_slice %concatenate3A_431 {offsets = [0, 256], sizes = [1024, 640], strides = [1, 1]} : vector<1024x896xf32> to vector<1024x640xf32>
        %mul3A_599 = arith.mulf %slice3A_598, %dot_general3A_597 : vector<1024x640xf32>
        %concatenate3A_600 = tpu.concatenate %mul3A_599, %exp3A_500 in 1 : vector<1024x640xf32>, vector<1024x8xf32> -> vector<1024x648xf32>
        %convert_element_type3A_601 = arith.truncf %concatenate3A_600 : vector<1024x648xf32> to vector<1024x648xbf16>
        %get3A_602 = arith.constant 0 : index
        %get3A_603 = arith.constant 0 : index
        %get3A_604 = vector.load %arg13[%get3A_602, %get3A_603] : memref<128x648xf32, #tpu.memory_space<vmem>>, vector<128x648xf32>
        %dot_general3A_605 = arith.constant dense<0.000000e+00> : vector<128x648xf32>
        %dot_general3A_606 = tpu.matmul %convert_element_type3A_442, %convert_element_type3A_601, %dot_general3A_605 {dimension_numbers = #tpu.dot_dimension_numbers<[0], [0], [1], [1], [0, 1, 1, 1], [], []>, transpose_lhs_hint = false} : vector<1024x128xbf16>, vector<1024x648xbf16>, vector<128x648xf32> -> vector<128x648xf32>
        %add3A_607 = arith.addf %get3A_604, %dot_general3A_606 : vector<128x648xf32>
        %swap3A_608 = arith.constant 0 : index
        %swap3A_609 = arith.constant 0 : index
        %swap3A_610 = vector.load %arg13[%swap3A_608, %swap3A_609] : memref<128x648xf32, #tpu.memory_space<vmem>>, vector<128x648xf32>
        tpu.vector_store %arg13[%swap3A_608, %swap3A_609], %add3A_607 {strides = array<i32>} : memref<128x648xf32, #tpu.memory_space<vmem>>, vector<128x648xf32>,
      } else {
      }
      %while3A_411 = arith.constant 0 : i32
      scf.yield %while3A_411 : i32
    }
    %while3A_90 = arith.constant 1 : i32
    %while3A_91 = scf.for %while3A_200 = %while3A_87 to %while3A_83 step %while3A_90 iter_args(%while3A_201 = %while3A_89) -> (i32)  : i32 {
      %mul3A_202 = arith.constant 2 : i32
      %mul3A_203 = arith.muli %mul3A_202, %while3A_200 : i32
      %add3A_204 = arith.constant 1 : i32
      %add3A_205 = arith.addi %mul3A_203, %add3A_204 : i32
      %lt3A_206 = arith.cmpi slt, %add3A_205, %sub3A_49 : i32
      %convert_element_type3A_207 = arith.extui %lt3A_206 : i1 to i32
      %cond3A_208 = arith.constant 0 : i32
      %cond3A_209 = arith.cmpi ne, %convert_element_type3A_207, %cond3A_208 : i32
      scf.if %cond3A_209 {
        %add3A_412 = arith.addi %select_n3A, %add3A_205 : i32
        %mul3A_413 = arith.constant 1024 : i32
        %mul3A_414 = arith.muli %add3A_412, %mul3A_413 : i32
        %dma_start3A = tpu.memref_slice %arg2[%mul3A_414] : memref<163840xi32, #tpu.memory_space<hbm>> -> memref<1024xi32, #tpu.memory_space<hbm>>
        tpu.enqueue_dma source(%dma_start3A : memref<1024xi32, #tpu.memory_space<hbm>>) target(%arg10 : memref<1024xi32, #tpu.memory_space<vmem>>) target_semaphore(%arg17 : memref<!tpu.dma_semaphore, #tpu.memory_space<semaphore_mem>>)
        %dma_start3A_415 = arith.constant 0 : i32
        %dma_start3A_416 = tpu.memref_slice %arg3[%mul3A_414, %dma_start3A_415] : memref<163840x512xi32, #tpu.memory_space<hbm>> -> memref<1024x512xi32, #tpu.memory_space<hbm>>
        tpu.enqueue_dma source(%dma_start3A_416 : memref<1024x512xi32, #tpu.memory_space<hbm>>) target(%arg11 : memref<1024x512xi32, #tpu.memory_space<vmem>>) target_semaphore(%arg18 : memref<!tpu.dma_semaphore, #tpu.memory_space<semaphore_mem>>)
        %dma_start3A_417 = arith.constant 0 : i32
        %dma_start3A_418 = tpu.memref_slice %arg4[%mul3A_414, %dma_start3A_417] : memref<163840x16xf32, #tpu.memory_space<hbm>> -> memref<1024x16xf32, #tpu.memory_space<hbm>>
        tpu.enqueue_dma source(%dma_start3A_418 : memref<1024x16xf32, #tpu.memory_space<hbm>>) target(%arg12 : memref<1024x16xf32, #tpu.memory_space<vmem>>) target_semaphore(%arg19 : memref<!tpu.dma_semaphore, #tpu.memory_space<semaphore_mem>>)
      } else {
      }
      %add3A_210 = arith.addi %select_n3A, %mul3A_203 : i32
      %mul3A_211 = arith.constant 1024 : i32
      %mul3A_212 = arith.muli %add3A_210, %mul3A_211 : i32
      %dma_wait3A = tpu.memref_slice %arg2[%mul3A_212] : memref<163840xi32, #tpu.memory_space<hbm>> -> memref<1024xi32, #tpu.memory_space<hbm>>
      tpu.wait_dma2 semaphore(%arg14 : memref<!tpu.dma_semaphore, #tpu.memory_space<semaphore_mem>>) src(%dma_wait3A : memref<1024xi32, #tpu.memory_space<hbm>>) dst(%arg7 : memref<1024xi32, #tpu.memory_space<vmem>>)
      %dma_wait3A_213 = arith.constant 0 : i32
      %dma_wait3A_214 = tpu.memref_slice %arg3[%mul3A_212, %dma_wait3A_213] : memref<163840x512xi32, #tpu.memory_space<hbm>> -> memref<1024x512xi32, #tpu.memory_space<hbm>>
      tpu.wait_dma2 semaphore(%arg15 : memref<!tpu.dma_semaphore, #tpu.memory_space<semaphore_mem>>) src(%dma_wait3A_214 : memref<1024x512xi32, #tpu.memory_space<hbm>>) dst(%arg8 : memref<1024x512xi32, #tpu.memory_space<vmem>>)
      %dma_wait3A_215 = arith.constant 0 : i32
      %dma_wait3A_216 = tpu.memref_slice %arg4[%mul3A_212, %dma_wait3A_215] : memref<163840x16xf32, #tpu.memory_space<hbm>> -> memref<1024x16xf32, #tpu.memory_space<hbm>>
      tpu.wait_dma2 semaphore(%arg16 : memref<!tpu.dma_semaphore, #tpu.memory_space<semaphore_mem>>) src(%dma_wait3A_216 : memref<1024x16xf32, #tpu.memory_space<hbm>>) dst(%arg9 : memref<1024x16xf32, #tpu.memory_space<vmem>>)
      %get3A_217 = arith.constant 0 : index
      %get3A_218 = arith.constant 0 : index
      %get3A_219 = vector.load %arg8[%get3A_217, %get3A_218] : memref<1024x512xi32, #tpu.memory_space<vmem>>, vector<1024x448xi32>
      %shift_left3A = arith.constant 16 : i32
      %shift_left3A_220 = vector.broadcast %shift_left3A : i32 to vector<1024x448xi32>
      %shift_left3A_221 = arith.shli %get3A_219, %shift_left3A_220 : vector<1024x448xi32>
      %bitcast_convert_type3A = tpu.bitcast %shift_left3A_221 : vector<1024x448xi32> -> vector<1024x448xf32>
      %and3A_222 = arith.constant -65536 : i32
      %and3A_223 = vector.broadcast %and3A_222 : i32 to vector<1024x448xi32>
      %and3A_224 = arith.andi %get3A_219, %and3A_223 : vector<1024x448xi32>
      %bitcast_convert_type3A_225 = tpu.bitcast %and3A_224 : vector<1024x448xi32> -> vector<1024x448xf32>
      %concatenate3A_226 = tpu.concatenate %bitcast_convert_type3A, %bitcast_convert_type3A_225 in 1 : vector<1024x448xf32>, vector<1024x448xf32> -> vector<1024x896xf32>
      %get3A_227 = arith.constant 0 : index
      %get3A_228 = vector.load %arg7[%get3A_227] : memref<1024xi32, #tpu.memory_space<vmem>>, vector<1024xi32>
      %reshape3A = vector.shape_cast %get3A_228 : vector<1024xi32> to vector<1024x1xi32>
      %iota3A_229 = tpu.iota {dimensions = array<i32: 1>} : vector<1024x128xi32>
      %sub3A_230 = vector.broadcast %mul3A_4 : i32 to vector<1024x1xi32>
      %sub3A_231 = arith.subi %reshape3A, %sub3A_230 : vector<1024x1xi32>
      %eq3A_232 = vector.broadcast %sub3A_231 : vector<1024x1xi32> to vector<1024x128xi32>
      %eq3A_233 = arith.cmpi eq, %eq3A_232, %iota3A_229 : vector<1024x128xi32>
      %convert_element_type3A_234 = arith.extui %eq3A_233 : vector<1024x128xi1> to vector<1024x128xi32>
      %convert_element_type3A_235 = arith.sitofp %convert_element_type3A_234 : vector<1024x128xi32> to vector<1024x128xf32>
      %convert_element_type3A_236 = arith.truncf %convert_element_type3A_235 : vector<1024x128xf32> to vector<1024x128xbf16>
      %get3A_237 = arith.constant 0 : index
      %get3A_238 = arith.constant 0 : index
      %get3A_239 = vector.load %arg5[%get3A_237, %get3A_238] : memref<128x256xbf16, #tpu.memory_space<vmem>>, vector<128x256xbf16>
      %dot_general3A_240 = arith.constant dense<0.000000e+00> : vector<1024x256xf32>
      %dot_general3A_241 = tpu.matmul %convert_element_type3A_236, %get3A_239, %dot_general3A_240 {dimension_numbers = #tpu.dot_dimension_numbers<[1], [0], [0], [1], [0, 0, 1, 1], [], []>, transpose_lhs_hint = false} : vector<1024x128xbf16>, vector<128x256xbf16>, vector<1024x256xf32> -> vector<1024x256xf32>
      %slice3A = vector.extract_strided_slice %concatenate3A_226 {offsets = [0, 0], sizes = [1024, 256], strides = [1, 1]} : vector<1024x896xf32> to vector<1024x256xf32>
      %mul3A_242 = arith.mulf %dot_general3A_241, %slice3A : vector<1024x256xf32>
      %convert_element_type3A_243 = arith.truncf %mul3A_242 : vector<1024x256xf32> to vector<1024x256xbf16>
      %iota3A_244 = tpu.iota {dimensions = array<i32: 0>} : vector<256x8xi32>
      %iota3A_245 = tpu.iota {dimensions = array<i32: 1>} : vector<256x8xi32>
      %jit3A_246 = arith.constant 32 : i32
      %div3A_247 = vector.broadcast %jit3A_246 : i32 to vector<256x8xi32>
      %div3A_248 = arith.divsi %iota3A_244, %div3A_247 : vector<256x8xi32>
      %sign3A_249 = arith.constant 0 : i32
      %sign3A_250 = vector.broadcast %sign3A_249 : i32 to vector<256x8xi32>
      %sign3A_251 = arith.cmpi sgt, %iota3A_244, %sign3A_250 : vector<256x8xi32>
      %sign3A_252 = arith.extui %sign3A_251 : vector<256x8xi1> to vector<256x8xi32>
      %sign3A_253 = arith.constant 0 : i32
      %sign3A_254 = vector.broadcast %sign3A_253 : i32 to vector<256x8xi32>
      %sign3A_255 = arith.cmpi slt, %iota3A_244, %sign3A_254 : vector<256x8xi32>
      %sign3A_256 = arith.extui %sign3A_255 : vector<256x8xi1> to vector<256x8xi32>
      %sign3A_257 = arith.subi %sign3A_252, %sign3A_256 : vector<256x8xi32>
      %sign3A_258 = arith.constant 0 : i32
      %sign3A_259 = arith.cmpi sgt, %jit3A_246, %sign3A_258 : i32
      %sign3A_260 = arith.extui %sign3A_259 : i1 to i32
      %sign3A_261 = arith.constant 0 : i32
      %sign3A_262 = arith.cmpi slt, %jit3A_246, %sign3A_261 : i32
      %sign3A_263 = arith.extui %sign3A_262 : i1 to i32
      %sign3A_264 = arith.subi %sign3A_260, %sign3A_263 : i32
      %ne3A_265 = vector.broadcast %sign3A_264 : i32 to vector<256x8xi32>
      %ne3A_266 = arith.cmpi ne, %sign3A_257, %ne3A_265 : vector<256x8xi32>
      %rem3A_267 = vector.broadcast %jit3A_246 : i32 to vector<256x8xi32>
      %rem3A_268 = arith.remsi %iota3A_244, %rem3A_267 : vector<256x8xi32>
      %ne3A_269 = arith.constant 0 : i32
      %ne3A_270 = vector.broadcast %ne3A_269 : i32 to vector<256x8xi32>
      %ne3A_271 = arith.cmpi ne, %rem3A_268, %ne3A_270 : vector<256x8xi32>
      %and3A_272 = arith.andi %ne3A_266, %ne3A_271 : vector<256x8xi1>
      %sub3A_273 = arith.constant 1 : i32
      %sub3A_274 = vector.broadcast %sub3A_273 : i32 to vector<256x8xi32>
      %sub3A_275 = arith.subi %div3A_248, %sub3A_274 : vector<256x8xi32>
      %select_n3A_276 = arith.select %and3A_272, %sub3A_275, %div3A_248 : vector<256x8xi1>, vector<256x8xi32>
      %eq3A_277 = arith.cmpi eq, %select_n3A_276, %iota3A_245 : vector<256x8xi32>
      %convert_element_type3A_278 = arith.extui %eq3A_277 : vector<256x8xi1> to vector<256x8xi32>
      %convert_element_type3A_279 = arith.sitofp %convert_element_type3A_278 : vector<256x8xi32> to vector<256x8xf32>
      %convert_element_type3A_280 = arith.truncf %convert_element_type3A_279 : vector<256x8xf32> to vector<256x8xbf16>
      %dot_general3A_281 = arith.constant dense<0.000000e+00> : vector<1024x8xf32>
      %dot_general3A_282 = tpu.matmul %convert_element_type3A_243, %convert_element_type3A_280, %dot_general3A_281 {dimension_numbers = #tpu.dot_dimension_numbers<[1], [0], [0], [1], [0, 0, 1, 1], [], []>, transpose_lhs_hint = false} : vector<1024x256xbf16>, vector<256x8xbf16>, vector<1024x8xf32> -> vector<1024x8xf32>
      %get3A_283 = arith.constant 0 : index
      %get3A_284 = arith.constant 8 : index
      %get3A_285 = vector.load %arg9[%get3A_283, %get3A_284] : memref<1024x16xf32, #tpu.memory_space<vmem>>, vector<1024x8xf32>
      %add3A_286 = arith.addf %dot_general3A_282, %get3A_285 : vector<1024x8xf32>
      %jit3A_287 = arith.constant -6.000000e+01 : f32
      %jit3A_288 = arith.constant 6.000000e+01 : f32
      %max3A = vector.broadcast %jit3A_287 : f32 to vector<1024x8xf32>
      %max3A_289 = arith.maximumf %max3A, %add3A_286 : vector<1024x8xf32>
      %min3A = vector.broadcast %jit3A_288 : f32 to vector<1024x8xf32>
      %min3A_290 = arith.minimumf %min3A, %max3A_289 : vector<1024x8xf32>
      %exp3A = math.exp %min3A_290 : vector<1024x8xf32>
      %iota3A_291 = tpu.iota {dimensions = array<i32: 0>} : vector<8x256xi32>
      %iota3A_292 = tpu.iota {dimensions = array<i32: 1>} : vector<8x256xi32>
      %jit3A_293 = arith.constant 32 : i32
      %div3A_294 = vector.broadcast %jit3A_293 : i32 to vector<8x256xi32>
      %div3A_295 = arith.divsi %iota3A_292, %div3A_294 : vector<8x256xi32>
      %sign3A_296 = arith.constant 0 : i32
      %sign3A_297 = vector.broadcast %sign3A_296 : i32 to vector<8x256xi32>
      %sign3A_298 = arith.cmpi sgt, %iota3A_292, %sign3A_297 : vector<8x256xi32>
      %sign3A_299 = arith.extui %sign3A_298 : vector<8x256xi1> to vector<8x256xi32>
      %sign3A_300 = arith.constant 0 : i32
      %sign3A_301 = vector.broadcast %sign3A_300 : i32 to vector<8x256xi32>
      %sign3A_302 = arith.cmpi slt, %iota3A_292, %sign3A_301 : vector<8x256xi32>
      %sign3A_303 = arith.extui %sign3A_302 : vector<8x256xi1> to vector<8x256xi32>
      %sign3A_304 = arith.subi %sign3A_299, %sign3A_303 : vector<8x256xi32>
      %sign3A_305 = arith.constant 0 : i32
      %sign3A_306 = arith.cmpi sgt, %jit3A_293, %sign3A_305 : i32
      %sign3A_307 = arith.extui %sign3A_306 : i1 to i32
      %sign3A_308 = arith.constant 0 : i32
      %sign3A_309 = arith.cmpi slt, %jit3A_293, %sign3A_308 : i32
      %sign3A_310 = arith.extui %sign3A_309 : i1 to i32
      %sign3A_311 = arith.subi %sign3A_307, %sign3A_310 : i32
      %ne3A_312 = vector.broadcast %sign3A_311 : i32 to vector<8x256xi32>
      %ne3A_313 = arith.cmpi ne, %sign3A_304, %ne3A_312 : vector<8x256xi32>
      %rem3A_314 = vector.broadcast %jit3A_293 : i32 to vector<8x256xi32>
      %rem3A_315 = arith.remsi %iota3A_292, %rem3A_314 : vector<8x256xi32>
      %ne3A_316 = arith.constant 0 : i32
      %ne3A_317 = vector.broadcast %ne3A_316 : i32 to vector<8x256xi32>
      %ne3A_318 = arith.cmpi ne, %rem3A_315, %ne3A_317 : vector<8x256xi32>
      %and3A_319 = arith.andi %ne3A_313, %ne3A_318 : vector<8x256xi1>
      %sub3A_320 = arith.constant 1 : i32
      %sub3A_321 = vector.broadcast %sub3A_320 : i32 to vector<8x256xi32>
      %sub3A_322 = arith.subi %div3A_295, %sub3A_321 : vector<8x256xi32>
      %select_n3A_323 = arith.select %and3A_319, %sub3A_322, %div3A_295 : vector<8x256xi1>, vector<8x256xi32>
      %eq3A_324 = arith.cmpi eq, %select_n3A_323, %iota3A_291 : vector<8x256xi32>
      %convert_element_type3A_325 = arith.extui %eq3A_324 : vector<8x256xi1> to vector<8x256xi32>
      %convert_element_type3A_326 = arith.sitofp %convert_element_type3A_325 : vector<8x256xi32> to vector<8x256xf32>
      %iota3A_327 = tpu.iota {dimensions = array<i32: 0>} : vector<8x384xi32>
      %iota3A_328 = tpu.iota {dimensions = array<i32: 1>} : vector<8x384xi32>
      %jit3A_329 = arith.constant 128 : i32
      %eq3A_330 = arith.constant 0 : i32
      %eq3A_331 = arith.cmpi eq, %jit3A_329, %eq3A_330 : i32
      %jit3A_332 = arith.constant 1 : i32
      %select_n3A_333 = arith.select %eq3A_331, %jit3A_332, %jit3A_329 : i32
      %rem3A_334 = vector.broadcast %select_n3A_333 : i32 to vector<8x384xi32>
      %rem3A_335 = arith.remsi %iota3A_328, %rem3A_334 : vector<8x384xi32>
      %ne3A_336 = arith.constant 0 : i32
      %ne3A_337 = vector.broadcast %ne3A_336 : i32 to vector<8x384xi32>
      %ne3A_338 = arith.cmpi ne, %rem3A_335, %ne3A_337 : vector<8x384xi32>
      %lt3A_339 = arith.constant 0 : i32
      %lt3A_340 = vector.broadcast %lt3A_339 : i32 to vector<8x384xi32>
      %lt3A_341 = arith.cmpi slt, %rem3A_335, %lt3A_340 : vector<8x384xi32>
      %lt3A_342 = arith.constant 0 : i32
      %lt3A_343 = arith.cmpi slt, %select_n3A_333, %lt3A_342 : i32
      %ne3A_344 = vector.broadcast %lt3A_343 : i1 to vector<8x384xi1>
      %ne3A_345 = vector.broadcast %ne3A_344 : vector<8x384xi1> to vector<8x384xi1>
      %ne3A_346 = arith.xori %lt3A_341, %ne3A_345 : vector<8x384xi1>
      %and3A_347 = arith.andi %ne3A_346, %ne3A_338 : vector<8x384xi1>
      %add3A_348 = vector.broadcast %select_n3A_333 : i32 to vector<8x384xi32>
      %add3A_349 = arith.addi %rem3A_335, %add3A_348 : vector<8x384xi32>
      %select_n3A_350 = arith.select %and3A_347, %add3A_349, %rem3A_335 : vector<8x384xi1>, vector<8x384xi32>
      %jit3A_351 = arith.constant 16 : i32
      %div3A_352 = vector.broadcast %jit3A_351 : i32 to vector<8x384xi32>
      %div3A_353 = arith.divsi %select_n3A_350, %div3A_352 : vector<8x384xi32>
      %sign3A_354 = arith.constant 0 : i32
      %sign3A_355 = vector.broadcast %sign3A_354 : i32 to vector<8x384xi32>
      %sign3A_356 = arith.cmpi sgt, %select_n3A_350, %sign3A_355 : vector<8x384xi32>
      %sign3A_357 = arith.extui %sign3A_356 : vector<8x384xi1> to vector<8x384xi32>
      %sign3A_358 = arith.constant 0 : i32
      %sign3A_359 = vector.broadcast %sign3A_358 : i32 to vector<8x384xi32>
      %sign3A_360 = arith.cmpi slt, %select_n3A_350, %sign3A_359 : vector<8x384xi32>
      %sign3A_361 = arith.extui %sign3A_360 : vector<8x384xi1> to vector<8x384xi32>
      %sign3A_362 = arith.subi %sign3A_357, %sign3A_361 : vector<8x384xi32>
      %sign3A_363 = arith.constant 0 : i32
      %sign3A_364 = arith.cmpi sgt, %jit3A_351, %sign3A_363 : i32
      %sign3A_365 = arith.extui %sign3A_364 : i1 to i32
      %sign3A_366 = arith.constant 0 : i32
      %sign3A_367 = arith.cmpi slt, %jit3A_351, %sign3A_366 : i32
      %sign3A_368 = arith.extui %sign3A_367 : i1 to i32
      %sign3A_369 = arith.subi %sign3A_365, %sign3A_368 : i32
      %ne3A_370 = vector.broadcast %sign3A_369 : i32 to vector<8x384xi32>
      %ne3A_371 = arith.cmpi ne, %sign3A_362, %ne3A_370 : vector<8x384xi32>
      %rem3A_372 = vector.broadcast %jit3A_351 : i32 to vector<8x384xi32>
      %rem3A_373 = arith.remsi %select_n3A_350, %rem3A_372 : vector<8x384xi32>
      %ne3A_374 = arith.constant 0 : i32
      %ne3A_375 = vector.broadcast %ne3A_374 : i32 to vector<8x384xi32>
      %ne3A_376 = arith.cmpi ne, %rem3A_373, %ne3A_375 : vector<8x384xi32>
      %and3A_377 = arith.andi %ne3A_371, %ne3A_376 : vector<8x384xi1>
      %sub3A_378 = arith.constant 1 : i32
      %sub3A_379 = vector.broadcast %sub3A_378 : i32 to vector<8x384xi32>
      %sub3A_380 = arith.subi %div3A_353, %sub3A_379 : vector<8x384xi32>
      %select_n3A_381 = arith.select %and3A_377, %sub3A_380, %div3A_353 : vector<8x384xi1>, vector<8x384xi32>
      %eq3A_382 = arith.cmpi eq, %select_n3A_381, %iota3A_327 : vector<8x384xi32>
      %convert_element_type3A_383 = arith.extui %eq3A_382 : vector<8x384xi1> to vector<8x384xi32>
      %convert_element_type3A_384 = arith.sitofp %convert_element_type3A_383 : vector<8x384xi32> to vector<8x384xf32>
      %concatenate3A_385 = tpu.concatenate %convert_element_type3A_326, %convert_element_type3A_384 in 1 : vector<8x256xf32>, vector<8x384xf32> -> vector<8x640xf32>
      %dot_general3A_386 = arith.constant dense<0.000000e+00> : vector<1024x640xf32>
      %dot_general3A_387 = tpu.matmul %exp3A, %concatenate3A_385, %dot_general3A_386 {dimension_numbers = #tpu.dot_dimension_numbers<[1], [0], [0], [1], [0, 0, 1, 1], [], []>, transpose_lhs_hint = false} : vector<1024x8xf32>, vector<8x640xf32>, vector<1024x640xf32> -> vector<1024x640xf32>
      %slice3A_388 = vector.extract_strided_slice %concatenate3A_226 {offsets = [0, 256], sizes = [1024, 640], strides = [1, 1]} : vector<1024x896xf32> to vector<1024x640xf32>
      %mul3A_389 = arith.mulf %slice3A_388, %dot_general3A_387 : vector<1024x640xf32>
      %concatenate3A_390 = tpu.concatenate %mul3A_389, %exp3A in 1 : vector<1024x640xf32>, vector<1024x8xf32> -> vector<1024x648xf32>
      %convert_element_type3A_391 = arith.truncf %concatenate3A_390 : vector<1024x648xf32> to vector<1024x648xbf16>
      %get3A_392 = arith.constant 0 : index
      %get3A_393 = arith.constant 0 : index
      %get3A_394 = vector.load %arg13[%get3A_392, %get3A_393] : memref<128x648xf32, #tpu.memory_space<vmem>>, vector<128x648xf32>
      %dot_general3A_395 = arith.constant dense<0.000000e+00> : vector<128x648xf32>
      %dot_general3A_396 = tpu.matmul %convert_element_type3A_236, %convert_element_type3A_391, %dot_general3A_395 {dimension_numbers = #tpu.dot_dimension_numbers<[0], [0], [1], [1], [0, 1, 1, 1], [], []>, transpose_lhs_hint = false} : vector<1024x128xbf16>, vector<1024x648xbf16>, vector<128x648xf32> -> vector<128x648xf32>
      %add3A_397 = arith.addf %get3A_394, %dot_general3A_396 : vector<128x648xf32>
      %swap3A_398 = arith.constant 0 : index
      %swap3A_399 = arith.constant 0 : index
      %swap3A_400 = vector.load %arg13[%swap3A_398, %swap3A_399] : memref<128x648xf32, #tpu.memory_space<vmem>>, vector<128x648xf32>
      tpu.vector_store %arg13[%swap3A_398, %swap3A_399], %add3A_397 {strides = array<i32>} : memref<128x648xf32, #tpu.memory_space<vmem>>, vector<128x648xf32>,
      %add3A_401 = arith.constant 1 : i32
      %add3A_402 = arith.addi %add3A_205, %add3A_401 : i32
      %lt3A_403 = arith.cmpi slt, %add3A_402, %sub3A_49 : i32
      %convert_element_type3A_404 = arith.extui %lt3A_403 : i1 to i32
      %cond3A_405 = arith.constant 0 : i32
      %cond3A_406 = arith.cmpi ne, %convert_element_type3A_404, %cond3A_405 : i32
      scf.if %cond3A_406 {
        %add3A_412 = arith.constant 1 : i32
        %add3A_413 = arith.addi %add3A_205, %add3A_412 : i32
        %add3A_414 = arith.addi %select_n3A, %add3A_413 : i32
        %mul3A_415 = arith.constant 1024 : i32
        %mul3A_416 = arith.muli %add3A_414, %mul3A_415 : i32
        %dma_start3A = tpu.memref_slice %arg2[%mul3A_416] : memref<163840xi32, #tpu.memory_space<hbm>> -> memref<1024xi32, #tpu.memory_space<hbm>>
        tpu.enqueue_dma source(%dma_start3A : memref<1024xi32, #tpu.memory_space<hbm>>) target(%arg7 : memref<1024xi32, #tpu.memory_space<vmem>>) target_semaphore(%arg14 : memref<!tpu.dma_semaphore, #tpu.memory_space<semaphore_mem>>)
        %dma_start3A_417 = arith.constant 0 : i32
        %dma_start3A_418 = tpu.memref_slice %arg3[%mul3A_416, %dma_start3A_417] : memref<163840x512xi32, #tpu.memory_space<hbm>> -> memref<1024x512xi32, #tpu.memory_space<hbm>>
        tpu.enqueue_dma source(%dma_start3A_418 : memref<1024x512xi32, #tpu.memory_space<hbm>>) target(%arg8 : memref<1024x512xi32, #tpu.memory_space<vmem>>) target_semaphore(%arg15 : memref<!tpu.dma_semaphore, #tpu.memory_space<semaphore_mem>>)
        %dma_start3A_419 = arith.constant 0 : i32
        %dma_start3A_420 = tpu.memref_slice %arg4[%mul3A_416, %dma_start3A_419] : memref<163840x16xf32, #tpu.memory_space<hbm>> -> memref<1024x16xf32, #tpu.memory_space<hbm>>
        tpu.enqueue_dma source(%dma_start3A_420 : memref<1024x16xf32, #tpu.memory_space<hbm>>) target(%arg9 : memref<1024x16xf32, #tpu.memory_space<vmem>>) target_semaphore(%arg16 : memref<!tpu.dma_semaphore, #tpu.memory_space<semaphore_mem>>)
      } else {
      }
      %lt3A_407 = arith.cmpi slt, %add3A_205, %sub3A_49 : i32
      %convert_element_type3A_408 = arith.extui %lt3A_407 : i1 to i32
      %cond3A_409 = arith.constant 0 : i32
      %cond3A_410 = arith.cmpi ne, %convert_element_type3A_408, %cond3A_409 : i32
      scf.if %cond3A_410 {
        %add3A_412 = arith.addi %select_n3A, %add3A_205 : i32
        %mul3A_413 = arith.constant 1024 : i32
        %mul3A_414 = arith.muli %add3A_412, %mul3A_413 : i32
        %dma_wait3A_415 = tpu.memref_slice %arg2[%mul3A_414] : memref<163840xi32, #tpu.memory_space<hbm>> -> memref<1024xi32, #tpu.memory_space<hbm>>
        tpu.wait_dma2 semaphore(%arg17 : memref<!tpu.dma_semaphore, #tpu.memory_space<semaphore_mem>>) src(%dma_wait3A_415 : memref<1024xi32, #tpu.memory_space<hbm>>) dst(%arg10 : memref<1024xi32, #tpu.memory_space<vmem>>)
        %dma_wait3A_416 = arith.constant 0 : i32
        %dma_wait3A_417 = tpu.memref_slice %arg3[%mul3A_414, %dma_wait3A_416] : memref<163840x512xi32, #tpu.memory_space<hbm>> -> memref<1024x512xi32, #tpu.memory_space<hbm>>
        tpu.wait_dma2 semaphore(%arg18 : memref<!tpu.dma_semaphore, #tpu.memory_space<semaphore_mem>>) src(%dma_wait3A_417 : memref<1024x512xi32, #tpu.memory_space<hbm>>) dst(%arg11 : memref<1024x512xi32, #tpu.memory_space<vmem>>)
        %dma_wait3A_418 = arith.constant 0 : i32
        %dma_wait3A_419 = tpu.memref_slice %arg4[%mul3A_414, %dma_wait3A_418] : memref<163840x16xf32, #tpu.memory_space<hbm>> -> memref<1024x16xf32, #tpu.memory_space<hbm>>
        tpu.wait_dma2 semaphore(%arg19 : memref<!tpu.dma_semaphore, #tpu.memory_space<semaphore_mem>>) src(%dma_wait3A_419 : memref<1024x16xf32, #tpu.memory_space<hbm>>) dst(%arg12 : memref<1024x16xf32, #tpu.memory_space<vmem>>)
        %get3A_420 = arith.constant 0 : index
        %get3A_421 = arith.constant 0 : index
        %get3A_422 = vector.load %arg11[%get3A_420, %get3A_421] : memref<1024x512xi32, #tpu.memory_space<vmem>>, vector<1024x448xi32>
        %shift_left3A_423 = arith.constant 16 : i32
        %shift_left3A_424 = vector.broadcast %shift_left3A_423 : i32 to vector<1024x448xi32>
        %shift_left3A_425 = arith.shli %get3A_422, %shift_left3A_424 : vector<1024x448xi32>
        %bitcast_convert_type3A_426 = tpu.bitcast %shift_left3A_425 : vector<1024x448xi32> -> vector<1024x448xf32>
        %and3A_427 = arith.constant -65536 : i32
        %and3A_428 = vector.broadcast %and3A_427 : i32 to vector<1024x448xi32>
        %and3A_429 = arith.andi %get3A_422, %and3A_428 : vector<1024x448xi32>
        %bitcast_convert_type3A_430 = tpu.bitcast %and3A_429 : vector<1024x448xi32> -> vector<1024x448xf32>
        %concatenate3A_431 = tpu.concatenate %bitcast_convert_type3A_426, %bitcast_convert_type3A_430 in 1 : vector<1024x448xf32>, vector<1024x448xf32> -> vector<1024x896xf32>
        %get3A_432 = arith.constant 0 : index
        %get3A_433 = vector.load %arg10[%get3A_432] : memref<1024xi32, #tpu.memory_space<vmem>>, vector<1024xi32>
        %reshape3A_434 = vector.shape_cast %get3A_433 : vector<1024xi32> to vector<1024x1xi32>
        %iota3A_435 = tpu.iota {dimensions = array<i32: 1>} : vector<1024x128xi32>
        %sub3A_436 = vector.broadcast %mul3A_4 : i32 to vector<1024x1xi32>
        %sub3A_437 = arith.subi %reshape3A_434, %sub3A_436 : vector<1024x1xi32>
        %eq3A_438 = vector.broadcast %sub3A_437 : vector<1024x1xi32> to vector<1024x128xi32>
        %eq3A_439 = arith.cmpi eq, %eq3A_438, %iota3A_435 : vector<1024x128xi32>
        %convert_element_type3A_440 = arith.extui %eq3A_439 : vector<1024x128xi1> to vector<1024x128xi32>
        %convert_element_type3A_441 = arith.sitofp %convert_element_type3A_440 : vector<1024x128xi32> to vector<1024x128xf32>
        %convert_element_type3A_442 = arith.truncf %convert_element_type3A_441 : vector<1024x128xf32> to vector<1024x128xbf16>
        %get3A_443 = arith.constant 0 : index
        %get3A_444 = arith.constant 0 : index
        %get3A_445 = vector.load %arg5[%get3A_443, %get3A_444] : memref<128x256xbf16, #tpu.memory_space<vmem>>, vector<128x256xbf16>
        %dot_general3A_446 = arith.constant dense<0.000000e+00> : vector<1024x256xf32>
        %dot_general3A_447 = tpu.matmul %convert_element_type3A_442, %get3A_445, %dot_general3A_446 {dimension_numbers = #tpu.dot_dimension_numbers<[1], [0], [0], [1], [0, 0, 1, 1], [], []>, transpose_lhs_hint = false} : vector<1024x128xbf16>, vector<128x256xbf16>, vector<1024x256xf32> -> vector<1024x256xf32>
        %slice3A_448 = vector.extract_strided_slice %concatenate3A_431 {offsets = [0, 0], sizes = [1024, 256], strides = [1, 1]} : vector<1024x896xf32> to vector<1024x256xf32>
        %mul3A_449 = arith.mulf %dot_general3A_447, %slice3A_448 : vector<1024x256xf32>
        %convert_element_type3A_450 = arith.truncf %mul3A_449 : vector<1024x256xf32> to vector<1024x256xbf16>
        %iota3A_451 = tpu.iota {dimensions = array<i32: 0>} : vector<256x8xi32>
        %iota3A_452 = tpu.iota {dimensions = array<i32: 1>} : vector<256x8xi32>
        %jit3A_453 = arith.constant 32 : i32
        %div3A_454 = vector.broadcast %jit3A_453 : i32 to vector<256x8xi32>
        %div3A_455 = arith.divsi %iota3A_451, %div3A_454 : vector<256x8xi32>
        %sign3A_456 = arith.constant 0 : i32
        %sign3A_457 = vector.broadcast %sign3A_456 : i32 to vector<256x8xi32>
        %sign3A_458 = arith.cmpi sgt, %iota3A_451, %sign3A_457 : vector<256x8xi32>
        %sign3A_459 = arith.extui %sign3A_458 : vector<256x8xi1> to vector<256x8xi32>
        %sign3A_460 = arith.constant 0 : i32
        %sign3A_461 = vector.broadcast %sign3A_460 : i32 to vector<256x8xi32>
        %sign3A_462 = arith.cmpi slt, %iota3A_451, %sign3A_461 : vector<256x8xi32>
        %sign3A_463 = arith.extui %sign3A_462 : vector<256x8xi1> to vector<256x8xi32>
        %sign3A_464 = arith.subi %sign3A_459, %sign3A_463 : vector<256x8xi32>
        %sign3A_465 = arith.constant 0 : i32
        %sign3A_466 = arith.cmpi sgt, %jit3A_453, %sign3A_465 : i32
        %sign3A_467 = arith.extui %sign3A_466 : i1 to i32
        %sign3A_468 = arith.constant 0 : i32
        %sign3A_469 = arith.cmpi slt, %jit3A_453, %sign3A_468 : i32
        %sign3A_470 = arith.extui %sign3A_469 : i1 to i32
        %sign3A_471 = arith.subi %sign3A_467, %sign3A_470 : i32
        %ne3A_472 = vector.broadcast %sign3A_471 : i32 to vector<256x8xi32>
        %ne3A_473 = arith.cmpi ne, %sign3A_464, %ne3A_472 : vector<256x8xi32>
        %rem3A_474 = vector.broadcast %jit3A_453 : i32 to vector<256x8xi32>
        %rem3A_475 = arith.remsi %iota3A_451, %rem3A_474 : vector<256x8xi32>
        %ne3A_476 = arith.constant 0 : i32
        %ne3A_477 = vector.broadcast %ne3A_476 : i32 to vector<256x8xi32>
        %ne3A_478 = arith.cmpi ne, %rem3A_475, %ne3A_477 : vector<256x8xi32>
        %and3A_479 = arith.andi %ne3A_473, %ne3A_478 : vector<256x8xi1>
        %sub3A_480 = arith.constant 1 : i32
        %sub3A_481 = vector.broadcast %sub3A_480 : i32 to vector<256x8xi32>
        %sub3A_482 = arith.subi %div3A_455, %sub3A_481 : vector<256x8xi32>
        %select_n3A_483 = arith.select %and3A_479, %sub3A_482, %div3A_455 : vector<256x8xi1>, vector<256x8xi32>
        %eq3A_484 = arith.cmpi eq, %select_n3A_483, %iota3A_452 : vector<256x8xi32>
        %convert_element_type3A_485 = arith.extui %eq3A_484 : vector<256x8xi1> to vector<256x8xi32>
        %convert_element_type3A_486 = arith.sitofp %convert_element_type3A_485 : vector<256x8xi32> to vector<256x8xf32>
        %convert_element_type3A_487 = arith.truncf %convert_element_type3A_486 : vector<256x8xf32> to vector<256x8xbf16>
        %dot_general3A_488 = arith.constant dense<0.000000e+00> : vector<1024x8xf32>
        %dot_general3A_489 = tpu.matmul %convert_element_type3A_450, %convert_element_type3A_487, %dot_general3A_488 {dimension_numbers = #tpu.dot_dimension_numbers<[1], [0], [0], [1], [0, 0, 1, 1], [], []>, transpose_lhs_hint = false} : vector<1024x256xbf16>, vector<256x8xbf16>, vector<1024x8xf32> -> vector<1024x8xf32>
        %get3A_490 = arith.constant 0 : index
        %get3A_491 = arith.constant 8 : index
        %get3A_492 = vector.load %arg12[%get3A_490, %get3A_491] : memref<1024x16xf32, #tpu.memory_space<vmem>>, vector<1024x8xf32>
        %add3A_493 = arith.addf %dot_general3A_489, %get3A_492 : vector<1024x8xf32>
        %jit3A_494 = arith.constant -6.000000e+01 : f32
        %jit3A_495 = arith.constant 6.000000e+01 : f32
        %max3A_496 = vector.broadcast %jit3A_494 : f32 to vector<1024x8xf32>
        %max3A_497 = arith.maximumf %max3A_496, %add3A_493 : vector<1024x8xf32>
        %min3A_498 = vector.broadcast %jit3A_495 : f32 to vector<1024x8xf32>
        %min3A_499 = arith.minimumf %min3A_498, %max3A_497 : vector<1024x8xf32>
        %exp3A_500 = math.exp %min3A_499 : vector<1024x8xf32>
        %iota3A_501 = tpu.iota {dimensions = array<i32: 0>} : vector<8x256xi32>
        %iota3A_502 = tpu.iota {dimensions = array<i32: 1>} : vector<8x256xi32>
        %jit3A_503 = arith.constant 32 : i32
        %div3A_504 = vector.broadcast %jit3A_503 : i32 to vector<8x256xi32>
        %div3A_505 = arith.divsi %iota3A_502, %div3A_504 : vector<8x256xi32>
        %sign3A_506 = arith.constant 0 : i32
        %sign3A_507 = vector.broadcast %sign3A_506 : i32 to vector<8x256xi32>
        %sign3A_508 = arith.cmpi sgt, %iota3A_502, %sign3A_507 : vector<8x256xi32>
        %sign3A_509 = arith.extui %sign3A_508 : vector<8x256xi1> to vector<8x256xi32>
        %sign3A_510 = arith.constant 0 : i32
        %sign3A_511 = vector.broadcast %sign3A_510 : i32 to vector<8x256xi32>
        %sign3A_512 = arith.cmpi slt, %iota3A_502, %sign3A_511 : vector<8x256xi32>
        %sign3A_513 = arith.extui %sign3A_512 : vector<8x256xi1> to vector<8x256xi32>
        %sign3A_514 = arith.subi %sign3A_509, %sign3A_513 : vector<8x256xi32>
        %sign3A_515 = arith.constant 0 : i32
        %sign3A_516 = arith.cmpi sgt, %jit3A_503, %sign3A_515 : i32
        %sign3A_517 = arith.extui %sign3A_516 : i1 to i32
        %sign3A_518 = arith.constant 0 : i32
        %sign3A_519 = arith.cmpi slt, %jit3A_503, %sign3A_518 : i32
        %sign3A_520 = arith.extui %sign3A_519 : i1 to i32
        %sign3A_521 = arith.subi %sign3A_517, %sign3A_520 : i32
        %ne3A_522 = vector.broadcast %sign3A_521 : i32 to vector<8x256xi32>
        %ne3A_523 = arith.cmpi ne, %sign3A_514, %ne3A_522 : vector<8x256xi32>
        %rem3A_524 = vector.broadcast %jit3A_503 : i32 to vector<8x256xi32>
        %rem3A_525 = arith.remsi %iota3A_502, %rem3A_524 : vector<8x256xi32>
        %ne3A_526 = arith.constant 0 : i32
        %ne3A_527 = vector.broadcast %ne3A_526 : i32 to vector<8x256xi32>
        %ne3A_528 = arith.cmpi ne, %rem3A_525, %ne3A_527 : vector<8x256xi32>
        %and3A_529 = arith.andi %ne3A_523, %ne3A_528 : vector<8x256xi1>
        %sub3A_530 = arith.constant 1 : i32
        %sub3A_531 = vector.broadcast %sub3A_530 : i32 to vector<8x256xi32>
        %sub3A_532 = arith.subi %div3A_505, %sub3A_531 : vector<8x256xi32>
        %select_n3A_533 = arith.select %and3A_529, %sub3A_532, %div3A_505 : vector<8x256xi1>, vector<8x256xi32>
        %eq3A_534 = arith.cmpi eq, %select_n3A_533, %iota3A_501 : vector<8x256xi32>
        %convert_element_type3A_535 = arith.extui %eq3A_534 : vector<8x256xi1> to vector<8x256xi32>
        %convert_element_type3A_536 = arith.sitofp %convert_element_type3A_535 : vector<8x256xi32> to vector<8x256xf32>
        %iota3A_537 = tpu.iota {dimensions = array<i32: 0>} : vector<8x384xi32>
        %iota3A_538 = tpu.iota {dimensions = array<i32: 1>} : vector<8x384xi32>
        %jit3A_539 = arith.constant 128 : i32
        %eq3A_540 = arith.constant 0 : i32
        %eq3A_541 = arith.cmpi eq, %jit3A_539, %eq3A_540 : i32
        %jit3A_542 = arith.constant 1 : i32
        %select_n3A_543 = arith.select %eq3A_541, %jit3A_542, %jit3A_539 : i32
        %rem3A_544 = vector.broadcast %select_n3A_543 : i32 to vector<8x384xi32>
        %rem3A_545 = arith.remsi %iota3A_538, %rem3A_544 : vector<8x384xi32>
        %ne3A_546 = arith.constant 0 : i32
        %ne3A_547 = vector.broadcast %ne3A_546 : i32 to vector<8x384xi32>
        %ne3A_548 = arith.cmpi ne, %rem3A_545, %ne3A_547 : vector<8x384xi32>
        %lt3A_549 = arith.constant 0 : i32
        %lt3A_550 = vector.broadcast %lt3A_549 : i32 to vector<8x384xi32>
        %lt3A_551 = arith.cmpi slt, %rem3A_545, %lt3A_550 : vector<8x384xi32>
        %lt3A_552 = arith.constant 0 : i32
        %lt3A_553 = arith.cmpi slt, %select_n3A_543, %lt3A_552 : i32
        %ne3A_554 = vector.broadcast %lt3A_553 : i1 to vector<8x384xi1>
        %ne3A_555 = vector.broadcast %ne3A_554 : vector<8x384xi1> to vector<8x384xi1>
        %ne3A_556 = arith.xori %lt3A_551, %ne3A_555 : vector<8x384xi1>
        %and3A_557 = arith.andi %ne3A_556, %ne3A_548 : vector<8x384xi1>
        %add3A_558 = vector.broadcast %select_n3A_543 : i32 to vector<8x384xi32>
        %add3A_559 = arith.addi %rem3A_545, %add3A_558 : vector<8x384xi32>
        %select_n3A_560 = arith.select %and3A_557, %add3A_559, %rem3A_545 : vector<8x384xi1>, vector<8x384xi32>
        %jit3A_561 = arith.constant 16 : i32
        %div3A_562 = vector.broadcast %jit3A_561 : i32 to vector<8x384xi32>
        %div3A_563 = arith.divsi %select_n3A_560, %div3A_562 : vector<8x384xi32>
        %sign3A_564 = arith.constant 0 : i32
        %sign3A_565 = vector.broadcast %sign3A_564 : i32 to vector<8x384xi32>
        %sign3A_566 = arith.cmpi sgt, %select_n3A_560, %sign3A_565 : vector<8x384xi32>
        %sign3A_567 = arith.extui %sign3A_566 : vector<8x384xi1> to vector<8x384xi32>
        %sign3A_568 = arith.constant 0 : i32
        %sign3A_569 = vector.broadcast %sign3A_568 : i32 to vector<8x384xi32>
        %sign3A_570 = arith.cmpi slt, %select_n3A_560, %sign3A_569 : vector<8x384xi32>
        %sign3A_571 = arith.extui %sign3A_570 : vector<8x384xi1> to vector<8x384xi32>
        %sign3A_572 = arith.subi %sign3A_567, %sign3A_571 : vector<8x384xi32>
        %sign3A_573 = arith.constant 0 : i32
        %sign3A_574 = arith.cmpi sgt, %jit3A_561, %sign3A_573 : i32
        %sign3A_575 = arith.extui %sign3A_574 : i1 to i32
        %sign3A_576 = arith.constant 0 : i32
        %sign3A_577 = arith.cmpi slt, %jit3A_561, %sign3A_576 : i32
        %sign3A_578 = arith.extui %sign3A_577 : i1 to i32
        %sign3A_579 = arith.subi %sign3A_575, %sign3A_578 : i32
        %ne3A_580 = vector.broadcast %sign3A_579 : i32 to vector<8x384xi32>
        %ne3A_581 = arith.cmpi ne, %sign3A_572, %ne3A_580 : vector<8x384xi32>
        %rem3A_582 = vector.broadcast %jit3A_561 : i32 to vector<8x384xi32>
        %rem3A_583 = arith.remsi %select_n3A_560, %rem3A_582 : vector<8x384xi32>
        %ne3A_584 = arith.constant 0 : i32
        %ne3A_585 = vector.broadcast %ne3A_584 : i32 to vector<8x384xi32>
        %ne3A_586 = arith.cmpi ne, %rem3A_583, %ne3A_585 : vector<8x384xi32>
        %and3A_587 = arith.andi %ne3A_581, %ne3A_586 : vector<8x384xi1>
        %sub3A_588 = arith.constant 1 : i32
        %sub3A_589 = vector.broadcast %sub3A_588 : i32 to vector<8x384xi32>
        %sub3A_590 = arith.subi %div3A_563, %sub3A_589 : vector<8x384xi32>
        %select_n3A_591 = arith.select %and3A_587, %sub3A_590, %div3A_563 : vector<8x384xi1>, vector<8x384xi32>
        %eq3A_592 = arith.cmpi eq, %select_n3A_591, %iota3A_537 : vector<8x384xi32>
        %convert_element_type3A_593 = arith.extui %eq3A_592 : vector<8x384xi1> to vector<8x384xi32>
        %convert_element_type3A_594 = arith.sitofp %convert_element_type3A_593 : vector<8x384xi32> to vector<8x384xf32>
        %concatenate3A_595 = tpu.concatenate %convert_element_type3A_536, %convert_element_type3A_594 in 1 : vector<8x256xf32>, vector<8x384xf32> -> vector<8x640xf32>
        %dot_general3A_596 = arith.constant dense<0.000000e+00> : vector<1024x640xf32>
        %dot_general3A_597 = tpu.matmul %exp3A_500, %concatenate3A_595, %dot_general3A_596 {dimension_numbers = #tpu.dot_dimension_numbers<[1], [0], [0], [1], [0, 0, 1, 1], [], []>, transpose_lhs_hint = false} : vector<1024x8xf32>, vector<8x640xf32>, vector<1024x640xf32> -> vector<1024x640xf32>
        %slice3A_598 = vector.extract_strided_slice %concatenate3A_431 {offsets = [0, 256], sizes = [1024, 640], strides = [1, 1]} : vector<1024x896xf32> to vector<1024x640xf32>
        %mul3A_599 = arith.mulf %slice3A_598, %dot_general3A_597 : vector<1024x640xf32>
        %concatenate3A_600 = tpu.concatenate %mul3A_599, %exp3A_500 in 1 : vector<1024x640xf32>, vector<1024x8xf32> -> vector<1024x648xf32>
        %convert_element_type3A_601 = arith.truncf %concatenate3A_600 : vector<1024x648xf32> to vector<1024x648xbf16>
        %get3A_602 = arith.constant 0 : index
        %get3A_603 = arith.constant 0 : index
        %get3A_604 = vector.load %arg13[%get3A_602, %get3A_603] : memref<128x648xf32, #tpu.memory_space<vmem>>, vector<128x648xf32>
        %dot_general3A_605 = arith.constant dense<0.000000e+00> : vector<128x648xf32>
        %dot_general3A_606 = tpu.matmul %convert_element_type3A_442, %convert_element_type3A_601, %dot_general3A_605 {dimension_numbers = #tpu.dot_dimension_numbers<[0], [0], [1], [1], [0, 1, 1, 1], [], []>, transpose_lhs_hint = false} : vector<1024x128xbf16>, vector<1024x648xbf16>, vector<128x648xf32> -> vector<128x648xf32>
        %add3A_607 = arith.addf %get3A_604, %dot_general3A_606 : vector<128x648xf32>
        %swap3A_608 = arith.constant 0 : index
        %swap3A_609 = arith.constant 0 : index
        %swap3A_610 = vector.load %arg13[%swap3A_608, %swap3A_609] : memref<128x648xf32, #tpu.memory_space<vmem>>, vector<128x648xf32>
        tpu.vector_store %arg13[%swap3A_608, %swap3A_609], %add3A_607 {strides = array<i32>} : memref<128x648xf32, #tpu.memory_space<vmem>>, vector<128x648xf32>,
      } else {
      }
      %while3A_411 = arith.constant 0 : i32
      scf.yield %while3A_411 : i32
    }
    %get3A_92 = arith.constant 0 : index
    %get3A_93 = arith.constant 640 : index
    %get3A_94 = vector.load %arg13[%get3A_92, %get3A_93] : memref<128x648xf32, #tpu.memory_space<vmem>>, vector<128x8xf32>
    %iota3A = tpu.iota {dimensions = array<i32: 0>} : vector<8x256xi32>
    %iota3A_95 = tpu.iota {dimensions = array<i32: 1>} : vector<8x256xi32>
    %jit3A_96 = arith.constant 32 : i32
    %div3A_97 = vector.broadcast %jit3A_96 : i32 to vector<8x256xi32>
    %div3A_98 = arith.divsi %iota3A_95, %div3A_97 : vector<8x256xi32>
    %sign3A_99 = arith.constant 0 : i32
    %sign3A_100 = vector.broadcast %sign3A_99 : i32 to vector<8x256xi32>
    %sign3A_101 = arith.cmpi sgt, %iota3A_95, %sign3A_100 : vector<8x256xi32>
    %sign3A_102 = arith.extui %sign3A_101 : vector<8x256xi1> to vector<8x256xi32>
    %sign3A_103 = arith.constant 0 : i32
    %sign3A_104 = vector.broadcast %sign3A_103 : i32 to vector<8x256xi32>
    %sign3A_105 = arith.cmpi slt, %iota3A_95, %sign3A_104 : vector<8x256xi32>
    %sign3A_106 = arith.extui %sign3A_105 : vector<8x256xi1> to vector<8x256xi32>
    %sign3A_107 = arith.subi %sign3A_102, %sign3A_106 : vector<8x256xi32>
    %sign3A_108 = arith.constant 0 : i32
    %sign3A_109 = arith.cmpi sgt, %jit3A_96, %sign3A_108 : i32
    %sign3A_110 = arith.extui %sign3A_109 : i1 to i32
    %sign3A_111 = arith.constant 0 : i32
    %sign3A_112 = arith.cmpi slt, %jit3A_96, %sign3A_111 : i32
    %sign3A_113 = arith.extui %sign3A_112 : i1 to i32
    %sign3A_114 = arith.subi %sign3A_110, %sign3A_113 : i32
    %ne3A_115 = vector.broadcast %sign3A_114 : i32 to vector<8x256xi32>
    %ne3A_116 = arith.cmpi ne, %sign3A_107, %ne3A_115 : vector<8x256xi32>
    %rem3A_117 = vector.broadcast %jit3A_96 : i32 to vector<8x256xi32>
    %rem3A_118 = arith.remsi %iota3A_95, %rem3A_117 : vector<8x256xi32>
    %ne3A_119 = arith.constant 0 : i32
    %ne3A_120 = vector.broadcast %ne3A_119 : i32 to vector<8x256xi32>
    %ne3A_121 = arith.cmpi ne, %rem3A_118, %ne3A_120 : vector<8x256xi32>
    %and3A_122 = arith.andi %ne3A_116, %ne3A_121 : vector<8x256xi1>
    %sub3A_123 = arith.constant 1 : i32
    %sub3A_124 = vector.broadcast %sub3A_123 : i32 to vector<8x256xi32>
    %sub3A_125 = arith.subi %div3A_98, %sub3A_124 : vector<8x256xi32>
    %select_n3A_126 = arith.select %and3A_122, %sub3A_125, %div3A_98 : vector<8x256xi1>, vector<8x256xi32>
    %eq3A = arith.cmpi eq, %select_n3A_126, %iota3A : vector<8x256xi32>
    %convert_element_type3A_127 = arith.extui %eq3A : vector<8x256xi1> to vector<8x256xi32>
    %convert_element_type3A_128 = arith.sitofp %convert_element_type3A_127 : vector<8x256xi32> to vector<8x256xf32>
    %iota3A_129 = tpu.iota {dimensions = array<i32: 0>} : vector<8x384xi32>
    %iota3A_130 = tpu.iota {dimensions = array<i32: 1>} : vector<8x384xi32>
    %jit3A_131 = arith.constant 128 : i32
    %eq3A_132 = arith.constant 0 : i32
    %eq3A_133 = arith.cmpi eq, %jit3A_131, %eq3A_132 : i32
    %jit3A_134 = arith.constant 1 : i32
    %select_n3A_135 = arith.select %eq3A_133, %jit3A_134, %jit3A_131 : i32
    %rem3A_136 = vector.broadcast %select_n3A_135 : i32 to vector<8x384xi32>
    %rem3A_137 = arith.remsi %iota3A_130, %rem3A_136 : vector<8x384xi32>
    %ne3A_138 = arith.constant 0 : i32
    %ne3A_139 = vector.broadcast %ne3A_138 : i32 to vector<8x384xi32>
    %ne3A_140 = arith.cmpi ne, %rem3A_137, %ne3A_139 : vector<8x384xi32>
    %lt3A = arith.constant 0 : i32
    %lt3A_141 = vector.broadcast %lt3A : i32 to vector<8x384xi32>
    %lt3A_142 = arith.cmpi slt, %rem3A_137, %lt3A_141 : vector<8x384xi32>
    %lt3A_143 = arith.constant 0 : i32
    %lt3A_144 = arith.cmpi slt, %select_n3A_135, %lt3A_143 : i32
    %ne3A_145 = vector.broadcast %lt3A_144 : i1 to vector<8x384xi1>
    %ne3A_146 = vector.broadcast %ne3A_145 : vector<8x384xi1> to vector<8x384xi1>
    %ne3A_147 = arith.xori %lt3A_142, %ne3A_146 : vector<8x384xi1>
    %and3A_148 = arith.andi %ne3A_147, %ne3A_140 : vector<8x384xi1>
    %add3A_149 = vector.broadcast %select_n3A_135 : i32 to vector<8x384xi32>
    %add3A_150 = arith.addi %rem3A_137, %add3A_149 : vector<8x384xi32>
    %select_n3A_151 = arith.select %and3A_148, %add3A_150, %rem3A_137 : vector<8x384xi1>, vector<8x384xi32>
    %jit3A_152 = arith.constant 16 : i32
    %div3A_153 = vector.broadcast %jit3A_152 : i32 to vector<8x384xi32>
    %div3A_154 = arith.divsi %select_n3A_151, %div3A_153 : vector<8x384xi32>
    %sign3A_155 = arith.constant 0 : i32
    %sign3A_156 = vector.broadcast %sign3A_155 : i32 to vector<8x384xi32>
    %sign3A_157 = arith.cmpi sgt, %select_n3A_151, %sign3A_156 : vector<8x384xi32>
    %sign3A_158 = arith.extui %sign3A_157 : vector<8x384xi1> to vector<8x384xi32>
    %sign3A_159 = arith.constant 0 : i32
    %sign3A_160 = vector.broadcast %sign3A_159 : i32 to vector<8x384xi32>
    %sign3A_161 = arith.cmpi slt, %select_n3A_151, %sign3A_160 : vector<8x384xi32>
    %sign3A_162 = arith.extui %sign3A_161 : vector<8x384xi1> to vector<8x384xi32>
    %sign3A_163 = arith.subi %sign3A_158, %sign3A_162 : vector<8x384xi32>
    %sign3A_164 = arith.constant 0 : i32
    %sign3A_165 = arith.cmpi sgt, %jit3A_152, %sign3A_164 : i32
    %sign3A_166 = arith.extui %sign3A_165 : i1 to i32
    %sign3A_167 = arith.constant 0 : i32
    %sign3A_168 = arith.cmpi slt, %jit3A_152, %sign3A_167 : i32
    %sign3A_169 = arith.extui %sign3A_168 : i1 to i32
    %sign3A_170 = arith.subi %sign3A_166, %sign3A_169 : i32
    %ne3A_171 = vector.broadcast %sign3A_170 : i32 to vector<8x384xi32>
    %ne3A_172 = arith.cmpi ne, %sign3A_163, %ne3A_171 : vector<8x384xi32>
    %rem3A_173 = vector.broadcast %jit3A_152 : i32 to vector<8x384xi32>
    %rem3A_174 = arith.remsi %select_n3A_151, %rem3A_173 : vector<8x384xi32>
    %ne3A_175 = arith.constant 0 : i32
    %ne3A_176 = vector.broadcast %ne3A_175 : i32 to vector<8x384xi32>
    %ne3A_177 = arith.cmpi ne, %rem3A_174, %ne3A_176 : vector<8x384xi32>
    %and3A_178 = arith.andi %ne3A_172, %ne3A_177 : vector<8x384xi1>
    %sub3A_179 = arith.constant 1 : i32
    %sub3A_180 = vector.broadcast %sub3A_179 : i32 to vector<8x384xi32>
    %sub3A_181 = arith.subi %div3A_154, %sub3A_180 : vector<8x384xi32>
    %select_n3A_182 = arith.select %and3A_178, %sub3A_181, %div3A_154 : vector<8x384xi1>, vector<8x384xi32>
    %eq3A_183 = arith.cmpi eq, %select_n3A_182, %iota3A_129 : vector<8x384xi32>
    %convert_element_type3A_184 = arith.extui %eq3A_183 : vector<8x384xi1> to vector<8x384xi32>
    %convert_element_type3A_185 = arith.sitofp %convert_element_type3A_184 : vector<8x384xi32> to vector<8x384xf32>
    %concatenate3A = tpu.concatenate %convert_element_type3A_128, %convert_element_type3A_185 in 1 : vector<8x256xf32>, vector<8x384xf32> -> vector<8x640xf32>
    %dot_general3A = arith.constant dense<0.000000e+00> : vector<128x640xf32>
    %dot_general3A_186 = tpu.matmul %get3A_94, %concatenate3A, %dot_general3A {dimension_numbers = #tpu.dot_dimension_numbers<[1], [0], [0], [1], [0, 0, 1, 1], [], []>, transpose_lhs_hint = false} : vector<128x8xf32>, vector<8x640xf32>, vector<128x640xf32> -> vector<128x640xf32>
    %gt3A_187 = arith.constant 0.000000e+00 : f32
    %gt3A_188 = vector.broadcast %gt3A_187 : f32 to vector<128x640xf32>
    %gt3A_189 = arith.cmpf ogt, %dot_general3A_186, %gt3A_188 : vector<128x640xf32>
    %get3A_190 = arith.constant 0 : index
    %get3A_191 = arith.constant 0 : index
    %get3A_192 = vector.load %arg13[%get3A_190, %get3A_191] : memref<128x648xf32, #tpu.memory_space<vmem>>, vector<128x640xf32>
    %div3A_193 = arith.divf %get3A_192, %dot_general3A_186 : vector<128x640xf32>
    %jit3A_194 = arith.constant 0.000000e+00 : f32
    %broadcast_in_dim3A_195 = vector.broadcast %jit3A_194 : f32 to vector<128x640xf32>
    %select_n3A_196 = arith.select %gt3A_189, %div3A_193, %broadcast_in_dim3A_195 : vector<128x640xi1>, vector<128x640xf32>
    %swap3A_197 = arith.constant 0 : index
    %swap3A_198 = arith.constant 0 : index
    %swap3A_199 = vector.load %arg6[%swap3A_197, %swap3A_198] : memref<128x640xf32, #tpu.memory_space<vmem>>, vector<128x640xf32>
    tpu.vector_store %arg6[%swap3A_197, %swap3A_198], %select_n3A_196 {strides = array<i32>} : memref<128x640xf32, #tpu.memory_space<vmem>>, vector<128x640xf32>,
    return
  }
  func.func @transform_3(%arg0: i32, %arg1: memref<81xi32, #tpu.memory_space<smem>>) -> (i32, i32) {
    %c0_i32 = arith.constant 0 : i32
    %c0_i32_0 = arith.constant 0 : i32
    return %arg0, %c0_i32 : i32, i32
  }
  func.func @transform_4(%arg0: i32, %arg1: memref<81xi32, #tpu.memory_space<smem>>) -> (i32, i32) {
    %c0_i32 = arith.constant 0 : i32
    %c0_i32_0 = arith.constant 0 : i32
    return %arg0, %c0_i32 : i32, i32
  }
}

module attributes {stable_mosaic.version = 14 : i64} {
  func.func @_head_kernel(%arg0: i32, %arg1: memref<512x256xf32, #tpu.memory_space<vmem>>, %arg2: memref<512x1xi32, #tpu.memory_space<vmem>>, %arg3: memref<256x256xf32, #tpu.memory_space<vmem>>, %arg4: memref<256x8xf32, #tpu.memory_space<vmem>>, %arg5: memref<128x8xf32, #tpu.memory_space<vmem>>, %arg6: memref<128x8xf32, #tpu.memory_space<vmem>>) attributes {dimension_semantics = [#tpu.dimension_semantics<arbitrary>], iteration_bounds = array<i64: 20>, scalar_prefetch = 0 : i64, scratch_operands = 1 : i64, tpu.core_type = #tpu.core_type<tc>, window_params = [{transform_indices = @transform_0, window_bounds = array<i64: 512, 256>}, {transform_indices = @transform_1, window_bounds = array<i64: 512, 1>}, {pipeline_mode = #tpu.pipeline_mode<synchronous>, transform_indices = @transform_2, window_bounds = array<i64: 256, 256>}, {pipeline_mode = #tpu.pipeline_mode<synchronous>, transform_indices = @transform_3, window_bounds = array<i64: 256, 8>}, {pipeline_mode = #tpu.pipeline_mode<synchronous>, transform_indices = @transform_4, window_bounds = array<i64: 128, 8>}]} {
    %eq3A = arith.constant 0 : i32
    %eq3A_0 = arith.cmpi eq, %arg0, %eq3A : i32
    %convert_element_type3A = arith.extui %eq3A_0 : i1 to i32
    %cond3A = arith.constant 0 : i32
    %cond3A_1 = arith.cmpi ne, %convert_element_type3A, %cond3A : i32
    scf.if %cond3A_1 {
      %broadcast_in_dim3A_54 = arith.constant 0.000000e+00 : f32
      %broadcast_in_dim3A_55 = vector.broadcast %broadcast_in_dim3A_54 : f32 to vector<128x8xf32>
      %swap3A_56 = arith.constant 0 : index
      %swap3A_57 = arith.constant 0 : index
      %swap3A_58 = vector.load %arg6[%swap3A_56, %swap3A_57] : memref<128x8xf32, #tpu.memory_space<vmem>>, vector<128x8xf32>
      tpu.vector_store %arg6[%swap3A_56, %swap3A_57], %broadcast_in_dim3A_55 {strides = array<i32>} : memref<128x8xf32, #tpu.memory_space<vmem>>, vector<128x8xf32>,
    } else {
    }
    %get3A = arith.constant 0 : index
    %get3A_2 = arith.constant 0 : index
    %get3A_3 = vector.load %arg1[%get3A, %get3A_2] : memref<512x256xf32, #tpu.memory_space<vmem>>, vector<512x256xf32>
    %reduce_sum3A = arith.constant dense<0.000000e+00> : vector<512xf32>
    %reduce_sum3A_4 = vector.multi_reduction <add>, %get3A_3, %reduce_sum3A [1] : vector<512x256xf32> to vector<512xf32>
    %broadcast_in_dim3A = vector.shape_cast %reduce_sum3A_4 : vector<512xf32> to vector<512x1xf32>
    %div3A = arith.constant 2.560000e+02 : f32
    %div3A_5 = vector.broadcast %div3A : f32 to vector<512x1xf32>
    %div3A_6 = arith.divf %broadcast_in_dim3A, %div3A_5 : vector<512x1xf32>
    %sub3A = vector.broadcast %div3A_6 : vector<512x1xf32> to vector<512x256xf32>
    %sub3A_7 = arith.subf %get3A_3, %sub3A : vector<512x256xf32>
    %integer_pow3A = arith.mulf %sub3A_7, %sub3A_7 : vector<512x256xf32>
    %reduce_sum3A_8 = arith.constant dense<0.000000e+00> : vector<512xf32>
    %reduce_sum3A_9 = vector.multi_reduction <add>, %integer_pow3A, %reduce_sum3A_8 [1] : vector<512x256xf32> to vector<512xf32>
    %broadcast_in_dim3A_10 = vector.shape_cast %reduce_sum3A_9 : vector<512xf32> to vector<512x1xf32>
    %div3A_11 = arith.constant 2.560000e+02 : f32
    %div3A_12 = vector.broadcast %div3A_11 : f32 to vector<512x1xf32>
    %div3A_13 = arith.divf %broadcast_in_dim3A_10, %div3A_12 : vector<512x1xf32>
    %sub3A_14 = vector.broadcast %div3A_6 : vector<512x1xf32> to vector<512x256xf32>
    %sub3A_15 = arith.subf %get3A_3, %sub3A_14 : vector<512x256xf32>
    %add3A = arith.constant 9.99999974E-6 : f32
    %add3A_16 = vector.broadcast %add3A : f32 to vector<512x1xf32>
    %add3A_17 = arith.addf %div3A_13, %add3A_16 : vector<512x1xf32>
    %sqrt3A = math.sqrt %add3A_17 : vector<512x1xf32>
    %div3A_18 = vector.broadcast %sqrt3A : vector<512x1xf32> to vector<512x256xf32>
    %div3A_19 = arith.divf %sub3A_15, %div3A_18 : vector<512x256xf32>
    %get3A_20 = arith.constant 0 : index
    %get3A_21 = arith.constant 0 : index
    %get3A_22 = vector.load %arg3[%get3A_20, %get3A_21] : memref<256x256xf32, #tpu.memory_space<vmem>>, vector<256x256xf32>
    %dot_general3A = arith.constant dense<0.000000e+00> : vector<512x256xf32>
    %dot_general3A_23 = tpu.matmul %div3A_19, %get3A_22, %dot_general3A {dimension_numbers = #tpu.dot_dimension_numbers<[1], [0], [0], [1], [0, 0, 1, 1], [], []>, transpose_lhs_hint = false} : vector<512x256xf32>, vector<256x256xf32>, vector<512x256xf32> -> vector<512x256xf32>
    %logistic3A = arith.negf %dot_general3A_23 : vector<512x256xf32>
    %logistic3A_24 = math.exp %logistic3A : vector<512x256xf32>
    %logistic3A_25 = arith.constant 1.000000e+00 : f32
    %logistic3A_26 = vector.broadcast %logistic3A_25 : f32 to vector<512x256xf32>
    %logistic3A_27 = arith.addf %logistic3A_26, %logistic3A_24 : vector<512x256xf32>
    %logistic3A_28 = arith.divf %logistic3A_26, %logistic3A_27 : vector<512x256xf32>
    %mul3A = arith.mulf %dot_general3A_23, %logistic3A_28 : vector<512x256xf32>
    %get3A_29 = arith.constant 0 : index
    %get3A_30 = arith.constant 0 : index
    %get3A_31 = vector.load %arg4[%get3A_29, %get3A_30] : memref<256x8xf32, #tpu.memory_space<vmem>>, vector<256x8xf32>
    %dot_general3A_32 = arith.constant dense<0.000000e+00> : vector<512x8xf32>
    %dot_general3A_33 = tpu.matmul %mul3A, %get3A_31, %dot_general3A_32 {dimension_numbers = #tpu.dot_dimension_numbers<[1], [0], [0], [1], [0, 0, 1, 1], [], []>, transpose_lhs_hint = false} : vector<512x256xf32>, vector<256x8xf32>, vector<512x8xf32> -> vector<512x8xf32>
    %iota3A = tpu.iota {dimensions = array<i32: 1>} : vector<512x128xi32>
    %get3A_34 = arith.constant 0 : index
    %get3A_35 = arith.constant 0 : index
    %get3A_36 = vector.load %arg2[%get3A_34, %get3A_35] : memref<512x1xi32, #tpu.memory_space<vmem>>, vector<512x1xi32>
    %eq3A_37 = vector.broadcast %get3A_36 : vector<512x1xi32> to vector<512x128xi32>
    %eq3A_38 = arith.cmpi eq, %eq3A_37, %iota3A : vector<512x128xi32>
    %convert_element_type3A_39 = arith.extui %eq3A_38 : vector<512x128xi1> to vector<512x128xi32>
    %convert_element_type3A_40 = arith.sitofp %convert_element_type3A_39 : vector<512x128xi32> to vector<512x128xf32>
    %get3A_41 = arith.constant 0 : index
    %get3A_42 = arith.constant 0 : index
    %get3A_43 = vector.load %arg6[%get3A_41, %get3A_42] : memref<128x8xf32, #tpu.memory_space<vmem>>, vector<128x8xf32>
    %dot_general3A_44 = arith.constant dense<0.000000e+00> : vector<128x8xf32>
    %dot_general3A_45 = tpu.matmul %convert_element_type3A_40, %dot_general3A_33, %dot_general3A_44 {dimension_numbers = #tpu.dot_dimension_numbers<[0], [0], [1], [1], [0, 1, 1, 1], [], []>, transpose_lhs_hint = false} : vector<512x128xf32>, vector<512x8xf32>, vector<128x8xf32> -> vector<128x8xf32>
    %add3A_46 = arith.addf %get3A_43, %dot_general3A_45 : vector<128x8xf32>
    %swap3A = arith.constant 0 : index
    %swap3A_47 = arith.constant 0 : index
    %swap3A_48 = vector.load %arg6[%swap3A, %swap3A_47] : memref<128x8xf32, #tpu.memory_space<vmem>>, vector<128x8xf32>
    tpu.vector_store %arg6[%swap3A, %swap3A_47], %add3A_46 {strides = array<i32>} : memref<128x8xf32, #tpu.memory_space<vmem>>, vector<128x8xf32>,
    %eq3A_49 = arith.constant 19 : i32
    %eq3A_50 = arith.cmpi eq, %arg0, %eq3A_49 : i32
    %convert_element_type3A_51 = arith.extui %eq3A_50 : i1 to i32
    %cond3A_52 = arith.constant 0 : i32
    %cond3A_53 = arith.cmpi ne, %convert_element_type3A_51, %cond3A_52 : i32
    scf.if %cond3A_53 {
      %get3A_54 = arith.constant 0 : index
      %get3A_55 = arith.constant 0 : index
      %get3A_56 = vector.load %arg6[%get3A_54, %get3A_55] : memref<128x8xf32, #tpu.memory_space<vmem>>, vector<128x8xf32>
      %mul3A_57 = arith.constant 0.0128512951 : f32
      %mul3A_58 = vector.broadcast %mul3A_57 : f32 to vector<128x8xf32>
      %mul3A_59 = arith.mulf %get3A_56, %mul3A_58 : vector<128x8xf32>
      %swap3A_60 = arith.constant 0 : index
      %swap3A_61 = arith.constant 0 : index
      %swap3A_62 = vector.load %arg5[%swap3A_60, %swap3A_61] : memref<128x8xf32, #tpu.memory_space<vmem>>, vector<128x8xf32>
      tpu.vector_store %arg5[%swap3A_60, %swap3A_61], %mul3A_59 {strides = array<i32>} : memref<128x8xf32, #tpu.memory_space<vmem>>, vector<128x8xf32>,
    } else {
    }
    return
  }
  func.func @transform_0(%arg0: i32) -> (i32, i32) {
    %c0_i32 = arith.constant 0 : i32
    %c0_i32_0 = arith.constant 0 : i32
    return %arg0, %c0_i32 : i32, i32
  }
  func.func @transform_1(%arg0: i32) -> (i32, i32) {
    %c0_i32 = arith.constant 0 : i32
    %c0_i32_0 = arith.constant 0 : i32
    return %arg0, %c0_i32 : i32, i32
  }
  func.func @transform_2(%arg0: i32) -> (i32, i32) {
    %c0_i32 = arith.constant 0 : i32
    %c0_i32_0 = arith.constant 0 : i32
    %c0_i32_1 = arith.constant 0 : i32
    return %c0_i32, %c0_i32_0 : i32, i32
  }
  func.func @transform_3(%arg0: i32) -> (i32, i32) {
    %c0_i32 = arith.constant 0 : i32
    %c0_i32_0 = arith.constant 0 : i32
    %c0_i32_1 = arith.constant 0 : i32
    return %c0_i32, %c0_i32_0 : i32, i32
  }
  func.func @transform_4(%arg0: i32) -> (i32, i32) {
    %c0_i32 = arith.constant 0 : i32
    %c0_i32_0 = arith.constant 0 : i32
    %c0_i32_1 = arith.constant 0 : i32
    return %c0_i32, %c0_i32_0 : i32, i32
  }
}

</mosaic_0001>

<sc_bundles>
// kernel: gather_offload_async_start.1
scs
__scs_entry_jumppad:
0x0: {  	(pc) =	sbr.rel $0x88, $3  }
0x1: {  	(tag) =	ssettag $0x0;
	lr =	simm.s32 $0x1  }
0x2: {  	[smem:$0x3F88] =	sst lr;
	_ =	strace $0xD0000000  }
0x3: {  	_ = 	snop  }
0x4: {  	_ = 	snop  }
0x5: {  	_ = 	snop  }
0x6: {  	_ = 	snop  }
0x7: {  	_ = 	snop  }
__scs_overlays_trampoline_lowered:
0x8: {  	[smem:$0x3F97] =	sst s0  }
0x9: {  	[smem:$0x3F98] =	sst s1  }
0xa: {  	[smem:$0x3F99] =	sst s2  }
0xb: {  	[smem:$0x3F9A] =	sst s3  }
0xc: {  	[smem:$0x3F9B] =	sst s4  }
0xd: {  	[smem:$0x3F9C] =	sst s5  }
0xe: {  	[smem:$0x3F9D] =	sst s6  }
0xf: {  	[smem:$0x3F9E] =	sst s7  }
0x10: {  	[smem:$0x3F9F] =	sst s8  }
0x11: {  	[smem:$0x3FA0] =	sst s9;
	s0 =	simm.s32 @!p0 $0x0  }
0x12: {  	s1 =	sld [smem:$0x3F86];
	s0 =	simm.s32 @p0 $0x1  }
0x13: {  	[smem:$0x3FA1] =	sst s0;
	s0 =	simm.s32 @!p1 $0x0  }
0x14: {  	s2 =	sld [smem:$0x3F85];
	s0 =	simm.s32 @p1 $0x1  }
0x15: {  	[smem:$0x3FA2] =	sst s0;
	s0 =	simm.s32 @!p2 $0x0  }
0x16: {  	s3 =	sld [smem:$0x3FDB];
	s0 =	simm.s32 @p2 $0x1  }
0x17: {  	s4 =	simm.s32 $0x1BF5;
	[smem:$0x3FA4] =	sst s0  }
0x18: {  	s0 =	sld [smem:$0x3F87];
	_ =	swait.ge [sflag:s4], $0x0  }
0x19: {  	s7 =	sld [smem:$0x3F88]  }
0x1a: {  	s8 =	sadd.s32 $0xFFFFE003, lr  }
0x1b: {  	s9 =	sadd.s32 $0xFFFFFEF7, lr;
	s5 =	simm.s32 $0xFFFFFFFF;
	p2 =	slt.u32 s8, $0xFFFFF086  }
0x1c: {  	p1 =	slt.u32 s9, $0xF7A;
	s5 =	simm.s32 @!p2 $0x0  }
0x1d: {  	s5 =	simm.s32 @p1 $0x1;
	p0 =	seq.s32 s7, s2  }
0x1e: {  	s7 =	smul.u32 @!p0 $0xF7A, s2;
	p2 =	seq.s32 @!p0 s5, $0x0  }
0x1f: {  	s9 =	smul.u32 $0xF7A, s1;
	s8 =	simm.s32 @!p0 $0x1BF5;
	p2 =	por !p2, p0  }
0x20: {  	[sflag:s8] =	ssyncset.s32 @!p0 $0xFFFFF086;
	s6 =	sadd.s32 @!p0 s3, s7;
	s7 =	simm.s32 @!p0 $0x108  }
0x21: {  	s3 =	sadd.s32 s3, s9;
	s6 =	sadd.s32 @!p0 $0x88, s6;
	s7 =	simm.s32 @p2 $0x1082  }
0x22: {  	[simem:s7], [sflag:s8] =	dma.local @!p0 [hbm:s6], $0xF7A  }
0x23: {  	s9 =	sor.u32 $0xD0000000, s2;
	s6 =	simm.s32 $0x108;
	_ =	swait.ge @!p0 [sflag:s8], $0x0  }
0x24: {  	s3 =	sadd.s32 $0x88, s3;
	s6 =	simm.s32 @!p1 $0x1082;
	[sflag:s4] =	ssyncset.s32 $0xFFFFF086  }
0x25: {  	[simem:s6], [sflag:s4] =	dma.local [hbm:s3], $0xF7A  }
0x26: {  	[smem:$0x3F88] =	sst s1;
	(tag) =	ssettag s2;
	_ =	strace s9  }
0x27: {  	s1 =	sld [smem:$0x3F98]  }
0x28: {  	s2 =	sld [smem:$0x3F99]  }
0x29: {  	s4 =	sld [smem:$0x3F9B]  }
0x2a: {  	p0 =	seq.s32 s5, $0x0;
	s5 =	sld [smem:$0x3F9C]  }
0x2b: {  	s6 =	sld [smem:$0x3F9D]  }
0x2c: {  	s7 =	sld [smem:$0x3F9E]  }
0x2d: {  	s3 =	simm.s32 $0x108;
	s8 =	sld [smem:$0x3F9F]  }
0x2e: {  	s3 =	simm.s32 @!p0 $0x1082;
	s9 =	sld [smem:$0x3FA0]  }
0x2f: {  	lr =	sadd.s32 s0, s3;
	s0 =	sld [smem:$0x3F97]  }
0x30: {  	s3 =	sld [smem:$0x3F9A]  }
0x31: {  	[smem:$0x3FA3] =	sst s10  }
0x32: {  	s10 =	sld [smem:$0x3FA1];
	_ =	sdelay $0x3  }
0x33: {  	p0 =	seq.s32 s10, $0x1;
	s10 =	sld [smem:$0x3FA3];
	_ =	sdelay $0x3  }
0x34: {  	[smem:$0x3FA3] =	sst s10  }
0x35: {  	s10 =	sld [smem:$0x3FA2];
	_ =	sdelay $0x3  }
0x36: {  	p1 =	seq.s32 s10, $0x1;
	s10 =	sld [smem:$0x3FA3];
	_ =	sdelay $0x3  }
0x37: {  	[smem:$0x3FA3] =	sst s10  }
0x38: {  	s10 =	sld [smem:$0x3FA4]  }
0x39: {  	_ = 	snop;
	(pc) =	sbr.ind lr, $3  }
0x3a: {  	_ = 	snop  }
0x3b: {  	_ = 	snop  }
0x3c: {  	p2 =	seq.s32 s10, $0x1;
	s10 =	sld [smem:$0x3FA3]  }
0x3d: {  	_ =	shalt  }
0x3e: {  	_ =	shalt  }
0x3f: {  	_ =	shalt  }
0x40: {  	_ =	shalt  }
0x41: {  	_ =	shalt  }
0x42: {  	_ =	shalt  }
0x43: {  	_ =	shalt  }
0x44: {  	_ =	shalt  }
0x45: {  	_ =	shalt  }
0x46: {  	_ =	shalt  }
0x47: {  	_ =	shalt  }
0x48: {  	_ =	shalt  }
0x49: {  	_ =	shalt  }
0x4a: {  	_ =	shalt  }
0x4b: {  	_ =	shalt  }
0x4c: {  	_ =	shalt  }
0x4d: {  	_ =	shalt  }
0x4e: {  	_ =	shalt  }
0x4f: {  	_ =	shalt  }
0x50: {  	_ =	shalt  }
0x51: {  	_ =	shalt  }
0x52: {  	_ =	shalt  }
0x53: {  	_ =	shalt  }
0x54: {  	_ =	shalt  }
0x55: {  	_ =	shalt  }
0x56: {  	_ =	shalt  }
0x57: {  	_ =	shalt  }
0x58: {  	_ =	shalt  }
0x59: {  	_ =	shalt  }
0x5a: {  	_ =	shalt  }
0x5b: {  	_ =	shalt  }
0x5c: {  	_ =	shalt  }
0x5d: {  	_ =	shalt  }
0x5e: {  	_ =	shalt  }
0x5f: {  	_ =	shalt  }
0x60: {  	_ =	shalt  }
0x61: {  	_ =	shalt  }
0x62: {  	_ =	shalt  }
0x63: {  	_ =	shalt  }
0x64: {  	_ =	shalt  }
0x65: {  	_ =	shalt  }
0x66: {  	_ =	shalt  }
0x67: {  	_ =	shalt  }
0x68: {  	_ =	shalt  }
0x69: {  	_ =	shalt  }
0x6a: {  	_ =	shalt  }
0x6b: {  	_ =	shalt  }
0x6c: {  	_ =	shalt  }
0x6d: {  	_ =	shalt  }
0x6e: {  	_ =	shalt  }
0x6f: {  	_ =	shalt  }
0x70: {  	_ =	shalt  }
0x71: {  	_ =	shalt  }
0x72: {  	_ =	shalt  }
0x73: {  	_ =	shalt  }
0x74: {  	_ =	shalt  }
0x75: {  	_ =	shalt  }
0x76: {  	_ =	shalt  }
0x77: {  	_ =	shalt  }
0x78: {  	_ =	shalt  }
0x79: {  	_ =	shalt  }
0x7a: {  	_ =	shalt  }
0x7b: {  	_ =	shalt  }
0x7c: {  	_ =	shalt  }
0x7d: {  	_ =	shalt  }
0x7e: {  	_ =	shalt  }
0x7f: {  	_ =	shalt  }
0x80: {  	_ =	shalt  }
0x81: {  	_ =	shalt  }
0x82: {  	_ =	shalt  }
0x83: {  	_ =	shalt  }
0x84: {  	_ =	shalt  }
0x85: {  	_ =	shalt  }
0x86: {  	_ =	shalt  }
0x87: {  	_ =	shalt  }
.Lfunc_end0:
.L_simem_size_0:
called_computation.1_lowered:
.L_overlay_start_0:
0x88: {  	s2 =	sld [smem:$0x3FD9]  }
0x89: {  	s3 =	sld [smem:$0x3FFE];
	_ =	sdelay $0x1  }
0x8a: {  	s1 =	srdreg.scid  }
0x8b: {  	s0 =	sand.u32 $0x1, s1  }
0x8c: {  	s16 =	sshll.u32 s0, $0xA;
	s2 =	sadd.s32 s3, s2  }
0x8d: {  	s2 =	sadd.s32 s2, s16  }
0x8e: {  	[smem:$0x3FAF] =	sst s2  }
0x8f: {  	_ = 	snop  }
0x90: {  	(tm) =	ssettm $0x1  }
0x91: {  	s17 =	sld [smem:$0x3FFB];
	_ =	sdelay $0x3  }
0x92: {  	_ =	strace s17  }
0x93: {  	s2 =	sld [smem:$0x3FFC];
	_ =	sdelay $0x3  }
0x94: {  	_ =	strace s2  }
0x95: {  	s2 =	sld [smem:$0x3FFD];
	_ =	sdelay $0x3  }
0x96: {  	_ =	strace s2  }
0x97: {  	_ =	strace $0x8FFFFFFF  }
0x98: {  	s18 =	sld [smem:$0x3FDB];
	_ =	sdelay $0x1  }
0x99: {  	s19 =	simm.s32 $_scs_section_size  }
0x9a: {  	s4 =	simm.s32 $_size__tile_overlayer_lowered;
	s5 =	simm.s32 $_tile_overlayer_lowered  }
0x9b: {  	s22 =	simm.s32 $0x1BFF;
	s21 =	sshll.u32 s5, $0x1;
	s2 =	sadd.s32 s19, s18  }
0x9c: {  	s6 =	simm.s32 $0x0;
	s20 =	sshll.u32 s4, $0x1;
	s4 =	sadd.s32 s21, s2  }
0x9d: {  	[timem:s6], [sflag:s22] =	dma.local [hbm:s4], s20  }
0x9e: {  	_ =	swait.ge [sflag:s22], s20  }
0x9f: {  	s3 =	ssub.s32 $0x0, s20;
	[sflag:s22] =	ssyncset.done $0x0  }
0xa0: {  	[sflag:s22] =	ssyncadd.s32 s3;
	_ =	sdelay $0x1  }
0xa1: {  	s23 =	simm.s32 $0x1B8B  }
0xa2: {  	_ =	swait.ge [sflag:s23], $0x1  }
0xa3: {  	[sflag:s23] =	ssyncset.done $0x0  }
0xa4: {  	s25 =	simm.s32 $0x1B8E;
	s24 =	sld [smem:$0x3FFE];
	[sflag:s23] =	ssyncadd.s32 $0xFFFFFFFF  }
0xa5: {  	s26 =	simm.s32 $execute0_lowered;
	[smem:$0x3FD2] =	sst s25  }
0xa6: {  	s4 =	sshll.u32 s26, $0x1;
	_ =	strace $0x80000046;
	[dreg:$0x1] =	wrdreg $0xFFFFFFFF  }
0xa7: {  	s28 =	simm.s32 $_size_execute0_lowered;
	s2 =	sadd.s32 s2, s4;
	[dreg:$0x0] =	wrdreg $0x0  }
0xa8: {  	s4 =	sshll.u32 s28, $0x1;
	[dreg:$0x2] =	wrdreg s2  }
0xa9: {  	[dreg:$0x3] =	wrdreg s4  }
0xaa: {  	[dreg:$0x4] =	wrdreg $0xC0  }
0xab: {  	_ =	task [dreg:s6], $0x5FFFF  }
0xac: {  	[dreg:$0x1] =	wrdreg $0xFFFFFFFF  }
0xad: {  	[dreg:$0x0] =	wrdreg $0x60  }
0xae: {  	[dreg:$0x2] =	wrdreg s24  }
0xaf: {  	[dreg:$0x3] =	wrdreg $0xA  }
0xb0: {  	_ =	task.clear_ibuf [dreg:s6], $0x4FFFF;
	_ =	strace $0x90000046  }
0xb1: {  	s29 =	simm.s32 $0xA;
	_ =	strace $0x80000048  }
0xb2: {  	_ =	swait.ge [sflag:s29], $0x1  }
0xb3: {  	[sflag:s29] =	ssyncadd.s32 $0xFFFFFFFF  }
0xb4: {  	_ =	strace $0x90000048  }
0xb5: {  	_ =	sfence  }
0xb6: {  	s30 =	sld [smem:$0x0];
	_ =	sdelay $0x2  }
0xb7: {  	s31 =	sshll.u32 s1, $0xD;
	s1 =	sshrl.u32 s1, $0x2  }
0xb8: {  	s3 =	sand.u32 $0x4000, s31;
	s1 =	sadd.s32 s1, s30  }
0xb9: {  	s0 =	sor.u32 s3, s0;
	s1 =	sshll.u32 s1, $0x11  }
0xba: {  	s0 =	sor.u32 s1, s0  }
0xbb: {  	s0 =	sadd.s32 $0x8F2B, s0  }
0xbc: {  	[sflag:s0] =	ssyncadd.remote.s32 $0x1  }
0xbd: {  	_ =	sfence.sel $0xFFFF  }
0xbe: {  	[dreg:$0x0] =	wrdreg $0xFFFFFFFF;
	(pc) =	sbr.abs _section_cstart, $3  }
0xbf: {  	[dreg:$0x1] =	wrdreg $0xFFFFFFFF  }
0xc0: {  	_ =	task.clear_ibuf [dreg:s6], $0x2FFFF;
	_ =	strace $0x9FFFFFFF  }
0xc1: {  	(tm) =	ssettm $0x7FFFFFFF  }
tec
execute0_lowered:
.L_overlay_start_1:
0x0: {  	(tag) =	ssettag $0x1  }
0x1: {  	s8 =	rddreg [dreg:$0x0]  }
0x2: {  	s0 =	rddreg [dreg:$0x1];
	_ =	strace $0x80000047;
	s1 =	stileid.u32  }
0x3: {  	s3 =	srdreg.scid;
	s4 =	simm.s32 $0x1;
	s7 =	simm.s32 $0x1  }
0x4: {  	s9 =	simm.s32 $0x1;
	s10 =	simm.s32 $0x3;
	s13 =	simm.s32 $0x0  }
0x5: {  	s12 =	simm.s32 $0x0;
	s5 =	sand.u32 $0x1, s3;
	s6 =	sshll.u32 s1, $0x1  }
0x6: {  	s2 =	sadd.s32 $0x10200, s8;
	s3 =	sadd.s32 $0x15200, s8;
	s5 =	sor.u32 s6, s5  }
.Ltmp0:
0x7: {  	[sflag:s4] =	ssyncpa.u1 $0x0;
	p0 =	slt.u32 s5, $0x9;
	(pc) =	sbr.rel .LBB2_1-.Ltmp0, $4  }
0x8: {  	s6 =	simm.s32 $0x2;
	s7 =	simm.s32 @!p0 $0x0;
	p0 =	sne.s32 s5, $0x8  }
0x9: {  	[sflag:s6] =	ssyncpa.u1 $0x0;
	s5 =	smul.u32 $0xFA0, s5;
	s9 =	simm.s32 @!p0 $0x0  }
0xa: {  	s8 =	sadd.s32 $0x9F400, s8;
	[sflag:s10] =	ssyncpa.u1 $0x0;
	s7 =	sadd.s32 s9, s7  }
0xb: {  	vm0 =	vmmov $0xffff;
	s10 =	simm.s32 $0x0;
	s11 =	smov.u32 s5;
	s9 =	sadd.s32 $0x1, s7  }
.LBB2_4:
0xc: {  	v2 =	vnsel vm1, $0x0, v2  }
0xd: {  	vm1 =	vgt.s32 v0, $0x0;
	v2 =	vmin.u32 v2, $0x270FF  }
0xe: {  	v0 =	vnsel vm1, $0x0, v0  }
0xf: {  	v0 =	vmin.u32 v0, $0x270FF  }
0x10: {  	[tilespmem:s18], [sflag:$0x1] =	stream.indirect_vreg.gather [hbm4b:s2+s10], $0x1, v1, vm0, $0x4038;
	[tilespmem:$0x3E80] =	vst v63  }
0x11: {  	(ifvalue) =	ssetifvalue $0x7FFFFFFF  }
0x12: {  	[tilespmem:s15], [sflag:$0x1] =	stream.indirect_vreg.gather [hbm4b:s2+s10], $0x1, v2, vm0, $0x4038;
	[tilespmem:$0x3E80] =	vst v63  }
0x13: {  	s29 =	sadd.s32 $0x10, s15;
	(ifvalue) =	ssetifvalue $0x7FFFFFFF  }
0x14: {  	[tilespmem:s29], [sflag:$0x1] =	stream.indirect_vreg.gather [hbm4b:s2+s10], $0x1, v0, vm0, $0x4038;
	[tilespmem:$0x3E80] =	vst v63  }
0x15: {  	_ =	swait.ge [sflag:s4], $0xFA0  }
0x16: {  	s30 =	sshrl.u32 s13, $0x3;
	[sflag:s4] =	ssyncset.done $0x0  }
0x17: {  	s31 =	sand.u32 $0x7, s13;
	s15 =	sadd.s32 s8, s30;
	[sflag:s4] =	ssyncadd.s32 $0xFFFFF060  }
0x18: {  	[hbm4b:s15+s31] =	stream.linear.scatter [tilespmem:s14], [sflag:$0x3], $0xFA0, $0x38;
	[tilespmem:$0x3E80] =	vst v63  }
.LBB2_5:
0x19: {  	s15 =	sadd.s32 $0x1F400, s11  }
0x1a: {  	p1 =	sgt.s32 s15, $0x270FF  }
0x1b: {  	s15 =	smov.u32 @p1 s5;
	p1 =	sne.s32 s12, s9  }
.Ltmp1:
0x1c: {  	p0 =	slt.u32 s12, $0x2;
	(pc) =	sbr.rel @!p1 .LBB2_6-.Ltmp1, $4  }
0x1d: {  	s14 =	simm.s32 @!p0 $0x3  }
0x1e: {  	_ =	swait.ge @!p0 [sflag:s14], $0xFA0  }
0x1f: {  	s16 =	sadd.s32 $0x1, s12;
	s13 =	smov.u32 s11;
	[sflag:s14] =	ssyncset.done @!p0 $0x0  }
0x20: {  	s12 =	smov.u32 s16;
	s11 =	smov.u32 s15;
	[sflag:s14] =	ssyncadd.s32 @!p0 $0xFFFFF060  }
.LBB2_1:
0x21: {  	p0 =	sge.u32 s12, s7  }
0x22: {  	s14 =	sxor.u32 @!p0 $0x1, s12  }
0x23: {  	s14 =	smul.u32 @!p0 $0x3E80, s14  }
0x24: {  	s31 =	sadd.s32 $0xFFFFFFFF, s12;
	s15 =	sshrl.u32 @!p0 s11, $0x3  }
0x25: {  	s16 =	sand.u32 @!p0 $0x7, s11;
	s15 =	sadd.s32 @!p0 s3, s15;
	s14 =	sshra.s32 @!p0 s14, $0x2  }
0x26: {  	[tilespmem:s14], [sflag:$0x2] =	stream.linear.gather @!p0 [hbm4b:s15+s16], $0xFA0, $0x38;
	[tilespmem:$0x3E80] =	vst v63  }
0x27: {  	p0 =	sge.u32 s31, s7  }
.Ltmp2:
0x28: {  	_ = 	snop;
	(pc) =	sbr.rel @p0 .LBB2_5-.Ltmp2, $1  }
0x29: {  	_ =	sdelay $0x3  }
0x2a: {  	s14 =	sand.u32 $0x1, s12  }
0x2b: {  	_ =	swait.ge [sflag:s6], $0xFA0;
	p0 =	seq.s32 s14, $0x1;
	s14 =	simm.s32 $0xFA0  }
0x2c: {  	[sflag:s6] =	ssyncset.done $0x0;
	s14 =	simm.s32 @!p0 $0x0  }
0x2d: {  	[sflag:s6] =	ssyncadd.s32 $0xFFFFF060;
	(ifvalue) =	ssetifvalue $0x7FFFFFFF;
	v0 =	vld.msk [tilespmem:s14+$0x0 ss:$0x1], $0xffff;
	_ =	sdelay $0x4  }
0x2e: {  	s15 =	sadd.s32 $0x10, s14;
	vm1 =	vgt.s32 v0, $0x0  }
0x2f: {  	v2 =	vld.msk [tilespmem:s15+$0x0 ss:$0x1], $0xffff;
	v1 =	vnsel vm1, $0x0, v0  }
0x30: {  	v1 =	vmin.u32 v1, $0x270FF;
	_ =	sdelay $0x2  }
0x31: {  	s17 =	simm.s32 $0x20;
	s14 =	sadd.s32 $0x1F40, s14;
	s16 =	sadd.s32 $0x10, s15  }
0x32: {  	s15 =	sadd.s32 $0x10, s14;
	s18 =	smov.u32 s14;
	v0 =	vld.msk [tilespmem:s16+$0x0 ss:$0x1], $0xffff;
	vm1 =	vgt.s32 v2, $0x0;
	(ifvalue) =	ssetifvalue $0x7FFFFFFF  }
.LBB2_3:
0x33: {  	[tilespmem:s18], [sflag:$0x1] =	stream.indirect_vreg.gather [hbm4b:s2+s10], $0x1, v1, vm0, $0x4038;
	[tilespmem:$0x3E80] =	vst v63  }
0x34: {  	s17 =	sadd.s32 $0x10, s17  }
0x35: {  	v2 =	vnsel vm1, $0x0, v2;
	p0 =	slt.u32 s17, $0xF90  }
.Ltmp3:
0x36: {  	s18 =	smov.u32 s15;
	v1 =	vmin.u32 v2, $0x270FF;
	(pc) =	sbr.rel @p0 .LBB2_3-.Ltmp3, $3  }
0x37: {  	_ =	sdelay $0x1  }
0x38: {  	s16 =	sadd.s32 $0x10, s16  }
0x39: {  	vm1 =	vgt.s32 v0, $0x0;
	s15 =	sadd.s32 $0x10, s15;
	v2 =	vmov v0;
	(ifvalue) =	ssetifvalue $0x7FFFFFFF;
	v0 =	vld.msk [tilespmem:s16+$0x0 ss:$0x1], $0xffff  }
.Ltmp4:
0x3a: {  	_ = 	snop;
	(pc) =	sbr.rel .LBB2_4-.Ltmp4, $1  }
0x3b: {  	_ =	sdelay $0x3  }
.LBB2_6:
0x3c: {  	_ =	sfence.sel $0x180000  }
0x3d: {  	s2 =	simm.s32 $0x2;
	[bflag:$0x0] =	sbarrier.arrive $0xFFFF  }
0x3e: {  	s30 =	simm.s32 $0x3;
	[sflag:s2] =	ssyncpa.u1 $0x1  }
0x3f: {  	s31 =	simm.s32 $0x1;
	[sflag:s30] =	ssyncpa.u1 $0x1  }
0x40: {  	[sflag:s31] =	ssyncpa.u1 $0x1  }
0x41: {  	p0 =	sne.s32 s1, $0x0;
	_ =	strace $0x90000047  }
0x42: {  	s0 =	sadd.s32 @!p0 $0x100000, s0;
	[bflag:$0x2] =	sbarrier.arrive $0xFFFF  }
0x43: {  	[sflag:s0] =	ssyncadd.tile.s32 @!p0 $0x1;
	_ =	shalt  }
.Lfunc_end2:
_tile_overlayer_lowered:
.L_overlay_start_2:
0x44: {  	(tag) =	ssettag $0x2  }
0x45: {  	s0 =	rddreg [dreg:$0x0];
	s2 =	stileid.u32  }
0x46: {  	s1 =	rddreg [dreg:$0x1];
	p0 =	sne.s32 s2, $0x0  }
0x47: {  	s3 =	rddreg [dreg:$0x2];
	[bflag:$0x3] =	sbarrier.arrive $0xFFFF;
	s2 =	simm.s32 @!p0 $0x1C01  }
0x48: {  	[timem:s3], [sflag:s2] =	dma.local @!p0 [hbm:s0], s1  }
0x49: {  	s0 =	simm.s32 @!p0 $0x1  }
0x4a: {  	_ =	swait.ge @!p0 [sflag:s0], s1  }
0x4b: {  	s1 =	ssub.s32 @!p0 $0x0, s1;
	[sflag:s0] =	ssyncset.done @!p0 $0x0  }
0x4c: {  	[sflag:s0] =	ssyncadd.s32 @!p0 s1  }
0x4d: {  	[bflag:$0x3] =	sbarrier.arrive $0xFFFF  }
0x4e: {  	_ =	shalt  }

// kernel: gather_offload_async_start
scs
__scs_entry_jumppad:
0x0: {  	(pc) =	sbr.rel $0x88, $3  }
0x1: {  	(tag) =	ssettag $0x0;
	lr =	simm.s32 $0x1  }
0x2: {  	[smem:$0x3F88] =	sst lr;
	_ =	strace $0xD0000000  }
0x3: {  	_ = 	snop  }
0x4: {  	_ = 	snop  }
0x5: {  	_ = 	snop  }
0x6: {  	_ = 	snop  }
0x7: {  	_ = 	snop  }
__scs_overlays_trampoline_lowered:
0x8: {  	[smem:$0x3F97] =	sst s0  }
0x9: {  	[smem:$0x3F98] =	sst s1  }
0xa: {  	[smem:$0x3F99] =	sst s2  }
0xb: {  	[smem:$0x3F9A] =	sst s3  }
0xc: {  	[smem:$0x3F9B] =	sst s4  }
0xd: {  	[smem:$0x3F9C] =	sst s5  }
0xe: {  	[smem:$0x3F9D] =	sst s6  }
0xf: {  	[smem:$0x3F9E] =	sst s7  }
0x10: {  	[smem:$0x3F9F] =	sst s8  }
0x11: {  	[smem:$0x3FA0] =	sst s9;
	s0 =	simm.s32 @!p0 $0x0  }
0x12: {  	s1 =	sld [smem:$0x3F86];
	s0 =	simm.s32 @p0 $0x1  }
0x13: {  	[smem:$0x3FA1] =	sst s0;
	s0 =	simm.s32 @!p1 $0x0  }
0x14: {  	s2 =	sld [smem:$0x3F85];
	s0 =	simm.s32 @p1 $0x1  }
0x15: {  	[smem:$0x3FA2] =	sst s0;
	s0 =	simm.s32 @!p2 $0x0  }
0x16: {  	s3 =	sld [smem:$0x3FDB];
	s0 =	simm.s32 @p2 $0x1  }
0x17: {  	s4 =	simm.s32 $0x1BF5;
	[smem:$0x3FA4] =	sst s0  }
0x18: {  	s0 =	sld [smem:$0x3F87];
	_ =	swait.ge [sflag:s4], $0x0  }
0x19: {  	s7 =	sld [smem:$0x3F88]  }
0x1a: {  	s8 =	sadd.s32 $0xFFFFE003, lr  }
0x1b: {  	s9 =	sadd.s32 $0xFFFFFEF7, lr;
	s5 =	simm.s32 $0xFFFFFFFF;
	p2 =	slt.u32 s8, $0xFFFFF086  }
0x1c: {  	p1 =	slt.u32 s9, $0xF7A;
	s5 =	simm.s32 @!p2 $0x0  }
0x1d: {  	s5 =	simm.s32 @p1 $0x1;
	p0 =	seq.s32 s7, s2  }
0x1e: {  	s7 =	smul.u32 @!p0 $0xF7A, s2;
	p2 =	seq.s32 @!p0 s5, $0x0  }
0x1f: {  	s9 =	smul.u32 $0xF7A, s1;
	s8 =	simm.s32 @!p0 $0x1BF5;
	p2 =	por !p2, p0  }
0x20: {  	[sflag:s8] =	ssyncset.s32 @!p0 $0xFFFFF086;
	s6 =	sadd.s32 @!p0 s3, s7;
	s7 =	simm.s32 @!p0 $0x108  }
0x21: {  	s3 =	sadd.s32 s3, s9;
	s6 =	sadd.s32 @!p0 $0x88, s6;
	s7 =	simm.s32 @p2 $0x1082  }
0x22: {  	[simem:s7], [sflag:s8] =	dma.local @!p0 [hbm:s6], $0xF7A  }
0x23: {  	s9 =	sor.u32 $0xD0000000, s2;
	s6 =	simm.s32 $0x108;
	_ =	swait.ge @!p0 [sflag:s8], $0x0  }
0x24: {  	s3 =	sadd.s32 $0x88, s3;
	s6 =	simm.s32 @!p1 $0x1082;
	[sflag:s4] =	ssyncset.s32 $0xFFFFF086  }
0x25: {  	[simem:s6], [sflag:s4] =	dma.local [hbm:s3], $0xF7A  }
0x26: {  	[smem:$0x3F88] =	sst s1;
	(tag) =	ssettag s2;
	_ =	strace s9  }
0x27: {  	s1 =	sld [smem:$0x3F98]  }
0x28: {  	s2 =	sld [smem:$0x3F99]  }
0x29: {  	s4 =	sld [smem:$0x3F9B]  }
0x2a: {  	p0 =	seq.s32 s5, $0x0;
	s5 =	sld [smem:$0x3F9C]  }
0x2b: {  	s6 =	sld [smem:$0x3F9D]  }
0x2c: {  	s7 =	sld [smem:$0x3F9E]  }
0x2d: {  	s3 =	simm.s32 $0x108;
	s8 =	sld [smem:$0x3F9F]  }
0x2e: {  	s3 =	simm.s32 @!p0 $0x1082;
	s9 =	sld [smem:$0x3FA0]  }
0x2f: {  	lr =	sadd.s32 s0, s3;
	s0 =	sld [smem:$0x3F97]  }
0x30: {  	s3 =	sld [smem:$0x3F9A]  }
0x31: {  	[smem:$0x3FA3] =	sst s10  }
0x32: {  	s10 =	sld [smem:$0x3FA1];
	_ =	sdelay $0x3  }
0x33: {  	p0 =	seq.s32 s10, $0x1;
	s10 =	sld [smem:$0x3FA3];
	_ =	sdelay $0x3  }
0x34: {  	[smem:$0x3FA3] =	sst s10  }
0x35: {  	s10 =	sld [smem:$0x3FA2];
	_ =	sdelay $0x3  }
0x36: {  	p1 =	seq.s32 s10, $0x1;
	s10 =	sld [smem:$0x3FA3];
	_ =	sdelay $0x3  }
0x37: {  	[smem:$0x3FA3] =	sst s10  }
0x38: {  	s10 =	sld [smem:$0x3FA4]  }
0x39: {  	_ = 	snop;
	(pc) =	sbr.ind lr, $3  }
0x3a: {  	_ = 	snop  }
0x3b: {  	_ = 	snop  }
0x3c: {  	p2 =	seq.s32 s10, $0x1;
	s10 =	sld [smem:$0x3FA3]  }
0x3d: {  	_ =	shalt  }
0x3e: {  	_ =	shalt  }
0x3f: {  	_ =	shalt  }
0x40: {  	_ =	shalt  }
0x41: {  	_ =	shalt  }
0x42: {  	_ =	shalt  }
0x43: {  	_ =	shalt  }
0x44: {  	_ =	shalt  }
0x45: {  	_ =	shalt  }
0x46: {  	_ =	shalt  }
0x47: {  	_ =	shalt  }
0x48: {  	_ =	shalt  }
0x49: {  	_ =	shalt  }
0x4a: {  	_ =	shalt  }
0x4b: {  	_ =	shalt  }
0x4c: {  	_ =	shalt  }
0x4d: {  	_ =	shalt  }
0x4e: {  	_ =	shalt  }
0x4f: {  	_ =	shalt  }
0x50: {  	_ =	shalt  }
0x51: {  	_ =	shalt  }
0x52: {  	_ =	shalt  }
0x53: {  	_ =	shalt  }
0x54: {  	_ =	shalt  }
0x55: {  	_ =	shalt  }
0x56: {  	_ =	shalt  }
0x57: {  	_ =	shalt  }
0x58: {  	_ =	shalt  }
0x59: {  	_ =	shalt  }
0x5a: {  	_ =	shalt  }
0x5b: {  	_ =	shalt  }
0x5c: {  	_ =	shalt  }
0x5d: {  	_ =	shalt  }
0x5e: {  	_ =	shalt  }
0x5f: {  	_ =	shalt  }
0x60: {  	_ =	shalt  }
0x61: {  	_ =	shalt  }
0x62: {  	_ =	shalt  }
0x63: {  	_ =	shalt  }
0x64: {  	_ =	shalt  }
0x65: {  	_ =	shalt  }
0x66: {  	_ =	shalt  }
0x67: {  	_ =	shalt  }
0x68: {  	_ =	shalt  }
0x69: {  	_ =	shalt  }
0x6a: {  	_ =	shalt  }
0x6b: {  	_ =	shalt  }
0x6c: {  	_ =	shalt  }
0x6d: {  	_ =	shalt  }
0x6e: {  	_ =	shalt  }
0x6f: {  	_ =	shalt  }
0x70: {  	_ =	shalt  }
0x71: {  	_ =	shalt  }
0x72: {  	_ =	shalt  }
0x73: {  	_ =	shalt  }
0x74: {  	_ =	shalt  }
0x75: {  	_ =	shalt  }
0x76: {  	_ =	shalt  }
0x77: {  	_ =	shalt  }
0x78: {  	_ =	shalt  }
0x79: {  	_ =	shalt  }
0x7a: {  	_ =	shalt  }
0x7b: {  	_ =	shalt  }
0x7c: {  	_ =	shalt  }
0x7d: {  	_ =	shalt  }
0x7e: {  	_ =	shalt  }
0x7f: {  	_ =	shalt  }
0x80: {  	_ =	shalt  }
0x81: {  	_ =	shalt  }
0x82: {  	_ =	shalt  }
0x83: {  	_ =	shalt  }
0x84: {  	_ =	shalt  }
0x85: {  	_ =	shalt  }
0x86: {  	_ =	shalt  }
0x87: {  	_ =	shalt  }
.Lfunc_end0:
.L_simem_size_0:
called_computation_lowered:
.L_overlay_start_0:
0x88: {  	s2 =	sld [smem:$0x3FD9]  }
0x89: {  	s3 =	sld [smem:$0x3FFE];
	_ =	sdelay $0x1  }
0x8a: {  	s1 =	srdreg.scid  }
0x8b: {  	s0 =	sand.u32 $0x1, s1  }
0x8c: {  	s17 =	sshll.u32 s0, $0xA;
	s2 =	sadd.s32 s3, s2  }
0x8d: {  	s2 =	sadd.s32 s2, s17  }
0x8e: {  	[smem:$0x3FAF] =	sst s2  }
0x8f: {  	_ = 	snop  }
0x90: {  	(tm) =	ssettm $0x1  }
0x91: {  	s18 =	sld [smem:$0x3FFB];
	_ =	sdelay $0x3  }
0x92: {  	_ =	strace s18  }
0x93: {  	s2 =	sld [smem:$0x3FFC];
	_ =	sdelay $0x3  }
0x94: {  	_ =	strace s2  }
0x95: {  	s2 =	sld [smem:$0x3FFD];
	_ =	sdelay $0x3  }
0x96: {  	_ =	strace s2  }
0x97: {  	_ =	strace $0x8FFFFFFF  }
0x98: {  	s19 =	sld [smem:$0x3FDB];
	_ =	sdelay $0x1  }
0x99: {  	s20 =	simm.s32 $_scs_section_size  }
0x9a: {  	s4 =	simm.s32 $_size__tile_overlayer_lowered;
	s5 =	simm.s32 $_tile_overlayer_lowered  }
0x9b: {  	s6 =	simm.s32 $0x1BFF;
	s21 =	sshll.u32 s5, $0x1;
	s3 =	sadd.s32 s20, s19  }
0x9c: {  	s22 =	simm.s32 $0x0;
	s4 =	sshll.u32 s4, $0x1;
	s5 =	sadd.s32 s21, s3  }
0x9d: {  	[timem:s22], [sflag:s6] =	dma.local [hbm:s5], s4  }
0x9e: {  	_ =	swait.ge [sflag:s6], s4  }
0x9f: {  	s4 =	ssub.s32 $0x0, s4;
	[sflag:s6] =	ssyncset.done $0x0  }
0xa0: {  	[sflag:s6] =	ssyncadd.s32 s4;
	_ =	sdelay $0x1  }
0xa1: {  	s23 =	simm.s32 $0x1B8B  }
0xa2: {  	_ =	swait.ge [sflag:s23], $0x1  }
0xa3: {  	[sflag:s23] =	ssyncset.done $0x0  }
0xa4: {  	[sflag:s23] =	ssyncadd.s32 $0xFFFFFFFF  }
0xa5: {  	s4 =	sld [smem:$0x0]  }
0xa6: {  	s5 =	sand.u32 $0xFFFFFFFE, s1  }
0xa7: {  	p0 =	sne.s32 s1, s5  }
0xa8: {  	s5 =	sshll.u32 @p0 s5, $0xE  }
0xa9: {  	s5 =	sadd.s32 @p0 $0x11B8D, s5;
	s6 =	sshll.u32 @p0 s4, $0x11  }
0xaa: {  	s5 =	sor.u32 @p0 s6, s5  }
0xab: {  	[sflag:s5] =	ssyncadd.remote.s32 @p0 $0x1;
	_ =	sdelay $0x1  }
0xac: {  	s5 =	simm.s32 @p0 $0x1B8D  }
0xad: {  	_ =	swait.eq @p0 [sflag:s5], $0x1  }
0xae: {  	[sflag:s5] =	ssyncadd.s32 @p0 $0xFFFFFFFF  }
0xaf: {  	s6 =	sshll.u32 @!p0 s1, $0xE  }
0xb0: {  	s6 =	sor.u32 @!p0 $0x4000, s6;
	s5 =	simm.s32 @!p0 $0x1B8D  }
0xb1: {  	s4 =	sshll.u32 @!p0 s4, $0x11;
	s6 =	sadd.s32 @!p0 $0x11B8D, s6;
	_ =	swait.eq @!p0 [sflag:s5], $0x1  }
0xb2: {  	s4 =	sor.u32 @!p0 s4, s6;
	[sflag:s5] =	ssyncadd.s32 @!p0 $0xFFFFFFFF  }
0xb3: {  	s25 =	simm.s32 $0x1B8E;
	s24 =	sld [smem:$0x3FFE];
	[sflag:s4] =	ssyncadd.remote.s32 @!p0 $0x1  }
0xb4: {  	s26 =	simm.s32 $execute0_lowered;
	[smem:$0x3FD2] =	sst s25  }
0xb5: {  	s5 =	sshll.u32 s26, $0x1;
	_ =	strace $0x80000049;
	[dreg:$0x1] =	wrdreg $0xFFFFFFFF  }
0xb6: {  	s28 =	simm.s32 $_size_execute0_lowered;
	s3 =	sadd.s32 s3, s5;
	[dreg:$0x0] =	wrdreg $0x0  }
0xb7: {  	s5 =	sshll.u32 s28, $0x1;
	[dreg:$0x2] =	wrdreg s3  }
0xb8: {  	[dreg:$0x3] =	wrdreg s5  }
0xb9: {  	[dreg:$0x4] =	wrdreg $0xC0  }
0xba: {  	_ =	task [dreg:s22], $0x5FFFF  }
0xbb: {  	[dreg:$0x1] =	wrdreg $0xFFFFFFFF  }
0xbc: {  	[dreg:$0x0] =	wrdreg $0x60  }
0xbd: {  	[dreg:$0x2] =	wrdreg s24  }
0xbe: {  	[dreg:$0x3] =	wrdreg $0x9  }
0xbf: {  	_ =	task.clear_ibuf [dreg:s22], $0x4FFFF;
	_ =	strace $0x90000049  }
0xc0: {  	s29 =	simm.s32 $0x9;
	_ =	strace $0x8000004B  }
0xc1: {  	_ =	swait.ge [sflag:s29], $0x1  }
0xc2: {  	[sflag:s29] =	ssyncadd.s32 $0xFFFFFFFF  }
0xc3: {  	_ =	strace $0x9000004B  }
0xc4: {  	_ =	sfence  }
0xc5: {  	s30 =	sld [smem:$0x0];
	_ =	sdelay $0x2  }
0xc6: {  	s31 =	sshll.u32 s1, $0xD;
	s1 =	sshrl.u32 s1, $0x2  }
0xc7: {  	s4 =	sand.u32 $0x4000, s31;
	s1 =	sadd.s32 s1, s30  }
0xc8: {  	s0 =	sor.u32 s4, s0;
	s1 =	sshll.u32 s1, $0x11  }
0xc9: {  	s0 =	sor.u32 s1, s0  }
0xca: {  	s0 =	sadd.s32 $0x8F2B, s0  }
0xcb: {  	[sflag:s0] =	ssyncadd.remote.s32 $0x1  }
0xcc: {  	_ =	sfence.sel $0xFFFF  }
0xcd: {  	[dreg:$0x0] =	wrdreg $0xFFFFFFFF;
	(pc) =	sbr.abs _section_cstart, $3  }
0xce: {  	[dreg:$0x1] =	wrdreg $0xFFFFFFFF  }
0xcf: {  	_ =	task.clear_ibuf [dreg:s22], $0x2FFFF;
	_ =	strace $0x9FFFFFFF  }
0xd0: {  	(tm) =	ssettm $0x7FFFFFFF  }
0xd1: {  	_ =	shalt  }
tec
execute0_lowered:
.L_overlay_start_1:
0x0: {  	(tag) =	ssettag $0x1  }
0x1: {  	s8 =	rddreg [dreg:$0x0]  }
0x2: {  	s0 =	rddreg [dreg:$0x1];
	_ =	strace $0x8000004A;
	s1 =	stileid.u32  }
0x3: {  	s3 =	srdreg.scid;
	s4 =	simm.s32 $0x1;
	s7 =	simm.s32 $0x1  }
0x4: {  	s9 =	simm.s32 $0x1;
	s10 =	simm.s32 $0x3;
	s13 =	simm.s32 $0x0  }
0x5: {  	s12 =	simm.s32 $0x0;
	s5 =	sand.u32 $0x1, s3;
	s6 =	sshll.u32 s1, $0x1  }
0x6: {  	s2 =	sadd.s32 $0xB200, s8;
	s3 =	sadd.s32 $0x15200, s8;
	s5 =	sor.u32 s6, s5  }
.Ltmp0:
0x7: {  	[sflag:s4] =	ssyncpa.u1 $0x0;
	p0 =	slt.u32 s5, $0x9;
	(pc) =	sbr.rel .LBB2_1-.Ltmp0, $4  }
0x8: {  	s6 =	simm.s32 $0x2;
	s7 =	simm.s32 @!p0 $0x0;
	p0 =	sne.s32 s5, $0x8  }
0x9: {  	[sflag:s6] =	ssyncpa.u1 $0x0;
	s5 =	smul.u32 $0xFA0, s5;
	s9 =	simm.s32 @!p0 $0x0  }
0xa: {  	s8 =	sadd.s32 $0xA4400, s8;
	[sflag:s10] =	ssyncpa.u1 $0x0;
	s7 =	sadd.s32 s9, s7  }
0xb: {  	vm0 =	vmmov $0xffff;
	s10 =	simm.s32 $0x0;
	s11 =	smov.u32 s5;
	s9 =	sadd.s32 $0x1, s7  }
.LBB2_4:
0xc: {  	v2 =	vnsel vm1, $0x0, v2  }
0xd: {  	vm1 =	vgt.s32 v0, $0x0;
	v2 =	vmin.u32 v2, $0x270FF  }
0xe: {  	v0 =	vnsel vm1, $0x0, v0  }
0xf: {  	v0 =	vmin.u32 v0, $0x270FF  }
0x10: {  	[tilespmem:s18], [sflag:$0x1] =	stream.indirect_vreg.gather [hbm4b:s2+s10], $0x1, v1, vm0, $0x4038;
	[tilespmem:$0x3E80] =	vst v63  }
0x11: {  	(ifvalue) =	ssetifvalue $0x7FFFFFFF  }
0x12: {  	[tilespmem:s15], [sflag:$0x1] =	stream.indirect_vreg.gather [hbm4b:s2+s10], $0x1, v2, vm0, $0x4038;
	[tilespmem:$0x3E80] =	vst v63  }
0x13: {  	s29 =	sadd.s32 $0x10, s15;
	(ifvalue) =	ssetifvalue $0x7FFFFFFF  }
0x14: {  	[tilespmem:s29], [sflag:$0x1] =	stream.indirect_vreg.gather [hbm4b:s2+s10], $0x1, v0, vm0, $0x4038;
	[tilespmem:$0x3E80] =	vst v63  }
0x15: {  	_ =	swait.ge [sflag:s4], $0xFA0  }
0x16: {  	s30 =	sshrl.u32 s13, $0x3;
	[sflag:s4] =	ssyncset.done $0x0  }
0x17: {  	s31 =	sand.u32 $0x7, s13;
	s15 =	sadd.s32 s8, s30;
	[sflag:s4] =	ssyncadd.s32 $0xFFFFF060  }
0x18: {  	[hbm4b:s15+s31] =	stream.linear.scatter [tilespmem:s14], [sflag:$0x3], $0xFA0, $0x38;
	[tilespmem:$0x3E80] =	vst v63  }
.LBB2_5:
0x19: {  	s15 =	sadd.s32 $0x1F400, s11  }
0x1a: {  	p1 =	sgt.s32 s15, $0x270FF  }
0x1b: {  	s15 =	smov.u32 @p1 s5;
	p1 =	sne.s32 s12, s9  }
.Ltmp1:
0x1c: {  	p0 =	slt.u32 s12, $0x2;
	(pc) =	sbr.rel @!p1 .LBB2_6-.Ltmp1, $4  }
0x1d: {  	s14 =	simm.s32 @!p0 $0x3  }
0x1e: {  	_ =	swait.ge @!p0 [sflag:s14], $0xFA0  }
0x1f: {  	s16 =	sadd.s32 $0x1, s12;
	s13 =	smov.u32 s11;
	[sflag:s14] =	ssyncset.done @!p0 $0x0  }
0x20: {  	s12 =	smov.u32 s16;
	s11 =	smov.u32 s15;
	[sflag:s14] =	ssyncadd.s32 @!p0 $0xFFFFF060  }
.LBB2_1:
0x21: {  	p0 =	sge.u32 s12, s7  }
0x22: {  	s14 =	sxor.u32 @!p0 $0x1, s12  }
0x23: {  	s14 =	smul.u32 @!p0 $0x3E80, s14  }
0x24: {  	s31 =	sadd.s32 $0xFFFFFFFF, s12;
	s15 =	sshrl.u32 @!p0 s11, $0x3  }
0x25: {  	s16 =	sand.u32 @!p0 $0x7, s11;
	s15 =	sadd.s32 @!p0 s3, s15;
	s14 =	sshra.s32 @!p0 s14, $0x2  }
0x26: {  	[tilespmem:s14], [sflag:$0x2] =	stream.linear.gather @!p0 [hbm4b:s15+s16], $0xFA0, $0x38;
	[tilespmem:$0x3E80] =	vst v63  }
0x27: {  	p0 =	sge.u32 s31, s7  }
.Ltmp2:
0x28: {  	_ = 	snop;
	(pc) =	sbr.rel @p0 .LBB2_5-.Ltmp2, $1  }
0x29: {  	_ =	sdelay $0x3  }
0x2a: {  	s14 =	sand.u32 $0x1, s12  }
0x2b: {  	_ =	swait.ge [sflag:s6], $0xFA0;
	p0 =	seq.s32 s14, $0x1;
	s14 =	simm.s32 $0xFA0  }
0x2c: {  	[sflag:s6] =	ssyncset.done $0x0;
	s14 =	simm.s32 @!p0 $0x0  }
0x2d: {  	[sflag:s6] =	ssyncadd.s32 $0xFFFFF060;
	(ifvalue) =	ssetifvalue $0x7FFFFFFF;
	v0 =	vld.msk [tilespmem:s14+$0x0 ss:$0x1], $0xffff;
	_ =	sdelay $0x4  }
0x2e: {  	s15 =	sadd.s32 $0x10, s14;
	vm1 =	vgt.s32 v0, $0x0  }
0x2f: {  	v2 =	vld.msk [tilespmem:s15+$0x0 ss:$0x1], $0xffff;
	v1 =	vnsel vm1, $0x0, v0  }
0x30: {  	v1 =	vmin.u32 v1, $0x270FF;
	_ =	sdelay $0x2  }
0x31: {  	s17 =	simm.s32 $0x20;
	s14 =	sadd.s32 $0x1F40, s14;
	s16 =	sadd.s32 $0x10, s15  }
0x32: {  	s15 =	sadd.s32 $0x10, s14;
	s18 =	smov.u32 s14;
	v0 =	vld.msk [tilespmem:s16+$0x0 ss:$0x1], $0xffff;
	vm1 =	vgt.s32 v2, $0x0;
	(ifvalue) =	ssetifvalue $0x7FFFFFFF  }
.LBB2_3:
0x33: {  	[tilespmem:s18], [sflag:$0x1] =	stream.indirect_vreg.gather [hbm4b:s2+s10], $0x1, v1, vm0, $0x4038;
	[tilespmem:$0x3E80] =	vst v63  }
0x34: {  	s17 =	sadd.s32 $0x10, s17  }
0x35: {  	v2 =	vnsel vm1, $0x0, v2;
	p0 =	slt.u32 s17, $0xF90  }
.Ltmp3:
0x36: {  	s18 =	smov.u32 s15;
	v1 =	vmin.u32 v2, $0x270FF;
	(pc) =	sbr.rel @p0 .LBB2_3-.Ltmp3, $3  }
0x37: {  	_ =	sdelay $0x1  }
0x38: {  	s16 =	sadd.s32 $0x10, s16  }
0x39: {  	vm1 =	vgt.s32 v0, $0x0;
	s15 =	sadd.s32 $0x10, s15;
	v2 =	vmov v0;
	(ifvalue) =	ssetifvalue $0x7FFFFFFF;
	v0 =	vld.msk [tilespmem:s16+$0x0 ss:$0x1], $0xffff  }
.Ltmp4:
0x3a: {  	_ = 	snop;
	(pc) =	sbr.rel .LBB2_4-.Ltmp4, $1  }
0x3b: {  	_ =	sdelay $0x3  }
.LBB2_6:
0x3c: {  	_ =	sfence.sel $0x180000  }
0x3d: {  	s2 =	simm.s32 $0x2;
	[bflag:$0x0] =	sbarrier.arrive $0xFFFF  }
0x3e: {  	s30 =	simm.s32 $0x3;
	[sflag:s2] =	ssyncpa.u1 $0x1  }
0x3f: {  	s31 =	simm.s32 $0x1;
	[sflag:s30] =	ssyncpa.u1 $0x1  }
0x40: {  	[sflag:s31] =	ssyncpa.u1 $0x1  }
0x41: {  	p0 =	sne.s32 s1, $0x0;
	_ =	strace $0x9000004A  }
0x42: {  	s0 =	sadd.s32 @!p0 $0x100000, s0;
	[bflag:$0x2] =	sbarrier.arrive $0xFFFF  }
0x43: {  	[sflag:s0] =	ssyncadd.tile.s32 @!p0 $0x1;
	_ =	shalt  }
.Lfunc_end2:
_tile_overlayer_lowered:
.L_overlay_start_2:
0x44: {  	(tag) =	ssettag $0x2  }
0x45: {  	s0 =	rddreg [dreg:$0x0];
	s2 =	stileid.u32  }
0x46: {  	s1 =	rddreg [dreg:$0x1];
	p0 =	sne.s32 s2, $0x0  }
0x47: {  	s3 =	rddreg [dreg:$0x2];
	[bflag:$0x3] =	sbarrier.arrive $0xFFFF;
	s2 =	simm.s32 @!p0 $0x1C01  }
0x48: {  	[timem:s3], [sflag:s2] =	dma.local @!p0 [hbm:s0], s1  }
0x49: {  	s0 =	simm.s32 @!p0 $0x1  }
0x4a: {  	_ =	swait.ge @!p0 [sflag:s0], s1  }
0x4b: {  	s1 =	ssub.s32 @!p0 $0x0, s1;
	[sflag:s0] =	ssyncset.done @!p0 $0x0  }
0x4c: {  	[sflag:s0] =	ssyncadd.s32 @!p0 s1  }
0x4d: {  	[bflag:$0x3] =	sbarrier.arrive $0xFFFF  }
0x4e: {  	_ =	shalt  }

// kernel: kernel.13.cloned.1.call-start
scs
__scs_entry_jumppad:
0x0: {  	(pc) =	sbr.rel $0x88, $3  }
0x1: {  	(tag) =	ssettag $0x0;
	lr =	simm.s32 $0x1  }
0x2: {  	[smem:$0x3F88] =	sst lr;
	_ =	strace $0xD0000000  }
0x3: {  	_ = 	snop  }
0x4: {  	_ = 	snop  }
0x5: {  	_ = 	snop  }
0x6: {  	_ = 	snop  }
0x7: {  	_ = 	snop  }
__scs_overlays_trampoline_lowered:
0x8: {  	[smem:$0x3F97] =	sst s0  }
0x9: {  	[smem:$0x3F98] =	sst s1  }
0xa: {  	[smem:$0x3F99] =	sst s2  }
0xb: {  	[smem:$0x3F9A] =	sst s3  }
0xc: {  	[smem:$0x3F9B] =	sst s4  }
0xd: {  	[smem:$0x3F9C] =	sst s5  }
0xe: {  	[smem:$0x3F9D] =	sst s6  }
0xf: {  	[smem:$0x3F9E] =	sst s7  }
0x10: {  	[smem:$0x3F9F] =	sst s8  }
0x11: {  	[smem:$0x3FA0] =	sst s9;
	s0 =	simm.s32 @!p0 $0x0  }
0x12: {  	s1 =	sld [smem:$0x3F86];
	s0 =	simm.s32 @p0 $0x1  }
0x13: {  	[smem:$0x3FA1] =	sst s0;
	s0 =	simm.s32 @!p1 $0x0  }
0x14: {  	s2 =	sld [smem:$0x3F85];
	s0 =	simm.s32 @p1 $0x1  }
0x15: {  	[smem:$0x3FA2] =	sst s0;
	s0 =	simm.s32 @!p2 $0x0  }
0x16: {  	s3 =	sld [smem:$0x3FDB];
	s0 =	simm.s32 @p2 $0x1  }
0x17: {  	s4 =	simm.s32 $0x1BF5;
	[smem:$0x3FA4] =	sst s0  }
0x18: {  	s0 =	sld [smem:$0x3F87];
	_ =	swait.ge [sflag:s4], $0x0  }
0x19: {  	s7 =	sld [smem:$0x3F88]  }
0x1a: {  	s8 =	sadd.s32 $0xFFFFE003, lr  }
0x1b: {  	s9 =	sadd.s32 $0xFFFFFEF7, lr;
	s5 =	simm.s32 $0xFFFFFFFF;
	p2 =	slt.u32 s8, $0xFFFFF086  }
0x1c: {  	p1 =	slt.u32 s9, $0xF7A;
	s5 =	simm.s32 @!p2 $0x0  }
0x1d: {  	s5 =	simm.s32 @p1 $0x1;
	p0 =	seq.s32 s7, s2  }
0x1e: {  	s7 =	smul.u32 @!p0 $0xF7A, s2;
	p2 =	seq.s32 @!p0 s5, $0x0  }
0x1f: {  	s9 =	smul.u32 $0xF7A, s1;
	s8 =	simm.s32 @!p0 $0x1BF5;
	p2 =	por !p2, p0  }
0x20: {  	[sflag:s8] =	ssyncset.s32 @!p0 $0xFFFFF086;
	s6 =	sadd.s32 @!p0 s3, s7;
	s7 =	simm.s32 @!p0 $0x108  }
0x21: {  	s3 =	sadd.s32 s3, s9;
	s6 =	sadd.s32 @!p0 $0x88, s6;
	s7 =	simm.s32 @p2 $0x1082  }
0x22: {  	[simem:s7], [sflag:s8] =	dma.local @!p0 [hbm:s6], $0xF7A  }
0x23: {  	s9 =	sor.u32 $0xD0000000, s2;
	s6 =	simm.s32 $0x108;
	_ =	swait.ge @!p0 [sflag:s8], $0x0  }
0x24: {  	s3 =	sadd.s32 $0x88, s3;
	s6 =	simm.s32 @!p1 $0x1082;
	[sflag:s4] =	ssyncset.s32 $0xFFFFF086  }
0x25: {  	[simem:s6], [sflag:s4] =	dma.local [hbm:s3], $0xF7A  }
0x26: {  	[smem:$0x3F88] =	sst s1;
	(tag) =	ssettag s2;
	_ =	strace s9  }
0x27: {  	s1 =	sld [smem:$0x3F98]  }
0x28: {  	s2 =	sld [smem:$0x3F99]  }
0x29: {  	s4 =	sld [smem:$0x3F9B]  }
0x2a: {  	p0 =	seq.s32 s5, $0x0;
	s5 =	sld [smem:$0x3F9C]  }
0x2b: {  	s6 =	sld [smem:$0x3F9D]  }
0x2c: {  	s7 =	sld [smem:$0x3F9E]  }
0x2d: {  	s3 =	simm.s32 $0x108;
	s8 =	sld [smem:$0x3F9F]  }
0x2e: {  	s3 =	simm.s32 @!p0 $0x1082;
	s9 =	sld [smem:$0x3FA0]  }
0x2f: {  	lr =	sadd.s32 s0, s3;
	s0 =	sld [smem:$0x3F97]  }
0x30: {  	s3 =	sld [smem:$0x3F9A]  }
0x31: {  	[smem:$0x3FA3] =	sst s10  }
0x32: {  	s10 =	sld [smem:$0x3FA1];
	_ =	sdelay $0x3  }
0x33: {  	p0 =	seq.s32 s10, $0x1;
	s10 =	sld [smem:$0x3FA3];
	_ =	sdelay $0x3  }
0x34: {  	[smem:$0x3FA3] =	sst s10  }
0x35: {  	s10 =	sld [smem:$0x3FA2];
	_ =	sdelay $0x3  }
0x36: {  	p1 =	seq.s32 s10, $0x1;
	s10 =	sld [smem:$0x3FA3];
	_ =	sdelay $0x3  }
0x37: {  	[smem:$0x3FA3] =	sst s10  }
0x38: {  	s10 =	sld [smem:$0x3FA4]  }
0x39: {  	_ = 	snop;
	(pc) =	sbr.ind lr, $3  }
0x3a: {  	_ = 	snop  }
0x3b: {  	_ = 	snop  }
0x3c: {  	p2 =	seq.s32 s10, $0x1;
	s10 =	sld [smem:$0x3FA3]  }
0x3d: {  	_ =	shalt  }
0x3e: {  	_ =	shalt  }
0x3f: {  	_ =	shalt  }
0x40: {  	_ =	shalt  }
0x41: {  	_ =	shalt  }
0x42: {  	_ =	shalt  }
0x43: {  	_ =	shalt  }
0x44: {  	_ =	shalt  }
0x45: {  	_ =	shalt  }
0x46: {  	_ =	shalt  }
0x47: {  	_ =	shalt  }
0x48: {  	_ =	shalt  }
0x49: {  	_ =	shalt  }
0x4a: {  	_ =	shalt  }
0x4b: {  	_ =	shalt  }
0x4c: {  	_ =	shalt  }
0x4d: {  	_ =	shalt  }
0x4e: {  	_ =	shalt  }
0x4f: {  	_ =	shalt  }
0x50: {  	_ =	shalt  }
0x51: {  	_ =	shalt  }
0x52: {  	_ =	shalt  }
0x53: {  	_ =	shalt  }
0x54: {  	_ =	shalt  }
0x55: {  	_ =	shalt  }
0x56: {  	_ =	shalt  }
0x57: {  	_ =	shalt  }
0x58: {  	_ =	shalt  }
0x59: {  	_ =	shalt  }
0x5a: {  	_ =	shalt  }
0x5b: {  	_ =	shalt  }
0x5c: {  	_ =	shalt  }
0x5d: {  	_ =	shalt  }
0x5e: {  	_ =	shalt  }
0x5f: {  	_ =	shalt  }
0x60: {  	_ =	shalt  }
0x61: {  	_ =	shalt  }
0x62: {  	_ =	shalt  }
0x63: {  	_ =	shalt  }
0x64: {  	_ =	shalt  }
0x65: {  	_ =	shalt  }
0x66: {  	_ =	shalt  }
0x67: {  	_ =	shalt  }
0x68: {  	_ =	shalt  }
0x69: {  	_ =	shalt  }
0x6a: {  	_ =	shalt  }
0x6b: {  	_ =	shalt  }
0x6c: {  	_ =	shalt  }
0x6d: {  	_ =	shalt  }
0x6e: {  	_ =	shalt  }
0x6f: {  	_ =	shalt  }
0x70: {  	_ =	shalt  }
0x71: {  	_ =	shalt  }
0x72: {  	_ =	shalt  }
0x73: {  	_ =	shalt  }
0x74: {  	_ =	shalt  }
0x75: {  	_ =	shalt  }
0x76: {  	_ =	shalt  }
0x77: {  	_ =	shalt  }
0x78: {  	_ =	shalt  }
0x79: {  	_ =	shalt  }
0x7a: {  	_ =	shalt  }
0x7b: {  	_ =	shalt  }
0x7c: {  	_ =	shalt  }
0x7d: {  	_ =	shalt  }
0x7e: {  	_ =	shalt  }
0x7f: {  	_ =	shalt  }
0x80: {  	_ =	shalt  }
0x81: {  	_ =	shalt  }
0x82: {  	_ =	shalt  }
0x83: {  	_ =	shalt  }
0x84: {  	_ =	shalt  }
0x85: {  	_ =	shalt  }
0x86: {  	_ =	shalt  }
0x87: {  	_ =	shalt  }
.Lfunc_end0:
.L_simem_size_0:
called_computation.2_lowered:
.L_overlay_start_0:
0x88: {  	s2 =	sld [smem:$0x3FD9]  }
0x89: {  	s3 =	sld [smem:$0x3FFE];
	_ =	sdelay $0x1  }
0x8a: {  	s1 =	srdreg.scid  }
0x8b: {  	s0 =	sand.u32 $0x1, s1  }
0x8c: {  	s16 =	sshll.u32 s0, $0xA;
	s2 =	sadd.s32 s3, s2  }
0x8d: {  	s2 =	sadd.s32 s2, s16  }
0x8e: {  	[smem:$0x3FAF] =	sst s2  }
0x8f: {  	_ = 	snop  }
0x90: {  	(tm) =	ssettm $0x1  }
0x91: {  	s17 =	sld [smem:$0x3FFB];
	_ =	sdelay $0x3  }
0x92: {  	_ =	strace s17  }
0x93: {  	s2 =	sld [smem:$0x3FFC];
	_ =	sdelay $0x3  }
0x94: {  	_ =	strace s2  }
0x95: {  	s2 =	sld [smem:$0x3FFD];
	_ =	sdelay $0x3  }
0x96: {  	_ =	strace s2  }
0x97: {  	_ =	strace $0x8FFFFFFF  }
0x98: {  	s18 =	sld [smem:$0x3FDB];
	_ =	sdelay $0x1  }
0x99: {  	s19 =	simm.s32 $_scs_section_size  }
0x9a: {  	s4 =	simm.s32 $_size__tile_overlayer_lowered;
	s5 =	simm.s32 $_tile_overlayer_lowered  }
0x9b: {  	s22 =	simm.s32 $0x1BFF;
	s21 =	sshll.u32 s5, $0x1;
	s2 =	sadd.s32 s19, s18  }
0x9c: {  	s6 =	simm.s32 $0x0;
	s20 =	sshll.u32 s4, $0x1;
	s4 =	sadd.s32 s21, s2  }
0x9d: {  	[timem:s6], [sflag:s22] =	dma.local [hbm:s4], s20  }
0x9e: {  	_ =	swait.ge [sflag:s22], s20  }
0x9f: {  	s3 =	ssub.s32 $0x0, s20;
	[sflag:s22] =	ssyncset.done $0x0  }
0xa0: {  	[sflag:s22] =	ssyncadd.s32 s3;
	_ =	sdelay $0x1  }
0xa1: {  	s23 =	simm.s32 $0x1B8B  }
0xa2: {  	_ =	swait.ge [sflag:s23], $0x1  }
0xa3: {  	[sflag:s23] =	ssyncset.done $0x0  }
0xa4: {  	s25 =	simm.s32 $0x1B8E;
	s24 =	sld [smem:$0x3FFE];
	[sflag:s23] =	ssyncadd.s32 $0xFFFFFFFF  }
0xa5: {  	s26 =	simm.s32 $execute0_lowered;
	[smem:$0x3FD2] =	sst s25  }
0xa6: {  	s4 =	sshll.u32 s26, $0x1;
	_ =	strace $0x8000004C;
	[dreg:$0x1] =	wrdreg $0xFFFFFFFF  }
0xa7: {  	s28 =	simm.s32 $_size_execute0_lowered;
	s2 =	sadd.s32 s2, s4;
	[dreg:$0x0] =	wrdreg $0x0  }
0xa8: {  	s4 =	sshll.u32 s28, $0x1;
	[dreg:$0x2] =	wrdreg s2  }
0xa9: {  	[dreg:$0x3] =	wrdreg s4  }
0xaa: {  	[dreg:$0x4] =	wrdreg $0xC0  }
0xab: {  	_ =	task [dreg:s6], $0x5FFFF  }
0xac: {  	[dreg:$0x1] =	wrdreg $0xFFFFFFFF  }
0xad: {  	[dreg:$0x0] =	wrdreg $0x60  }
0xae: {  	[dreg:$0x2] =	wrdreg s24  }
0xaf: {  	[dreg:$0x3] =	wrdreg $0x9  }
0xb0: {  	_ =	task.clear_ibuf [dreg:s6], $0x4FFFF;
	_ =	strace $0x9000004C  }
0xb1: {  	s29 =	simm.s32 $0x9;
	_ =	strace $0x8000004E  }
0xb2: {  	_ =	swait.ge [sflag:s29], $0x1  }
0xb3: {  	[sflag:s29] =	ssyncadd.s32 $0xFFFFFFFF  }
0xb4: {  	_ =	strace $0x9000004E  }
0xb5: {  	_ =	sfence  }
0xb6: {  	s30 =	sld [smem:$0x0];
	_ =	sdelay $0x2  }
0xb7: {  	s31 =	sshll.u32 s1, $0xD;
	s1 =	sshrl.u32 s1, $0x2  }
0xb8: {  	s3 =	sand.u32 $0x4000, s31;
	s1 =	sadd.s32 s1, s30  }
0xb9: {  	s0 =	sor.u32 s3, s0;
	s1 =	sshll.u32 s1, $0x11  }
0xba: {  	s0 =	sor.u32 s1, s0  }
0xbb: {  	s0 =	sadd.s32 $0x8F2B, s0  }
0xbc: {  	[sflag:s0] =	ssyncadd.remote.s32 $0x1  }
0xbd: {  	_ =	sfence.sel $0xFFFF  }
0xbe: {  	[dreg:$0x0] =	wrdreg $0xFFFFFFFF;
	(pc) =	sbr.abs _section_cstart, $3  }
0xbf: {  	[dreg:$0x1] =	wrdreg $0xFFFFFFFF  }
0xc0: {  	_ =	task.clear_ibuf [dreg:s6], $0x2FFFF;
	_ =	strace $0x9FFFFFFF  }
0xc1: {  	(tm) =	ssettm $0x7FFFFFFF  }
tec
execute0_lowered:
.L_overlay_start_1:
0x0: {  	(tag) =	ssettag $0x1  }
0x1: {  	s0 =	stileid.u32;
	s1 =	srdreg.scid  }
0x2: {  	s5 =	sand.u32 $0x1, s1;
	s24 =	smul.u32 $0x2800, s0  }
0x3: {  	s2 =	smul.u32 $0x1400, s5;
	_ =	sdelay $0x1  }
0x4: {  	s4 =	rddreg [dreg:$0x0];
	s3 =	sadd.s32 s2, s24;
	s2 =	simm.s32 $0x0  }
0x5: {  	s25 =	simm.s32 $0x80;
	[smem:$0x7FF] =	sst s2  }
0x6: {  	s26 =	simm.s32 $0x900;
	_ =	strace $0x8000004D;
	[dreg:$0x4] =	wrdreg s25  }
0x7: {  	s30 =	simm.s32 $0x1100;
	[dreg:$0x5] =	wrdreg s26  }
0x8: {  	s31 =	simm.s32 $0x1900;
	[dreg:$0x6] =	wrdreg s30  }
0x9: {  	s1 =	simm.s32 $0x2100;
	[dreg:$0x7] =	wrdreg s31  }
0xa: {  	s8 =	simm.s32 $0x3900;
	[dreg:$0x8] =	wrdreg s1  }
0xb: {  	s9 =	simm.s32 $0x4100;
	[dreg:$0xb] =	wrdreg s8  }
0xc: {  	s10 =	simm.s32 $0x4900;
	[dreg:$0xc] =	wrdreg s9  }
0xd: {  	s11 =	simm.s32 $0x5100;
	[dreg:$0xd] =	wrdreg s10  }
0xe: {  	s12 =	simm.s32 $0x5900;
	[dreg:$0xe] =	wrdreg s11  }
0xf: {  	s13 =	simm.s32 $0x6100;
	s15 =	simm.s32 $0x6900;
	[dreg:$0xf] =	wrdreg s12  }
0x10: {  	s16 =	simm.s32 $0x7100;
	s17 =	simm.s32 $0x7900;
	[dreg:$0x10] =	wrdreg s13  }
0x11: {  	s18 =	simm.s32 $0x8100;
	s19 =	simm.s32 $0x8900;
	[dreg:$0x11] =	wrdreg s15  }
0x12: {  	s20 =	simm.s32 $0x9100;
	s21 =	simm.s32 $0x9900;
	[dreg:$0x12] =	wrdreg s16  }
0x13: {  	s23 =	simm.s32 $0xA900;
	s28 =	simm.s32 $0x6;
	[dreg:$0x13] =	wrdreg s17  }
0x14: {  	s29 =	simm.s32 $0x0;
	s14 =	smul.u32 $0xA0000, s0;
	[dreg:$0x14] =	wrdreg s18  }
0x15: {  	s7 =	sadd.s32 $0x9F400, s4;
	s22 =	smul.u32 $0x50000, s5;
	[dreg:$0x15] =	wrdreg s19  }
0x16: {  	s6 =	sor.u32 $0x50, s3;
	s3 =	sshrl.u32 s3, $0x3;
	[dreg:$0x16] =	wrdreg s20  }
0x17: {  	s6 =	sshrl.u32 s6, $0x3;
	s3 =	sadd.s32 s3, s7;
	[dreg:$0x17] =	wrdreg s21  }
0x18: {  	s8 =	ssub.s32 $0x2, s5;
	[dreg:$0x18] =	wrdreg s23;
	s25 =	simm.s32 $0xB100  }
0x19: {  	s26 =	simm.s32 $0xB900;
	s30 =	simm.s32 $0xC100;
	s31 =	simm.s32 $0xC900  }
0x1a: {  	s11 =	simm.s32 $0xD100;
	s10 =	simm.s32 $0xA100;
	s12 =	simm.s32 $0xE100  }
0x1b: {  	s13 =	simm.s32 $0xE900;
	s15 =	simm.s32 $0xF900;
	s16 =	simm.s32 $0x10100  }
0x1c: {  	s17 =	simm.s32 $0x10900;
	s18 =	simm.s32 $0x11100;
	[dreg:$0x3] =	wrdreg s3  }
0x1d: {  	s19 =	simm.s32 $0x11900;
	s20 =	simm.s32 $0x12100;
	[dreg:$0x19] =	wrdreg s25  }
0x1e: {  	s21 =	simm.s32 $0x12900;
	s23 =	simm.s32 $0x13900;
	[dreg:$0x1a] =	wrdreg s26  }
0x1f: {  	s6 =	sadd.s32 s6, s7;
	s7 =	simm.s32 $0x3100;
	[dreg:$0x1b] =	wrdreg s30  }
0x20: {  	s3 =	sadd.s32 $0x3F1400, s4;
	s9 =	sshrl.u32 s8, $0x1;
	[dreg:$0x1c] =	wrdreg s31  }
0x21: {  	[dreg:$0x1d] =	wrdreg s11;
	s11 =	simm.s32 $0xD900;
	s25 =	simm.s32 $0x4  }
0x22: {  	s26 =	simm.s32 $0x5;
	[dreg:$0x2] =	wrdreg s6;
	s6 =	simm.s32 $0x2900  }
0x23: {  	[dreg:$0xa] =	wrdreg s7;
	s8 =	ssub.s32 s8, s9;
	s7 =	simm.s32 $0x1  }
0x24: {  	s9 =	simm.s32 $0x2;
	[dreg:$0x9] =	wrdreg s6;
	s6 =	sadd.s32 s14, s4  }
0x25: {  	v2 =	vlaneseq.u32;
	s4 =	sadd.s32 $0x3F1500, s4;
	s24 =	smax.u32 s8, $0x1;
	s8 =	simm.s32 $0x100  }
0x26: {  	vm0 =	vmmov $0xffff;
	v1 =	vshrl.u32 v2, $0x3;
	s14 =	simm.s32 $0xF100;
	[dreg:$0x1e] =	wrdreg s24;
	s6 =	sadd.s32 s22, s6  }
0x27: {  	v0 =	vand.u32 $0x7, v2;
	v2 =	vor.u32 $0x8, v2;
	v1 =	vmul.u32 $0x8, v1;
	s22 =	simm.s32 $0x13100;
	s24 =	simm.s32 $0x3;
	s6 =	sadd.s32 $0x492800, s6  }
.LBB2_1:
0x28: {  	s30 =	smov.u32 s6;
	s31 =	simm.s32 $0x0  }
.LBB2_2:
0x29: {  	s1 =	rddreg [dreg:$0x3]  }
0x2a: {  	s0 =	rddreg [dreg:$0x2];
	s1 =	sadd.s32 s31, s1  }
0x2b: {  	[tilespmem:s2], [sflag:$0x1] =	stream.linear.gather [hbm4b:s1+s2], $0x50, $0x38;
	[tilespmem:$0x14100] =	vst v63  }
0x2c: {  	s5 =	rddreg [dreg:$0x4];
	s0 =	sadd.s32 s31, s0  }
0x2d: {  	[tilespmem:s5], [sflag:$0x2] =	stream.linear.gather [hbm4b:s0+s2], $0x50, $0x38;
	[tilespmem:$0x14100] =	vst v63  }
0x2e: {  	_ =	swait.ge [sflag:s7], $0x50  }
0x2f: {  	[sflag:s7] =	ssyncset.done $0x0  }
0x30: {  	[sflag:s7] =	ssyncadd.s32 $0xFFFFFFB0  }
0x31: {  	v3 =	vld [tilespmem:$0x0];
	_ =	sdelay $0x4  }
0x32: {  	v4 =	vshll.u32 v3, $0x2  }
0x33: {  	v3 =	vand.u32 $0x7, v3;
	v4 =	vand.u32 $0xFFFFFFE0, v4  }
0x34: {  	v3 =	vor.u32 v3, v4  }
0x35: {  	v4 =	vperm.xlane v3, v0;
	_ =	sdelay $0x1  }
0x36: {  	v4 =	vadd.s32 v1, v4;
	_ =	sdelay $0x1  }
0x37: {  	v3 =	vperm.xlane v3, v2;
	_ =	sdelay $0x1  }
0x38: {  	v3 =	vadd.s32 v1, v3  }
0x39: {  	[tilespmem:s8], [sflag:$0x3] =	stream.indirect_vreg.gather [hbm4b:s3+s2], $0x80, v4, vm0, $0xb8;
	[tilespmem:$0x14100] =	vst v63  }
0x3a: {  	s5 =	rddreg [dreg:$0x5]  }
0x3b: {  	[tilespmem:s5], [sflag:$0x3] =	stream.indirect_vreg.gather [hbm4b:s4+s2], $0x80, v4, vm0, $0xb8;
	[tilespmem:$0x14100] =	vst v63  }
0x3c: {  	s1 =	rddreg [dreg:$0x6]  }
0x3d: {  	[tilespmem:s1], [sflag:$0x3] =	stream.indirect_vreg.gather [hbm4b:s3+s2], $0x80, v3, vm0, $0xb8;
	[tilespmem:$0x14100] =	vst v63  }
0x3e: {  	s5 =	rddreg [dreg:$0x7]  }
0x3f: {  	[tilespmem:s5], [sflag:$0x3] =	stream.indirect_vreg.gather [hbm4b:s4+s2], $0x80, v3, vm0, $0xb8;
	[tilespmem:$0x14100] =	vst v63  }
0x40: {  	v3 =	vld [tilespmem:$0x10];
	_ =	sdelay $0x4  }
0x41: {  	v55 =	vshll.u32 v3, $0x2  }
0x42: {  	v3 =	vand.u32 $0x7, v3;
	v4 =	vand.u32 $0xFFFFFFE0, v55  }
0x43: {  	v3 =	vor.u32 v3, v4  }
0x44: {  	v4 =	vperm.xlane v3, v0;
	_ =	sdelay $0x1  }
0x45: {  	v4 =	vadd.s32 v1, v4;
	_ =	sdelay $0x1  }
0x46: {  	v3 =	vperm.xlane v3, v2;
	_ =	sdelay $0x1  }
0x47: {  	s1 =	rddreg [dreg:$0x8];
	v3 =	vadd.s32 v1, v3  }
0x48: {  	[tilespmem:s1], [sflag:$0x3] =	stream.indirect_vreg.gather [hbm4b:s3+s2], $0x80, v4, vm0, $0xb8;
	[tilespmem:$0x14100] =	vst v63  }
0x49: {  	s5 =	rddreg [dreg:$0x9]  }
0x4a: {  	[tilespmem:s5], [sflag:$0x3] =	stream.indirect_vreg.gather [hbm4b:s4+s2], $0x80, v4, vm0, $0xb8;
	[tilespmem:$0x14100] =	vst v63  }
0x4b: {  	s0 =	rddreg [dreg:$0xa]  }
0x4c: {  	[tilespmem:s0], [sflag:$0x3] =	stream.indirect_vreg.gather [hbm4b:s3+s2], $0x80, v3, vm0, $0xb8;
	[tilespmem:$0x14100] =	vst v63  }
0x4d: {  	s5 =	rddreg [dreg:$0xb]  }
0x4e: {  	[tilespmem:s5], [sflag:$0x3] =	stream.indirect_vreg.gather [hbm4b:s4+s2], $0x80, v3, vm0, $0xb8;
	[tilespmem:$0x14100] =	vst v63  }
0x4f: {  	v3 =	vld [tilespmem:$0x20];
	_ =	sdelay $0x4  }
0x50: {  	v56 =	vshll.u32 v3, $0x2  }
0x51: {  	v3 =	vand.u32 $0x7, v3;
	v4 =	vand.u32 $0xFFFFFFE0, v56  }
0x52: {  	v3 =	vor.u32 v3, v4  }
0x53: {  	v4 =	vperm.xlane v3, v0;
	_ =	sdelay $0x1  }
0x54: {  	v4 =	vadd.s32 v1, v4;
	_ =	sdelay $0x1  }
0x55: {  	v3 =	vperm.xlane v3, v2;
	_ =	sdelay $0x1  }
0x56: {  	s1 =	rddreg [dreg:$0xc];
	v3 =	vadd.s32 v1, v3  }
0x57: {  	[tilespmem:s1], [sflag:$0x3] =	stream.indirect_vreg.gather [hbm4b:s3+s2], $0x80, v4, vm0, $0xb8;
	[tilespmem:$0x14100] =	vst v63  }
0x58: {  	s5 =	rddreg [dreg:$0xd]  }
0x59: {  	[tilespmem:s5], [sflag:$0x3] =	stream.indirect_vreg.gather [hbm4b:s4+s2], $0x80, v4, vm0, $0xb8;
	[tilespmem:$0x14100] =	vst v63  }
0x5a: {  	s0 =	rddreg [dreg:$0xe]  }
0x5b: {  	[tilespmem:s0], [sflag:$0x3] =	stream.indirect_vreg.gather [hbm4b:s3+s2], $0x80, v3, vm0, $0xb8;
	[tilespmem:$0x14100] =	vst v63  }
0x5c: {  	s5 =	rddreg [dreg:$0xf]  }
0x5d: {  	[tilespmem:s5], [sflag:$0x3] =	stream.indirect_vreg.gather [hbm4b:s4+s2], $0x80, v3, vm0, $0xb8;
	[tilespmem:$0x14100] =	vst v63  }
0x5e: {  	v3 =	vld [tilespmem:$0x30];
	_ =	sdelay $0x4  }
0x5f: {  	v57 =	vshll.u32 v3, $0x2  }
0x60: {  	v3 =	vand.u32 $0x7, v3;
	v4 =	vand.u32 $0xFFFFFFE0, v57  }
0x61: {  	v3 =	vor.u32 v3, v4  }
0x62: {  	v4 =	vperm.xlane v3, v0;
	_ =	sdelay $0x1  }
0x63: {  	v4 =	vadd.s32 v1, v4;
	_ =	sdelay $0x1  }
0x64: {  	v3 =	vperm.xlane v3, v2;
	_ =	sdelay $0x1  }
0x65: {  	s1 =	rddreg [dreg:$0x10];
	v3 =	vadd.s32 v1, v3  }
0x66: {  	[tilespmem:s1], [sflag:$0x3] =	stream.indirect_vreg.gather [hbm4b:s3+s2], $0x80, v4, vm0, $0xb8;
	[tilespmem:$0x14100] =	vst v63  }
0x67: {  	s5 =	rddreg [dreg:$0x11]  }
0x68: {  	[tilespmem:s5], [sflag:$0x3] =	stream.indirect_vreg.gather [hbm4b:s4+s2], $0x80, v4, vm0, $0xb8;
	[tilespmem:$0x14100] =	vst v63  }
0x69: {  	s0 =	rddreg [dreg:$0x12]  }
0x6a: {  	[tilespmem:s0], [sflag:$0x3] =	stream.indirect_vreg.gather [hbm4b:s3+s2], $0x80, v3, vm0, $0xb8;
	[tilespmem:$0x14100] =	vst v63  }
0x6b: {  	s5 =	rddreg [dreg:$0x13]  }
0x6c: {  	[tilespmem:s5], [sflag:$0x3] =	stream.indirect_vreg.gather [hbm4b:s4+s2], $0x80, v3, vm0, $0xb8;
	[tilespmem:$0x14100] =	vst v63  }
0x6d: {  	v3 =	vld [tilespmem:$0x40];
	_ =	sdelay $0x4  }
0x6e: {  	v58 =	vshll.u32 v3, $0x2  }
0x6f: {  	v3 =	vand.u32 $0x7, v3;
	v4 =	vand.u32 $0xFFFFFFE0, v58  }
0x70: {  	v3 =	vor.u32 v3, v4  }
0x71: {  	v4 =	vperm.xlane v3, v0;
	_ =	sdelay $0x1  }
0x72: {  	v4 =	vadd.s32 v1, v4;
	_ =	sdelay $0x1  }
0x73: {  	v3 =	vperm.xlane v3, v2;
	_ =	sdelay $0x1  }
0x74: {  	s1 =	rddreg [dreg:$0x14];
	v3 =	vadd.s32 v1, v3  }
0x75: {  	[tilespmem:s1], [sflag:$0x3] =	stream.indirect_vreg.gather [hbm4b:s3+s2], $0x80, v4, vm0, $0xb8;
	[tilespmem:$0x14100] =	vst v63  }
0x76: {  	s5 =	rddreg [dreg:$0x15]  }
0x77: {  	[tilespmem:s5], [sflag:$0x3] =	stream.indirect_vreg.gather [hbm4b:s4+s2], $0x80, v4, vm0, $0xb8;
	[tilespmem:$0x14100] =	vst v63  }
0x78: {  	s0 =	rddreg [dreg:$0x16]  }
0x79: {  	[tilespmem:s0], [sflag:$0x3] =	stream.indirect_vreg.gather [hbm4b:s3+s2], $0x80, v3, vm0, $0xb8;
	[tilespmem:$0x14100] =	vst v63  }
0x7a: {  	s5 =	rddreg [dreg:$0x17]  }
0x7b: {  	[tilespmem:s5], [sflag:$0x3] =	stream.indirect_vreg.gather [hbm4b:s4+s2], $0x80, v3, vm0, $0xb8;
	[tilespmem:$0x14100] =	vst v63  }
0x7c: {  	_ =	swait.ge [sflag:s9], $0x50  }
0x7d: {  	[sflag:s9] =	ssyncset.done $0x0  }
0x7e: {  	[sflag:s9] =	ssyncadd.s32 $0xFFFFFFB0  }
0x7f: {  	v3 =	vld [tilespmem:$0x80];
	_ =	sdelay $0x4  }
0x80: {  	v59 =	vshll.u32 v3, $0x2  }
0x81: {  	v3 =	vand.u32 $0x7, v3;
	v4 =	vand.u32 $0xFFFFFFE0, v59  }
0x82: {  	v3 =	vor.u32 v3, v4  }
0x83: {  	v4 =	vperm.xlane v3, v0;
	_ =	sdelay $0x1  }
0x84: {  	v4 =	vadd.s32 v1, v4;
	_ =	sdelay $0x1  }
0x85: {  	v3 =	vperm.xlane v3, v2;
	_ =	sdelay $0x1  }
0x86: {  	v3 =	vadd.s32 v1, v3  }
0x87: {  	[tilespmem:s10], [sflag:$0x4] =	stream.indirect_vreg.gather [hbm4b:s3+s2], $0x80, v4, vm0, $0xb8;
	[tilespmem:$0x14100] =	vst v63  }
0x88: {  	s5 =	rddreg [dreg:$0x18]  }
0x89: {  	[tilespmem:s5], [sflag:$0x4] =	stream.indirect_vreg.gather [hbm4b:s4+s2], $0x80, v4, vm0, $0xb8;
	[tilespmem:$0x14100] =	vst v63  }
0x8a: {  	s1 =	rddreg [dreg:$0x19]  }
0x8b: {  	[tilespmem:s1], [sflag:$0x4] =	stream.indirect_vreg.gather [hbm4b:s3+s2], $0x80, v3, vm0, $0xb8;
	[tilespmem:$0x14100] =	vst v63  }
0x8c: {  	s5 =	rddreg [dreg:$0x1a]  }
0x8d: {  	[tilespmem:s5], [sflag:$0x4] =	stream.indirect_vreg.gather [hbm4b:s4+s2], $0x80, v3, vm0, $0xb8;
	[tilespmem:$0x14100] =	vst v63  }
0x8e: {  	v3 =	vld [tilespmem:$0x90];
	_ =	sdelay $0x4  }
0x8f: {  	v60 =	vshll.u32 v3, $0x2  }
0x90: {  	v3 =	vand.u32 $0x7, v3;
	v4 =	vand.u32 $0xFFFFFFE0, v60  }
0x91: {  	v3 =	vor.u32 v3, v4  }
0x92: {  	v4 =	vperm.xlane v3, v0;
	_ =	sdelay $0x1  }
0x93: {  	v4 =	vadd.s32 v1, v4;
	_ =	sdelay $0x1  }
0x94: {  	v3 =	vperm.xlane v3, v2;
	_ =	sdelay $0x1  }
0x95: {  	s5 =	rddreg [dreg:$0x1b];
	v3 =	vadd.s32 v1, v3  }
0x96: {  	[tilespmem:s5], [sflag:$0x4] =	stream.indirect_vreg.gather [hbm4b:s3+s2], $0x80, v4, vm0, $0xb8;
	[tilespmem:$0x14100] =	vst v63  }
0x97: {  	s1 =	rddreg [dreg:$0x1c]  }
0x98: {  	[tilespmem:s1], [sflag:$0x4] =	stream.indirect_vreg.gather [hbm4b:s4+s2], $0x80, v4, vm0, $0xb8;
	[tilespmem:$0x14100] =	vst v63  }
0x99: {  	s5 =	rddreg [dreg:$0x1d]  }
0x9a: {  	[tilespmem:s5], [sflag:$0x4] =	stream.indirect_vreg.gather [hbm4b:s3+s2], $0x80, v3, vm0, $0xb8;
	[tilespmem:$0x14100] =	vst v63  }
0x9b: {  	_ = 	snop  }
0x9c: {  	[tilespmem:s11], [sflag:$0x4] =	stream.indirect_vreg.gather [hbm4b:s4+s2], $0x80, v3, vm0, $0xb8;
	[tilespmem:$0x14100] =	vst v63  }
0x9d: {  	v3 =	vld [tilespmem:$0xA0];
	_ =	sdelay $0x4  }
0x9e: {  	v61 =	vshll.u32 v3, $0x2  }
0x9f: {  	v3 =	vand.u32 $0x7, v3;
	v4 =	vand.u32 $0xFFFFFFE0, v61  }
0xa0: {  	v3 =	vor.u32 v3, v4  }
0xa1: {  	v4 =	vperm.xlane v3, v0;
	_ =	sdelay $0x1  }
0xa2: {  	v4 =	vadd.s32 v1, v4;
	_ =	sdelay $0x1  }
0xa3: {  	v3 =	vperm.xlane v3, v2;
	_ =	sdelay $0x1  }
0xa4: {  	v3 =	vadd.s32 v1, v3  }
0xa5: {  	[tilespmem:s12], [sflag:$0x4] =	stream.indirect_vreg.gather [hbm4b:s3+s2], $0x80, v4, vm0, $0xb8;
	[tilespmem:$0x14100] =	vst v63  }
0xa6: {  	_ = 	snop  }
0xa7: {  	[tilespmem:s13], [sflag:$0x4] =	stream.indirect_vreg.gather [hbm4b:s4+s2], $0x80, v4, vm0, $0xb8;
	[tilespmem:$0x14100] =	vst v63  }
0xa8: {  	_ = 	snop  }
0xa9: {  	[tilespmem:s14], [sflag:$0x4] =	stream.indirect_vreg.gather [hbm4b:s3+s2], $0x80, v3, vm0, $0xb8;
	[tilespmem:$0x14100] =	vst v63  }
0xaa: {  	_ = 	snop  }
0xab: {  	[tilespmem:s15], [sflag:$0x4] =	stream.indirect_vreg.gather [hbm4b:s4+s2], $0x80, v3, vm0, $0xb8;
	[tilespmem:$0x14100] =	vst v63  }
0xac: {  	v3 =	vld [tilespmem:$0xB0];
	_ =	sdelay $0x4  }
0xad: {  	v62 =	vshll.u32 v3, $0x2  }
0xae: {  	v3 =	vand.u32 $0x7, v3;
	v4 =	vand.u32 $0xFFFFFFE0, v62  }
0xaf: {  	v3 =	vor.u32 v3, v4  }
0xb0: {  	v4 =	vperm.xlane v3, v0;
	_ =	sdelay $0x1  }
0xb1: {  	v4 =	vadd.s32 v1, v4;
	_ =	sdelay $0x1  }
0xb2: {  	v3 =	vperm.xlane v3, v2;
	_ =	sdelay $0x1  }
0xb3: {  	v3 =	vadd.s32 v1, v3  }
0xb4: {  	[tilespmem:s16], [sflag:$0x4] =	stream.indirect_vreg.gather [hbm4b:s3+s2], $0x80, v4, vm0, $0xb8;
	[tilespmem:$0x14100] =	vst v63  }
0xb5: {  	_ = 	snop  }
0xb6: {  	[tilespmem:s17], [sflag:$0x4] =	stream.indirect_vreg.gather [hbm4b:s4+s2], $0x80, v4, vm0, $0xb8;
	[tilespmem:$0x14100] =	vst v63  }
0xb7: {  	_ = 	snop  }
0xb8: {  	[tilespmem:s18], [sflag:$0x4] =	stream.indirect_vreg.gather [hbm4b:s3+s2], $0x80, v3, vm0, $0xb8;
	[tilespmem:$0x14100] =	vst v63  }
0xb9: {  	_ = 	snop  }
0xba: {  	[tilespmem:s19], [sflag:$0x4] =	stream.indirect_vreg.gather [hbm4b:s4+s2], $0x80, v3, vm0, $0xb8;
	[tilespmem:$0x14100] =	vst v63  }
0xbb: {  	v3 =	vld [tilespmem:$0xC0];
	_ =	sdelay $0x4  }
0xbc: {  	v63 =	vshll.u32 v3, $0x2  }
0xbd: {  	v3 =	vand.u32 $0x7, v3;
	v4 =	vand.u32 $0xFFFFFFE0, v63  }
0xbe: {  	v3 =	vor.u32 v3, v4  }
0xbf: {  	v4 =	vperm.xlane v3, v0;
	_ =	sdelay $0x1  }
0xc0: {  	v4 =	vadd.s32 v1, v4;
	_ =	sdelay $0x1  }
0xc1: {  	v3 =	vperm.xlane v3, v2;
	_ =	sdelay $0x1  }
0xc2: {  	v3 =	vadd.s32 v1, v3  }
0xc3: {  	[tilespmem:s20], [sflag:$0x4] =	stream.indirect_vreg.gather [hbm4b:s3+s2], $0x80, v4, vm0, $0xb8;
	[tilespmem:$0x14100] =	vst v63  }
0xc4: {  	_ = 	snop  }
0xc5: {  	[tilespmem:s21], [sflag:$0x4] =	stream.indirect_vreg.gather [hbm4b:s4+s2], $0x80, v4, vm0, $0xb8;
	[tilespmem:$0x14100] =	vst v63  }
0xc6: {  	_ = 	snop  }
0xc7: {  	[tilespmem:s22], [sflag:$0x4] =	stream.indirect_vreg.gather [hbm4b:s3+s2], $0x80, v3, vm0, $0xb8;
	[tilespmem:$0x14100] =	vst v63  }
0xc8: {  	_ = 	snop  }
0xc9: {  	[tilespmem:s23], [sflag:$0x4] =	stream.indirect_vreg.gather [hbm4b:s4+s2], $0x80, v3, vm0, $0xb8;
	[tilespmem:$0x14100] =	vst v63  }
0xca: {  	_ =	swait.ge [sflag:s24], $0xA000  }
0xcb: {  	[sflag:s24] =	ssyncset.done $0x0  }
0xcc: {  	s5 =	sadd.s32 $0xFFFFEC00, s30;
	[sflag:s24] =	ssyncadd.s32 $0xFFFF6000  }
0xcd: {  	[hbm4b:s5+s2] =	stream.linear.scatter [tilespmem:s8], [sflag:$0x5], $0xA000, $0x38;
	[tilespmem:$0x14100] =	vst v63  }
0xce: {  	_ =	swait.ge [sflag:s25], $0xA000  }
0xcf: {  	[sflag:s25] =	ssyncset.done $0x0  }
0xd0: {  	[sflag:s25] =	ssyncadd.s32 $0xFFFF6000  }
0xd1: {  	[hbm4b:s30+s2] =	stream.linear.scatter [tilespmem:s10], [sflag:$0x6], $0xA000, $0x38;
	[tilespmem:$0x14100] =	vst v63  }
0xd2: {  	p0 =	sne.s32 s31, $0x26C;
	_ =	swait.ge [sflag:s26], $0xA000  }
.Ltmp0:
0xd3: {  	[sflag:s26] =	ssyncset.done $0x0;
	(pc) =	sbr.rel @p0 .LBB2_2-.Ltmp0, $4  }
0xd4: {  	[sflag:s26] =	ssyncadd.s32 $0xFFFF6000  }
0xd5: {  	_ =	swait.ge [sflag:s28], $0xA000  }
0xd6: {  	[sflag:s28] =	ssyncset.done $0x0  }
0xd7: {  	s31 =	sadd.s32 $0x14, s31;
	s30 =	sadd.s32 $0x2800, s30;
	[sflag:s28] =	ssyncadd.s32 $0xFFFF6000  }
0xd8: {  	s29 =	sadd.s32 $0x1, s29;
	s0 =	rddreg [dreg:$0x1e]  }
0xd9: {  	p0 =	sne.s32 s29, s0  }
.Ltmp1:
0xda: {  	_ = 	snop;
	(pc) =	sbr.rel @p0 .LBB2_1-.Ltmp1, $1  }
0xdb: {  	_ =	sdelay $0x3  }
0xdc: {  	_ =	sfence.sel $0x180000  }
0xdd: {  	[bflag:$0x0] =	sbarrier.arrive $0xFFFF  }
0xde: {  	_ =	strace $0x9000004D  }
0xdf: {  	s0 =	stileid.u32;
	[bflag:$0x2] =	sbarrier.arrive $0xFFFF  }
0xe0: {  	p0 =	sne.s32 s0, $0x0;
	s0 =	rddreg [dreg:$0x1]  }
0xe1: {  	s0 =	sadd.s32 @!p0 $0x100000, s0  }
0xe2: {  	[sflag:s0] =	ssyncadd.tile.s32 @!p0 $0x1;
	_ =	shalt  }
.Lfunc_end2:
_tile_overlayer_lowered:
.L_overlay_start_2:
0xe3: {  	(tag) =	ssettag $0x2  }
0xe4: {  	s0 =	rddreg [dreg:$0x0];
	s2 =	stileid.u32  }
0xe5: {  	s1 =	rddreg [dreg:$0x1];
	p0 =	sne.s32 s2, $0x0  }
0xe6: {  	s3 =	rddreg [dreg:$0x2];
	[bflag:$0x3] =	sbarrier.arrive $0xFFFF;
	s2 =	simm.s32 @!p0 $0x1C07  }
0xe7: {  	[timem:s3], [sflag:s2] =	dma.local @!p0 [hbm:s0], s1  }
0xe8: {  	s0 =	simm.s32 @!p0 $0x7  }
0xe9: {  	_ =	swait.ge @!p0 [sflag:s0], s1  }
0xea: {  	s1 =	ssub.s32 @!p0 $0x0, s1;
	[sflag:s0] =	ssyncset.done @!p0 $0x0  }
0xeb: {  	[sflag:s0] =	ssyncadd.s32 @!p0 s1  }
0xec: {  	[bflag:$0x3] =	sbarrier.arrive $0xFFFF  }
0xed: {  	_ =	shalt  }

// kernel: kernel.16.cloned.1.call-start
scs
__scs_entry_jumppad:
0x0: {  	(pc) =	sbr.rel $0x88, $3  }
0x1: {  	(tag) =	ssettag $0x0;
	lr =	simm.s32 $0x1  }
0x2: {  	[smem:$0x3F88] =	sst lr;
	_ =	strace $0xD0000000  }
0x3: {  	_ = 	snop  }
0x4: {  	_ = 	snop  }
0x5: {  	_ = 	snop  }
0x6: {  	_ = 	snop  }
0x7: {  	_ = 	snop  }
__scs_overlays_trampoline_lowered:
0x8: {  	[smem:$0x3F97] =	sst s0  }
0x9: {  	[smem:$0x3F98] =	sst s1  }
0xa: {  	[smem:$0x3F99] =	sst s2  }
0xb: {  	[smem:$0x3F9A] =	sst s3  }
0xc: {  	[smem:$0x3F9B] =	sst s4  }
0xd: {  	[smem:$0x3F9C] =	sst s5  }
0xe: {  	[smem:$0x3F9D] =	sst s6  }
0xf: {  	[smem:$0x3F9E] =	sst s7  }
0x10: {  	[smem:$0x3F9F] =	sst s8  }
0x11: {  	[smem:$0x3FA0] =	sst s9;
	s0 =	simm.s32 @!p0 $0x0  }
0x12: {  	s1 =	sld [smem:$0x3F86];
	s0 =	simm.s32 @p0 $0x1  }
0x13: {  	[smem:$0x3FA1] =	sst s0;
	s0 =	simm.s32 @!p1 $0x0  }
0x14: {  	s2 =	sld [smem:$0x3F85];
	s0 =	simm.s32 @p1 $0x1  }
0x15: {  	[smem:$0x3FA2] =	sst s0;
	s0 =	simm.s32 @!p2 $0x0  }
0x16: {  	s3 =	sld [smem:$0x3FDB];
	s0 =	simm.s32 @p2 $0x1  }
0x17: {  	s4 =	simm.s32 $0x1BF5;
	[smem:$0x3FA4] =	sst s0  }
0x18: {  	s0 =	sld [smem:$0x3F87];
	_ =	swait.ge [sflag:s4], $0x0  }
0x19: {  	s7 =	sld [smem:$0x3F88]  }
0x1a: {  	s8 =	sadd.s32 $0xFFFFE003, lr  }
0x1b: {  	s9 =	sadd.s32 $0xFFFFFEF7, lr;
	s5 =	simm.s32 $0xFFFFFFFF;
	p2 =	slt.u32 s8, $0xFFFFF086  }
0x1c: {  	p1 =	slt.u32 s9, $0xF7A;
	s5 =	simm.s32 @!p2 $0x0  }
0x1d: {  	s5 =	simm.s32 @p1 $0x1;
	p0 =	seq.s32 s7, s2  }
0x1e: {  	s7 =	smul.u32 @!p0 $0xF7A, s2;
	p2 =	seq.s32 @!p0 s5, $0x0  }
0x1f: {  	s9 =	smul.u32 $0xF7A, s1;
	s8 =	simm.s32 @!p0 $0x1BF5;
	p2 =	por !p2, p0  }
0x20: {  	[sflag:s8] =	ssyncset.s32 @!p0 $0xFFFFF086;
	s6 =	sadd.s32 @!p0 s3, s7;
	s7 =	simm.s32 @!p0 $0x108  }
0x21: {  	s3 =	sadd.s32 s3, s9;
	s6 =	sadd.s32 @!p0 $0x88, s6;
	s7 =	simm.s32 @p2 $0x1082  }
0x22: {  	[simem:s7], [sflag:s8] =	dma.local @!p0 [hbm:s6], $0xF7A  }
0x23: {  	s9 =	sor.u32 $0xD0000000, s2;
	s6 =	simm.s32 $0x108;
	_ =	swait.ge @!p0 [sflag:s8], $0x0  }
0x24: {  	s3 =	sadd.s32 $0x88, s3;
	s6 =	simm.s32 @!p1 $0x1082;
	[sflag:s4] =	ssyncset.s32 $0xFFFFF086  }
0x25: {  	[simem:s6], [sflag:s4] =	dma.local [hbm:s3], $0xF7A  }
0x26: {  	[smem:$0x3F88] =	sst s1;
	(tag) =	ssettag s2;
	_ =	strace s9  }
0x27: {  	s1 =	sld [smem:$0x3F98]  }
0x28: {  	s2 =	sld [smem:$0x3F99]  }
0x29: {  	s4 =	sld [smem:$0x3F9B]  }
0x2a: {  	p0 =	seq.s32 s5, $0x0;
	s5 =	sld [smem:$0x3F9C]  }
0x2b: {  	s6 =	sld [smem:$0x3F9D]  }
0x2c: {  	s7 =	sld [smem:$0x3F9E]  }
0x2d: {  	s3 =	simm.s32 $0x108;
	s8 =	sld [smem:$0x3F9F]  }
0x2e: {  	s3 =	simm.s32 @!p0 $0x1082;
	s9 =	sld [smem:$0x3FA0]  }
0x2f: {  	lr =	sadd.s32 s0, s3;
	s0 =	sld [smem:$0x3F97]  }
0x30: {  	s3 =	sld [smem:$0x3F9A]  }
0x31: {  	[smem:$0x3FA3] =	sst s10  }
0x32: {  	s10 =	sld [smem:$0x3FA1];
	_ =	sdelay $0x3  }
0x33: {  	p0 =	seq.s32 s10, $0x1;
	s10 =	sld [smem:$0x3FA3];
	_ =	sdelay $0x3  }
0x34: {  	[smem:$0x3FA3] =	sst s10  }
0x35: {  	s10 =	sld [smem:$0x3FA2];
	_ =	sdelay $0x3  }
0x36: {  	p1 =	seq.s32 s10, $0x1;
	s10 =	sld [smem:$0x3FA3];
	_ =	sdelay $0x3  }
0x37: {  	[smem:$0x3FA3] =	sst s10  }
0x38: {  	s10 =	sld [smem:$0x3FA4]  }
0x39: {  	_ = 	snop;
	(pc) =	sbr.ind lr, $3  }
0x3a: {  	_ = 	snop  }
0x3b: {  	_ = 	snop  }
0x3c: {  	p2 =	seq.s32 s10, $0x1;
	s10 =	sld [smem:$0x3FA3]  }
0x3d: {  	_ =	shalt  }
0x3e: {  	_ =	shalt  }
0x3f: {  	_ =	shalt  }
0x40: {  	_ =	shalt  }
0x41: {  	_ =	shalt  }
0x42: {  	_ =	shalt  }
0x43: {  	_ =	shalt  }
0x44: {  	_ =	shalt  }
0x45: {  	_ =	shalt  }
0x46: {  	_ =	shalt  }
0x47: {  	_ =	shalt  }
0x48: {  	_ =	shalt  }
0x49: {  	_ =	shalt  }
0x4a: {  	_ =	shalt  }
0x4b: {  	_ =	shalt  }
0x4c: {  	_ =	shalt  }
0x4d: {  	_ =	shalt  }
0x4e: {  	_ =	shalt  }
0x4f: {  	_ =	shalt  }
0x50: {  	_ =	shalt  }
0x51: {  	_ =	shalt  }
0x52: {  	_ =	shalt  }
0x53: {  	_ =	shalt  }
0x54: {  	_ =	shalt  }
0x55: {  	_ =	shalt  }
0x56: {  	_ =	shalt  }
0x57: {  	_ =	shalt  }
0x58: {  	_ =	shalt  }
0x59: {  	_ =	shalt  }
0x5a: {  	_ =	shalt  }
0x5b: {  	_ =	shalt  }
0x5c: {  	_ =	shalt  }
0x5d: {  	_ =	shalt  }
0x5e: {  	_ =	shalt  }
0x5f: {  	_ =	shalt  }
0x60: {  	_ =	shalt  }
0x61: {  	_ =	shalt  }
0x62: {  	_ =	shalt  }
0x63: {  	_ =	shalt  }
0x64: {  	_ =	shalt  }
0x65: {  	_ =	shalt  }
0x66: {  	_ =	shalt  }
0x67: {  	_ =	shalt  }
0x68: {  	_ =	shalt  }
0x69: {  	_ =	shalt  }
0x6a: {  	_ =	shalt  }
0x6b: {  	_ =	shalt  }
0x6c: {  	_ =	shalt  }
0x6d: {  	_ =	shalt  }
0x6e: {  	_ =	shalt  }
0x6f: {  	_ =	shalt  }
0x70: {  	_ =	shalt  }
0x71: {  	_ =	shalt  }
0x72: {  	_ =	shalt  }
0x73: {  	_ =	shalt  }
0x74: {  	_ =	shalt  }
0x75: {  	_ =	shalt  }
0x76: {  	_ =	shalt  }
0x77: {  	_ =	shalt  }
0x78: {  	_ =	shalt  }
0x79: {  	_ =	shalt  }
0x7a: {  	_ =	shalt  }
0x7b: {  	_ =	shalt  }
0x7c: {  	_ =	shalt  }
0x7d: {  	_ =	shalt  }
0x7e: {  	_ =	shalt  }
0x7f: {  	_ =	shalt  }
0x80: {  	_ =	shalt  }
0x81: {  	_ =	shalt  }
0x82: {  	_ =	shalt  }
0x83: {  	_ =	shalt  }
0x84: {  	_ =	shalt  }
0x85: {  	_ =	shalt  }
0x86: {  	_ =	shalt  }
0x87: {  	_ =	shalt  }
.Lfunc_end0:
.L_simem_size_0:
called_computation.3_lowered:
.L_overlay_start_0:
0x88: {  	s2 =	sld [smem:$0x3FD9]  }
0x89: {  	s3 =	sld [smem:$0x3FFE];
	_ =	sdelay $0x1  }
0x8a: {  	s1 =	srdreg.scid  }
0x8b: {  	s0 =	sand.u32 $0x1, s1  }
0x8c: {  	s16 =	sshll.u32 s0, $0xA;
	s2 =	sadd.s32 s3, s2  }
0x8d: {  	s2 =	sadd.s32 s2, s16  }
0x8e: {  	[smem:$0x3FAF] =	sst s2  }
0x8f: {  	_ = 	snop  }
0x90: {  	(tm) =	ssettm $0x1  }
0x91: {  	s17 =	sld [smem:$0x3FFB];
	_ =	sdelay $0x3  }
0x92: {  	_ =	strace s17  }
0x93: {  	s2 =	sld [smem:$0x3FFC];
	_ =	sdelay $0x3  }
0x94: {  	_ =	strace s2  }
0x95: {  	s2 =	sld [smem:$0x3FFD];
	_ =	sdelay $0x3  }
0x96: {  	_ =	strace s2  }
0x97: {  	_ =	strace $0x8FFFFFFF  }
0x98: {  	s18 =	sld [smem:$0x3FDB];
	_ =	sdelay $0x1  }
0x99: {  	s19 =	simm.s32 $_scs_section_size  }
0x9a: {  	s4 =	simm.s32 $_size__tile_overlayer_lowered;
	s5 =	simm.s32 $_tile_overlayer_lowered  }
0x9b: {  	s22 =	simm.s32 $0x1BFF;
	s21 =	sshll.u32 s5, $0x1;
	s2 =	sadd.s32 s19, s18  }
0x9c: {  	s6 =	simm.s32 $0x0;
	s20 =	sshll.u32 s4, $0x1;
	s4 =	sadd.s32 s21, s2  }
0x9d: {  	[timem:s6], [sflag:s22] =	dma.local [hbm:s4], s20  }
0x9e: {  	_ =	swait.ge [sflag:s22], s20  }
0x9f: {  	s3 =	ssub.s32 $0x0, s20;
	[sflag:s22] =	ssyncset.done $0x0  }
0xa0: {  	[sflag:s22] =	ssyncadd.s32 s3;
	_ =	sdelay $0x1  }
0xa1: {  	s23 =	simm.s32 $0x1B8B  }
0xa2: {  	_ =	swait.ge [sflag:s23], $0x1  }
0xa3: {  	[sflag:s23] =	ssyncset.done $0x0  }
0xa4: {  	s25 =	simm.s32 $0x1B8E;
	s24 =	sld [smem:$0x3FFE];
	[sflag:s23] =	ssyncadd.s32 $0xFFFFFFFF  }
0xa5: {  	s26 =	simm.s32 $execute0_lowered;
	[smem:$0x3FD2] =	sst s25  }
0xa6: {  	s4 =	sshll.u32 s26, $0x1;
	_ =	strace $0x8000004F;
	[dreg:$0x1] =	wrdreg $0xFFFFFFFF  }
0xa7: {  	s28 =	simm.s32 $_size_execute0_lowered;
	s2 =	sadd.s32 s2, s4;
	[dreg:$0x0] =	wrdreg $0x0  }
0xa8: {  	s4 =	sshll.u32 s28, $0x1;
	[dreg:$0x2] =	wrdreg s2  }
0xa9: {  	[dreg:$0x3] =	wrdreg s4  }
0xaa: {  	[dreg:$0x4] =	wrdreg $0xC0  }
0xab: {  	_ =	task [dreg:s6], $0x5FFFF  }
0xac: {  	[dreg:$0x1] =	wrdreg $0xFFFFFFFF  }
0xad: {  	[dreg:$0x0] =	wrdreg $0x60  }
0xae: {  	[dreg:$0x2] =	wrdreg s24  }
0xaf: {  	[dreg:$0x3] =	wrdreg $0x9  }
0xb0: {  	_ =	task.clear_ibuf [dreg:s6], $0x4FFFF;
	_ =	strace $0x9000004F  }
0xb1: {  	s29 =	simm.s32 $0x9;
	_ =	strace $0x80000051  }
0xb2: {  	_ =	swait.ge [sflag:s29], $0x1  }
0xb3: {  	[sflag:s29] =	ssyncadd.s32 $0xFFFFFFFF  }
0xb4: {  	_ =	strace $0x90000051  }
0xb5: {  	_ =	sfence  }
0xb6: {  	s30 =	sld [smem:$0x0];
	_ =	sdelay $0x2  }
0xb7: {  	s31 =	sshll.u32 s1, $0xD;
	s1 =	sshrl.u32 s1, $0x2  }
0xb8: {  	s3 =	sand.u32 $0x4000, s31;
	s1 =	sadd.s32 s1, s30  }
0xb9: {  	s0 =	sor.u32 s3, s0;
	s1 =	sshll.u32 s1, $0x11  }
0xba: {  	s0 =	sor.u32 s1, s0  }
0xbb: {  	s0 =	sadd.s32 $0x8F2B, s0  }
0xbc: {  	[sflag:s0] =	ssyncadd.remote.s32 $0x1  }
0xbd: {  	_ =	sfence.sel $0xFFFF  }
0xbe: {  	[dreg:$0x0] =	wrdreg $0xFFFFFFFF;
	(pc) =	sbr.abs _section_cstart, $3  }
0xbf: {  	[dreg:$0x1] =	wrdreg $0xFFFFFFFF  }
0xc0: {  	_ =	task.clear_ibuf [dreg:s6], $0x2FFFF;
	_ =	strace $0x9FFFFFFF  }
0xc1: {  	(tm) =	ssettm $0x7FFFFFFF  }
tec
execute0_lowered:
.L_overlay_start_1:
0x0: {  	(tag) =	ssettag $0x1  }
0x1: {  	s0 =	stileid.u32;
	s1 =	srdreg.scid  }
0x2: {  	s5 =	sand.u32 $0x1, s1;
	s24 =	smul.u32 $0x2800, s0  }
0x3: {  	s2 =	smul.u32 $0x1400, s5;
	_ =	sdelay $0x1  }
0x4: {  	s4 =	rddreg [dreg:$0x0];
	s3 =	sadd.s32 s2, s24;
	s2 =	simm.s32 $0x0  }
0x5: {  	s25 =	simm.s32 $0x80;
	[smem:$0x7FF] =	sst s2  }
0x6: {  	s26 =	simm.s32 $0x900;
	_ =	strace $0x80000050;
	[dreg:$0x4] =	wrdreg s25  }
0x7: {  	s30 =	simm.s32 $0x1100;
	[dreg:$0x5] =	wrdreg s26  }
0x8: {  	s31 =	simm.s32 $0x1900;
	[dreg:$0x6] =	wrdreg s30  }
0x9: {  	s1 =	simm.s32 $0x2100;
	[dreg:$0x7] =	wrdreg s31  }
0xa: {  	s8 =	simm.s32 $0x3900;
	[dreg:$0x8] =	wrdreg s1  }
0xb: {  	s9 =	simm.s32 $0x4100;
	[dreg:$0xb] =	wrdreg s8  }
0xc: {  	s10 =	simm.s32 $0x4900;
	[dreg:$0xc] =	wrdreg s9  }
0xd: {  	s11 =	simm.s32 $0x5100;
	[dreg:$0xd] =	wrdreg s10  }
0xe: {  	s12 =	simm.s32 $0x5900;
	[dreg:$0xe] =	wrdreg s11  }
0xf: {  	s13 =	simm.s32 $0x6100;
	s15 =	simm.s32 $0x6900;
	[dreg:$0xf] =	wrdreg s12  }
0x10: {  	s16 =	simm.s32 $0x7100;
	s17 =	simm.s32 $0x7900;
	[dreg:$0x10] =	wrdreg s13  }
0x11: {  	s18 =	simm.s32 $0x8100;
	s19 =	simm.s32 $0x8900;
	[dreg:$0x11] =	wrdreg s15  }
0x12: {  	s20 =	simm.s32 $0x9100;
	s21 =	simm.s32 $0x9900;
	[dreg:$0x12] =	wrdreg s16  }
0x13: {  	s23 =	simm.s32 $0xA900;
	s28 =	simm.s32 $0x6;
	[dreg:$0x13] =	wrdreg s17  }
0x14: {  	s29 =	simm.s32 $0x0;
	s14 =	smul.u32 $0xA0000, s0;
	[dreg:$0x14] =	wrdreg s18  }
0x15: {  	s7 =	sadd.s32 $0x9F400, s4;
	s22 =	smul.u32 $0x50000, s5;
	[dreg:$0x15] =	wrdreg s19  }
0x16: {  	s6 =	sor.u32 $0x50, s3;
	s3 =	sshrl.u32 s3, $0x3;
	[dreg:$0x16] =	wrdreg s20  }
0x17: {  	s6 =	sshrl.u32 s6, $0x3;
	s3 =	sadd.s32 s3, s7;
	[dreg:$0x17] =	wrdreg s21  }
0x18: {  	s8 =	ssub.s32 $0x2, s5;
	[dreg:$0x18] =	wrdreg s23;
	s25 =	simm.s32 $0xB100  }
0x19: {  	s26 =	simm.s32 $0xB900;
	s30 =	simm.s32 $0xC100;
	s31 =	simm.s32 $0xC900  }
0x1a: {  	s11 =	simm.s32 $0xD100;
	s10 =	simm.s32 $0xA100;
	s12 =	simm.s32 $0xE100  }
0x1b: {  	s13 =	simm.s32 $0xE900;
	s15 =	simm.s32 $0xF900;
	s16 =	simm.s32 $0x10100  }
0x1c: {  	s17 =	simm.s32 $0x10900;
	s18 =	simm.s32 $0x11100;
	[dreg:$0x3] =	wrdreg s3  }
0x1d: {  	s19 =	simm.s32 $0x11900;
	s20 =	simm.s32 $0x12100;
	[dreg:$0x19] =	wrdreg s25  }
0x1e: {  	s21 =	simm.s32 $0x12900;
	s23 =	simm.s32 $0x13900;
	[dreg:$0x1a] =	wrdreg s26  }
0x1f: {  	s6 =	sadd.s32 s6, s7;
	s7 =	simm.s32 $0x3100;
	[dreg:$0x1b] =	wrdreg s30  }
0x20: {  	s3 =	sadd.s32 $0x32F400, s4;
	s9 =	sshrl.u32 s8, $0x1;
	[dreg:$0x1c] =	wrdreg s31  }
0x21: {  	[dreg:$0x1d] =	wrdreg s11;
	s11 =	simm.s32 $0xD900;
	s25 =	simm.s32 $0x4  }
0x22: {  	s26 =	simm.s32 $0x5;
	[dreg:$0x2] =	wrdreg s6;
	s6 =	simm.s32 $0x2900  }
0x23: {  	[dreg:$0xa] =	wrdreg s7;
	s8 =	ssub.s32 s8, s9;
	s7 =	simm.s32 $0x1  }
0x24: {  	s9 =	simm.s32 $0x2;
	[dreg:$0x9] =	wrdreg s6;
	s6 =	sadd.s32 s14, s4  }
0x25: {  	v2 =	vlaneseq.u32;
	s4 =	sadd.s32 $0x32F500, s4;
	s24 =	smax.u32 s8, $0x1;
	s8 =	simm.s32 $0x100  }
0x26: {  	vm0 =	vmmov $0xffff;
	v1 =	vshrl.u32 v2, $0x3;
	s14 =	simm.s32 $0xF100;
	[dreg:$0x1e] =	wrdreg s24;
	s6 =	sadd.s32 s22, s6  }
0x27: {  	v0 =	vand.u32 $0x7, v2;
	v2 =	vor.u32 $0x8, v2;
	v1 =	vmul.u32 $0x8, v1;
	s22 =	simm.s32 $0x13100;
	s24 =	simm.s32 $0x3;
	s6 =	sadd.s32 $0x46A800, s6  }
.LBB2_1:
0x28: {  	s30 =	smov.u32 s6;
	s31 =	simm.s32 $0x0  }
.LBB2_2:
0x29: {  	s1 =	rddreg [dreg:$0x3]  }
0x2a: {  	s0 =	rddreg [dreg:$0x2];
	s1 =	sadd.s32 s31, s1  }
0x2b: {  	[tilespmem:s2], [sflag:$0x1] =	stream.linear.gather [hbm4b:s1+s2], $0x50, $0x38;
	[tilespmem:$0x14100] =	vst v63  }
0x2c: {  	s5 =	rddreg [dreg:$0x4];
	s0 =	sadd.s32 s31, s0  }
0x2d: {  	[tilespmem:s5], [sflag:$0x2] =	stream.linear.gather [hbm4b:s0+s2], $0x50, $0x38;
	[tilespmem:$0x14100] =	vst v63  }
0x2e: {  	_ =	swait.ge [sflag:s7], $0x50  }
0x2f: {  	[sflag:s7] =	ssyncset.done $0x0  }
0x30: {  	[sflag:s7] =	ssyncadd.s32 $0xFFFFFFB0  }
0x31: {  	v3 =	vld [tilespmem:$0x0];
	_ =	sdelay $0x4  }
0x32: {  	v4 =	vshll.u32 v3, $0x2  }
0x33: {  	v3 =	vand.u32 $0x7, v3;
	v4 =	vand.u32 $0xFFFFFFE0, v4  }
0x34: {  	v3 =	vor.u32 v3, v4  }
0x35: {  	v4 =	vperm.xlane v3, v0;
	_ =	sdelay $0x1  }
0x36: {  	v4 =	vadd.s32 v1, v4;
	_ =	sdelay $0x1  }
0x37: {  	v3 =	vperm.xlane v3, v2;
	_ =	sdelay $0x1  }
0x38: {  	v3 =	vadd.s32 v1, v3  }
0x39: {  	[tilespmem:s8], [sflag:$0x3] =	stream.indirect_vreg.gather [hbm4b:s3+s2], $0x80, v4, vm0, $0xb8;
	[tilespmem:$0x14100] =	vst v63  }
0x3a: {  	s5 =	rddreg [dreg:$0x5]  }
0x3b: {  	[tilespmem:s5], [sflag:$0x3] =	stream.indirect_vreg.gather [hbm4b:s4+s2], $0x80, v4, vm0, $0xb8;
	[tilespmem:$0x14100] =	vst v63  }
0x3c: {  	s1 =	rddreg [dreg:$0x6]  }
0x3d: {  	[tilespmem:s1], [sflag:$0x3] =	stream.indirect_vreg.gather [hbm4b:s3+s2], $0x80, v3, vm0, $0xb8;
	[tilespmem:$0x14100] =	vst v63  }
0x3e: {  	s5 =	rddreg [dreg:$0x7]  }
0x3f: {  	[tilespmem:s5], [sflag:$0x3] =	stream.indirect_vreg.gather [hbm4b:s4+s2], $0x80, v3, vm0, $0xb8;
	[tilespmem:$0x14100] =	vst v63  }
0x40: {  	v3 =	vld [tilespmem:$0x10];
	_ =	sdelay $0x4  }
0x41: {  	v55 =	vshll.u32 v3, $0x2  }
0x42: {  	v3 =	vand.u32 $0x7, v3;
	v4 =	vand.u32 $0xFFFFFFE0, v55  }
0x43: {  	v3 =	vor.u32 v3, v4  }
0x44: {  	v4 =	vperm.xlane v3, v0;
	_ =	sdelay $0x1  }
0x45: {  	v4 =	vadd.s32 v1, v4;
	_ =	sdelay $0x1  }
0x46: {  	v3 =	vperm.xlane v3, v2;
	_ =	sdelay $0x1  }
0x47: {  	s1 =	rddreg [dreg:$0x8];
	v3 =	vadd.s32 v1, v3  }
0x48: {  	[tilespmem:s1], [sflag:$0x3] =	stream.indirect_vreg.gather [hbm4b:s3+s2], $0x80, v4, vm0, $0xb8;
	[tilespmem:$0x14100] =	vst v63  }
0x49: {  	s5 =	rddreg [dreg:$0x9]  }
0x4a: {  	[tilespmem:s5], [sflag:$0x3] =	stream.indirect_vreg.gather [hbm4b:s4+s2], $0x80, v4, vm0, $0xb8;
	[tilespmem:$0x14100] =	vst v63  }
0x4b: {  	s0 =	rddreg [dreg:$0xa]  }
0x4c: {  	[tilespmem:s0], [sflag:$0x3] =	stream.indirect_vreg.gather [hbm4b:s3+s2], $0x80, v3, vm0, $0xb8;
	[tilespmem:$0x14100] =	vst v63  }
0x4d: {  	s5 =	rddreg [dreg:$0xb]  }
0x4e: {  	[tilespmem:s5], [sflag:$0x3] =	stream.indirect_vreg.gather [hbm4b:s4+s2], $0x80, v3, vm0, $0xb8;
	[tilespmem:$0x14100] =	vst v63  }
0x4f: {  	v3 =	vld [tilespmem:$0x20];
	_ =	sdelay $0x4  }
0x50: {  	v56 =	vshll.u32 v3, $0x2  }
0x51: {  	v3 =	vand.u32 $0x7, v3;
	v4 =	vand.u32 $0xFFFFFFE0, v56  }
0x52: {  	v3 =	vor.u32 v3, v4  }
0x53: {  	v4 =	vperm.xlane v3, v0;
	_ =	sdelay $0x1  }
0x54: {  	v4 =	vadd.s32 v1, v4;
	_ =	sdelay $0x1  }
0x55: {  	v3 =	vperm.xlane v3, v2;
	_ =	sdelay $0x1  }
0x56: {  	s1 =	rddreg [dreg:$0xc];
	v3 =	vadd.s32 v1, v3  }
0x57: {  	[tilespmem:s1], [sflag:$0x3] =	stream.indirect_vreg.gather [hbm4b:s3+s2], $0x80, v4, vm0, $0xb8;
	[tilespmem:$0x14100] =	vst v63  }
0x58: {  	s5 =	rddreg [dreg:$0xd]  }
0x59: {  	[tilespmem:s5], [sflag:$0x3] =	stream.indirect_vreg.gather [hbm4b:s4+s2], $0x80, v4, vm0, $0xb8;
	[tilespmem:$0x14100] =	vst v63  }
0x5a: {  	s0 =	rddreg [dreg:$0xe]  }
0x5b: {  	[tilespmem:s0], [sflag:$0x3] =	stream.indirect_vreg.gather [hbm4b:s3+s2], $0x80, v3, vm0, $0xb8;
	[tilespmem:$0x14100] =	vst v63  }
0x5c: {  	s5 =	rddreg [dreg:$0xf]  }
0x5d: {  	[tilespmem:s5], [sflag:$0x3] =	stream.indirect_vreg.gather [hbm4b:s4+s2], $0x80, v3, vm0, $0xb8;
	[tilespmem:$0x14100] =	vst v63  }
0x5e: {  	v3 =	vld [tilespmem:$0x30];
	_ =	sdelay $0x4  }
0x5f: {  	v57 =	vshll.u32 v3, $0x2  }
0x60: {  	v3 =	vand.u32 $0x7, v3;
	v4 =	vand.u32 $0xFFFFFFE0, v57  }
0x61: {  	v3 =	vor.u32 v3, v4  }
0x62: {  	v4 =	vperm.xlane v3, v0;
	_ =	sdelay $0x1  }
0x63: {  	v4 =	vadd.s32 v1, v4;
	_ =	sdelay $0x1  }
0x64: {  	v3 =	vperm.xlane v3, v2;
	_ =	sdelay $0x1  }
0x65: {  	s1 =	rddreg [dreg:$0x10];
	v3 =	vadd.s32 v1, v3  }
0x66: {  	[tilespmem:s1], [sflag:$0x3] =	stream.indirect_vreg.gather [hbm4b:s3+s2], $0x80, v4, vm0, $0xb8;
	[tilespmem:$0x14100] =	vst v63  }
0x67: {  	s5 =	rddreg [dreg:$0x11]  }
0x68: {  	[tilespmem:s5], [sflag:$0x3] =	stream.indirect_vreg.gather [hbm4b:s4+s2], $0x80, v4, vm0, $0xb8;
	[tilespmem:$0x14100] =	vst v63  }
0x69: {  	s0 =	rddreg [dreg:$0x12]  }
0x6a: {  	[tilespmem:s0], [sflag:$0x3] =	stream.indirect_vreg.gather [hbm4b:s3+s2], $0x80, v3, vm0, $0xb8;
	[tilespmem:$0x14100] =	vst v63  }
0x6b: {  	s5 =	rddreg [dreg:$0x13]  }
0x6c: {  	[tilespmem:s5], [sflag:$0x3] =	stream.indirect_vreg.gather [hbm4b:s4+s2], $0x80, v3, vm0, $0xb8;
	[tilespmem:$0x14100] =	vst v63  }
0x6d: {  	v3 =	vld [tilespmem:$0x40];
	_ =	sdelay $0x4  }
0x6e: {  	v58 =	vshll.u32 v3, $0x2  }
0x6f: {  	v3 =	vand.u32 $0x7, v3;
	v4 =	vand.u32 $0xFFFFFFE0, v58  }
0x70: {  	v3 =	vor.u32 v3, v4  }
0x71: {  	v4 =	vperm.xlane v3, v0;
	_ =	sdelay $0x1  }
0x72: {  	v4 =	vadd.s32 v1, v4;
	_ =	sdelay $0x1  }
0x73: {  	v3 =	vperm.xlane v3, v2;
	_ =	sdelay $0x1  }
0x74: {  	s1 =	rddreg [dreg:$0x14];
	v3 =	vadd.s32 v1, v3  }
0x75: {  	[tilespmem:s1], [sflag:$0x3] =	stream.indirect_vreg.gather [hbm4b:s3+s2], $0x80, v4, vm0, $0xb8;
	[tilespmem:$0x14100] =	vst v63  }
0x76: {  	s5 =	rddreg [dreg:$0x15]  }
0x77: {  	[tilespmem:s5], [sflag:$0x3] =	stream.indirect_vreg.gather [hbm4b:s4+s2], $0x80, v4, vm0, $0xb8;
	[tilespmem:$0x14100] =	vst v63  }
0x78: {  	s0 =	rddreg [dreg:$0x16]  }
0x79: {  	[tilespmem:s0], [sflag:$0x3] =	stream.indirect_vreg.gather [hbm4b:s3+s2], $0x80, v3, vm0, $0xb8;
	[tilespmem:$0x14100] =	vst v63  }
0x7a: {  	s5 =	rddreg [dreg:$0x17]  }
0x7b: {  	[tilespmem:s5], [sflag:$0x3] =	stream.indirect_vreg.gather [hbm4b:s4+s2], $0x80, v3, vm0, $0xb8;
	[tilespmem:$0x14100] =	vst v63  }
0x7c: {  	_ =	swait.ge [sflag:s9], $0x50  }
0x7d: {  	[sflag:s9] =	ssyncset.done $0x0  }
0x7e: {  	[sflag:s9] =	ssyncadd.s32 $0xFFFFFFB0  }
0x7f: {  	v3 =	vld [tilespmem:$0x80];
	_ =	sdelay $0x4  }
0x80: {  	v59 =	vshll.u32 v3, $0x2  }
0x81: {  	v3 =	vand.u32 $0x7, v3;
	v4 =	vand.u32 $0xFFFFFFE0, v59  }
0x82: {  	v3 =	vor.u32 v3, v4  }
0x83: {  	v4 =	vperm.xlane v3, v0;
	_ =	sdelay $0x1  }
0x84: {  	v4 =	vadd.s32 v1, v4;
	_ =	sdelay $0x1  }
0x85: {  	v3 =	vperm.xlane v3, v2;
	_ =	sdelay $0x1  }
0x86: {  	v3 =	vadd.s32 v1, v3  }
0x87: {  	[tilespmem:s10], [sflag:$0x4] =	stream.indirect_vreg.gather [hbm4b:s3+s2], $0x80, v4, vm0, $0xb8;
	[tilespmem:$0x14100] =	vst v63  }
0x88: {  	s5 =	rddreg [dreg:$0x18]  }
0x89: {  	[tilespmem:s5], [sflag:$0x4] =	stream.indirect_vreg.gather [hbm4b:s4+s2], $0x80, v4, vm0, $0xb8;
	[tilespmem:$0x14100] =	vst v63  }
0x8a: {  	s1 =	rddreg [dreg:$0x19]  }
0x8b: {  	[tilespmem:s1], [sflag:$0x4] =	stream.indirect_vreg.gather [hbm4b:s3+s2], $0x80, v3, vm0, $0xb8;
	[tilespmem:$0x14100] =	vst v63  }
0x8c: {  	s5 =	rddreg [dreg:$0x1a]  }
0x8d: {  	[tilespmem:s5], [sflag:$0x4] =	stream.indirect_vreg.gather [hbm4b:s4+s2], $0x80, v3, vm0, $0xb8;
	[tilespmem:$0x14100] =	vst v63  }
0x8e: {  	v3 =	vld [tilespmem:$0x90];
	_ =	sdelay $0x4  }
0x8f: {  	v60 =	vshll.u32 v3, $0x2  }
0x90: {  	v3 =	vand.u32 $0x7, v3;
	v4 =	vand.u32 $0xFFFFFFE0, v60  }
0x91: {  	v3 =	vor.u32 v3, v4  }
0x92: {  	v4 =	vperm.xlane v3, v0;
	_ =	sdelay $0x1  }
0x93: {  	v4 =	vadd.s32 v1, v4;
	_ =	sdelay $0x1  }
0x94: {  	v3 =	vperm.xlane v3, v2;
	_ =	sdelay $0x1  }
0x95: {  	s5 =	rddreg [dreg:$0x1b];
	v3 =	vadd.s32 v1, v3  }
0x96: {  	[tilespmem:s5], [sflag:$0x4] =	stream.indirect_vreg.gather [hbm4b:s3+s2], $0x80, v4, vm0, $0xb8;
	[tilespmem:$0x14100] =	vst v63  }
0x97: {  	s1 =	rddreg [dreg:$0x1c]  }
0x98: {  	[tilespmem:s1], [sflag:$0x4] =	stream.indirect_vreg.gather [hbm4b:s4+s2], $0x80, v4, vm0, $0xb8;
	[tilespmem:$0x14100] =	vst v63  }
0x99: {  	s5 =	rddreg [dreg:$0x1d]  }
0x9a: {  	[tilespmem:s5], [sflag:$0x4] =	stream.indirect_vreg.gather [hbm4b:s3+s2], $0x80, v3, vm0, $0xb8;
	[tilespmem:$0x14100] =	vst v63  }
0x9b: {  	_ = 	snop  }
0x9c: {  	[tilespmem:s11], [sflag:$0x4] =	stream.indirect_vreg.gather [hbm4b:s4+s2], $0x80, v3, vm0, $0xb8;
	[tilespmem:$0x14100] =	vst v63  }
0x9d: {  	v3 =	vld [tilespmem:$0xA0];
	_ =	sdelay $0x4  }
0x9e: {  	v61 =	vshll.u32 v3, $0x2  }
0x9f: {  	v3 =	vand.u32 $0x7, v3;
	v4 =	vand.u32 $0xFFFFFFE0, v61  }
0xa0: {  	v3 =	vor.u32 v3, v4  }
0xa1: {  	v4 =	vperm.xlane v3, v0;
	_ =	sdelay $0x1  }
0xa2: {  	v4 =	vadd.s32 v1, v4;
	_ =	sdelay $0x1  }
0xa3: {  	v3 =	vperm.xlane v3, v2;
	_ =	sdelay $0x1  }
0xa4: {  	v3 =	vadd.s32 v1, v3  }
0xa5: {  	[tilespmem:s12], [sflag:$0x4] =	stream.indirect_vreg.gather [hbm4b:s3+s2], $0x80, v4, vm0, $0xb8;
	[tilespmem:$0x14100] =	vst v63  }
0xa6: {  	_ = 	snop  }
0xa7: {  	[tilespmem:s13], [sflag:$0x4] =	stream.indirect_vreg.gather [hbm4b:s4+s2], $0x80, v4, vm0, $0xb8;
	[tilespmem:$0x14100] =	vst v63  }
0xa8: {  	_ = 	snop  }
0xa9: {  	[tilespmem:s14], [sflag:$0x4] =	stream.indirect_vreg.gather [hbm4b:s3+s2], $0x80, v3, vm0, $0xb8;
	[tilespmem:$0x14100] =	vst v63  }
0xaa: {  	_ = 	snop  }
0xab: {  	[tilespmem:s15], [sflag:$0x4] =	stream.indirect_vreg.gather [hbm4b:s4+s2], $0x80, v3, vm0, $0xb8;
	[tilespmem:$0x14100] =	vst v63  }
0xac: {  	v3 =	vld [tilespmem:$0xB0];
	_ =	sdelay $0x4  }
0xad: {  	v62 =	vshll.u32 v3, $0x2  }
0xae: {  	v3 =	vand.u32 $0x7, v3;
	v4 =	vand.u32 $0xFFFFFFE0, v62  }
0xaf: {  	v3 =	vor.u32 v3, v4  }
0xb0: {  	v4 =	vperm.xlane v3, v0;
	_ =	sdelay $0x1  }
0xb1: {  	v4 =	vadd.s32 v1, v4;
	_ =	sdelay $0x1  }
0xb2: {  	v3 =	vperm.xlane v3, v2;
	_ =	sdelay $0x1  }
0xb3: {  	v3 =	vadd.s32 v1, v3  }
0xb4: {  	[tilespmem:s16], [sflag:$0x4] =	stream.indirect_vreg.gather [hbm4b:s3+s2], $0x80, v4, vm0, $0xb8;
	[tilespmem:$0x14100] =	vst v63  }
0xb5: {  	_ = 	snop  }
0xb6: {  	[tilespmem:s17], [sflag:$0x4] =	stream.indirect_vreg.gather [hbm4b:s4+s2], $0x80, v4, vm0, $0xb8;
	[tilespmem:$0x14100] =	vst v63  }
0xb7: {  	_ = 	snop  }
0xb8: {  	[tilespmem:s18], [sflag:$0x4] =	stream.indirect_vreg.gather [hbm4b:s3+s2], $0x80, v3, vm0, $0xb8;
	[tilespmem:$0x14100] =	vst v63  }
0xb9: {  	_ = 	snop  }
0xba: {  	[tilespmem:s19], [sflag:$0x4] =	stream.indirect_vreg.gather [hbm4b:s4+s2], $0x80, v3, vm0, $0xb8;
	[tilespmem:$0x14100] =	vst v63  }
0xbb: {  	v3 =	vld [tilespmem:$0xC0];
	_ =	sdelay $0x4  }
0xbc: {  	v63 =	vshll.u32 v3, $0x2  }
0xbd: {  	v3 =	vand.u32 $0x7, v3;
	v4 =	vand.u32 $0xFFFFFFE0, v63  }
0xbe: {  	v3 =	vor.u32 v3, v4  }
0xbf: {  	v4 =	vperm.xlane v3, v0;
	_ =	sdelay $0x1  }
0xc0: {  	v4 =	vadd.s32 v1, v4;
	_ =	sdelay $0x1  }
0xc1: {  	v3 =	vperm.xlane v3, v2;
	_ =	sdelay $0x1  }
0xc2: {  	v3 =	vadd.s32 v1, v3  }
0xc3: {  	[tilespmem:s20], [sflag:$0x4] =	stream.indirect_vreg.gather [hbm4b:s3+s2], $0x80, v4, vm0, $0xb8;
	[tilespmem:$0x14100] =	vst v63  }
0xc4: {  	_ = 	snop  }
0xc5: {  	[tilespmem:s21], [sflag:$0x4] =	stream.indirect_vreg.gather [hbm4b:s4+s2], $0x80, v4, vm0, $0xb8;
	[tilespmem:$0x14100] =	vst v63  }
0xc6: {  	_ = 	snop  }
0xc7: {  	[tilespmem:s22], [sflag:$0x4] =	stream.indirect_vreg.gather [hbm4b:s3+s2], $0x80, v3, vm0, $0xb8;
	[tilespmem:$0x14100] =	vst v63  }
0xc8: {  	_ = 	snop  }
0xc9: {  	[tilespmem:s23], [sflag:$0x4] =	stream.indirect_vreg.gather [hbm4b:s4+s2], $0x80, v3, vm0, $0xb8;
	[tilespmem:$0x14100] =	vst v63  }
0xca: {  	_ =	swait.ge [sflag:s24], $0xA000  }
0xcb: {  	[sflag:s24] =	ssyncset.done $0x0  }
0xcc: {  	s5 =	sadd.s32 $0xFFFFEC00, s30;
	[sflag:s24] =	ssyncadd.s32 $0xFFFF6000  }
0xcd: {  	[hbm4b:s5+s2] =	stream.linear.scatter [tilespmem:s8], [sflag:$0x5], $0xA000, $0x38;
	[tilespmem:$0x14100] =	vst v63  }
0xce: {  	_ =	swait.ge [sflag:s25], $0xA000  }
0xcf: {  	[sflag:s25] =	ssyncset.done $0x0  }
0xd0: {  	[sflag:s25] =	ssyncadd.s32 $0xFFFF6000  }
0xd1: {  	[hbm4b:s30+s2] =	stream.linear.scatter [tilespmem:s10], [sflag:$0x6], $0xA000, $0x38;
	[tilespmem:$0x14100] =	vst v63  }
0xd2: {  	p0 =	sne.s32 s31, $0x26C;
	_ =	swait.ge [sflag:s26], $0xA000  }
.Ltmp0:
0xd3: {  	[sflag:s26] =	ssyncset.done $0x0;
	(pc) =	sbr.rel @p0 .LBB2_2-.Ltmp0, $4  }
0xd4: {  	[sflag:s26] =	ssyncadd.s32 $0xFFFF6000  }
0xd5: {  	_ =	swait.ge [sflag:s28], $0xA000  }
0xd6: {  	[sflag:s28] =	ssyncset.done $0x0  }
0xd7: {  	s31 =	sadd.s32 $0x14, s31;
	s30 =	sadd.s32 $0x2800, s30;
	[sflag:s28] =	ssyncadd.s32 $0xFFFF6000  }
0xd8: {  	s29 =	sadd.s32 $0x1, s29;
	s0 =	rddreg [dreg:$0x1e]  }
0xd9: {  	p0 =	sne.s32 s29, s0  }
.Ltmp1:
0xda: {  	_ = 	snop;
	(pc) =	sbr.rel @p0 .LBB2_1-.Ltmp1, $1  }
0xdb: {  	_ =	sdelay $0x3  }
0xdc: {  	_ =	sfence.sel $0x180000  }
0xdd: {  	[bflag:$0x0] =	sbarrier.arrive $0xFFFF  }
0xde: {  	_ =	strace $0x90000050  }
0xdf: {  	s0 =	stileid.u32;
	[bflag:$0x2] =	sbarrier.arrive $0xFFFF  }
0xe0: {  	p0 =	sne.s32 s0, $0x0;
	s0 =	rddreg [dreg:$0x1]  }
0xe1: {  	s0 =	sadd.s32 @!p0 $0x100000, s0  }
0xe2: {  	[sflag:s0] =	ssyncadd.tile.s32 @!p0 $0x1;
	_ =	shalt  }
.Lfunc_end2:
_tile_overlayer_lowered:
.L_overlay_start_2:
0xe3: {  	(tag) =	ssettag $0x2  }
0xe4: {  	s0 =	rddreg [dreg:$0x0];
	s2 =	stileid.u32  }
0xe5: {  	s1 =	rddreg [dreg:$0x1];
	p0 =	sne.s32 s2, $0x0  }
0xe6: {  	s3 =	rddreg [dreg:$0x2];
	[bflag:$0x3] =	sbarrier.arrive $0xFFFF;
	s2 =	simm.s32 @!p0 $0x1C07  }
0xe7: {  	[timem:s3], [sflag:s2] =	dma.local @!p0 [hbm:s0], s1  }
0xe8: {  	s0 =	simm.s32 @!p0 $0x7  }
0xe9: {  	_ =	swait.ge @!p0 [sflag:s0], s1  }
0xea: {  	s1 =	ssub.s32 @!p0 $0x0, s1;
	[sflag:s0] =	ssyncset.done @!p0 $0x0  }
0xeb: {  	[sflag:s0] =	ssyncadd.s32 @!p0 s1  }
0xec: {  	[bflag:$0x3] =	sbarrier.arrive $0xFFFF  }
0xed: {  	_ =	shalt  }

</sc_bundles>
